<compile_context>
chip_gen: v7x
topology: tpu7x:2x2x1
jax: 0.10.2.dev20260603
libtpu: 0.0.44.dev20260713+nightly
codegen_flags: <defaults>
</compile_context>

<pallas_src>
import functools

import jax
import jax.numpy as jnp
from jax import lax
from jax.experimental import pallas as pl
from jax.experimental.pallas import tpu as pltpu
from jax.experimental.pallas import tpu_sc as plsc

N = 10000
D = 128
E = 320000

NC = 2
NS = 16
NW = NC * NS
CH = 128
EPW = 10240
E_PAD = EPW * NW
NCH = EPW // CH
CHA = 64
NCHA = EPW // CHA
EPW0 = 16384
EPW1 = 4096
OFF1 = NS * EPW0
N_PAD = 10240
RPT = N_PAD // NS

BLK = 1000
GRID = N // BLK

_mesh = plsc.VectorSubcoreMesh(core_axis_name="c", subcore_axis_name="s")


@functools.partial(
    pl.kernel,
    mesh=_mesh,
    out_type=(
        jax.ShapeDtypeStruct((NC * N_PAD,), jnp.float32),
        jax.ShapeDtypeStruct((NC * N_PAD,), jnp.float32),
    ),
    scratch_types=[
        pltpu.VMEM((4, CH), jnp.int32),
        pltpu.VMEM((4, CH), jnp.int32),
        pltpu.VMEM((CH,), jnp.float32),
        pltpu.VMEM((CH,), jnp.float32),
        pltpu.VMEM_SHARED((N_PAD,), jnp.float32),
        pltpu.VMEM_SHARED((N_PAD,), jnp.float32),
        pltpu.SemaphoreType.DMA,
        pltpu.SemaphoreType.DMA,
        pltpu.SemaphoreType.DMA,
        pltpu.SemaphoreType.DMA,
        pltpu.SemaphoreType.DMA,
        pltpu.SemaphoreType.DMA,
        pltpu.SemaphoreType.DMA,
        pltpu.SemaphoreType.DMA,
        pltpu.SemaphoreType.DMA,
        pltpu.SemaphoreType.DMA,
        pltpu.SemaphoreType.DMA,
        pltpu.SemaphoreType.DMA,
        pltpu.SemaphoreType.DMA,
        pltpu.SemaphoreType.DMA,
        pltpu.SemaphoreType.DMA,
        pltpu.SemaphoreType.DMA,
    ],
)
def _deg_kernel(src_h, dst_h, deg_o_h, deg_i_h,
                sidx, didx, ones_v, zeros_v, deg_o_s, deg_i_s,
                ls0, ls1, ls2, ls3, ld0, ld1, ld2, ld3,
                so0, so1, so2, so3, si0, si1, si2, si3):
    c = lax.axis_index("c")
    s = lax.axis_index("s")
    wid = s * NC + c
    for i in range(CH // 16):
        ones_v[pl.ds(i * 16, 16)] = jnp.ones((16,), jnp.float32)
        zeros_v[pl.ds(i * 16, 16)] = jnp.zeros((16,), jnp.float32)
    for j in range(RPT // CH):
        pltpu.sync_copy(zeros_v, deg_o_s.at[pl.ds(s * RPT + j * CH, CH)])
        pltpu.sync_copy(zeros_v, deg_i_s.at[pl.ds(s * RPT + j * CH, CH)])
    plsc.subcore_barrier()

    base0 = wid * EPW
    lsems = (ls0, ls1, ls2, ls3)
    ldems = (ld0, ld1, ld2, ld3)
    osems = (so0, so1, so2, so3)
    isems = (si0, si1, si2, si3)

    def load_idx(chunk, b):
        base = base0 + chunk * CH
        pltpu.async_copy(src_h.at[pl.ds(base, CH)], sidx.at[b], lsems[b])
        pltpu.async_copy(dst_h.at[pl.ds(base, CH)], didx.at[b], ldems[b])

    for b in range(2):
        load_idx(b, b)

    def body(i, carry):
        for b in range(4):
            ch = 4 * i + b
            pltpu.make_async_copy(src_h.at[pl.ds(base0, CH)], sidx.at[b], lsems[b]).wait()
            pltpu.make_async_copy(dst_h.at[pl.ds(base0, CH)], didx.at[b], ldems[b]).wait()
            pltpu.async_copy(ones_v, deg_o_s.at[sidx.at[b]], osems[b], add=True)
            pltpu.async_copy(ones_v, deg_i_s.at[didx.at[b]], isems[b], add=True)
            b2 = (b + 2) % 4

            @pl.when(ch + 2 < NCH)
            def _():
                @pl.when(ch >= 2)
                def _():
                    pltpu.make_async_copy(
                        ones_v, deg_o_s.at[sidx.at[b2]], osems[b2]).wait()
                    pltpu.make_async_copy(
                        ones_v, deg_i_s.at[didx.at[b2]], isems[b2]).wait()

                load_idx(ch + 2, b2)

        return carry

    lax.fori_loop(0, NCH // 4, body, 0)
    for b in range(4):
        pltpu.make_async_copy(ones_v, deg_o_s.at[sidx.at[b]], osems[b]).wait()
        pltpu.make_async_copy(ones_v, deg_i_s.at[didx.at[b]], isems[b]).wait()
    plsc.subcore_barrier()
    pltpu.sync_copy(deg_o_s.at[pl.ds(s * RPT, RPT)],
                    deg_o_h.at[pl.ds(c * N_PAD + s * RPT, RPT)])
    pltpu.sync_copy(deg_i_s.at[pl.ds(s * RPT, RPT)],
                    deg_i_h.at[pl.ds(c * N_PAD + s * RPT, RPT)])


@functools.partial(
    pl.kernel,
    mesh=_mesh,
    out_type=jax.ShapeDtypeStruct((NC, N_PAD, D), jnp.float32),
    scratch_types=[
        pltpu.VMEM((4, CHA), jnp.int32),
        pltpu.VMEM((4, CHA), jnp.int32),
        pltpu.VMEM((4, CHA, D), jnp.float32),
        pltpu.VMEM_SHARED((N_PAD, D), jnp.float32),
        pltpu.SemaphoreType.DMA,
        pltpu.SemaphoreType.DMA,
        pltpu.SemaphoreType.DMA,
        pltpu.SemaphoreType.DMA,
        pltpu.SemaphoreType.DMA,
        pltpu.SemaphoreType.DMA,
        pltpu.SemaphoreType.DMA,
        pltpu.SemaphoreType.DMA,
    ],
)
def _agg_kernel(h_h, src_h, dst_h, zeros_h, out_h, sidx, didx, rows, accum,
                g0, g1, g2, g3, s0, s1, s2, s3):
    c = lax.axis_index("c")
    s = lax.axis_index("s")
    wid = s * NC + c
    pltpu.sync_copy(zeros_h.at[pl.ds(s * RPT, RPT)], accum.at[pl.ds(s * RPT, RPT)])
    plsc.subcore_barrier()

    is0 = c == 0
    base0 = jnp.where(is0, s * EPW0, OFF1 + s * EPW1)
    nch = jnp.where(is0, EPW0 // CHA, EPW1 // CHA)
    gsems = (g0, g1, g2, g3)
    ssems = (s0, s1, s2, s3)

    def load_and_gather(chunk, b):
        base = base0 + chunk * CHA
        pltpu.sync_copy(src_h.at[pl.ds(base, CHA)], sidx.at[b])
        pltpu.sync_copy(dst_h.at[pl.ds(base, CHA)], didx.at[b])
        pltpu.async_copy(h_h.at[sidx.at[b]], rows.at[b], gsems[b])

    for b in range(2):
        load_and_gather(b, b)

    def body(i, carry):
        for b in range(4):
            ch = 4 * i + b
            pltpu.make_async_copy(h_h.at[sidx.at[b]], rows.at[b], gsems[b]).wait()
            pltpu.async_copy(rows.at[b], accum.at[didx.at[b]], ssems[b], add=True)
            b2 = (b + 2) % 4

            @pl.when(ch + 2 < nch)
            def _():
                @pl.when(ch >= 2)
                def _():
                    pltpu.make_async_copy(
                        rows.at[b2], accum.at[didx.at[b2]], ssems[b2]).wait()

                load_and_gather(ch + 2, b2)

        return carry

    lax.fori_loop(0, nch // 4, body, 0)
    for b in range(4):
        pltpu.make_async_copy(rows.at[b], accum.at[didx.at[b]], ssems[b]).wait()
    plsc.subcore_barrier()
    pltpu.sync_copy(accum.at[pl.ds(s * RPT, RPT)], out_h.at[c, pl.ds(s * RPT, RPT)])


def _tc1_body(x_ref, do0, do1, di0, di1, hs_ref, ns_ref, nd_ref):
    deg_o = do0[0] + do1[0]
    deg_i = di0[0] + di1[0]
    ns = lax.rsqrt(jnp.maximum(deg_o, 1.0))
    nd = lax.rsqrt(jnp.maximum(deg_i, 1.0))
    ns_ref[...] = ns
    nd_ref[...] = nd
    hs_ref[...] = x_ref[...] * ns


def _tc1(x, deg_o_p, deg_i_p):
    return pl.pallas_call(
        _tc1_body,
        grid=(GRID,),
        in_specs=[
            pl.BlockSpec((BLK, D), lambda i: (i, 0)),
            pl.BlockSpec((1, BLK, 1), lambda i: (0, i, 0)),
            pl.BlockSpec((1, BLK, 1), lambda i: (1, i, 0)),
            pl.BlockSpec((1, BLK, 1), lambda i: (0, i, 0)),
            pl.BlockSpec((1, BLK, 1), lambda i: (1, i, 0)),
        ],
        out_specs=[
            pl.BlockSpec((BLK, D), lambda i: (i, 0)),
            pl.BlockSpec((BLK, 1), lambda i: (i, 0)),
            pl.BlockSpec((BLK, 1), lambda i: (i, 0)),
        ],
        out_shape=[
            jax.ShapeDtypeStruct((N, D), jnp.float32),
            jax.ShapeDtypeStruct((N, 1), jnp.float32),
            jax.ShapeDtypeStruct((N, 1), jnp.float32),
        ],
    )(x, deg_o_p, deg_o_p, deg_i_p, deg_i_p)


def _tc2_body(p_ref0, p_ref1, nd_ref, ns_ref, w_ref, b_ref, out_ref):
    m = (p_ref0[0] + p_ref1[0]) * nd_ref[...]
    h = jnp.dot(m, w_ref[...], preferred_element_type=jnp.float32) + b_ref[...]
    out_ref[...] = jnp.maximum(h, 0.0) * ns_ref[...]


def _tc2(m_p, nd, ns, w, b):
    return pl.pallas_call(
        _tc2_body,
        grid=(GRID,),
        in_specs=[
            pl.BlockSpec((1, BLK, D), lambda i: (0, i, 0)),
            pl.BlockSpec((1, BLK, D), lambda i: (1, i, 0)),
            pl.BlockSpec((BLK, 1), lambda i: (i, 0)),
            pl.BlockSpec((BLK, 1), lambda i: (i, 0)),
            pl.BlockSpec((D, D), lambda i: (0, 0)),
            pl.BlockSpec((1, D), lambda i: (0, 0)),
        ],
        out_specs=pl.BlockSpec((BLK, D), lambda i: (i, 0)),
        out_shape=jax.ShapeDtypeStruct((N, D), jnp.float32),
    )(m_p, m_p, nd, ns, w, b)


def _tc3_body(p_ref0, p_ref1, nd_ref, w_ref, b_ref, out_ref, acc_vec, acc_nrm):
    i = pl.program_id(0)
    m = (p_ref0[0] + p_ref1[0]) * nd_ref[...]
    h = jnp.dot(m, w_ref[...], preferred_element_type=jnp.float32) + b_ref[...]
    blk_sum = jnp.sum(h, axis=0, keepdims=True)
    blk_nrm = jnp.sum(jnp.sqrt(jnp.sum(h * h, axis=1)))

    @pl.when(i == 0)
    def _():
        acc_vec[...] = jnp.zeros_like(acc_vec)
        acc_nrm[0] = 0.0

    acc_vec[...] += blk_sum
    acc_nrm[0] += blk_nrm

    @pl.when(i == pl.num_programs(0) - 1)
    def _():
        factor = jnp.sqrt(jnp.float32(D)) * jnp.float32(N) / acc_nrm[0]
        out_ref[...] = acc_vec[...] * factor


def _tc3(m_p, nd, w, b):
    return pl.pallas_call(
        _tc3_body,
        grid=(GRID,),
        in_specs=[
            pl.BlockSpec((1, BLK, D), lambda i: (0, i, 0)),
            pl.BlockSpec((1, BLK, D), lambda i: (1, i, 0)),
            pl.BlockSpec((BLK, 1), lambda i: (i, 0)),
            pl.BlockSpec((D, D), lambda i: (0, 0)),
            pl.BlockSpec((1, D), lambda i: (0, 0)),
        ],
        out_specs=pl.BlockSpec((1, D), lambda i: (0, 0)),
        out_shape=jax.ShapeDtypeStruct((1, D), jnp.float32),
        scratch_shapes=[
            pltpu.VMEM((1, D), jnp.float32),
            pltpu.SMEM((1,), jnp.float32),
        ],
    )(m_p, m_p, nd, w, b)


def kernel(x, edge_index, W1, b1, W2, b2):
    ei = edge_index.astype(jnp.int32)
    src = ei[0]
    dst = ei[1]
    pad = E_PAD - E
    src_g = jnp.concatenate([src, jnp.zeros((pad,), jnp.int32)])
    src_d = jnp.concatenate([src, jnp.full((pad,), N, jnp.int32)])
    dst_p = jnp.concatenate([dst, jnp.full((pad,), N, jnp.int32)])

    zeros_d = jnp.zeros((N_PAD, D), jnp.float32)

    deg_o_f, deg_i_f = _deg_kernel(src_d, dst_p)
    deg_o_p = deg_o_f.reshape(NC, N_PAD, 1)
    deg_i_p = deg_i_f.reshape(NC, N_PAD, 1)
    h1s, ns, nd = _tc1(x, deg_o_p, deg_i_p)
    m1_p = _agg_kernel(h1s, src_g, dst_p, zeros_d)
    h2s = _tc2(m1_p, nd, ns, W1, b1.reshape(1, D))
    m2_p = _agg_kernel(h2s, src_g, dst_p, zeros_d)
    out = _tc3(m2_p, nd, W2, b2.reshape(1, D))
    return out

# --- scband reference (transcript-rebuilt; emitter-appended) ---
"""Pipeline reference for scband-gnn-36404142801340 (READ-ONLY COPY).

The authoritative reference and input builder live on the scoring server;
editing this copy changes nothing except your own understanding.
"""

import jax, jax.numpy as jnp
import numpy as np

N = 10000
E = 320000
D = 128


def setup_inputs(seed: int = 0) -> dict:
    key = jax.random.key(seed)
    k1, k2, k3, k4, k5, k6 = jax.random.split(key, 6)
    x = jax.random.normal(k1, (N, D), dtype=jnp.float32)
    edge_index = jax.random.randint(k2, (2, E), 0, N).astype(jnp.int64)
    scale = 1.0 / np.sqrt(D)
    W1 = jax.random.normal(k3, (D, D), dtype=jnp.float32) * scale
    b1 = jnp.zeros((D,), dtype=jnp.float32)
    W2 = jax.random.normal(k4, (D, D), dtype=jnp.float32) * scale
    b2 = jnp.zeros((D,), dtype=jnp.float32)
    return {"x": x, "edge_index": edge_index, "W1": W1, "b1": b1, "W2": W2, "b2": b2}


def _gcn_layer(h, src, dst, W, b, n_nodes, apply_relu):
    # DGL GraphConv with norm='both':
    # h' = D_in^{-1/2} A D_out^{-1/2} h W + b  (degrees clamped to min 1)
    deg_out = jnp.bincount(src, length=n_nodes).astype(h.dtype)
    deg_in = jnp.bincount(dst, length=n_nodes).astype(h.dtype)
    norm_src = jnp.power(jnp.clip(deg_out, 1.0, None), -0.5)
    norm_dst = jnp.power(jnp.clip(deg_in, 1.0, None), -0.5)
    h = h * norm_src[:, None]
    m = jax.ops.segment_sum(jnp.take(h, src, axis=0), dst, num_segments=n_nodes)
    m = m * norm_dst[:, None]
    out = m @ W + b
    if apply_relu:
        out = jax.nn.relu(out)
    return out


def reference(x, edge_index, W1, b1, W2, b2):
    src = edge_index[0]
    dst = edge_index[1]
    h = _gcn_layer(x, src, dst, W1, b1, N, True)   # layer 0 with relu
    h = _gcn_layer(h, src, dst, W2, b2, N, False)  # last layer, no activation
    # factor = sqrt(dim) / float(mean(||h||)) -- computed once, treated as a constant
    factor = jnp.sqrt(jnp.asarray(float(D), dtype=h.dtype)) / jnp.mean(jnp.linalg.norm(h, axis=1))
    factor = jax.lax.stop_gradient(factor)
    h = h * factor
    # SumPooling over a single graph -> [1, dim]
    graph_embedding = jnp.sum(h, axis=0, keepdims=True)
    return graph_embedding

if __name__ == "__main__":
    import jax
    _d = setup_inputs()
    print(jax.jit(kernel)(*tuple(_d.values())))

</pallas_src>

<mosaic_0001>
#map = affine_map<(d0, d1) -> (0)>
module attributes {stable_mosaic.version = 14 : i64} {
  func.func @_deg_kernel(%arg0: i32, %arg1: i32, %arg2: memref<327680xi32, #tpu.memory_space<hbm>>, %arg3: memref<327680xi32, #tpu.memory_space<hbm>>, %arg4: memref<20480xf32, #tpu.memory_space<hbm>>, %arg5: memref<20480xf32, #tpu.memory_space<hbm>>, %arg6: memref<4x128xi32, #tpu.memory_space<vmem>>, %arg7: memref<4x128xi32, #tpu.memory_space<vmem>>, %arg8: memref<128xf32, #tpu.memory_space<vmem>>, %arg9: memref<128xf32, #tpu.memory_space<vmem>>, %arg10: memref<10240xf32, #tpu.memory_space<vmem_shared>>, %arg11: memref<10240xf32, #tpu.memory_space<vmem_shared>>, %arg12: memref<!tpu.dma_semaphore, #tpu.memory_space<semaphore_mem>>, %arg13: memref<!tpu.dma_semaphore, #tpu.memory_space<semaphore_mem>>, %arg14: memref<!tpu.dma_semaphore, #tpu.memory_space<semaphore_mem>>, %arg15: memref<!tpu.dma_semaphore, #tpu.memory_space<semaphore_mem>>, %arg16: memref<!tpu.dma_semaphore, #tpu.memory_space<semaphore_mem>>, %arg17: memref<!tpu.dma_semaphore, #tpu.memory_space<semaphore_mem>>, %arg18: memref<!tpu.dma_semaphore, #tpu.memory_space<semaphore_mem>>, %arg19: memref<!tpu.dma_semaphore, #tpu.memory_space<semaphore_mem>>, %arg20: memref<!tpu.dma_semaphore, #tpu.memory_space<semaphore_mem>>, %arg21: memref<!tpu.dma_semaphore, #tpu.memory_space<semaphore_mem>>, %arg22: memref<!tpu.dma_semaphore, #tpu.memory_space<semaphore_mem>>, %arg23: memref<!tpu.dma_semaphore, #tpu.memory_space<semaphore_mem>>, %arg24: memref<!tpu.dma_semaphore, #tpu.memory_space<semaphore_mem>>, %arg25: memref<!tpu.dma_semaphore, #tpu.memory_space<semaphore_mem>>, %arg26: memref<!tpu.dma_semaphore, #tpu.memory_space<semaphore_mem>>, %arg27: memref<!tpu.dma_semaphore, #tpu.memory_space<semaphore_mem>>) attributes {dimension_semantics = [#tpu.dimension_semantics<core_parallel>, #tpu.dimension_semantics<subcore_parallel>], iteration_bounds = array<i64: 2, 16>, scalar_prefetch = 0 : i64, scratch_operands = 22 : i64, tpu.core_type = #tpu.core_type<sc_vector_subcore>, window_params = [{transform_indices = #map}, {transform_indices = #map}, {transform_indices = #map}, {transform_indices = #map}]} {
    %mul3A = arith.constant 2 : i32
    %mul3A_0 = arith.muli %arg1, %mul3A : i32
    %add3A = arith.addi %mul3A_0, %arg0 : i32
    %broadcast_in_dim3A = arith.constant 1.000000e+00 : f32
    %broadcast_in_dim3A_1 = vector.broadcast %broadcast_in_dim3A : f32 to vector<16xf32>
    %swap3A = arith.constant 0 : index
    %swap3A_2 = tpu.vector_load %arg8[%swap3A] {strides = array<i32>} : memref<128xf32, #tpu.memory_space<vmem>>, vector<16xf32>,
    %swap3A_3 = vector.shape_cast %swap3A_2 : vector<16xf32> to vector<16xf32>
    %swap3A_4 = vector.shape_cast %broadcast_in_dim3A_1 : vector<16xf32> to vector<16xf32>
    tpu.vector_store %arg8[%swap3A], %swap3A_4 {strides = array<i32>} : memref<128xf32, #tpu.memory_space<vmem>>, vector<16xf32>,
    %broadcast_in_dim3A_5 = arith.constant 0.000000e+00 : f32
    %broadcast_in_dim3A_6 = vector.broadcast %broadcast_in_dim3A_5 : f32 to vector<16xf32>
    %swap3A_7 = arith.constant 0 : index
    %swap3A_8 = tpu.vector_load %arg9[%swap3A_7] {strides = array<i32>} : memref<128xf32, #tpu.memory_space<vmem>>, vector<16xf32>,
    %swap3A_9 = vector.shape_cast %swap3A_8 : vector<16xf32> to vector<16xf32>
    %swap3A_10 = vector.shape_cast %broadcast_in_dim3A_6 : vector<16xf32> to vector<16xf32>
    tpu.vector_store %arg9[%swap3A_7], %swap3A_10 {strides = array<i32>} : memref<128xf32, #tpu.memory_space<vmem>>, vector<16xf32>,
    %broadcast_in_dim3A_11 = arith.constant 1.000000e+00 : f32
    %broadcast_in_dim3A_12 = vector.broadcast %broadcast_in_dim3A_11 : f32 to vector<16xf32>
    %swap3A_13 = arith.constant 16 : index
    %swap3A_14 = tpu.vector_load %arg8[%swap3A_13] {strides = array<i32>} : memref<128xf32, #tpu.memory_space<vmem>>, vector<16xf32>,
    %swap3A_15 = vector.shape_cast %swap3A_14 : vector<16xf32> to vector<16xf32>
    %swap3A_16 = vector.shape_cast %broadcast_in_dim3A_12 : vector<16xf32> to vector<16xf32>
    tpu.vector_store %arg8[%swap3A_13], %swap3A_16 {strides = array<i32>} : memref<128xf32, #tpu.memory_space<vmem>>, vector<16xf32>,
    %broadcast_in_dim3A_17 = arith.constant 0.000000e+00 : f32
    %broadcast_in_dim3A_18 = vector.broadcast %broadcast_in_dim3A_17 : f32 to vector<16xf32>
    %swap3A_19 = arith.constant 16 : index
    %swap3A_20 = tpu.vector_load %arg9[%swap3A_19] {strides = array<i32>} : memref<128xf32, #tpu.memory_space<vmem>>, vector<16xf32>,
    %swap3A_21 = vector.shape_cast %swap3A_20 : vector<16xf32> to vector<16xf32>
    %swap3A_22 = vector.shape_cast %broadcast_in_dim3A_18 : vector<16xf32> to vector<16xf32>
    tpu.vector_store %arg9[%swap3A_19], %swap3A_22 {strides = array<i32>} : memref<128xf32, #tpu.memory_space<vmem>>, vector<16xf32>,
    %broadcast_in_dim3A_23 = arith.constant 1.000000e+00 : f32
    %broadcast_in_dim3A_24 = vector.broadcast %broadcast_in_dim3A_23 : f32 to vector<16xf32>
    %swap3A_25 = arith.constant 32 : index
    %swap3A_26 = tpu.vector_load %arg8[%swap3A_25] {strides = array<i32>} : memref<128xf32, #tpu.memory_space<vmem>>, vector<16xf32>,
    %swap3A_27 = vector.shape_cast %swap3A_26 : vector<16xf32> to vector<16xf32>
    %swap3A_28 = vector.shape_cast %broadcast_in_dim3A_24 : vector<16xf32> to vector<16xf32>
    tpu.vector_store %arg8[%swap3A_25], %swap3A_28 {strides = array<i32>} : memref<128xf32, #tpu.memory_space<vmem>>, vector<16xf32>,
    %broadcast_in_dim3A_29 = arith.constant 0.000000e+00 : f32
    %broadcast_in_dim3A_30 = vector.broadcast %broadcast_in_dim3A_29 : f32 to vector<16xf32>
    %swap3A_31 = arith.constant 32 : index
    %swap3A_32 = tpu.vector_load %arg9[%swap3A_31] {strides = array<i32>} : memref<128xf32, #tpu.memory_space<vmem>>, vector<16xf32>,
    %swap3A_33 = vector.shape_cast %swap3A_32 : vector<16xf32> to vector<16xf32>
    %swap3A_34 = vector.shape_cast %broadcast_in_dim3A_30 : vector<16xf32> to vector<16xf32>
    tpu.vector_store %arg9[%swap3A_31], %swap3A_34 {strides = array<i32>} : memref<128xf32, #tpu.memory_space<vmem>>, vector<16xf32>,
    %broadcast_in_dim3A_35 = arith.constant 1.000000e+00 : f32
    %broadcast_in_dim3A_36 = vector.broadcast %broadcast_in_dim3A_35 : f32 to vector<16xf32>
    %swap3A_37 = arith.constant 48 : index
    %swap3A_38 = tpu.vector_load %arg8[%swap3A_37] {strides = array<i32>} : memref<128xf32, #tpu.memory_space<vmem>>, vector<16xf32>,
    %swap3A_39 = vector.shape_cast %swap3A_38 : vector<16xf32> to vector<16xf32>
    %swap3A_40 = vector.shape_cast %broadcast_in_dim3A_36 : vector<16xf32> to vector<16xf32>
    tpu.vector_store %arg8[%swap3A_37], %swap3A_40 {strides = array<i32>} : memref<128xf32, #tpu.memory_space<vmem>>, vector<16xf32>,
    %broadcast_in_dim3A_41 = arith.constant 0.000000e+00 : f32
    %broadcast_in_dim3A_42 = vector.broadcast %broadcast_in_dim3A_41 : f32 to vector<16xf32>
    %swap3A_43 = arith.constant 48 : index
    %swap3A_44 = tpu.vector_load %arg9[%swap3A_43] {strides = array<i32>} : memref<128xf32, #tpu.memory_space<vmem>>, vector<16xf32>,
    %swap3A_45 = vector.shape_cast %swap3A_44 : vector<16xf32> to vector<16xf32>
    %swap3A_46 = vector.shape_cast %broadcast_in_dim3A_42 : vector<16xf32> to vector<16xf32>
    tpu.vector_store %arg9[%swap3A_43], %swap3A_46 {strides = array<i32>} : memref<128xf32, #tpu.memory_space<vmem>>, vector<16xf32>,
    %broadcast_in_dim3A_47 = arith.constant 1.000000e+00 : f32
    %broadcast_in_dim3A_48 = vector.broadcast %broadcast_in_dim3A_47 : f32 to vector<16xf32>
    %swap3A_49 = arith.constant 64 : index
    %swap3A_50 = tpu.vector_load %arg8[%swap3A_49] {strides = array<i32>} : memref<128xf32, #tpu.memory_space<vmem>>, vector<16xf32>,
    %swap3A_51 = vector.shape_cast %swap3A_50 : vector<16xf32> to vector<16xf32>
    %swap3A_52 = vector.shape_cast %broadcast_in_dim3A_48 : vector<16xf32> to vector<16xf32>
    tpu.vector_store %arg8[%swap3A_49], %swap3A_52 {strides = array<i32>} : memref<128xf32, #tpu.memory_space<vmem>>, vector<16xf32>,
    %broadcast_in_dim3A_53 = arith.constant 0.000000e+00 : f32
    %broadcast_in_dim3A_54 = vector.broadcast %broadcast_in_dim3A_53 : f32 to vector<16xf32>
    %swap3A_55 = arith.constant 64 : index
    %swap3A_56 = tpu.vector_load %arg9[%swap3A_55] {strides = array<i32>} : memref<128xf32, #tpu.memory_space<vmem>>, vector<16xf32>,
    %swap3A_57 = vector.shape_cast %swap3A_56 : vector<16xf32> to vector<16xf32>
    %swap3A_58 = vector.shape_cast %broadcast_in_dim3A_54 : vector<16xf32> to vector<16xf32>
    tpu.vector_store %arg9[%swap3A_55], %swap3A_58 {strides = array<i32>} : memref<128xf32, #tpu.memory_space<vmem>>, vector<16xf32>,
    %broadcast_in_dim3A_59 = arith.constant 1.000000e+00 : f32
    %broadcast_in_dim3A_60 = vector.broadcast %broadcast_in_dim3A_59 : f32 to vector<16xf32>
    %swap3A_61 = arith.constant 80 : index
    %swap3A_62 = tpu.vector_load %arg8[%swap3A_61] {strides = array<i32>} : memref<128xf32, #tpu.memory_space<vmem>>, vector<16xf32>,
    %swap3A_63 = vector.shape_cast %swap3A_62 : vector<16xf32> to vector<16xf32>
    %swap3A_64 = vector.shape_cast %broadcast_in_dim3A_60 : vector<16xf32> to vector<16xf32>
    tpu.vector_store %arg8[%swap3A_61], %swap3A_64 {strides = array<i32>} : memref<128xf32, #tpu.memory_space<vmem>>, vector<16xf32>,
    %broadcast_in_dim3A_65 = arith.constant 0.000000e+00 : f32
    %broadcast_in_dim3A_66 = vector.broadcast %broadcast_in_dim3A_65 : f32 to vector<16xf32>
    %swap3A_67 = arith.constant 80 : index
    %swap3A_68 = tpu.vector_load %arg9[%swap3A_67] {strides = array<i32>} : memref<128xf32, #tpu.memory_space<vmem>>, vector<16xf32>,
    %swap3A_69 = vector.shape_cast %swap3A_68 : vector<16xf32> to vector<16xf32>
    %swap3A_70 = vector.shape_cast %broadcast_in_dim3A_66 : vector<16xf32> to vector<16xf32>
    tpu.vector_store %arg9[%swap3A_67], %swap3A_70 {strides = array<i32>} : memref<128xf32, #tpu.memory_space<vmem>>, vector<16xf32>,
    %broadcast_in_dim3A_71 = arith.constant 1.000000e+00 : f32
    %broadcast_in_dim3A_72 = vector.broadcast %broadcast_in_dim3A_71 : f32 to vector<16xf32>
    %swap3A_73 = arith.constant 96 : index
    %swap3A_74 = tpu.vector_load %arg8[%swap3A_73] {strides = array<i32>} : memref<128xf32, #tpu.memory_space<vmem>>, vector<16xf32>,
    %swap3A_75 = vector.shape_cast %swap3A_74 : vector<16xf32> to vector<16xf32>
    %swap3A_76 = vector.shape_cast %broadcast_in_dim3A_72 : vector<16xf32> to vector<16xf32>
    tpu.vector_store %arg8[%swap3A_73], %swap3A_76 {strides = array<i32>} : memref<128xf32, #tpu.memory_space<vmem>>, vector<16xf32>,
    %broadcast_in_dim3A_77 = arith.constant 0.000000e+00 : f32
    %broadcast_in_dim3A_78 = vector.broadcast %broadcast_in_dim3A_77 : f32 to vector<16xf32>
    %swap3A_79 = arith.constant 96 : index
    %swap3A_80 = tpu.vector_load %arg9[%swap3A_79] {strides = array<i32>} : memref<128xf32, #tpu.memory_space<vmem>>, vector<16xf32>,
    %swap3A_81 = vector.shape_cast %swap3A_80 : vector<16xf32> to vector<16xf32>
    %swap3A_82 = vector.shape_cast %broadcast_in_dim3A_78 : vector<16xf32> to vector<16xf32>
    tpu.vector_store %arg9[%swap3A_79], %swap3A_82 {strides = array<i32>} : memref<128xf32, #tpu.memory_space<vmem>>, vector<16xf32>,
    %broadcast_in_dim3A_83 = arith.constant 1.000000e+00 : f32
    %broadcast_in_dim3A_84 = vector.broadcast %broadcast_in_dim3A_83 : f32 to vector<16xf32>
    %swap3A_85 = arith.constant 112 : index
    %swap3A_86 = tpu.vector_load %arg8[%swap3A_85] {strides = array<i32>} : memref<128xf32, #tpu.memory_space<vmem>>, vector<16xf32>,
    %swap3A_87 = vector.shape_cast %swap3A_86 : vector<16xf32> to vector<16xf32>
    %swap3A_88 = vector.shape_cast %broadcast_in_dim3A_84 : vector<16xf32> to vector<16xf32>
    tpu.vector_store %arg8[%swap3A_85], %swap3A_88 {strides = array<i32>} : memref<128xf32, #tpu.memory_space<vmem>>, vector<16xf32>,
    %broadcast_in_dim3A_89 = arith.constant 0.000000e+00 : f32
    %broadcast_in_dim3A_90 = vector.broadcast %broadcast_in_dim3A_89 : f32 to vector<16xf32>
    %swap3A_91 = arith.constant 112 : index
    %swap3A_92 = tpu.vector_load %arg9[%swap3A_91] {strides = array<i32>} : memref<128xf32, #tpu.memory_space<vmem>>, vector<16xf32>,
    %swap3A_93 = vector.shape_cast %swap3A_92 : vector<16xf32> to vector<16xf32>
    %swap3A_94 = vector.shape_cast %broadcast_in_dim3A_90 : vector<16xf32> to vector<16xf32>
    tpu.vector_store %arg9[%swap3A_91], %swap3A_94 {strides = array<i32>} : memref<128xf32, #tpu.memory_space<vmem>>, vector<16xf32>,
    %mul3A_95 = arith.constant 640 : i32
    %mul3A_96 = arith.muli %arg1, %mul3A_95 : i32
    %add3A_97 = arith.constant 0 : i32
    %add3A_98 = arith.addi %mul3A_96, %add3A_97 : i32
    "tpu.region"() ({
      %run_scoped3A = tpu.sem_alloc : memref<!tpu.dma_semaphore, #tpu.memory_space<semaphore_mem>>
      %dma_start3A_243 = tpu.memref_slice %arg10[%add3A_98] : memref<10240xf32, #tpu.memory_space<vmem_shared>> -> memref<128xf32, #tpu.memory_space<vmem_shared>>
      %dma_start3A_244 = tpu.memref_slice %arg10[%add3A_98] : memref<10240xf32, #tpu.memory_space<vmem_shared>> -> memref<128xf32, #tpu.memory_space<vmem_shared>>
      tpu.enqueue_dma source(%arg9 : memref<128xf32, #tpu.memory_space<vmem>>) target(%dma_start3A_244 : memref<128xf32, #tpu.memory_space<vmem_shared>>) target_semaphore(%run_scoped3A : memref<!tpu.dma_semaphore, #tpu.memory_space<semaphore_mem>>)
      %dma_wait3A_245 = tpu.memref_slice %arg10[%add3A_98] : memref<10240xf32, #tpu.memory_space<vmem_shared>> -> memref<128xf32, #tpu.memory_space<vmem_shared>>
      %dma_wait3A_246 = tpu.memref_slice %arg10[%add3A_98] : memref<10240xf32, #tpu.memory_space<vmem_shared>> -> memref<128xf32, #tpu.memory_space<vmem_shared>>
      tpu.wait_dma2 semaphore(%run_scoped3A : memref<!tpu.dma_semaphore, #tpu.memory_space<semaphore_mem>>) src(%arg9 : memref<128xf32, #tpu.memory_space<vmem>>) dst(%dma_wait3A_246 : memref<128xf32, #tpu.memory_space<vmem_shared>>)
      tpu.yield
    }) : () -> ()
    %mul3A_99 = arith.constant 640 : i32
    %mul3A_100 = arith.muli %arg1, %mul3A_99 : i32
    %add3A_101 = arith.constant 0 : i32
    %add3A_102 = arith.addi %mul3A_100, %add3A_101 : i32
    "tpu.region"() ({
      %run_scoped3A = tpu.sem_alloc : memref<!tpu.dma_semaphore, #tpu.memory_space<semaphore_mem>>
      %dma_start3A_243 = tpu.memref_slice %arg11[%add3A_102] : memref<10240xf32, #tpu.memory_space<vmem_shared>> -> memref<128xf32, #tpu.memory_space<vmem_shared>>
      %dma_start3A_244 = tpu.memref_slice %arg11[%add3A_102] : memref<10240xf32, #tpu.memory_space<vmem_shared>> -> memref<128xf32, #tpu.memory_space<vmem_shared>>
      tpu.enqueue_dma source(%arg9 : memref<128xf32, #tpu.memory_space<vmem>>) target(%dma_start3A_244 : memref<128xf32, #tpu.memory_space<vmem_shared>>) target_semaphore(%run_scoped3A : memref<!tpu.dma_semaphore, #tpu.memory_space<semaphore_mem>>)
      %dma_wait3A_245 = tpu.memref_slice %arg11[%add3A_102] : memref<10240xf32, #tpu.memory_space<vmem_shared>> -> memref<128xf32, #tpu.memory_space<vmem_shared>>
      %dma_wait3A_246 = tpu.memref_slice %arg11[%add3A_102] : memref<10240xf32, #tpu.memory_space<vmem_shared>> -> memref<128xf32, #tpu.memory_space<vmem_shared>>
      tpu.wait_dma2 semaphore(%run_scoped3A : memref<!tpu.dma_semaphore, #tpu.memory_space<semaphore_mem>>) src(%arg9 : memref<128xf32, #tpu.memory_space<vmem>>) dst(%dma_wait3A_246 : memref<128xf32, #tpu.memory_space<vmem_shared>>)
      tpu.yield
    }) : () -> ()
    %mul3A_103 = arith.constant 640 : i32
    %mul3A_104 = arith.muli %arg1, %mul3A_103 : i32
    %add3A_105 = arith.constant 128 : i32
    %add3A_106 = arith.addi %mul3A_104, %add3A_105 : i32
    "tpu.region"() ({
      %run_scoped3A = tpu.sem_alloc : memref<!tpu.dma_semaphore, #tpu.memory_space<semaphore_mem>>
      %dma_start3A_243 = tpu.memref_slice %arg10[%add3A_106] : memref<10240xf32, #tpu.memory_space<vmem_shared>> -> memref<128xf32, #tpu.memory_space<vmem_shared>>
      %dma_start3A_244 = tpu.memref_slice %arg10[%add3A_106] : memref<10240xf32, #tpu.memory_space<vmem_shared>> -> memref<128xf32, #tpu.memory_space<vmem_shared>>
      tpu.enqueue_dma source(%arg9 : memref<128xf32, #tpu.memory_space<vmem>>) target(%dma_start3A_244 : memref<128xf32, #tpu.memory_space<vmem_shared>>) target_semaphore(%run_scoped3A : memref<!tpu.dma_semaphore, #tpu.memory_space<semaphore_mem>>)
      %dma_wait3A_245 = tpu.memref_slice %arg10[%add3A_106] : memref<10240xf32, #tpu.memory_space<vmem_shared>> -> memref<128xf32, #tpu.memory_space<vmem_shared>>
      %dma_wait3A_246 = tpu.memref_slice %arg10[%add3A_106] : memref<10240xf32, #tpu.memory_space<vmem_shared>> -> memref<128xf32, #tpu.memory_space<vmem_shared>>
      tpu.wait_dma2 semaphore(%run_scoped3A : memref<!tpu.dma_semaphore, #tpu.memory_space<semaphore_mem>>) src(%arg9 : memref<128xf32, #tpu.memory_space<vmem>>) dst(%dma_wait3A_246 : memref<128xf32, #tpu.memory_space<vmem_shared>>)
      tpu.yield
    }) : () -> ()
    %mul3A_107 = arith.constant 640 : i32
    %mul3A_108 = arith.muli %arg1, %mul3A_107 : i32
    %add3A_109 = arith.constant 128 : i32
    %add3A_110 = arith.addi %mul3A_108, %add3A_109 : i32
    "tpu.region"() ({
      %run_scoped3A = tpu.sem_alloc : memref<!tpu.dma_semaphore, #tpu.memory_space<semaphore_mem>>
      %dma_start3A_243 = tpu.memref_slice %arg11[%add3A_110] : memref<10240xf32, #tpu.memory_space<vmem_shared>> -> memref<128xf32, #tpu.memory_space<vmem_shared>>
      %dma_start3A_244 = tpu.memref_slice %arg11[%add3A_110] : memref<10240xf32, #tpu.memory_space<vmem_shared>> -> memref<128xf32, #tpu.memory_space<vmem_shared>>
      tpu.enqueue_dma source(%arg9 : memref<128xf32, #tpu.memory_space<vmem>>) target(%dma_start3A_244 : memref<128xf32, #tpu.memory_space<vmem_shared>>) target_semaphore(%run_scoped3A : memref<!tpu.dma_semaphore, #tpu.memory_space<semaphore_mem>>)
      %dma_wait3A_245 = tpu.memref_slice %arg11[%add3A_110] : memref<10240xf32, #tpu.memory_space<vmem_shared>> -> memref<128xf32, #tpu.memory_space<vmem_shared>>
      %dma_wait3A_246 = tpu.memref_slice %arg11[%add3A_110] : memref<10240xf32, #tpu.memory_space<vmem_shared>> -> memref<128xf32, #tpu.memory_space<vmem_shared>>
      tpu.wait_dma2 semaphore(%run_scoped3A : memref<!tpu.dma_semaphore, #tpu.memory_space<semaphore_mem>>) src(%arg9 : memref<128xf32, #tpu.memory_space<vmem>>) dst(%dma_wait3A_246 : memref<128xf32, #tpu.memory_space<vmem_shared>>)
      tpu.yield
    }) : () -> ()
    %mul3A_111 = arith.constant 640 : i32
    %mul3A_112 = arith.muli %arg1, %mul3A_111 : i32
    %add3A_113 = arith.constant 256 : i32
    %add3A_114 = arith.addi %mul3A_112, %add3A_113 : i32
    "tpu.region"() ({
      %run_scoped3A = tpu.sem_alloc : memref<!tpu.dma_semaphore, #tpu.memory_space<semaphore_mem>>
      %dma_start3A_243 = tpu.memref_slice %arg10[%add3A_114] : memref<10240xf32, #tpu.memory_space<vmem_shared>> -> memref<128xf32, #tpu.memory_space<vmem_shared>>
      %dma_start3A_244 = tpu.memref_slice %arg10[%add3A_114] : memref<10240xf32, #tpu.memory_space<vmem_shared>> -> memref<128xf32, #tpu.memory_space<vmem_shared>>
      tpu.enqueue_dma source(%arg9 : memref<128xf32, #tpu.memory_space<vmem>>) target(%dma_start3A_244 : memref<128xf32, #tpu.memory_space<vmem_shared>>) target_semaphore(%run_scoped3A : memref<!tpu.dma_semaphore, #tpu.memory_space<semaphore_mem>>)
      %dma_wait3A_245 = tpu.memref_slice %arg10[%add3A_114] : memref<10240xf32, #tpu.memory_space<vmem_shared>> -> memref<128xf32, #tpu.memory_space<vmem_shared>>
      %dma_wait3A_246 = tpu.memref_slice %arg10[%add3A_114] : memref<10240xf32, #tpu.memory_space<vmem_shared>> -> memref<128xf32, #tpu.memory_space<vmem_shared>>
      tpu.wait_dma2 semaphore(%run_scoped3A : memref<!tpu.dma_semaphore, #tpu.memory_space<semaphore_mem>>) src(%arg9 : memref<128xf32, #tpu.memory_space<vmem>>) dst(%dma_wait3A_246 : memref<128xf32, #tpu.memory_space<vmem_shared>>)
      tpu.yield
    }) : () -> ()
    %mul3A_115 = arith.constant 640 : i32
    %mul3A_116 = arith.muli %arg1, %mul3A_115 : i32
    %add3A_117 = arith.constant 256 : i32
    %add3A_118 = arith.addi %mul3A_116, %add3A_117 : i32
    "tpu.region"() ({
      %run_scoped3A = tpu.sem_alloc : memref<!tpu.dma_semaphore, #tpu.memory_space<semaphore_mem>>
      %dma_start3A_243 = tpu.memref_slice %arg11[%add3A_118] : memref<10240xf32, #tpu.memory_space<vmem_shared>> -> memref<128xf32, #tpu.memory_space<vmem_shared>>
      %dma_start3A_244 = tpu.memref_slice %arg11[%add3A_118] : memref<10240xf32, #tpu.memory_space<vmem_shared>> -> memref<128xf32, #tpu.memory_space<vmem_shared>>
      tpu.enqueue_dma source(%arg9 : memref<128xf32, #tpu.memory_space<vmem>>) target(%dma_start3A_244 : memref<128xf32, #tpu.memory_space<vmem_shared>>) target_semaphore(%run_scoped3A : memref<!tpu.dma_semaphore, #tpu.memory_space<semaphore_mem>>)
      %dma_wait3A_245 = tpu.memref_slice %arg11[%add3A_118] : memref<10240xf32, #tpu.memory_space<vmem_shared>> -> memref<128xf32, #tpu.memory_space<vmem_shared>>
      %dma_wait3A_246 = tpu.memref_slice %arg11[%add3A_118] : memref<10240xf32, #tpu.memory_space<vmem_shared>> -> memref<128xf32, #tpu.memory_space<vmem_shared>>
      tpu.wait_dma2 semaphore(%run_scoped3A : memref<!tpu.dma_semaphore, #tpu.memory_space<semaphore_mem>>) src(%arg9 : memref<128xf32, #tpu.memory_space<vmem>>) dst(%dma_wait3A_246 : memref<128xf32, #tpu.memory_space<vmem_shared>>)
      tpu.yield
    }) : () -> ()
    %mul3A_119 = arith.constant 640 : i32
    %mul3A_120 = arith.muli %arg1, %mul3A_119 : i32
    %add3A_121 = arith.constant 384 : i32
    %add3A_122 = arith.addi %mul3A_120, %add3A_121 : i32
    "tpu.region"() ({
      %run_scoped3A = tpu.sem_alloc : memref<!tpu.dma_semaphore, #tpu.memory_space<semaphore_mem>>
      %dma_start3A_243 = tpu.memref_slice %arg10[%add3A_122] : memref<10240xf32, #tpu.memory_space<vmem_shared>> -> memref<128xf32, #tpu.memory_space<vmem_shared>>
      %dma_start3A_244 = tpu.memref_slice %arg10[%add3A_122] : memref<10240xf32, #tpu.memory_space<vmem_shared>> -> memref<128xf32, #tpu.memory_space<vmem_shared>>
      tpu.enqueue_dma source(%arg9 : memref<128xf32, #tpu.memory_space<vmem>>) target(%dma_start3A_244 : memref<128xf32, #tpu.memory_space<vmem_shared>>) target_semaphore(%run_scoped3A : memref<!tpu.dma_semaphore, #tpu.memory_space<semaphore_mem>>)
      %dma_wait3A_245 = tpu.memref_slice %arg10[%add3A_122] : memref<10240xf32, #tpu.memory_space<vmem_shared>> -> memref<128xf32, #tpu.memory_space<vmem_shared>>
      %dma_wait3A_246 = tpu.memref_slice %arg10[%add3A_122] : memref<10240xf32, #tpu.memory_space<vmem_shared>> -> memref<128xf32, #tpu.memory_space<vmem_shared>>
      tpu.wait_dma2 semaphore(%run_scoped3A : memref<!tpu.dma_semaphore, #tpu.memory_space<semaphore_mem>>) src(%arg9 : memref<128xf32, #tpu.memory_space<vmem>>) dst(%dma_wait3A_246 : memref<128xf32, #tpu.memory_space<vmem_shared>>)
      tpu.yield
    }) : () -> ()
    %mul3A_123 = arith.constant 640 : i32
    %mul3A_124 = arith.muli %arg1, %mul3A_123 : i32
    %add3A_125 = arith.constant 384 : i32
    %add3A_126 = arith.addi %mul3A_124, %add3A_125 : i32
    "tpu.region"() ({
      %run_scoped3A = tpu.sem_alloc : memref<!tpu.dma_semaphore, #tpu.memory_space<semaphore_mem>>
      %dma_start3A_243 = tpu.memref_slice %arg11[%add3A_126] : memref<10240xf32, #tpu.memory_space<vmem_shared>> -> memref<128xf32, #tpu.memory_space<vmem_shared>>
      %dma_start3A_244 = tpu.memref_slice %arg11[%add3A_126] : memref<10240xf32, #tpu.memory_space<vmem_shared>> -> memref<128xf32, #tpu.memory_space<vmem_shared>>
      tpu.enqueue_dma source(%arg9 : memref<128xf32, #tpu.memory_space<vmem>>) target(%dma_start3A_244 : memref<128xf32, #tpu.memory_space<vmem_shared>>) target_semaphore(%run_scoped3A : memref<!tpu.dma_semaphore, #tpu.memory_space<semaphore_mem>>)
      %dma_wait3A_245 = tpu.memref_slice %arg11[%add3A_126] : memref<10240xf32, #tpu.memory_space<vmem_shared>> -> memref<128xf32, #tpu.memory_space<vmem_shared>>
      %dma_wait3A_246 = tpu.memref_slice %arg11[%add3A_126] : memref<10240xf32, #tpu.memory_space<vmem_shared>> -> memref<128xf32, #tpu.memory_space<vmem_shared>>
      tpu.wait_dma2 semaphore(%run_scoped3A : memref<!tpu.dma_semaphore, #tpu.memory_space<semaphore_mem>>) src(%arg9 : memref<128xf32, #tpu.memory_space<vmem>>) dst(%dma_wait3A_246 : memref<128xf32, #tpu.memory_space<vmem_shared>>)
      tpu.yield
    }) : () -> ()
    %mul3A_127 = arith.constant 640 : i32
    %mul3A_128 = arith.muli %arg1, %mul3A_127 : i32
    %add3A_129 = arith.constant 512 : i32
    %add3A_130 = arith.addi %mul3A_128, %add3A_129 : i32
    "tpu.region"() ({
      %run_scoped3A = tpu.sem_alloc : memref<!tpu.dma_semaphore, #tpu.memory_space<semaphore_mem>>
      %dma_start3A_243 = tpu.memref_slice %arg10[%add3A_130] : memref<10240xf32, #tpu.memory_space<vmem_shared>> -> memref<128xf32, #tpu.memory_space<vmem_shared>>
      %dma_start3A_244 = tpu.memref_slice %arg10[%add3A_130] : memref<10240xf32, #tpu.memory_space<vmem_shared>> -> memref<128xf32, #tpu.memory_space<vmem_shared>>
      tpu.enqueue_dma source(%arg9 : memref<128xf32, #tpu.memory_space<vmem>>) target(%dma_start3A_244 : memref<128xf32, #tpu.memory_space<vmem_shared>>) target_semaphore(%run_scoped3A : memref<!tpu.dma_semaphore, #tpu.memory_space<semaphore_mem>>)
      %dma_wait3A_245 = tpu.memref_slice %arg10[%add3A_130] : memref<10240xf32, #tpu.memory_space<vmem_shared>> -> memref<128xf32, #tpu.memory_space<vmem_shared>>
      %dma_wait3A_246 = tpu.memref_slice %arg10[%add3A_130] : memref<10240xf32, #tpu.memory_space<vmem_shared>> -> memref<128xf32, #tpu.memory_space<vmem_shared>>
      tpu.wait_dma2 semaphore(%run_scoped3A : memref<!tpu.dma_semaphore, #tpu.memory_space<semaphore_mem>>) src(%arg9 : memref<128xf32, #tpu.memory_space<vmem>>) dst(%dma_wait3A_246 : memref<128xf32, #tpu.memory_space<vmem_shared>>)
      tpu.yield
    }) : () -> ()
    %mul3A_131 = arith.constant 640 : i32
    %mul3A_132 = arith.muli %arg1, %mul3A_131 : i32
    %add3A_133 = arith.constant 512 : i32
    %add3A_134 = arith.addi %mul3A_132, %add3A_133 : i32
    "tpu.region"() ({
      %run_scoped3A = tpu.sem_alloc : memref<!tpu.dma_semaphore, #tpu.memory_space<semaphore_mem>>
      %dma_start3A_243 = tpu.memref_slice %arg11[%add3A_134] : memref<10240xf32, #tpu.memory_space<vmem_shared>> -> memref<128xf32, #tpu.memory_space<vmem_shared>>
      %dma_start3A_244 = tpu.memref_slice %arg11[%add3A_134] : memref<10240xf32, #tpu.memory_space<vmem_shared>> -> memref<128xf32, #tpu.memory_space<vmem_shared>>
      tpu.enqueue_dma source(%arg9 : memref<128xf32, #tpu.memory_space<vmem>>) target(%dma_start3A_244 : memref<128xf32, #tpu.memory_space<vmem_shared>>) target_semaphore(%run_scoped3A : memref<!tpu.dma_semaphore, #tpu.memory_space<semaphore_mem>>)
      %dma_wait3A_245 = tpu.memref_slice %arg11[%add3A_134] : memref<10240xf32, #tpu.memory_space<vmem_shared>> -> memref<128xf32, #tpu.memory_space<vmem_shared>>
      %dma_wait3A_246 = tpu.memref_slice %arg11[%add3A_134] : memref<10240xf32, #tpu.memory_space<vmem_shared>> -> memref<128xf32, #tpu.memory_space<vmem_shared>>
      tpu.wait_dma2 semaphore(%run_scoped3A : memref<!tpu.dma_semaphore, #tpu.memory_space<semaphore_mem>>) src(%arg9 : memref<128xf32, #tpu.memory_space<vmem>>) dst(%dma_wait3A_246 : memref<128xf32, #tpu.memory_space<vmem_shared>>)
      tpu.yield
    }) : () -> ()
    %barrier3A = arith.constant 0 : index
    tpu.barrier barrier_id(%barrier3A)
    %mul3A_135 = arith.constant 10240 : i32
    %mul3A_136 = arith.muli %add3A, %mul3A_135 : i32
    %add3A_137 = arith.constant 0 : i32
    %add3A_138 = arith.addi %mul3A_136, %add3A_137 : i32
    %dma_start3A = arith.constant 0 : i32
    %dma_start3A_139 = arith.constant 0 : i32
    %dma_start3A_140 = tpu.memref_slice %arg6[%dma_start3A, %dma_start3A_139] : memref<4x128xi32, #tpu.memory_space<vmem>> -> memref<1x128xi32, #tpu.memory_space<vmem>>
    %dma_start3A_141 = tpu.memref_squeeze %dma_start3A_140 : memref<1x128xi32, #tpu.memory_space<vmem>> -> memref<128xi32, #tpu.memory_space<vmem>>
    %dma_start3A_142 = tpu.memref_slice %arg2[%add3A_138] : memref<327680xi32, #tpu.memory_space<hbm>> -> memref<128xi32, #tpu.memory_space<hbm>>
    %dma_start3A_143 = arith.constant 0 : i32
    %dma_start3A_144 = tpu.memref_slice %arg6[%dma_start3A, %dma_start3A_143] : memref<4x128xi32, #tpu.memory_space<vmem>> -> memref<1x128xi32, #tpu.memory_space<vmem>>
    %dma_start3A_145 = tpu.memref_squeeze %dma_start3A_144 : memref<1x128xi32, #tpu.memory_space<vmem>> -> memref<128xi32, #tpu.memory_space<vmem>>
    %dma_start3A_146 = tpu.memref_slice %arg2[%add3A_138] : memref<327680xi32, #tpu.memory_space<hbm>> -> memref<128xi32, #tpu.memory_space<hbm>>
    tpu.enqueue_dma source(%dma_start3A_146 : memref<128xi32, #tpu.memory_space<hbm>>) target(%dma_start3A_145 : memref<128xi32, #tpu.memory_space<vmem>>) target_semaphore(%arg12 : memref<!tpu.dma_semaphore, #tpu.memory_space<semaphore_mem>>)
    %dma_start3A_147 = arith.constant 0 : i32
    %dma_start3A_148 = arith.constant 0 : i32
    %dma_start3A_149 = tpu.memref_slice %arg7[%dma_start3A_147, %dma_start3A_148] : memref<4x128xi32, #tpu.memory_space<vmem>> -> memref<1x128xi32, #tpu.memory_space<vmem>>
    %dma_start3A_150 = tpu.memref_squeeze %dma_start3A_149 : memref<1x128xi32, #tpu.memory_space<vmem>> -> memref<128xi32, #tpu.memory_space<vmem>>
    %dma_start3A_151 = tpu.memref_slice %arg3[%add3A_138] : memref<327680xi32, #tpu.memory_space<hbm>> -> memref<128xi32, #tpu.memory_space<hbm>>
    %dma_start3A_152 = arith.constant 0 : i32
    %dma_start3A_153 = tpu.memref_slice %arg7[%dma_start3A_147, %dma_start3A_152] : memref<4x128xi32, #tpu.memory_space<vmem>> -> memref<1x128xi32, #tpu.memory_space<vmem>>
    %dma_start3A_154 = tpu.memref_squeeze %dma_start3A_153 : memref<1x128xi32, #tpu.memory_space<vmem>> -> memref<128xi32, #tpu.memory_space<vmem>>
    %dma_start3A_155 = tpu.memref_slice %arg3[%add3A_138] : memref<327680xi32, #tpu.memory_space<hbm>> -> memref<128xi32, #tpu.memory_space<hbm>>
    tpu.enqueue_dma source(%dma_start3A_155 : memref<128xi32, #tpu.memory_space<hbm>>) target(%dma_start3A_154 : memref<128xi32, #tpu.memory_space<vmem>>) target_semaphore(%arg16 : memref<!tpu.dma_semaphore, #tpu.memory_space<semaphore_mem>>)
    %add3A_156 = arith.constant 128 : i32
    %add3A_157 = arith.addi %mul3A_136, %add3A_156 : i32
    %dma_start3A_158 = arith.constant 1 : i32
    %dma_start3A_159 = arith.constant 0 : i32
    %dma_start3A_160 = tpu.memref_slice %arg6[%dma_start3A_158, %dma_start3A_159] : memref<4x128xi32, #tpu.memory_space<vmem>> -> memref<1x128xi32, #tpu.memory_space<vmem>>
    %dma_start3A_161 = tpu.memref_squeeze %dma_start3A_160 : memref<1x128xi32, #tpu.memory_space<vmem>> -> memref<128xi32, #tpu.memory_space<vmem>>
    %dma_start3A_162 = tpu.memref_slice %arg2[%add3A_157] : memref<327680xi32, #tpu.memory_space<hbm>> -> memref<128xi32, #tpu.memory_space<hbm>>
    %dma_start3A_163 = arith.constant 0 : i32
    %dma_start3A_164 = tpu.memref_slice %arg6[%dma_start3A_158, %dma_start3A_163] : memref<4x128xi32, #tpu.memory_space<vmem>> -> memref<1x128xi32, #tpu.memory_space<vmem>>
    %dma_start3A_165 = tpu.memref_squeeze %dma_start3A_164 : memref<1x128xi32, #tpu.memory_space<vmem>> -> memref<128xi32, #tpu.memory_space<vmem>>
    %dma_start3A_166 = tpu.memref_slice %arg2[%add3A_157] : memref<327680xi32, #tpu.memory_space<hbm>> -> memref<128xi32, #tpu.memory_space<hbm>>
    tpu.enqueue_dma source(%dma_start3A_166 : memref<128xi32, #tpu.memory_space<hbm>>) target(%dma_start3A_165 : memref<128xi32, #tpu.memory_space<vmem>>) target_semaphore(%arg13 : memref<!tpu.dma_semaphore, #tpu.memory_space<semaphore_mem>>)
    %dma_start3A_167 = arith.constant 1 : i32
    %dma_start3A_168 = arith.constant 0 : i32
    %dma_start3A_169 = tpu.memref_slice %arg7[%dma_start3A_167, %dma_start3A_168] : memref<4x128xi32, #tpu.memory_space<vmem>> -> memref<1x128xi32, #tpu.memory_space<vmem>>
    %dma_start3A_170 = tpu.memref_squeeze %dma_start3A_169 : memref<1x128xi32, #tpu.memory_space<vmem>> -> memref<128xi32, #tpu.memory_space<vmem>>
    %dma_start3A_171 = tpu.memref_slice %arg3[%add3A_157] : memref<327680xi32, #tpu.memory_space<hbm>> -> memref<128xi32, #tpu.memory_space<hbm>>
    %dma_start3A_172 = arith.constant 0 : i32
    %dma_start3A_173 = tpu.memref_slice %arg7[%dma_start3A_167, %dma_start3A_172] : memref<4x128xi32, #tpu.memory_space<vmem>> -> memref<1x128xi32, #tpu.memory_space<vmem>>
    %dma_start3A_174 = tpu.memref_squeeze %dma_start3A_173 : memref<1x128xi32, #tpu.memory_space<vmem>> -> memref<128xi32, #tpu.memory_space<vmem>>
    %dma_start3A_175 = tpu.memref_slice %arg3[%add3A_157] : memref<327680xi32, #tpu.memory_space<hbm>> -> memref<128xi32, #tpu.memory_space<hbm>>
    tpu.enqueue_dma source(%dma_start3A_175 : memref<128xi32, #tpu.memory_space<hbm>>) target(%dma_start3A_174 : memref<128xi32, #tpu.memory_space<vmem>>) target_semaphore(%arg17 : memref<!tpu.dma_semaphore, #tpu.memory_space<semaphore_mem>>)
    %scan3A = arith.constant 0 : i32
    %scan3A_176 = arith.constant 0 : i32
    %scan3A_177 = arith.constant 20 : i32
    %scan3A_178 = arith.addi %scan3A_176, %scan3A_177 : i32
    %scan3A_179 = arith.constant 1 : i32
    scf.for %scan3A_243 = %scan3A_176 to %scan3A_178 step %scan3A_179  : i32 {
      %mul3A_244 = arith.constant 4 : i32
      %mul3A_245 = arith.muli %mul3A_244, %scan3A_243 : i32
      %add3A_246 = arith.constant 0 : i32
      %add3A_247 = arith.addi %mul3A_245, %add3A_246 : i32
      %dma_wait3A_248 = arith.constant 0 : i32
      %dma_wait3A_249 = arith.constant 0 : i32
      %dma_wait3A_250 = tpu.memref_slice %arg6[%dma_wait3A_248, %dma_wait3A_249] : memref<4x128xi32, #tpu.memory_space<vmem>> -> memref<1x128xi32, #tpu.memory_space<vmem>>
      %dma_wait3A_251 = tpu.memref_squeeze %dma_wait3A_250 : memref<1x128xi32, #tpu.memory_space<vmem>> -> memref<128xi32, #tpu.memory_space<vmem>>
      %dma_wait3A_252 = tpu.memref_slice %arg2[%mul3A_136] : memref<327680xi32, #tpu.memory_space<hbm>> -> memref<128xi32, #tpu.memory_space<hbm>>
      %dma_wait3A_253 = arith.constant 0 : i32
      %dma_wait3A_254 = tpu.memref_slice %arg6[%dma_wait3A_248, %dma_wait3A_253] : memref<4x128xi32, #tpu.memory_space<vmem>> -> memref<1x128xi32, #tpu.memory_space<vmem>>
      %dma_wait3A_255 = tpu.memref_squeeze %dma_wait3A_254 : memref<1x128xi32, #tpu.memory_space<vmem>> -> memref<128xi32, #tpu.memory_space<vmem>>
      %dma_wait3A_256 = tpu.memref_slice %arg2[%mul3A_136] : memref<327680xi32, #tpu.memory_space<hbm>> -> memref<128xi32, #tpu.memory_space<hbm>>
      tpu.wait_dma2 semaphore(%arg12 : memref<!tpu.dma_semaphore, #tpu.memory_space<semaphore_mem>>) src(%dma_wait3A_256 : memref<128xi32, #tpu.memory_space<hbm>>) dst(%dma_wait3A_255 : memref<128xi32, #tpu.memory_space<vmem>>)
      %dma_wait3A_257 = arith.constant 0 : i32
      %dma_wait3A_258 = arith.constant 0 : i32
      %dma_wait3A_259 = tpu.memref_slice %arg7[%dma_wait3A_257, %dma_wait3A_258] : memref<4x128xi32, #tpu.memory_space<vmem>> -> memref<1x128xi32, #tpu.memory_space<vmem>>
      %dma_wait3A_260 = tpu.memref_squeeze %dma_wait3A_259 : memref<1x128xi32, #tpu.memory_space<vmem>> -> memref<128xi32, #tpu.memory_space<vmem>>
      %dma_wait3A_261 = tpu.memref_slice %arg3[%mul3A_136] : memref<327680xi32, #tpu.memory_space<hbm>> -> memref<128xi32, #tpu.memory_space<hbm>>
      %dma_wait3A_262 = arith.constant 0 : i32
      %dma_wait3A_263 = tpu.memref_slice %arg7[%dma_wait3A_257, %dma_wait3A_262] : memref<4x128xi32, #tpu.memory_space<vmem>> -> memref<1x128xi32, #tpu.memory_space<vmem>>
      %dma_wait3A_264 = tpu.memref_squeeze %dma_wait3A_263 : memref<1x128xi32, #tpu.memory_space<vmem>> -> memref<128xi32, #tpu.memory_space<vmem>>
      %dma_wait3A_265 = tpu.memref_slice %arg3[%mul3A_136] : memref<327680xi32, #tpu.memory_space<hbm>> -> memref<128xi32, #tpu.memory_space<hbm>>
      tpu.wait_dma2 semaphore(%arg16 : memref<!tpu.dma_semaphore, #tpu.memory_space<semaphore_mem>>) src(%dma_wait3A_265 : memref<128xi32, #tpu.memory_space<hbm>>) dst(%dma_wait3A_264 : memref<128xi32, #tpu.memory_space<vmem>>)
      %dma_start3A_266 = arith.constant 0 : i32
      %dma_start3A_267 = arith.constant 0 : i32
      %dma_start3A_268 = tpu.memref_slice %arg6[%dma_start3A_266, %dma_start3A_267] : memref<4x128xi32, #tpu.memory_space<vmem>> -> memref<1x128xi32, #tpu.memory_space<vmem>>
      %dma_start3A_269 = tpu.memref_squeeze %dma_start3A_268 : memref<1x128xi32, #tpu.memory_space<vmem>> -> memref<128xi32, #tpu.memory_space<vmem>>
      %dma_start3A_270 = arith.constant 0 : i32
      %dma_start3A_271 = tpu.memref_slice %arg10[%dma_start3A_270] : memref<10240xf32, #tpu.memory_space<vmem_shared>> -> memref<10240xf32, #tpu.memory_space<vmem_shared>>
      tpu.enqueue_indirect_dma source(%arg8 : memref<128xf32, #tpu.memory_space<vmem>>) target(%dma_start3A_271 : memref<10240xf32, #tpu.memory_space<vmem_shared>>) offsets(%dma_start3A_269 : memref<128xi32, #tpu.memory_space<vmem>>) semaphore(%arg20 : memref<!tpu.dma_semaphore, #tpu.memory_space<semaphore_mem>>) {add = true}
      %dma_start3A_272 = arith.constant 0 : i32
      %dma_start3A_273 = arith.constant 0 : i32
      %dma_start3A_274 = tpu.memref_slice %arg7[%dma_start3A_272, %dma_start3A_273] : memref<4x128xi32, #tpu.memory_space<vmem>> -> memref<1x128xi32, #tpu.memory_space<vmem>>
      %dma_start3A_275 = tpu.memref_squeeze %dma_start3A_274 : memref<1x128xi32, #tpu.memory_space<vmem>> -> memref<128xi32, #tpu.memory_space<vmem>>
      %dma_start3A_276 = arith.constant 0 : i32
      %dma_start3A_277 = tpu.memref_slice %arg11[%dma_start3A_276] : memref<10240xf32, #tpu.memory_space<vmem_shared>> -> memref<10240xf32, #tpu.memory_space<vmem_shared>>
      tpu.enqueue_indirect_dma source(%arg8 : memref<128xf32, #tpu.memory_space<vmem>>) target(%dma_start3A_277 : memref<10240xf32, #tpu.memory_space<vmem_shared>>) offsets(%dma_start3A_275 : memref<128xi32, #tpu.memory_space<vmem>>) semaphore(%arg24 : memref<!tpu.dma_semaphore, #tpu.memory_space<semaphore_mem>>) {add = true}
      %add3A_278 = arith.constant 2 : i32
      %add3A_279 = arith.addi %add3A_247, %add3A_278 : i32
      %lt3A = arith.constant 80 : i32
      %lt3A_280 = arith.cmpi slt, %add3A_279, %lt3A : i32
      %convert_element_type3A = arith.extui %lt3A_280 : i1 to i32
      %cond3A = arith.constant 0 : i32
      %cond3A_281 = arith.cmpi ne, %convert_element_type3A, %cond3A : i32
      scf.if %cond3A_281 {
        %ge3A = arith.constant 2 : i32
        %ge3A_405 = arith.cmpi sge, %add3A_247, %ge3A : i32
        %convert_element_type3A_406 = arith.extui %ge3A_405 : i1 to i32
        %cond3A_407 = arith.constant 0 : i32
        %cond3A_408 = arith.cmpi ne, %convert_element_type3A_406, %cond3A_407 : i32
        scf.if %cond3A_408 {
          %dma_wait3A_432 = arith.constant 2 : i32
          %dma_wait3A_433 = arith.constant 0 : i32
          %dma_wait3A_434 = tpu.memref_slice %arg6[%dma_wait3A_432, %dma_wait3A_433] : memref<4x128xi32, #tpu.memory_space<vmem>> -> memref<1x128xi32, #tpu.memory_space<vmem>>
          %dma_wait3A_435 = tpu.memref_squeeze %dma_wait3A_434 : memref<1x128xi32, #tpu.memory_space<vmem>> -> memref<128xi32, #tpu.memory_space<vmem>>
          %dma_wait3A_436 = arith.constant 0 : i32
          %dma_wait3A_437 = tpu.memref_slice %arg10[%dma_wait3A_436] : memref<10240xf32, #tpu.memory_space<vmem_shared>> -> memref<10240xf32, #tpu.memory_space<vmem_shared>>
          tpu.wait_indirect_dma semaphore(%arg22 : memref<!tpu.dma_semaphore, #tpu.memory_space<semaphore_mem>>) src(%arg8 : memref<128xf32, #tpu.memory_space<vmem>>) dst(%dma_wait3A_437 : memref<10240xf32, #tpu.memory_space<vmem_shared>>)
          %dma_wait3A_438 = arith.constant 2 : i32
          %dma_wait3A_439 = arith.constant 0 : i32
          %dma_wait3A_440 = tpu.memref_slice %arg7[%dma_wait3A_438, %dma_wait3A_439] : memref<4x128xi32, #tpu.memory_space<vmem>> -> memref<1x128xi32, #tpu.memory_space<vmem>>
          %dma_wait3A_441 = tpu.memref_squeeze %dma_wait3A_440 : memref<1x128xi32, #tpu.memory_space<vmem>> -> memref<128xi32, #tpu.memory_space<vmem>>
          %dma_wait3A_442 = arith.constant 0 : i32
          %dma_wait3A_443 = tpu.memref_slice %arg11[%dma_wait3A_442] : memref<10240xf32, #tpu.memory_space<vmem_shared>> -> memref<10240xf32, #tpu.memory_space<vmem_shared>>
          tpu.wait_indirect_dma semaphore(%arg26 : memref<!tpu.dma_semaphore, #tpu.memory_space<semaphore_mem>>) src(%arg8 : memref<128xf32, #tpu.memory_space<vmem>>) dst(%dma_wait3A_443 : memref<10240xf32, #tpu.memory_space<vmem_shared>>)
        } else {
        }
        %add3A_409 = arith.constant 2 : i32
        %add3A_410 = arith.addi %add3A_247, %add3A_409 : i32
        %mul3A_411 = arith.constant 128 : i32
        %mul3A_412 = arith.muli %add3A_410, %mul3A_411 : i32
        %add3A_413 = arith.addi %mul3A_136, %mul3A_412 : i32
        %dma_start3A_414 = arith.constant 2 : i32
        %dma_start3A_415 = arith.constant 0 : i32
        %dma_start3A_416 = tpu.memref_slice %arg6[%dma_start3A_414, %dma_start3A_415] : memref<4x128xi32, #tpu.memory_space<vmem>> -> memref<1x128xi32, #tpu.memory_space<vmem>>
        %dma_start3A_417 = tpu.memref_squeeze %dma_start3A_416 : memref<1x128xi32, #tpu.memory_space<vmem>> -> memref<128xi32, #tpu.memory_space<vmem>>
        %dma_start3A_418 = tpu.memref_slice %arg2[%add3A_413] : memref<327680xi32, #tpu.memory_space<hbm>> -> memref<128xi32, #tpu.memory_space<hbm>>
        %dma_start3A_419 = arith.constant 0 : i32
        %dma_start3A_420 = tpu.memref_slice %arg6[%dma_start3A_414, %dma_start3A_419] : memref<4x128xi32, #tpu.memory_space<vmem>> -> memref<1x128xi32, #tpu.memory_space<vmem>>
        %dma_start3A_421 = tpu.memref_squeeze %dma_start3A_420 : memref<1x128xi32, #tpu.memory_space<vmem>> -> memref<128xi32, #tpu.memory_space<vmem>>
        %dma_start3A_422 = tpu.memref_slice %arg2[%add3A_413] : memref<327680xi32, #tpu.memory_space<hbm>> -> memref<128xi32, #tpu.memory_space<hbm>>
        tpu.enqueue_dma source(%dma_start3A_422 : memref<128xi32, #tpu.memory_space<hbm>>) target(%dma_start3A_421 : memref<128xi32, #tpu.memory_space<vmem>>) target_semaphore(%arg14 : memref<!tpu.dma_semaphore, #tpu.memory_space<semaphore_mem>>)
        %dma_start3A_423 = arith.constant 2 : i32
        %dma_start3A_424 = arith.constant 0 : i32
        %dma_start3A_425 = tpu.memref_slice %arg7[%dma_start3A_423, %dma_start3A_424] : memref<4x128xi32, #tpu.memory_space<vmem>> -> memref<1x128xi32, #tpu.memory_space<vmem>>
        %dma_start3A_426 = tpu.memref_squeeze %dma_start3A_425 : memref<1x128xi32, #tpu.memory_space<vmem>> -> memref<128xi32, #tpu.memory_space<vmem>>
        %dma_start3A_427 = tpu.memref_slice %arg3[%add3A_413] : memref<327680xi32, #tpu.memory_space<hbm>> -> memref<128xi32, #tpu.memory_space<hbm>>
        %dma_start3A_428 = arith.constant 0 : i32
        %dma_start3A_429 = tpu.memref_slice %arg7[%dma_start3A_423, %dma_start3A_428] : memref<4x128xi32, #tpu.memory_space<vmem>> -> memref<1x128xi32, #tpu.memory_space<vmem>>
        %dma_start3A_430 = tpu.memref_squeeze %dma_start3A_429 : memref<1x128xi32, #tpu.memory_space<vmem>> -> memref<128xi32, #tpu.memory_space<vmem>>
        %dma_start3A_431 = tpu.memref_slice %arg3[%add3A_413] : memref<327680xi32, #tpu.memory_space<hbm>> -> memref<128xi32, #tpu.memory_space<hbm>>
        tpu.enqueue_dma source(%dma_start3A_431 : memref<128xi32, #tpu.memory_space<hbm>>) target(%dma_start3A_430 : memref<128xi32, #tpu.memory_space<vmem>>) target_semaphore(%arg18 : memref<!tpu.dma_semaphore, #tpu.memory_space<semaphore_mem>>)
      } else {
      }
      %mul3A_282 = arith.constant 4 : i32
      %mul3A_283 = arith.muli %mul3A_282, %scan3A_243 : i32
      %add3A_284 = arith.constant 1 : i32
      %add3A_285 = arith.addi %mul3A_283, %add3A_284 : i32
      %dma_wait3A_286 = arith.constant 1 : i32
      %dma_wait3A_287 = arith.constant 0 : i32
      %dma_wait3A_288 = tpu.memref_slice %arg6[%dma_wait3A_286, %dma_wait3A_287] : memref<4x128xi32, #tpu.memory_space<vmem>> -> memref<1x128xi32, #tpu.memory_space<vmem>>
      %dma_wait3A_289 = tpu.memref_squeeze %dma_wait3A_288 : memref<1x128xi32, #tpu.memory_space<vmem>> -> memref<128xi32, #tpu.memory_space<vmem>>
      %dma_wait3A_290 = tpu.memref_slice %arg2[%mul3A_136] : memref<327680xi32, #tpu.memory_space<hbm>> -> memref<128xi32, #tpu.memory_space<hbm>>
      %dma_wait3A_291 = arith.constant 0 : i32
      %dma_wait3A_292 = tpu.memref_slice %arg6[%dma_wait3A_286, %dma_wait3A_291] : memref<4x128xi32, #tpu.memory_space<vmem>> -> memref<1x128xi32, #tpu.memory_space<vmem>>
      %dma_wait3A_293 = tpu.memref_squeeze %dma_wait3A_292 : memref<1x128xi32, #tpu.memory_space<vmem>> -> memref<128xi32, #tpu.memory_space<vmem>>
      %dma_wait3A_294 = tpu.memref_slice %arg2[%mul3A_136] : memref<327680xi32, #tpu.memory_space<hbm>> -> memref<128xi32, #tpu.memory_space<hbm>>
      tpu.wait_dma2 semaphore(%arg13 : memref<!tpu.dma_semaphore, #tpu.memory_space<semaphore_mem>>) src(%dma_wait3A_294 : memref<128xi32, #tpu.memory_space<hbm>>) dst(%dma_wait3A_293 : memref<128xi32, #tpu.memory_space<vmem>>)
      %dma_wait3A_295 = arith.constant 1 : i32
      %dma_wait3A_296 = arith.constant 0 : i32
      %dma_wait3A_297 = tpu.memref_slice %arg7[%dma_wait3A_295, %dma_wait3A_296] : memref<4x128xi32, #tpu.memory_space<vmem>> -> memref<1x128xi32, #tpu.memory_space<vmem>>
      %dma_wait3A_298 = tpu.memref_squeeze %dma_wait3A_297 : memref<1x128xi32, #tpu.memory_space<vmem>> -> memref<128xi32, #tpu.memory_space<vmem>>
      %dma_wait3A_299 = tpu.memref_slice %arg3[%mul3A_136] : memref<327680xi32, #tpu.memory_space<hbm>> -> memref<128xi32, #tpu.memory_space<hbm>>
      %dma_wait3A_300 = arith.constant 0 : i32
      %dma_wait3A_301 = tpu.memref_slice %arg7[%dma_wait3A_295, %dma_wait3A_300] : memref<4x128xi32, #tpu.memory_space<vmem>> -> memref<1x128xi32, #tpu.memory_space<vmem>>
      %dma_wait3A_302 = tpu.memref_squeeze %dma_wait3A_301 : memref<1x128xi32, #tpu.memory_space<vmem>> -> memref<128xi32, #tpu.memory_space<vmem>>
      %dma_wait3A_303 = tpu.memref_slice %arg3[%mul3A_136] : memref<327680xi32, #tpu.memory_space<hbm>> -> memref<128xi32, #tpu.memory_space<hbm>>
      tpu.wait_dma2 semaphore(%arg17 : memref<!tpu.dma_semaphore, #tpu.memory_space<semaphore_mem>>) src(%dma_wait3A_303 : memref<128xi32, #tpu.memory_space<hbm>>) dst(%dma_wait3A_302 : memref<128xi32, #tpu.memory_space<vmem>>)
      %dma_start3A_304 = arith.constant 1 : i32
      %dma_start3A_305 = arith.constant 0 : i32
      %dma_start3A_306 = tpu.memref_slice %arg6[%dma_start3A_304, %dma_start3A_305] : memref<4x128xi32, #tpu.memory_space<vmem>> -> memref<1x128xi32, #tpu.memory_space<vmem>>
      %dma_start3A_307 = tpu.memref_squeeze %dma_start3A_306 : memref<1x128xi32, #tpu.memory_space<vmem>> -> memref<128xi32, #tpu.memory_space<vmem>>
      %dma_start3A_308 = arith.constant 0 : i32
      %dma_start3A_309 = tpu.memref_slice %arg10[%dma_start3A_308] : memref<10240xf32, #tpu.memory_space<vmem_shared>> -> memref<10240xf32, #tpu.memory_space<vmem_shared>>
      tpu.enqueue_indirect_dma source(%arg8 : memref<128xf32, #tpu.memory_space<vmem>>) target(%dma_start3A_309 : memref<10240xf32, #tpu.memory_space<vmem_shared>>) offsets(%dma_start3A_307 : memref<128xi32, #tpu.memory_space<vmem>>) semaphore(%arg21 : memref<!tpu.dma_semaphore, #tpu.memory_space<semaphore_mem>>) {add = true}
      %dma_start3A_310 = arith.constant 1 : i32
      %dma_start3A_311 = arith.constant 0 : i32
      %dma_start3A_312 = tpu.memref_slice %arg7[%dma_start3A_310, %dma_start3A_311] : memref<4x128xi32, #tpu.memory_space<vmem>> -> memref<1x128xi32, #tpu.memory_space<vmem>>
      %dma_start3A_313 = tpu.memref_squeeze %dma_start3A_312 : memref<1x128xi32, #tpu.memory_space<vmem>> -> memref<128xi32, #tpu.memory_space<vmem>>
      %dma_start3A_314 = arith.constant 0 : i32
      %dma_start3A_315 = tpu.memref_slice %arg11[%dma_start3A_314] : memref<10240xf32, #tpu.memory_space<vmem_shared>> -> memref<10240xf32, #tpu.memory_space<vmem_shared>>
      tpu.enqueue_indirect_dma source(%arg8 : memref<128xf32, #tpu.memory_space<vmem>>) target(%dma_start3A_315 : memref<10240xf32, #tpu.memory_space<vmem_shared>>) offsets(%dma_start3A_313 : memref<128xi32, #tpu.memory_space<vmem>>) semaphore(%arg25 : memref<!tpu.dma_semaphore, #tpu.memory_space<semaphore_mem>>) {add = true}
      %add3A_316 = arith.constant 2 : i32
      %add3A_317 = arith.addi %add3A_285, %add3A_316 : i32
      %lt3A_318 = arith.constant 80 : i32
      %lt3A_319 = arith.cmpi slt, %add3A_317, %lt3A_318 : i32
      %convert_element_type3A_320 = arith.extui %lt3A_319 : i1 to i32
      %cond3A_321 = arith.constant 0 : i32
      %cond3A_322 = arith.cmpi ne, %convert_element_type3A_320, %cond3A_321 : i32
      scf.if %cond3A_322 {
        %ge3A = arith.constant 2 : i32
        %ge3A_405 = arith.cmpi sge, %add3A_285, %ge3A : i32
        %convert_element_type3A_406 = arith.extui %ge3A_405 : i1 to i32
        %cond3A_407 = arith.constant 0 : i32
        %cond3A_408 = arith.cmpi ne, %convert_element_type3A_406, %cond3A_407 : i32
        scf.if %cond3A_408 {
          %dma_wait3A_432 = arith.constant 3 : i32
          %dma_wait3A_433 = arith.constant 0 : i32
          %dma_wait3A_434 = tpu.memref_slice %arg6[%dma_wait3A_432, %dma_wait3A_433] : memref<4x128xi32, #tpu.memory_space<vmem>> -> memref<1x128xi32, #tpu.memory_space<vmem>>
          %dma_wait3A_435 = tpu.memref_squeeze %dma_wait3A_434 : memref<1x128xi32, #tpu.memory_space<vmem>> -> memref<128xi32, #tpu.memory_space<vmem>>
          %dma_wait3A_436 = arith.constant 0 : i32
          %dma_wait3A_437 = tpu.memref_slice %arg10[%dma_wait3A_436] : memref<10240xf32, #tpu.memory_space<vmem_shared>> -> memref<10240xf32, #tpu.memory_space<vmem_shared>>
          tpu.wait_indirect_dma semaphore(%arg23 : memref<!tpu.dma_semaphore, #tpu.memory_space<semaphore_mem>>) src(%arg8 : memref<128xf32, #tpu.memory_space<vmem>>) dst(%dma_wait3A_437 : memref<10240xf32, #tpu.memory_space<vmem_shared>>)
          %dma_wait3A_438 = arith.constant 3 : i32
          %dma_wait3A_439 = arith.constant 0 : i32
          %dma_wait3A_440 = tpu.memref_slice %arg7[%dma_wait3A_438, %dma_wait3A_439] : memref<4x128xi32, #tpu.memory_space<vmem>> -> memref<1x128xi32, #tpu.memory_space<vmem>>
          %dma_wait3A_441 = tpu.memref_squeeze %dma_wait3A_440 : memref<1x128xi32, #tpu.memory_space<vmem>> -> memref<128xi32, #tpu.memory_space<vmem>>
          %dma_wait3A_442 = arith.constant 0 : i32
          %dma_wait3A_443 = tpu.memref_slice %arg11[%dma_wait3A_442] : memref<10240xf32, #tpu.memory_space<vmem_shared>> -> memref<10240xf32, #tpu.memory_space<vmem_shared>>
          tpu.wait_indirect_dma semaphore(%arg27 : memref<!tpu.dma_semaphore, #tpu.memory_space<semaphore_mem>>) src(%arg8 : memref<128xf32, #tpu.memory_space<vmem>>) dst(%dma_wait3A_443 : memref<10240xf32, #tpu.memory_space<vmem_shared>>)
        } else {
        }
        %add3A_409 = arith.constant 2 : i32
        %add3A_410 = arith.addi %add3A_285, %add3A_409 : i32
        %mul3A_411 = arith.constant 128 : i32
        %mul3A_412 = arith.muli %add3A_410, %mul3A_411 : i32
        %add3A_413 = arith.addi %mul3A_136, %mul3A_412 : i32
        %dma_start3A_414 = arith.constant 3 : i32
        %dma_start3A_415 = arith.constant 0 : i32
        %dma_start3A_416 = tpu.memref_slice %arg6[%dma_start3A_414, %dma_start3A_415] : memref<4x128xi32, #tpu.memory_space<vmem>> -> memref<1x128xi32, #tpu.memory_space<vmem>>
        %dma_start3A_417 = tpu.memref_squeeze %dma_start3A_416 : memref<1x128xi32, #tpu.memory_space<vmem>> -> memref<128xi32, #tpu.memory_space<vmem>>
        %dma_start3A_418 = tpu.memref_slice %arg2[%add3A_413] : memref<327680xi32, #tpu.memory_space<hbm>> -> memref<128xi32, #tpu.memory_space<hbm>>
        %dma_start3A_419 = arith.constant 0 : i32
        %dma_start3A_420 = tpu.memref_slice %arg6[%dma_start3A_414, %dma_start3A_419] : memref<4x128xi32, #tpu.memory_space<vmem>> -> memref<1x128xi32, #tpu.memory_space<vmem>>
        %dma_start3A_421 = tpu.memref_squeeze %dma_start3A_420 : memref<1x128xi32, #tpu.memory_space<vmem>> -> memref<128xi32, #tpu.memory_space<vmem>>
        %dma_start3A_422 = tpu.memref_slice %arg2[%add3A_413] : memref<327680xi32, #tpu.memory_space<hbm>> -> memref<128xi32, #tpu.memory_space<hbm>>
        tpu.enqueue_dma source(%dma_start3A_422 : memref<128xi32, #tpu.memory_space<hbm>>) target(%dma_start3A_421 : memref<128xi32, #tpu.memory_space<vmem>>) target_semaphore(%arg15 : memref<!tpu.dma_semaphore, #tpu.memory_space<semaphore_mem>>)
        %dma_start3A_423 = arith.constant 3 : i32
        %dma_start3A_424 = arith.constant 0 : i32
        %dma_start3A_425 = tpu.memref_slice %arg7[%dma_start3A_423, %dma_start3A_424] : memref<4x128xi32, #tpu.memory_space<vmem>> -> memref<1x128xi32, #tpu.memory_space<vmem>>
        %dma_start3A_426 = tpu.memref_squeeze %dma_start3A_425 : memref<1x128xi32, #tpu.memory_space<vmem>> -> memref<128xi32, #tpu.memory_space<vmem>>
        %dma_start3A_427 = tpu.memref_slice %arg3[%add3A_413] : memref<327680xi32, #tpu.memory_space<hbm>> -> memref<128xi32, #tpu.memory_space<hbm>>
        %dma_start3A_428 = arith.constant 0 : i32
        %dma_start3A_429 = tpu.memref_slice %arg7[%dma_start3A_423, %dma_start3A_428] : memref<4x128xi32, #tpu.memory_space<vmem>> -> memref<1x128xi32, #tpu.memory_space<vmem>>
        %dma_start3A_430 = tpu.memref_squeeze %dma_start3A_429 : memref<1x128xi32, #tpu.memory_space<vmem>> -> memref<128xi32, #tpu.memory_space<vmem>>
        %dma_start3A_431 = tpu.memref_slice %arg3[%add3A_413] : memref<327680xi32, #tpu.memory_space<hbm>> -> memref<128xi32, #tpu.memory_space<hbm>>
        tpu.enqueue_dma source(%dma_start3A_431 : memref<128xi32, #tpu.memory_space<hbm>>) target(%dma_start3A_430 : memref<128xi32, #tpu.memory_space<vmem>>) target_semaphore(%arg19 : memref<!tpu.dma_semaphore, #tpu.memory_space<semaphore_mem>>)
      } else {
      }
      %mul3A_323 = arith.constant 4 : i32
      %mul3A_324 = arith.muli %mul3A_323, %scan3A_243 : i32
      %add3A_325 = arith.constant 2 : i32
      %add3A_326 = arith.addi %mul3A_324, %add3A_325 : i32
      %dma_wait3A_327 = arith.constant 2 : i32
      %dma_wait3A_328 = arith.constant 0 : i32
      %dma_wait3A_329 = tpu.memref_slice %arg6[%dma_wait3A_327, %dma_wait3A_328] : memref<4x128xi32, #tpu.memory_space<vmem>> -> memref<1x128xi32, #tpu.memory_space<vmem>>
      %dma_wait3A_330 = tpu.memref_squeeze %dma_wait3A_329 : memref<1x128xi32, #tpu.memory_space<vmem>> -> memref<128xi32, #tpu.memory_space<vmem>>
      %dma_wait3A_331 = tpu.memref_slice %arg2[%mul3A_136] : memref<327680xi32, #tpu.memory_space<hbm>> -> memref<128xi32, #tpu.memory_space<hbm>>
      %dma_wait3A_332 = arith.constant 0 : i32
      %dma_wait3A_333 = tpu.memref_slice %arg6[%dma_wait3A_327, %dma_wait3A_332] : memref<4x128xi32, #tpu.memory_space<vmem>> -> memref<1x128xi32, #tpu.memory_space<vmem>>
      %dma_wait3A_334 = tpu.memref_squeeze %dma_wait3A_333 : memref<1x128xi32, #tpu.memory_space<vmem>> -> memref<128xi32, #tpu.memory_space<vmem>>
      %dma_wait3A_335 = tpu.memref_slice %arg2[%mul3A_136] : memref<327680xi32, #tpu.memory_space<hbm>> -> memref<128xi32, #tpu.memory_space<hbm>>
      tpu.wait_dma2 semaphore(%arg14 : memref<!tpu.dma_semaphore, #tpu.memory_space<semaphore_mem>>) src(%dma_wait3A_335 : memref<128xi32, #tpu.memory_space<hbm>>) dst(%dma_wait3A_334 : memref<128xi32, #tpu.memory_space<vmem>>)
      %dma_wait3A_336 = arith.constant 2 : i32
      %dma_wait3A_337 = arith.constant 0 : i32
      %dma_wait3A_338 = tpu.memref_slice %arg7[%dma_wait3A_336, %dma_wait3A_337] : memref<4x128xi32, #tpu.memory_space<vmem>> -> memref<1x128xi32, #tpu.memory_space<vmem>>
      %dma_wait3A_339 = tpu.memref_squeeze %dma_wait3A_338 : memref<1x128xi32, #tpu.memory_space<vmem>> -> memref<128xi32, #tpu.memory_space<vmem>>
      %dma_wait3A_340 = tpu.memref_slice %arg3[%mul3A_136] : memref<327680xi32, #tpu.memory_space<hbm>> -> memref<128xi32, #tpu.memory_space<hbm>>
      %dma_wait3A_341 = arith.constant 0 : i32
      %dma_wait3A_342 = tpu.memref_slice %arg7[%dma_wait3A_336, %dma_wait3A_341] : memref<4x128xi32, #tpu.memory_space<vmem>> -> memref<1x128xi32, #tpu.memory_space<vmem>>
      %dma_wait3A_343 = tpu.memref_squeeze %dma_wait3A_342 : memref<1x128xi32, #tpu.memory_space<vmem>> -> memref<128xi32, #tpu.memory_space<vmem>>
      %dma_wait3A_344 = tpu.memref_slice %arg3[%mul3A_136] : memref<327680xi32, #tpu.memory_space<hbm>> -> memref<128xi32, #tpu.memory_space<hbm>>
      tpu.wait_dma2 semaphore(%arg18 : memref<!tpu.dma_semaphore, #tpu.memory_space<semaphore_mem>>) src(%dma_wait3A_344 : memref<128xi32, #tpu.memory_space<hbm>>) dst(%dma_wait3A_343 : memref<128xi32, #tpu.memory_space<vmem>>)
      %dma_start3A_345 = arith.constant 2 : i32
      %dma_start3A_346 = arith.constant 0 : i32
      %dma_start3A_347 = tpu.memref_slice %arg6[%dma_start3A_345, %dma_start3A_346] : memref<4x128xi32, #tpu.memory_space<vmem>> -> memref<1x128xi32, #tpu.memory_space<vmem>>
      %dma_start3A_348 = tpu.memref_squeeze %dma_start3A_347 : memref<1x128xi32, #tpu.memory_space<vmem>> -> memref<128xi32, #tpu.memory_space<vmem>>
      %dma_start3A_349 = arith.constant 0 : i32
      %dma_start3A_350 = tpu.memref_slice %arg10[%dma_start3A_349] : memref<10240xf32, #tpu.memory_space<vmem_shared>> -> memref<10240xf32, #tpu.memory_space<vmem_shared>>
      tpu.enqueue_indirect_dma source(%arg8 : memref<128xf32, #tpu.memory_space<vmem>>) target(%dma_start3A_350 : memref<10240xf32, #tpu.memory_space<vmem_shared>>) offsets(%dma_start3A_348 : memref<128xi32, #tpu.memory_space<vmem>>) semaphore(%arg22 : memref<!tpu.dma_semaphore, #tpu.memory_space<semaphore_mem>>) {add = true}
      %dma_start3A_351 = arith.constant 2 : i32
      %dma_start3A_352 = arith.constant 0 : i32
      %dma_start3A_353 = tpu.memref_slice %arg7[%dma_start3A_351, %dma_start3A_352] : memref<4x128xi32, #tpu.memory_space<vmem>> -> memref<1x128xi32, #tpu.memory_space<vmem>>
      %dma_start3A_354 = tpu.memref_squeeze %dma_start3A_353 : memref<1x128xi32, #tpu.memory_space<vmem>> -> memref<128xi32, #tpu.memory_space<vmem>>
      %dma_start3A_355 = arith.constant 0 : i32
      %dma_start3A_356 = tpu.memref_slice %arg11[%dma_start3A_355] : memref<10240xf32, #tpu.memory_space<vmem_shared>> -> memref<10240xf32, #tpu.memory_space<vmem_shared>>
      tpu.enqueue_indirect_dma source(%arg8 : memref<128xf32, #tpu.memory_space<vmem>>) target(%dma_start3A_356 : memref<10240xf32, #tpu.memory_space<vmem_shared>>) offsets(%dma_start3A_354 : memref<128xi32, #tpu.memory_space<vmem>>) semaphore(%arg26 : memref<!tpu.dma_semaphore, #tpu.memory_space<semaphore_mem>>) {add = true}
      %add3A_357 = arith.constant 2 : i32
      %add3A_358 = arith.addi %add3A_326, %add3A_357 : i32
      %lt3A_359 = arith.constant 80 : i32
      %lt3A_360 = arith.cmpi slt, %add3A_358, %lt3A_359 : i32
      %convert_element_type3A_361 = arith.extui %lt3A_360 : i1 to i32
      %cond3A_362 = arith.constant 0 : i32
      %cond3A_363 = arith.cmpi ne, %convert_element_type3A_361, %cond3A_362 : i32
      scf.if %cond3A_363 {
        %ge3A = arith.constant 2 : i32
        %ge3A_405 = arith.cmpi sge, %add3A_326, %ge3A : i32
        %convert_element_type3A_406 = arith.extui %ge3A_405 : i1 to i32
        %cond3A_407 = arith.constant 0 : i32
        %cond3A_408 = arith.cmpi ne, %convert_element_type3A_406, %cond3A_407 : i32
        scf.if %cond3A_408 {
          %dma_wait3A_432 = arith.constant 0 : i32
          %dma_wait3A_433 = arith.constant 0 : i32
          %dma_wait3A_434 = tpu.memref_slice %arg6[%dma_wait3A_432, %dma_wait3A_433] : memref<4x128xi32, #tpu.memory_space<vmem>> -> memref<1x128xi32, #tpu.memory_space<vmem>>
          %dma_wait3A_435 = tpu.memref_squeeze %dma_wait3A_434 : memref<1x128xi32, #tpu.memory_space<vmem>> -> memref<128xi32, #tpu.memory_space<vmem>>
          %dma_wait3A_436 = arith.constant 0 : i32
          %dma_wait3A_437 = tpu.memref_slice %arg10[%dma_wait3A_436] : memref<10240xf32, #tpu.memory_space<vmem_shared>> -> memref<10240xf32, #tpu.memory_space<vmem_shared>>
          tpu.wait_indirect_dma semaphore(%arg20 : memref<!tpu.dma_semaphore, #tpu.memory_space<semaphore_mem>>) src(%arg8 : memref<128xf32, #tpu.memory_space<vmem>>) dst(%dma_wait3A_437 : memref<10240xf32, #tpu.memory_space<vmem_shared>>)
          %dma_wait3A_438 = arith.constant 0 : i32
          %dma_wait3A_439 = arith.constant 0 : i32
          %dma_wait3A_440 = tpu.memref_slice %arg7[%dma_wait3A_438, %dma_wait3A_439] : memref<4x128xi32, #tpu.memory_space<vmem>> -> memref<1x128xi32, #tpu.memory_space<vmem>>
          %dma_wait3A_441 = tpu.memref_squeeze %dma_wait3A_440 : memref<1x128xi32, #tpu.memory_space<vmem>> -> memref<128xi32, #tpu.memory_space<vmem>>
          %dma_wait3A_442 = arith.constant 0 : i32
          %dma_wait3A_443 = tpu.memref_slice %arg11[%dma_wait3A_442] : memref<10240xf32, #tpu.memory_space<vmem_shared>> -> memref<10240xf32, #tpu.memory_space<vmem_shared>>
          tpu.wait_indirect_dma semaphore(%arg24 : memref<!tpu.dma_semaphore, #tpu.memory_space<semaphore_mem>>) src(%arg8 : memref<128xf32, #tpu.memory_space<vmem>>) dst(%dma_wait3A_443 : memref<10240xf32, #tpu.memory_space<vmem_shared>>)
        } else {
        }
        %add3A_409 = arith.constant 2 : i32
        %add3A_410 = arith.addi %add3A_326, %add3A_409 : i32
        %mul3A_411 = arith.constant 128 : i32
        %mul3A_412 = arith.muli %add3A_410, %mul3A_411 : i32
        %add3A_413 = arith.addi %mul3A_136, %mul3A_412 : i32
        %dma_start3A_414 = arith.constant 0 : i32
        %dma_start3A_415 = arith.constant 0 : i32
        %dma_start3A_416 = tpu.memref_slice %arg6[%dma_start3A_414, %dma_start3A_415] : memref<4x128xi32, #tpu.memory_space<vmem>> -> memref<1x128xi32, #tpu.memory_space<vmem>>
        %dma_start3A_417 = tpu.memref_squeeze %dma_start3A_416 : memref<1x128xi32, #tpu.memory_space<vmem>> -> memref<128xi32, #tpu.memory_space<vmem>>
        %dma_start3A_418 = tpu.memref_slice %arg2[%add3A_413] : memref<327680xi32, #tpu.memory_space<hbm>> -> memref<128xi32, #tpu.memory_space<hbm>>
        %dma_start3A_419 = arith.constant 0 : i32
        %dma_start3A_420 = tpu.memref_slice %arg6[%dma_start3A_414, %dma_start3A_419] : memref<4x128xi32, #tpu.memory_space<vmem>> -> memref<1x128xi32, #tpu.memory_space<vmem>>
        %dma_start3A_421 = tpu.memref_squeeze %dma_start3A_420 : memref<1x128xi32, #tpu.memory_space<vmem>> -> memref<128xi32, #tpu.memory_space<vmem>>
        %dma_start3A_422 = tpu.memref_slice %arg2[%add3A_413] : memref<327680xi32, #tpu.memory_space<hbm>> -> memref<128xi32, #tpu.memory_space<hbm>>
        tpu.enqueue_dma source(%dma_start3A_422 : memref<128xi32, #tpu.memory_space<hbm>>) target(%dma_start3A_421 : memref<128xi32, #tpu.memory_space<vmem>>) target_semaphore(%arg12 : memref<!tpu.dma_semaphore, #tpu.memory_space<semaphore_mem>>)
        %dma_start3A_423 = arith.constant 0 : i32
        %dma_start3A_424 = arith.constant 0 : i32
        %dma_start3A_425 = tpu.memref_slice %arg7[%dma_start3A_423, %dma_start3A_424] : memref<4x128xi32, #tpu.memory_space<vmem>> -> memref<1x128xi32, #tpu.memory_space<vmem>>
        %dma_start3A_426 = tpu.memref_squeeze %dma_start3A_425 : memref<1x128xi32, #tpu.memory_space<vmem>> -> memref<128xi32, #tpu.memory_space<vmem>>
        %dma_start3A_427 = tpu.memref_slice %arg3[%add3A_413] : memref<327680xi32, #tpu.memory_space<hbm>> -> memref<128xi32, #tpu.memory_space<hbm>>
        %dma_start3A_428 = arith.constant 0 : i32
        %dma_start3A_429 = tpu.memref_slice %arg7[%dma_start3A_423, %dma_start3A_428] : memref<4x128xi32, #tpu.memory_space<vmem>> -> memref<1x128xi32, #tpu.memory_space<vmem>>
        %dma_start3A_430 = tpu.memref_squeeze %dma_start3A_429 : memref<1x128xi32, #tpu.memory_space<vmem>> -> memref<128xi32, #tpu.memory_space<vmem>>
        %dma_start3A_431 = tpu.memref_slice %arg3[%add3A_413] : memref<327680xi32, #tpu.memory_space<hbm>> -> memref<128xi32, #tpu.memory_space<hbm>>
        tpu.enqueue_dma source(%dma_start3A_431 : memref<128xi32, #tpu.memory_space<hbm>>) target(%dma_start3A_430 : memref<128xi32, #tpu.memory_space<vmem>>) target_semaphore(%arg16 : memref<!tpu.dma_semaphore, #tpu.memory_space<semaphore_mem>>)
      } else {
      }
      %mul3A_364 = arith.constant 4 : i32
      %mul3A_365 = arith.muli %mul3A_364, %scan3A_243 : i32
      %add3A_366 = arith.constant 3 : i32
      %add3A_367 = arith.addi %mul3A_365, %add3A_366 : i32
      %dma_wait3A_368 = arith.constant 3 : i32
      %dma_wait3A_369 = arith.constant 0 : i32
      %dma_wait3A_370 = tpu.memref_slice %arg6[%dma_wait3A_368, %dma_wait3A_369] : memref<4x128xi32, #tpu.memory_space<vmem>> -> memref<1x128xi32, #tpu.memory_space<vmem>>
      %dma_wait3A_371 = tpu.memref_squeeze %dma_wait3A_370 : memref<1x128xi32, #tpu.memory_space<vmem>> -> memref<128xi32, #tpu.memory_space<vmem>>
      %dma_wait3A_372 = tpu.memref_slice %arg2[%mul3A_136] : memref<327680xi32, #tpu.memory_space<hbm>> -> memref<128xi32, #tpu.memory_space<hbm>>
      %dma_wait3A_373 = arith.constant 0 : i32
      %dma_wait3A_374 = tpu.memref_slice %arg6[%dma_wait3A_368, %dma_wait3A_373] : memref<4x128xi32, #tpu.memory_space<vmem>> -> memref<1x128xi32, #tpu.memory_space<vmem>>
      %dma_wait3A_375 = tpu.memref_squeeze %dma_wait3A_374 : memref<1x128xi32, #tpu.memory_space<vmem>> -> memref<128xi32, #tpu.memory_space<vmem>>
      %dma_wait3A_376 = tpu.memref_slice %arg2[%mul3A_136] : memref<327680xi32, #tpu.memory_space<hbm>> -> memref<128xi32, #tpu.memory_space<hbm>>
      tpu.wait_dma2 semaphore(%arg15 : memref<!tpu.dma_semaphore, #tpu.memory_space<semaphore_mem>>) src(%dma_wait3A_376 : memref<128xi32, #tpu.memory_space<hbm>>) dst(%dma_wait3A_375 : memref<128xi32, #tpu.memory_space<vmem>>)
      %dma_wait3A_377 = arith.constant 3 : i32
      %dma_wait3A_378 = arith.constant 0 : i32
      %dma_wait3A_379 = tpu.memref_slice %arg7[%dma_wait3A_377, %dma_wait3A_378] : memref<4x128xi32, #tpu.memory_space<vmem>> -> memref<1x128xi32, #tpu.memory_space<vmem>>
      %dma_wait3A_380 = tpu.memref_squeeze %dma_wait3A_379 : memref<1x128xi32, #tpu.memory_space<vmem>> -> memref<128xi32, #tpu.memory_space<vmem>>
      %dma_wait3A_381 = tpu.memref_slice %arg3[%mul3A_136] : memref<327680xi32, #tpu.memory_space<hbm>> -> memref<128xi32, #tpu.memory_space<hbm>>
      %dma_wait3A_382 = arith.constant 0 : i32
      %dma_wait3A_383 = tpu.memref_slice %arg7[%dma_wait3A_377, %dma_wait3A_382] : memref<4x128xi32, #tpu.memory_space<vmem>> -> memref<1x128xi32, #tpu.memory_space<vmem>>
      %dma_wait3A_384 = tpu.memref_squeeze %dma_wait3A_383 : memref<1x128xi32, #tpu.memory_space<vmem>> -> memref<128xi32, #tpu.memory_space<vmem>>
      %dma_wait3A_385 = tpu.memref_slice %arg3[%mul3A_136] : memref<327680xi32, #tpu.memory_space<hbm>> -> memref<128xi32, #tpu.memory_space<hbm>>
      tpu.wait_dma2 semaphore(%arg19 : memref<!tpu.dma_semaphore, #tpu.memory_space<semaphore_mem>>) src(%dma_wait3A_385 : memref<128xi32, #tpu.memory_space<hbm>>) dst(%dma_wait3A_384 : memref<128xi32, #tpu.memory_space<vmem>>)
      %dma_start3A_386 = arith.constant 3 : i32
      %dma_start3A_387 = arith.constant 0 : i32
      %dma_start3A_388 = tpu.memref_slice %arg6[%dma_start3A_386, %dma_start3A_387] : memref<4x128xi32, #tpu.memory_space<vmem>> -> memref<1x128xi32, #tpu.memory_space<vmem>>
      %dma_start3A_389 = tpu.memref_squeeze %dma_start3A_388 : memref<1x128xi32, #tpu.memory_space<vmem>> -> memref<128xi32, #tpu.memory_space<vmem>>
      %dma_start3A_390 = arith.constant 0 : i32
      %dma_start3A_391 = tpu.memref_slice %arg10[%dma_start3A_390] : memref<10240xf32, #tpu.memory_space<vmem_shared>> -> memref<10240xf32, #tpu.memory_space<vmem_shared>>
      tpu.enqueue_indirect_dma source(%arg8 : memref<128xf32, #tpu.memory_space<vmem>>) target(%dma_start3A_391 : memref<10240xf32, #tpu.memory_space<vmem_shared>>) offsets(%dma_start3A_389 : memref<128xi32, #tpu.memory_space<vmem>>) semaphore(%arg23 : memref<!tpu.dma_semaphore, #tpu.memory_space<semaphore_mem>>) {add = true}
      %dma_start3A_392 = arith.constant 3 : i32
      %dma_start3A_393 = arith.constant 0 : i32
      %dma_start3A_394 = tpu.memref_slice %arg7[%dma_start3A_392, %dma_start3A_393] : memref<4x128xi32, #tpu.memory_space<vmem>> -> memref<1x128xi32, #tpu.memory_space<vmem>>
      %dma_start3A_395 = tpu.memref_squeeze %dma_start3A_394 : memref<1x128xi32, #tpu.memory_space<vmem>> -> memref<128xi32, #tpu.memory_space<vmem>>
      %dma_start3A_396 = arith.constant 0 : i32
      %dma_start3A_397 = tpu.memref_slice %arg11[%dma_start3A_396] : memref<10240xf32, #tpu.memory_space<vmem_shared>> -> memref<10240xf32, #tpu.memory_space<vmem_shared>>
      tpu.enqueue_indirect_dma source(%arg8 : memref<128xf32, #tpu.memory_space<vmem>>) target(%dma_start3A_397 : memref<10240xf32, #tpu.memory_space<vmem_shared>>) offsets(%dma_start3A_395 : memref<128xi32, #tpu.memory_space<vmem>>) semaphore(%arg27 : memref<!tpu.dma_semaphore, #tpu.memory_space<semaphore_mem>>) {add = true}
      %add3A_398 = arith.constant 2 : i32
      %add3A_399 = arith.addi %add3A_367, %add3A_398 : i32
      %lt3A_400 = arith.constant 80 : i32
      %lt3A_401 = arith.cmpi slt, %add3A_399, %lt3A_400 : i32
      %convert_element_type3A_402 = arith.extui %lt3A_401 : i1 to i32
      %cond3A_403 = arith.constant 0 : i32
      %cond3A_404 = arith.cmpi ne, %convert_element_type3A_402, %cond3A_403 : i32
      scf.if %cond3A_404 {
        %ge3A = arith.constant 2 : i32
        %ge3A_405 = arith.cmpi sge, %add3A_367, %ge3A : i32
        %convert_element_type3A_406 = arith.extui %ge3A_405 : i1 to i32
        %cond3A_407 = arith.constant 0 : i32
        %cond3A_408 = arith.cmpi ne, %convert_element_type3A_406, %cond3A_407 : i32
        scf.if %cond3A_408 {
          %dma_wait3A_432 = arith.constant 1 : i32
          %dma_wait3A_433 = arith.constant 0 : i32
          %dma_wait3A_434 = tpu.memref_slice %arg6[%dma_wait3A_432, %dma_wait3A_433] : memref<4x128xi32, #tpu.memory_space<vmem>> -> memref<1x128xi32, #tpu.memory_space<vmem>>
          %dma_wait3A_435 = tpu.memref_squeeze %dma_wait3A_434 : memref<1x128xi32, #tpu.memory_space<vmem>> -> memref<128xi32, #tpu.memory_space<vmem>>
          %dma_wait3A_436 = arith.constant 0 : i32
          %dma_wait3A_437 = tpu.memref_slice %arg10[%dma_wait3A_436] : memref<10240xf32, #tpu.memory_space<vmem_shared>> -> memref<10240xf32, #tpu.memory_space<vmem_shared>>
          tpu.wait_indirect_dma semaphore(%arg21 : memref<!tpu.dma_semaphore, #tpu.memory_space<semaphore_mem>>) src(%arg8 : memref<128xf32, #tpu.memory_space<vmem>>) dst(%dma_wait3A_437 : memref<10240xf32, #tpu.memory_space<vmem_shared>>)
          %dma_wait3A_438 = arith.constant 1 : i32
          %dma_wait3A_439 = arith.constant 0 : i32
          %dma_wait3A_440 = tpu.memref_slice %arg7[%dma_wait3A_438, %dma_wait3A_439] : memref<4x128xi32, #tpu.memory_space<vmem>> -> memref<1x128xi32, #tpu.memory_space<vmem>>
          %dma_wait3A_441 = tpu.memref_squeeze %dma_wait3A_440 : memref<1x128xi32, #tpu.memory_space<vmem>> -> memref<128xi32, #tpu.memory_space<vmem>>
          %dma_wait3A_442 = arith.constant 0 : i32
          %dma_wait3A_443 = tpu.memref_slice %arg11[%dma_wait3A_442] : memref<10240xf32, #tpu.memory_space<vmem_shared>> -> memref<10240xf32, #tpu.memory_space<vmem_shared>>
          tpu.wait_indirect_dma semaphore(%arg25 : memref<!tpu.dma_semaphore, #tpu.memory_space<semaphore_mem>>) src(%arg8 : memref<128xf32, #tpu.memory_space<vmem>>) dst(%dma_wait3A_443 : memref<10240xf32, #tpu.memory_space<vmem_shared>>)
        } else {
        }
        %add3A_409 = arith.constant 2 : i32
        %add3A_410 = arith.addi %add3A_367, %add3A_409 : i32
        %mul3A_411 = arith.constant 128 : i32
        %mul3A_412 = arith.muli %add3A_410, %mul3A_411 : i32
        %add3A_413 = arith.addi %mul3A_136, %mul3A_412 : i32
        %dma_start3A_414 = arith.constant 1 : i32
        %dma_start3A_415 = arith.constant 0 : i32
        %dma_start3A_416 = tpu.memref_slice %arg6[%dma_start3A_414, %dma_start3A_415] : memref<4x128xi32, #tpu.memory_space<vmem>> -> memref<1x128xi32, #tpu.memory_space<vmem>>
        %dma_start3A_417 = tpu.memref_squeeze %dma_start3A_416 : memref<1x128xi32, #tpu.memory_space<vmem>> -> memref<128xi32, #tpu.memory_space<vmem>>
        %dma_start3A_418 = tpu.memref_slice %arg2[%add3A_413] : memref<327680xi32, #tpu.memory_space<hbm>> -> memref<128xi32, #tpu.memory_space<hbm>>
        %dma_start3A_419 = arith.constant 0 : i32
        %dma_start3A_420 = tpu.memref_slice %arg6[%dma_start3A_414, %dma_start3A_419] : memref<4x128xi32, #tpu.memory_space<vmem>> -> memref<1x128xi32, #tpu.memory_space<vmem>>
        %dma_start3A_421 = tpu.memref_squeeze %dma_start3A_420 : memref<1x128xi32, #tpu.memory_space<vmem>> -> memref<128xi32, #tpu.memory_space<vmem>>
        %dma_start3A_422 = tpu.memref_slice %arg2[%add3A_413] : memref<327680xi32, #tpu.memory_space<hbm>> -> memref<128xi32, #tpu.memory_space<hbm>>
        tpu.enqueue_dma source(%dma_start3A_422 : memref<128xi32, #tpu.memory_space<hbm>>) target(%dma_start3A_421 : memref<128xi32, #tpu.memory_space<vmem>>) target_semaphore(%arg13 : memref<!tpu.dma_semaphore, #tpu.memory_space<semaphore_mem>>)
        %dma_start3A_423 = arith.constant 1 : i32
        %dma_start3A_424 = arith.constant 0 : i32
        %dma_start3A_425 = tpu.memref_slice %arg7[%dma_start3A_423, %dma_start3A_424] : memref<4x128xi32, #tpu.memory_space<vmem>> -> memref<1x128xi32, #tpu.memory_space<vmem>>
        %dma_start3A_426 = tpu.memref_squeeze %dma_start3A_425 : memref<1x128xi32, #tpu.memory_space<vmem>> -> memref<128xi32, #tpu.memory_space<vmem>>
        %dma_start3A_427 = tpu.memref_slice %arg3[%add3A_413] : memref<327680xi32, #tpu.memory_space<hbm>> -> memref<128xi32, #tpu.memory_space<hbm>>
        %dma_start3A_428 = arith.constant 0 : i32
        %dma_start3A_429 = tpu.memref_slice %arg7[%dma_start3A_423, %dma_start3A_428] : memref<4x128xi32, #tpu.memory_space<vmem>> -> memref<1x128xi32, #tpu.memory_space<vmem>>
        %dma_start3A_430 = tpu.memref_squeeze %dma_start3A_429 : memref<1x128xi32, #tpu.memory_space<vmem>> -> memref<128xi32, #tpu.memory_space<vmem>>
        %dma_start3A_431 = tpu.memref_slice %arg3[%add3A_413] : memref<327680xi32, #tpu.memory_space<hbm>> -> memref<128xi32, #tpu.memory_space<hbm>>
        tpu.enqueue_dma source(%dma_start3A_431 : memref<128xi32, #tpu.memory_space<hbm>>) target(%dma_start3A_430 : memref<128xi32, #tpu.memory_space<vmem>>) target_semaphore(%arg17 : memref<!tpu.dma_semaphore, #tpu.memory_space<semaphore_mem>>)
      } else {
      }
    }
    %scan3A_180 = arith.constant 20 : i32
    %dma_wait3A = arith.constant 0 : i32
    %dma_wait3A_181 = arith.constant 0 : i32
    %dma_wait3A_182 = tpu.memref_slice %arg6[%dma_wait3A, %dma_wait3A_181] : memref<4x128xi32, #tpu.memory_space<vmem>> -> memref<1x128xi32, #tpu.memory_space<vmem>>
    %dma_wait3A_183 = tpu.memref_squeeze %dma_wait3A_182 : memref<1x128xi32, #tpu.memory_space<vmem>> -> memref<128xi32, #tpu.memory_space<vmem>>
    %dma_wait3A_184 = arith.constant 0 : i32
    %dma_wait3A_185 = tpu.memref_slice %arg10[%dma_wait3A_184] : memref<10240xf32, #tpu.memory_space<vmem_shared>> -> memref<10240xf32, #tpu.memory_space<vmem_shared>>
    tpu.wait_indirect_dma semaphore(%arg20 : memref<!tpu.dma_semaphore, #tpu.memory_space<semaphore_mem>>) src(%arg8 : memref<128xf32, #tpu.memory_space<vmem>>) dst(%dma_wait3A_185 : memref<10240xf32, #tpu.memory_space<vmem_shared>>)
    %dma_wait3A_186 = arith.constant 0 : i32
    %dma_wait3A_187 = arith.constant 0 : i32
    %dma_wait3A_188 = tpu.memref_slice %arg7[%dma_wait3A_186, %dma_wait3A_187] : memref<4x128xi32, #tpu.memory_space<vmem>> -> memref<1x128xi32, #tpu.memory_space<vmem>>
    %dma_wait3A_189 = tpu.memref_squeeze %dma_wait3A_188 : memref<1x128xi32, #tpu.memory_space<vmem>> -> memref<128xi32, #tpu.memory_space<vmem>>
    %dma_wait3A_190 = arith.constant 0 : i32
    %dma_wait3A_191 = tpu.memref_slice %arg11[%dma_wait3A_190] : memref<10240xf32, #tpu.memory_space<vmem_shared>> -> memref<10240xf32, #tpu.memory_space<vmem_shared>>
    tpu.wait_indirect_dma semaphore(%arg24 : memref<!tpu.dma_semaphore, #tpu.memory_space<semaphore_mem>>) src(%arg8 : memref<128xf32, #tpu.memory_space<vmem>>) dst(%dma_wait3A_191 : memref<10240xf32, #tpu.memory_space<vmem_shared>>)
    %dma_wait3A_192 = arith.constant 1 : i32
    %dma_wait3A_193 = arith.constant 0 : i32
    %dma_wait3A_194 = tpu.memref_slice %arg6[%dma_wait3A_192, %dma_wait3A_193] : memref<4x128xi32, #tpu.memory_space<vmem>> -> memref<1x128xi32, #tpu.memory_space<vmem>>
    %dma_wait3A_195 = tpu.memref_squeeze %dma_wait3A_194 : memref<1x128xi32, #tpu.memory_space<vmem>> -> memref<128xi32, #tpu.memory_space<vmem>>
    %dma_wait3A_196 = arith.constant 0 : i32
    %dma_wait3A_197 = tpu.memref_slice %arg10[%dma_wait3A_196] : memref<10240xf32, #tpu.memory_space<vmem_shared>> -> memref<10240xf32, #tpu.memory_space<vmem_shared>>
    tpu.wait_indirect_dma semaphore(%arg21 : memref<!tpu.dma_semaphore, #tpu.memory_space<semaphore_mem>>) src(%arg8 : memref<128xf32, #tpu.memory_space<vmem>>) dst(%dma_wait3A_197 : memref<10240xf32, #tpu.memory_space<vmem_shared>>)
    %dma_wait3A_198 = arith.constant 1 : i32
    %dma_wait3A_199 = arith.constant 0 : i32
    %dma_wait3A_200 = tpu.memref_slice %arg7[%dma_wait3A_198, %dma_wait3A_199] : memref<4x128xi32, #tpu.memory_space<vmem>> -> memref<1x128xi32, #tpu.memory_space<vmem>>
    %dma_wait3A_201 = tpu.memref_squeeze %dma_wait3A_200 : memref<1x128xi32, #tpu.memory_space<vmem>> -> memref<128xi32, #tpu.memory_space<vmem>>
    %dma_wait3A_202 = arith.constant 0 : i32
    %dma_wait3A_203 = tpu.memref_slice %arg11[%dma_wait3A_202] : memref<10240xf32, #tpu.memory_space<vmem_shared>> -> memref<10240xf32, #tpu.memory_space<vmem_shared>>
    tpu.wait_indirect_dma semaphore(%arg25 : memref<!tpu.dma_semaphore, #tpu.memory_space<semaphore_mem>>) src(%arg8 : memref<128xf32, #tpu.memory_space<vmem>>) dst(%dma_wait3A_203 : memref<10240xf32, #tpu.memory_space<vmem_shared>>)
    %dma_wait3A_204 = arith.constant 2 : i32
    %dma_wait3A_205 = arith.constant 0 : i32
    %dma_wait3A_206 = tpu.memref_slice %arg6[%dma_wait3A_204, %dma_wait3A_205] : memref<4x128xi32, #tpu.memory_space<vmem>> -> memref<1x128xi32, #tpu.memory_space<vmem>>
    %dma_wait3A_207 = tpu.memref_squeeze %dma_wait3A_206 : memref<1x128xi32, #tpu.memory_space<vmem>> -> memref<128xi32, #tpu.memory_space<vmem>>
    %dma_wait3A_208 = arith.constant 0 : i32
    %dma_wait3A_209 = tpu.memref_slice %arg10[%dma_wait3A_208] : memref<10240xf32, #tpu.memory_space<vmem_shared>> -> memref<10240xf32, #tpu.memory_space<vmem_shared>>
    tpu.wait_indirect_dma semaphore(%arg22 : memref<!tpu.dma_semaphore, #tpu.memory_space<semaphore_mem>>) src(%arg8 : memref<128xf32, #tpu.memory_space<vmem>>) dst(%dma_wait3A_209 : memref<10240xf32, #tpu.memory_space<vmem_shared>>)
    %dma_wait3A_210 = arith.constant 2 : i32
    %dma_wait3A_211 = arith.constant 0 : i32
    %dma_wait3A_212 = tpu.memref_slice %arg7[%dma_wait3A_210, %dma_wait3A_211] : memref<4x128xi32, #tpu.memory_space<vmem>> -> memref<1x128xi32, #tpu.memory_space<vmem>>
    %dma_wait3A_213 = tpu.memref_squeeze %dma_wait3A_212 : memref<1x128xi32, #tpu.memory_space<vmem>> -> memref<128xi32, #tpu.memory_space<vmem>>
    %dma_wait3A_214 = arith.constant 0 : i32
    %dma_wait3A_215 = tpu.memref_slice %arg11[%dma_wait3A_214] : memref<10240xf32, #tpu.memory_space<vmem_shared>> -> memref<10240xf32, #tpu.memory_space<vmem_shared>>
    tpu.wait_indirect_dma semaphore(%arg26 : memref<!tpu.dma_semaphore, #tpu.memory_space<semaphore_mem>>) src(%arg8 : memref<128xf32, #tpu.memory_space<vmem>>) dst(%dma_wait3A_215 : memref<10240xf32, #tpu.memory_space<vmem_shared>>)
    %dma_wait3A_216 = arith.constant 3 : i32
    %dma_wait3A_217 = arith.constant 0 : i32
    %dma_wait3A_218 = tpu.memref_slice %arg6[%dma_wait3A_216, %dma_wait3A_217] : memref<4x128xi32, #tpu.memory_space<vmem>> -> memref<1x128xi32, #tpu.memory_space<vmem>>
    %dma_wait3A_219 = tpu.memref_squeeze %dma_wait3A_218 : memref<1x128xi32, #tpu.memory_space<vmem>> -> memref<128xi32, #tpu.memory_space<vmem>>
    %dma_wait3A_220 = arith.constant 0 : i32
    %dma_wait3A_221 = tpu.memref_slice %arg10[%dma_wait3A_220] : memref<10240xf32, #tpu.memory_space<vmem_shared>> -> memref<10240xf32, #tpu.memory_space<vmem_shared>>
    tpu.wait_indirect_dma semaphore(%arg23 : memref<!tpu.dma_semaphore, #tpu.memory_space<semaphore_mem>>) src(%arg8 : memref<128xf32, #tpu.memory_space<vmem>>) dst(%dma_wait3A_221 : memref<10240xf32, #tpu.memory_space<vmem_shared>>)
    %dma_wait3A_222 = arith.constant 3 : i32
    %dma_wait3A_223 = arith.constant 0 : i32
    %dma_wait3A_224 = tpu.memref_slice %arg7[%dma_wait3A_222, %dma_wait3A_223] : memref<4x128xi32, #tpu.memory_space<vmem>> -> memref<1x128xi32, #tpu.memory_space<vmem>>
    %dma_wait3A_225 = tpu.memref_squeeze %dma_wait3A_224 : memref<1x128xi32, #tpu.memory_space<vmem>> -> memref<128xi32, #tpu.memory_space<vmem>>
    %dma_wait3A_226 = arith.constant 0 : i32
    %dma_wait3A_227 = tpu.memref_slice %arg11[%dma_wait3A_226] : memref<10240xf32, #tpu.memory_space<vmem_shared>> -> memref<10240xf32, #tpu.memory_space<vmem_shared>>
    tpu.wait_indirect_dma semaphore(%arg27 : memref<!tpu.dma_semaphore, #tpu.memory_space<semaphore_mem>>) src(%arg8 : memref<128xf32, #tpu.memory_space<vmem>>) dst(%dma_wait3A_227 : memref<10240xf32, #tpu.memory_space<vmem_shared>>)
    %barrier3A_228 = arith.constant 0 : index
    tpu.barrier barrier_id(%barrier3A_228)
    %mul3A_229 = arith.constant 640 : i32
    %mul3A_230 = arith.muli %arg1, %mul3A_229 : i32
    %mul3A_231 = arith.constant 10240 : i32
    %mul3A_232 = arith.muli %arg0, %mul3A_231 : i32
    %mul3A_233 = arith.constant 640 : i32
    %mul3A_234 = arith.muli %arg1, %mul3A_233 : i32
    %add3A_235 = arith.addi %mul3A_232, %mul3A_234 : i32
    "tpu.region"() ({
      %run_scoped3A = tpu.sem_alloc : memref<!tpu.dma_semaphore, #tpu.memory_space<semaphore_mem>>
      %dma_start3A_243 = tpu.memref_slice %arg4[%add3A_235] : memref<20480xf32, #tpu.memory_space<hbm>> -> memref<640xf32, #tpu.memory_space<hbm>>
      %dma_start3A_244 = tpu.memref_slice %arg10[%mul3A_230] : memref<10240xf32, #tpu.memory_space<vmem_shared>> -> memref<640xf32, #tpu.memory_space<vmem_shared>>
      tpu.enqueue_dma source(%dma_start3A_244 : memref<640xf32, #tpu.memory_space<vmem_shared>>) target(%dma_start3A_243 : memref<640xf32, #tpu.memory_space<hbm>>) target_semaphore(%run_scoped3A : memref<!tpu.dma_semaphore, #tpu.memory_space<semaphore_mem>>)
      %dma_wait3A_245 = tpu.memref_slice %arg4[%add3A_235] : memref<20480xf32, #tpu.memory_space<hbm>> -> memref<640xf32, #tpu.memory_space<hbm>>
      %dma_wait3A_246 = tpu.memref_slice %arg10[%mul3A_230] : memref<10240xf32, #tpu.memory_space<vmem_shared>> -> memref<640xf32, #tpu.memory_space<vmem_shared>>
      tpu.wait_dma2 semaphore(%run_scoped3A : memref<!tpu.dma_semaphore, #tpu.memory_space<semaphore_mem>>) src(%dma_wait3A_246 : memref<640xf32, #tpu.memory_space<vmem_shared>>) dst(%dma_wait3A_245 : memref<640xf32, #tpu.memory_space<hbm>>)
      tpu.yield
    }) : () -> ()
    %mul3A_236 = arith.constant 640 : i32
    %mul3A_237 = arith.muli %arg1, %mul3A_236 : i32
    %mul3A_238 = arith.constant 10240 : i32
    %mul3A_239 = arith.muli %arg0, %mul3A_238 : i32
    %mul3A_240 = arith.constant 640 : i32
    %mul3A_241 = arith.muli %arg1, %mul3A_240 : i32
    %add3A_242 = arith.addi %mul3A_239, %mul3A_241 : i32
    "tpu.region"() ({
      %run_scoped3A = tpu.sem_alloc : memref<!tpu.dma_semaphore, #tpu.memory_space<semaphore_mem>>
      %dma_start3A_243 = tpu.memref_slice %arg5[%add3A_242] : memref<20480xf32, #tpu.memory_space<hbm>> -> memref<640xf32, #tpu.memory_space<hbm>>
      %dma_start3A_244 = tpu.memref_slice %arg11[%mul3A_237] : memref<10240xf32, #tpu.memory_space<vmem_shared>> -> memref<640xf32, #tpu.memory_space<vmem_shared>>
      tpu.enqueue_dma source(%dma_start3A_244 : memref<640xf32, #tpu.memory_space<vmem_shared>>) target(%dma_start3A_243 : memref<640xf32, #tpu.memory_space<hbm>>) target_semaphore(%run_scoped3A : memref<!tpu.dma_semaphore, #tpu.memory_space<semaphore_mem>>)
      %dma_wait3A_245 = tpu.memref_slice %arg5[%add3A_242] : memref<20480xf32, #tpu.memory_space<hbm>> -> memref<640xf32, #tpu.memory_space<hbm>>
      %dma_wait3A_246 = tpu.memref_slice %arg11[%mul3A_237] : memref<10240xf32, #tpu.memory_space<vmem_shared>> -> memref<640xf32, #tpu.memory_space<vmem_shared>>
      tpu.wait_dma2 semaphore(%run_scoped3A : memref<!tpu.dma_semaphore, #tpu.memory_space<semaphore_mem>>) src(%dma_wait3A_246 : memref<640xf32, #tpu.memory_space<vmem_shared>>) dst(%dma_wait3A_245 : memref<640xf32, #tpu.memory_space<hbm>>)
      tpu.yield
    }) : () -> ()
    return
  }
}

#map = affine_map<(d0, d1) -> (0, 0)>
#map1 = affine_map<(d0, d1) -> (0)>
#map2 = affine_map<(d0, d1) -> (0, 0, 0)>
module attributes {stable_mosaic.version = 14 : i64} {
  func.func @_agg_kernel(%arg0: i32, %arg1: i32, %arg2: memref<10000x128xf32, #tpu.memory_space<hbm>>, %arg3: memref<327680xi32, #tpu.memory_space<hbm>>, %arg4: memref<327680xi32, #tpu.memory_space<hbm>>, %arg5: memref<10240x128xf32, #tpu.memory_space<hbm>>, %arg6: memref<2x10240x128xf32, #tpu.memory_space<hbm>>, %arg7: memref<4x64xi32, #tpu.memory_space<vmem>>, %arg8: memref<4x64xi32, #tpu.memory_space<vmem>>, %arg9: memref<4x64x128xf32, #tpu.memory_space<vmem>>, %arg10: memref<10240x128xf32, #tpu.memory_space<vmem_shared>>, %arg11: memref<!tpu.dma_semaphore, #tpu.memory_space<semaphore_mem>>, %arg12: memref<!tpu.dma_semaphore, #tpu.memory_space<semaphore_mem>>, %arg13: memref<!tpu.dma_semaphore, #tpu.memory_space<semaphore_mem>>, %arg14: memref<!tpu.dma_semaphore, #tpu.memory_space<semaphore_mem>>, %arg15: memref<!tpu.dma_semaphore, #tpu.memory_space<semaphore_mem>>, %arg16: memref<!tpu.dma_semaphore, #tpu.memory_space<semaphore_mem>>, %arg17: memref<!tpu.dma_semaphore, #tpu.memory_space<semaphore_mem>>, %arg18: memref<!tpu.dma_semaphore, #tpu.memory_space<semaphore_mem>>) attributes {dimension_semantics = [#tpu.dimension_semantics<core_parallel>, #tpu.dimension_semantics<subcore_parallel>], iteration_bounds = array<i64: 2, 16>, scalar_prefetch = 0 : i64, scratch_operands = 12 : i64, tpu.core_type = #tpu.core_type<sc_vector_subcore>, window_params = [{transform_indices = #map}, {transform_indices = #map1}, {transform_indices = #map1}, {transform_indices = #map}, {transform_indices = #map2}]} {
    %mul3A = arith.constant 2 : i32
    %mul3A_0 = arith.muli %arg1, %mul3A : i32
    %add3A = arith.addi %mul3A_0, %arg0 : i32
    %mul3A_1 = arith.constant 640 : i32
    %mul3A_2 = arith.muli %arg1, %mul3A_1 : i32
    %mul3A_3 = arith.constant 640 : i32
    %mul3A_4 = arith.muli %arg1, %mul3A_3 : i32
    "tpu.region"() ({
      %run_scoped3A_123 = tpu.sem_alloc : memref<!tpu.dma_semaphore, #tpu.memory_space<semaphore_mem>>
      %dma_start3A_124 = arith.constant 0 : i32
      %dma_start3A_125 = tpu.memref_slice %arg10[%mul3A_4, %dma_start3A_124] : memref<10240x128xf32, #tpu.memory_space<vmem_shared>> -> memref<640x128xf32, #tpu.memory_space<vmem_shared>>
      %dma_start3A_126 = arith.constant 0 : i32
      %dma_start3A_127 = tpu.memref_slice %arg5[%mul3A_2, %dma_start3A_126] : memref<10240x128xf32, #tpu.memory_space<hbm>> -> memref<640x128xf32, #tpu.memory_space<hbm>>
      tpu.enqueue_dma source(%dma_start3A_127 : memref<640x128xf32, #tpu.memory_space<hbm>>) target(%dma_start3A_125 : memref<640x128xf32, #tpu.memory_space<vmem_shared>>) target_semaphore(%run_scoped3A_123 : memref<!tpu.dma_semaphore, #tpu.memory_space<semaphore_mem>>)
      %dma_wait3A_128 = arith.constant 0 : i32
      %dma_wait3A_129 = tpu.memref_slice %arg10[%mul3A_4, %dma_wait3A_128] : memref<10240x128xf32, #tpu.memory_space<vmem_shared>> -> memref<640x128xf32, #tpu.memory_space<vmem_shared>>
      %dma_wait3A_130 = arith.constant 0 : i32
      %dma_wait3A_131 = tpu.memref_slice %arg5[%mul3A_2, %dma_wait3A_130] : memref<10240x128xf32, #tpu.memory_space<hbm>> -> memref<640x128xf32, #tpu.memory_space<hbm>>
      tpu.wait_dma2 semaphore(%run_scoped3A_123 : memref<!tpu.dma_semaphore, #tpu.memory_space<semaphore_mem>>) src(%dma_wait3A_131 : memref<640x128xf32, #tpu.memory_space<hbm>>) dst(%dma_wait3A_129 : memref<640x128xf32, #tpu.memory_space<vmem_shared>>)
      tpu.yield
    }) : () -> ()
    %barrier3A = arith.constant 0 : index
    tpu.barrier barrier_id(%barrier3A)
    %eq3A = arith.constant 0 : i32
    %eq3A_5 = arith.cmpi eq, %arg0, %eq3A : i32
    %mul3A_6 = arith.constant 16384 : i32
    %mul3A_7 = arith.muli %arg1, %mul3A_6 : i32
    %mul3A_8 = arith.constant 4096 : i32
    %mul3A_9 = arith.muli %arg1, %mul3A_8 : i32
    %add3A_10 = arith.constant 262144 : i32
    %add3A_11 = arith.addi %add3A_10, %mul3A_9 : i32
    %select_n3A = arith.select %eq3A_5, %mul3A_7, %add3A_11 : i32
    %jit3A = arith.constant 256 : i32
    %jit3A_12 = arith.constant 64 : i32
    %select_n3A_13 = arith.select %eq3A_5, %jit3A, %jit3A_12 : i32
    %add3A_14 = arith.constant 0 : i32
    %add3A_15 = arith.addi %select_n3A, %add3A_14 : i32
    %run_scoped3A = arith.constant 0 : i32
    "tpu.region"() ({
      %run_scoped3A_123 = tpu.sem_alloc : memref<!tpu.dma_semaphore, #tpu.memory_space<semaphore_mem>>
      %dma_start3A_124 = arith.constant 0 : i32
      %dma_start3A_125 = tpu.memref_slice %arg7[%run_scoped3A, %dma_start3A_124] : memref<4x64xi32, #tpu.memory_space<vmem>> -> memref<1x64xi32, #tpu.memory_space<vmem>>
      %dma_start3A_126 = tpu.memref_squeeze %dma_start3A_125 : memref<1x64xi32, #tpu.memory_space<vmem>> -> memref<64xi32, #tpu.memory_space<vmem>>
      %dma_start3A_127 = tpu.memref_slice %arg3[%add3A_15] : memref<327680xi32, #tpu.memory_space<hbm>> -> memref<64xi32, #tpu.memory_space<hbm>>
      %dma_start3A_128 = arith.constant 0 : i32
      %dma_start3A_129 = tpu.memref_slice %arg7[%run_scoped3A, %dma_start3A_128] : memref<4x64xi32, #tpu.memory_space<vmem>> -> memref<1x64xi32, #tpu.memory_space<vmem>>
      %dma_start3A_130 = tpu.memref_squeeze %dma_start3A_129 : memref<1x64xi32, #tpu.memory_space<vmem>> -> memref<64xi32, #tpu.memory_space<vmem>>
      %dma_start3A_131 = tpu.memref_slice %arg3[%add3A_15] : memref<327680xi32, #tpu.memory_space<hbm>> -> memref<64xi32, #tpu.memory_space<hbm>>
      tpu.enqueue_dma source(%dma_start3A_131 : memref<64xi32, #tpu.memory_space<hbm>>) target(%dma_start3A_130 : memref<64xi32, #tpu.memory_space<vmem>>) target_semaphore(%run_scoped3A_123 : memref<!tpu.dma_semaphore, #tpu.memory_space<semaphore_mem>>)
      %dma_wait3A_132 = arith.constant 0 : i32
      %dma_wait3A_133 = tpu.memref_slice %arg7[%run_scoped3A, %dma_wait3A_132] : memref<4x64xi32, #tpu.memory_space<vmem>> -> memref<1x64xi32, #tpu.memory_space<vmem>>
      %dma_wait3A_134 = tpu.memref_squeeze %dma_wait3A_133 : memref<1x64xi32, #tpu.memory_space<vmem>> -> memref<64xi32, #tpu.memory_space<vmem>>
      %dma_wait3A_135 = tpu.memref_slice %arg3[%add3A_15] : memref<327680xi32, #tpu.memory_space<hbm>> -> memref<64xi32, #tpu.memory_space<hbm>>
      %dma_wait3A_136 = arith.constant 0 : i32
      %dma_wait3A_137 = tpu.memref_slice %arg7[%run_scoped3A, %dma_wait3A_136] : memref<4x64xi32, #tpu.memory_space<vmem>> -> memref<1x64xi32, #tpu.memory_space<vmem>>
      %dma_wait3A_138 = tpu.memref_squeeze %dma_wait3A_137 : memref<1x64xi32, #tpu.memory_space<vmem>> -> memref<64xi32, #tpu.memory_space<vmem>>
      %dma_wait3A_139 = tpu.memref_slice %arg3[%add3A_15] : memref<327680xi32, #tpu.memory_space<hbm>> -> memref<64xi32, #tpu.memory_space<hbm>>
      tpu.wait_dma2 semaphore(%run_scoped3A_123 : memref<!tpu.dma_semaphore, #tpu.memory_space<semaphore_mem>>) src(%dma_wait3A_139 : memref<64xi32, #tpu.memory_space<hbm>>) dst(%dma_wait3A_138 : memref<64xi32, #tpu.memory_space<vmem>>)
      tpu.yield
    }) : () -> ()
    %run_scoped3A_16 = arith.constant 0 : i32
    "tpu.region"() ({
      %run_scoped3A_123 = tpu.sem_alloc : memref<!tpu.dma_semaphore, #tpu.memory_space<semaphore_mem>>
      %dma_start3A_124 = arith.constant 0 : i32
      %dma_start3A_125 = tpu.memref_slice %arg8[%run_scoped3A_16, %dma_start3A_124] : memref<4x64xi32, #tpu.memory_space<vmem>> -> memref<1x64xi32, #tpu.memory_space<vmem>>
      %dma_start3A_126 = tpu.memref_squeeze %dma_start3A_125 : memref<1x64xi32, #tpu.memory_space<vmem>> -> memref<64xi32, #tpu.memory_space<vmem>>
      %dma_start3A_127 = tpu.memref_slice %arg4[%add3A_15] : memref<327680xi32, #tpu.memory_space<hbm>> -> memref<64xi32, #tpu.memory_space<hbm>>
      %dma_start3A_128 = arith.constant 0 : i32
      %dma_start3A_129 = tpu.memref_slice %arg8[%run_scoped3A_16, %dma_start3A_128] : memref<4x64xi32, #tpu.memory_space<vmem>> -> memref<1x64xi32, #tpu.memory_space<vmem>>
      %dma_start3A_130 = tpu.memref_squeeze %dma_start3A_129 : memref<1x64xi32, #tpu.memory_space<vmem>> -> memref<64xi32, #tpu.memory_space<vmem>>
      %dma_start3A_131 = tpu.memref_slice %arg4[%add3A_15] : memref<327680xi32, #tpu.memory_space<hbm>> -> memref<64xi32, #tpu.memory_space<hbm>>
      tpu.enqueue_dma source(%dma_start3A_131 : memref<64xi32, #tpu.memory_space<hbm>>) target(%dma_start3A_130 : memref<64xi32, #tpu.memory_space<vmem>>) target_semaphore(%run_scoped3A_123 : memref<!tpu.dma_semaphore, #tpu.memory_space<semaphore_mem>>)
      %dma_wait3A_132 = arith.constant 0 : i32
      %dma_wait3A_133 = tpu.memref_slice %arg8[%run_scoped3A_16, %dma_wait3A_132] : memref<4x64xi32, #tpu.memory_space<vmem>> -> memref<1x64xi32, #tpu.memory_space<vmem>>
      %dma_wait3A_134 = tpu.memref_squeeze %dma_wait3A_133 : memref<1x64xi32, #tpu.memory_space<vmem>> -> memref<64xi32, #tpu.memory_space<vmem>>
      %dma_wait3A_135 = tpu.memref_slice %arg4[%add3A_15] : memref<327680xi32, #tpu.memory_space<hbm>> -> memref<64xi32, #tpu.memory_space<hbm>>
      %dma_wait3A_136 = arith.constant 0 : i32
      %dma_wait3A_137 = tpu.memref_slice %arg8[%run_scoped3A_16, %dma_wait3A_136] : memref<4x64xi32, #tpu.memory_space<vmem>> -> memref<1x64xi32, #tpu.memory_space<vmem>>
      %dma_wait3A_138 = tpu.memref_squeeze %dma_wait3A_137 : memref<1x64xi32, #tpu.memory_space<vmem>> -> memref<64xi32, #tpu.memory_space<vmem>>
      %dma_wait3A_139 = tpu.memref_slice %arg4[%add3A_15] : memref<327680xi32, #tpu.memory_space<hbm>> -> memref<64xi32, #tpu.memory_space<hbm>>
      tpu.wait_dma2 semaphore(%run_scoped3A_123 : memref<!tpu.dma_semaphore, #tpu.memory_space<semaphore_mem>>) src(%dma_wait3A_139 : memref<64xi32, #tpu.memory_space<hbm>>) dst(%dma_wait3A_138 : memref<64xi32, #tpu.memory_space<vmem>>)
      tpu.yield
    }) : () -> ()
    %dma_start3A = arith.constant 0 : i32
    %dma_start3A_17 = arith.constant 0 : i32
    %dma_start3A_18 = arith.constant 0 : i32
    %dma_start3A_19 = arith.constant 0 : i32
    %dma_start3A_20 = tpu.memref_slice %arg9[%dma_start3A_17, %dma_start3A_18, %dma_start3A_19] : memref<4x64x128xf32, #tpu.memory_space<vmem>> -> memref<1x64x128xf32, #tpu.memory_space<vmem>>
    %dma_start3A_21 = tpu.memref_squeeze %dma_start3A_20 : memref<1x64x128xf32, #tpu.memory_space<vmem>> -> memref<64x128xf32, #tpu.memory_space<vmem>>
    %dma_start3A_22 = arith.constant 0 : i32
    %dma_start3A_23 = tpu.memref_slice %arg7[%dma_start3A, %dma_start3A_22] : memref<4x64xi32, #tpu.memory_space<vmem>> -> memref<1x64xi32, #tpu.memory_space<vmem>>
    %dma_start3A_24 = tpu.memref_squeeze %dma_start3A_23 : memref<1x64xi32, #tpu.memory_space<vmem>> -> memref<64xi32, #tpu.memory_space<vmem>>
    %dma_start3A_25 = arith.constant 0 : i32
    %dma_start3A_26 = arith.constant 0 : i32
    %dma_start3A_27 = tpu.memref_slice %arg2[%dma_start3A_25, %dma_start3A_26] : memref<10000x128xf32, #tpu.memory_space<hbm>> -> memref<10000x128xf32, #tpu.memory_space<hbm>>
    tpu.enqueue_indirect_dma source(%dma_start3A_27 : memref<10000x128xf32, #tpu.memory_space<hbm>>) target(%dma_start3A_21 : memref<64x128xf32, #tpu.memory_space<vmem>>) offsets(%dma_start3A_24 : memref<64xi32, #tpu.memory_space<vmem>>) semaphore(%arg11 : memref<!tpu.dma_semaphore, #tpu.memory_space<semaphore_mem>>)
    %add3A_28 = arith.constant 64 : i32
    %add3A_29 = arith.addi %select_n3A, %add3A_28 : i32
    %run_scoped3A_30 = arith.constant 1 : i32
    "tpu.region"() ({
      %run_scoped3A_123 = tpu.sem_alloc : memref<!tpu.dma_semaphore, #tpu.memory_space<semaphore_mem>>
      %dma_start3A_124 = arith.constant 0 : i32
      %dma_start3A_125 = tpu.memref_slice %arg7[%run_scoped3A_30, %dma_start3A_124] : memref<4x64xi32, #tpu.memory_space<vmem>> -> memref<1x64xi32, #tpu.memory_space<vmem>>
      %dma_start3A_126 = tpu.memref_squeeze %dma_start3A_125 : memref<1x64xi32, #tpu.memory_space<vmem>> -> memref<64xi32, #tpu.memory_space<vmem>>
      %dma_start3A_127 = tpu.memref_slice %arg3[%add3A_29] : memref<327680xi32, #tpu.memory_space<hbm>> -> memref<64xi32, #tpu.memory_space<hbm>>
      %dma_start3A_128 = arith.constant 0 : i32
      %dma_start3A_129 = tpu.memref_slice %arg7[%run_scoped3A_30, %dma_start3A_128] : memref<4x64xi32, #tpu.memory_space<vmem>> -> memref<1x64xi32, #tpu.memory_space<vmem>>
      %dma_start3A_130 = tpu.memref_squeeze %dma_start3A_129 : memref<1x64xi32, #tpu.memory_space<vmem>> -> memref<64xi32, #tpu.memory_space<vmem>>
      %dma_start3A_131 = tpu.memref_slice %arg3[%add3A_29] : memref<327680xi32, #tpu.memory_space<hbm>> -> memref<64xi32, #tpu.memory_space<hbm>>
      tpu.enqueue_dma source(%dma_start3A_131 : memref<64xi32, #tpu.memory_space<hbm>>) target(%dma_start3A_130 : memref<64xi32, #tpu.memory_space<vmem>>) target_semaphore(%run_scoped3A_123 : memref<!tpu.dma_semaphore, #tpu.memory_space<semaphore_mem>>)
      %dma_wait3A_132 = arith.constant 0 : i32
      %dma_wait3A_133 = tpu.memref_slice %arg7[%run_scoped3A_30, %dma_wait3A_132] : memref<4x64xi32, #tpu.memory_space<vmem>> -> memref<1x64xi32, #tpu.memory_space<vmem>>
      %dma_wait3A_134 = tpu.memref_squeeze %dma_wait3A_133 : memref<1x64xi32, #tpu.memory_space<vmem>> -> memref<64xi32, #tpu.memory_space<vmem>>
      %dma_wait3A_135 = tpu.memref_slice %arg3[%add3A_29] : memref<327680xi32, #tpu.memory_space<hbm>> -> memref<64xi32, #tpu.memory_space<hbm>>
      %dma_wait3A_136 = arith.constant 0 : i32
      %dma_wait3A_137 = tpu.memref_slice %arg7[%run_scoped3A_30, %dma_wait3A_136] : memref<4x64xi32, #tpu.memory_space<vmem>> -> memref<1x64xi32, #tpu.memory_space<vmem>>
      %dma_wait3A_138 = tpu.memref_squeeze %dma_wait3A_137 : memref<1x64xi32, #tpu.memory_space<vmem>> -> memref<64xi32, #tpu.memory_space<vmem>>
      %dma_wait3A_139 = tpu.memref_slice %arg3[%add3A_29] : memref<327680xi32, #tpu.memory_space<hbm>> -> memref<64xi32, #tpu.memory_space<hbm>>
      tpu.wait_dma2 semaphore(%run_scoped3A_123 : memref<!tpu.dma_semaphore, #tpu.memory_space<semaphore_mem>>) src(%dma_wait3A_139 : memref<64xi32, #tpu.memory_space<hbm>>) dst(%dma_wait3A_138 : memref<64xi32, #tpu.memory_space<vmem>>)
      tpu.yield
    }) : () -> ()
    %run_scoped3A_31 = arith.constant 1 : i32
    "tpu.region"() ({
      %run_scoped3A_123 = tpu.sem_alloc : memref<!tpu.dma_semaphore, #tpu.memory_space<semaphore_mem>>
      %dma_start3A_124 = arith.constant 0 : i32
      %dma_start3A_125 = tpu.memref_slice %arg8[%run_scoped3A_31, %dma_start3A_124] : memref<4x64xi32, #tpu.memory_space<vmem>> -> memref<1x64xi32, #tpu.memory_space<vmem>>
      %dma_start3A_126 = tpu.memref_squeeze %dma_start3A_125 : memref<1x64xi32, #tpu.memory_space<vmem>> -> memref<64xi32, #tpu.memory_space<vmem>>
      %dma_start3A_127 = tpu.memref_slice %arg4[%add3A_29] : memref<327680xi32, #tpu.memory_space<hbm>> -> memref<64xi32, #tpu.memory_space<hbm>>
      %dma_start3A_128 = arith.constant 0 : i32
      %dma_start3A_129 = tpu.memref_slice %arg8[%run_scoped3A_31, %dma_start3A_128] : memref<4x64xi32, #tpu.memory_space<vmem>> -> memref<1x64xi32, #tpu.memory_space<vmem>>
      %dma_start3A_130 = tpu.memref_squeeze %dma_start3A_129 : memref<1x64xi32, #tpu.memory_space<vmem>> -> memref<64xi32, #tpu.memory_space<vmem>>
      %dma_start3A_131 = tpu.memref_slice %arg4[%add3A_29] : memref<327680xi32, #tpu.memory_space<hbm>> -> memref<64xi32, #tpu.memory_space<hbm>>
      tpu.enqueue_dma source(%dma_start3A_131 : memref<64xi32, #tpu.memory_space<hbm>>) target(%dma_start3A_130 : memref<64xi32, #tpu.memory_space<vmem>>) target_semaphore(%run_scoped3A_123 : memref<!tpu.dma_semaphore, #tpu.memory_space<semaphore_mem>>)
      %dma_wait3A_132 = arith.constant 0 : i32
      %dma_wait3A_133 = tpu.memref_slice %arg8[%run_scoped3A_31, %dma_wait3A_132] : memref<4x64xi32, #tpu.memory_space<vmem>> -> memref<1x64xi32, #tpu.memory_space<vmem>>
      %dma_wait3A_134 = tpu.memref_squeeze %dma_wait3A_133 : memref<1x64xi32, #tpu.memory_space<vmem>> -> memref<64xi32, #tpu.memory_space<vmem>>
      %dma_wait3A_135 = tpu.memref_slice %arg4[%add3A_29] : memref<327680xi32, #tpu.memory_space<hbm>> -> memref<64xi32, #tpu.memory_space<hbm>>
      %dma_wait3A_136 = arith.constant 0 : i32
      %dma_wait3A_137 = tpu.memref_slice %arg8[%run_scoped3A_31, %dma_wait3A_136] : memref<4x64xi32, #tpu.memory_space<vmem>> -> memref<1x64xi32, #tpu.memory_space<vmem>>
      %dma_wait3A_138 = tpu.memref_squeeze %dma_wait3A_137 : memref<1x64xi32, #tpu.memory_space<vmem>> -> memref<64xi32, #tpu.memory_space<vmem>>
      %dma_wait3A_139 = tpu.memref_slice %arg4[%add3A_29] : memref<327680xi32, #tpu.memory_space<hbm>> -> memref<64xi32, #tpu.memory_space<hbm>>
      tpu.wait_dma2 semaphore(%run_scoped3A_123 : memref<!tpu.dma_semaphore, #tpu.memory_space<semaphore_mem>>) src(%dma_wait3A_139 : memref<64xi32, #tpu.memory_space<hbm>>) dst(%dma_wait3A_138 : memref<64xi32, #tpu.memory_space<vmem>>)
      tpu.yield
    }) : () -> ()
    %dma_start3A_32 = arith.constant 1 : i32
    %dma_start3A_33 = arith.constant 1 : i32
    %dma_start3A_34 = arith.constant 0 : i32
    %dma_start3A_35 = arith.constant 0 : i32
    %dma_start3A_36 = tpu.memref_slice %arg9[%dma_start3A_33, %dma_start3A_34, %dma_start3A_35] : memref<4x64x128xf32, #tpu.memory_space<vmem>> -> memref<1x64x128xf32, #tpu.memory_space<vmem>>
    %dma_start3A_37 = tpu.memref_squeeze %dma_start3A_36 : memref<1x64x128xf32, #tpu.memory_space<vmem>> -> memref<64x128xf32, #tpu.memory_space<vmem>>
    %dma_start3A_38 = arith.constant 0 : i32
    %dma_start3A_39 = tpu.memref_slice %arg7[%dma_start3A_32, %dma_start3A_38] : memref<4x64xi32, #tpu.memory_space<vmem>> -> memref<1x64xi32, #tpu.memory_space<vmem>>
    %dma_start3A_40 = tpu.memref_squeeze %dma_start3A_39 : memref<1x64xi32, #tpu.memory_space<vmem>> -> memref<64xi32, #tpu.memory_space<vmem>>
    %dma_start3A_41 = arith.constant 0 : i32
    %dma_start3A_42 = arith.constant 0 : i32
    %dma_start3A_43 = tpu.memref_slice %arg2[%dma_start3A_41, %dma_start3A_42] : memref<10000x128xf32, #tpu.memory_space<hbm>> -> memref<10000x128xf32, #tpu.memory_space<hbm>>
    tpu.enqueue_indirect_dma source(%dma_start3A_43 : memref<10000x128xf32, #tpu.memory_space<hbm>>) target(%dma_start3A_37 : memref<64x128xf32, #tpu.memory_space<vmem>>) offsets(%dma_start3A_40 : memref<64xi32, #tpu.memory_space<vmem>>) semaphore(%arg12 : memref<!tpu.dma_semaphore, #tpu.memory_space<semaphore_mem>>)
    %jit3A_44 = arith.constant 4 : i32
    %div3A = arith.divsi %select_n3A_13, %jit3A_44 : i32
    %sign3A = arith.constant 0 : i32
    %sign3A_45 = arith.cmpi sgt, %select_n3A_13, %sign3A : i32
    %sign3A_46 = arith.extui %sign3A_45 : i1 to i32
    %sign3A_47 = arith.constant 0 : i32
    %sign3A_48 = arith.cmpi slt, %select_n3A_13, %sign3A_47 : i32
    %sign3A_49 = arith.extui %sign3A_48 : i1 to i32
    %sign3A_50 = arith.subi %sign3A_46, %sign3A_49 : i32
    %sign3A_51 = arith.constant 0 : i32
    %sign3A_52 = arith.cmpi sgt, %jit3A_44, %sign3A_51 : i32
    %sign3A_53 = arith.extui %sign3A_52 : i1 to i32
    %sign3A_54 = arith.constant 0 : i32
    %sign3A_55 = arith.cmpi slt, %jit3A_44, %sign3A_54 : i32
    %sign3A_56 = arith.extui %sign3A_55 : i1 to i32
    %sign3A_57 = arith.subi %sign3A_53, %sign3A_56 : i32
    %ne3A = arith.cmpi ne, %sign3A_50, %sign3A_57 : i32
    %rem3A = arith.remsi %select_n3A_13, %jit3A_44 : i32
    %ne3A_58 = arith.constant 0 : i32
    %ne3A_59 = arith.cmpi ne, %rem3A, %ne3A_58 : i32
    %and3A = arith.andi %ne3A, %ne3A_59 : i1
    %sub3A = arith.constant 1 : i32
    %sub3A_60 = arith.subi %div3A, %sub3A : i32
    %select_n3A_61 = arith.select %and3A, %sub3A_60, %div3A : i32
    %while3A = arith.constant 0 : i32
    %while3A_62 = arith.constant 0 : i32
    %while3A_63 = arith.subi %select_n3A_61, %while3A_62 : i32
    %while3A_64 = arith.addi %while3A_62, %while3A_63 : i32
    %while3A_65 = arith.constant 1 : i32
    %while3A_66 = arith.divsi %while3A_63, %while3A_65 : i32
    %while3A_67 = arith.muli %while3A_66, %while3A_65 : i32
    %while3A_68 = arith.addi %while3A_62, %while3A_67 : i32
    %while3A_69 = arith.constant 1 : i32
    scf.for %while3A_123 = %while3A_62 to %while3A_68 step %while3A_69  : i32 {
      %mul3A_124 = arith.constant 4 : i32
      %mul3A_125 = arith.muli %mul3A_124, %while3A_123 : i32
      %add3A_126 = arith.constant 0 : i32
      %add3A_127 = arith.addi %mul3A_125, %add3A_126 : i32
      %dma_wait3A_128 = arith.constant 0 : i32
      %dma_wait3A_129 = arith.constant 0 : i32
      %dma_wait3A_130 = arith.constant 0 : i32
      %dma_wait3A_131 = arith.constant 0 : i32
      %dma_wait3A_132 = tpu.memref_slice %arg9[%dma_wait3A_129, %dma_wait3A_130, %dma_wait3A_131] : memref<4x64x128xf32, #tpu.memory_space<vmem>> -> memref<1x64x128xf32, #tpu.memory_space<vmem>>
      %dma_wait3A_133 = tpu.memref_squeeze %dma_wait3A_132 : memref<1x64x128xf32, #tpu.memory_space<vmem>> -> memref<64x128xf32, #tpu.memory_space<vmem>>
      %dma_wait3A_134 = arith.constant 0 : i32
      %dma_wait3A_135 = tpu.memref_slice %arg7[%dma_wait3A_128, %dma_wait3A_134] : memref<4x64xi32, #tpu.memory_space<vmem>> -> memref<1x64xi32, #tpu.memory_space<vmem>>
      %dma_wait3A_136 = tpu.memref_squeeze %dma_wait3A_135 : memref<1x64xi32, #tpu.memory_space<vmem>> -> memref<64xi32, #tpu.memory_space<vmem>>
      %dma_wait3A_137 = arith.constant 0 : i32
      %dma_wait3A_138 = arith.constant 0 : i32
      %dma_wait3A_139 = tpu.memref_slice %arg2[%dma_wait3A_137, %dma_wait3A_138] : memref<10000x128xf32, #tpu.memory_space<hbm>> -> memref<10000x128xf32, #tpu.memory_space<hbm>>
      tpu.wait_indirect_dma semaphore(%arg11 : memref<!tpu.dma_semaphore, #tpu.memory_space<semaphore_mem>>) src(%dma_wait3A_139 : memref<10000x128xf32, #tpu.memory_space<hbm>>) dst(%dma_wait3A_133 : memref<64x128xf32, #tpu.memory_space<vmem>>)
      %dma_start3A_140 = arith.constant 0 : i32
      %dma_start3A_141 = arith.constant 0 : i32
      %dma_start3A_142 = arith.constant 0 : i32
      %dma_start3A_143 = arith.constant 0 : i32
      %dma_start3A_144 = tpu.memref_slice %arg9[%dma_start3A_140, %dma_start3A_142, %dma_start3A_143] : memref<4x64x128xf32, #tpu.memory_space<vmem>> -> memref<1x64x128xf32, #tpu.memory_space<vmem>>
      %dma_start3A_145 = tpu.memref_squeeze %dma_start3A_144 : memref<1x64x128xf32, #tpu.memory_space<vmem>> -> memref<64x128xf32, #tpu.memory_space<vmem>>
      %dma_start3A_146 = arith.constant 0 : i32
      %dma_start3A_147 = tpu.memref_slice %arg8[%dma_start3A_141, %dma_start3A_146] : memref<4x64xi32, #tpu.memory_space<vmem>> -> memref<1x64xi32, #tpu.memory_space<vmem>>
      %dma_start3A_148 = tpu.memref_squeeze %dma_start3A_147 : memref<1x64xi32, #tpu.memory_space<vmem>> -> memref<64xi32, #tpu.memory_space<vmem>>
      %dma_start3A_149 = arith.constant 0 : i32
      %dma_start3A_150 = arith.constant 0 : i32
      %dma_start3A_151 = tpu.memref_slice %arg10[%dma_start3A_149, %dma_start3A_150] : memref<10240x128xf32, #tpu.memory_space<vmem_shared>> -> memref<10240x128xf32, #tpu.memory_space<vmem_shared>>
      tpu.enqueue_indirect_dma source(%dma_start3A_145 : memref<64x128xf32, #tpu.memory_space<vmem>>) target(%dma_start3A_151 : memref<10240x128xf32, #tpu.memory_space<vmem_shared>>) offsets(%dma_start3A_148 : memref<64xi32, #tpu.memory_space<vmem>>) semaphore(%arg15 : memref<!tpu.dma_semaphore, #tpu.memory_space<semaphore_mem>>) {add = true}
      %add3A_152 = arith.constant 2 : i32
      %add3A_153 = arith.addi %add3A_127, %add3A_152 : i32
      %lt3A = arith.cmpi slt, %add3A_153, %select_n3A_13 : i32
      %convert_element_type3A = arith.extui %lt3A : i1 to i32
      %cond3A = arith.constant 0 : i32
      %cond3A_154 = arith.cmpi ne, %convert_element_type3A, %cond3A : i32
      scf.if %cond3A_154 {
        %ge3A = arith.constant 2 : i32
        %ge3A_257 = arith.cmpi sge, %add3A_127, %ge3A : i32
        %convert_element_type3A_258 = arith.extui %ge3A_257 : i1 to i32
        %cond3A_259 = arith.constant 0 : i32
        %cond3A_260 = arith.cmpi ne, %convert_element_type3A_258, %cond3A_259 : i32
        scf.if %cond3A_260 {
          %dma_wait3A_280 = arith.constant 2 : i32
          %dma_wait3A_281 = arith.constant 2 : i32
          %dma_wait3A_282 = arith.constant 0 : i32
          %dma_wait3A_283 = arith.constant 0 : i32
          %dma_wait3A_284 = tpu.memref_slice %arg9[%dma_wait3A_280, %dma_wait3A_282, %dma_wait3A_283] : memref<4x64x128xf32, #tpu.memory_space<vmem>> -> memref<1x64x128xf32, #tpu.memory_space<vmem>>
          %dma_wait3A_285 = tpu.memref_squeeze %dma_wait3A_284 : memref<1x64x128xf32, #tpu.memory_space<vmem>> -> memref<64x128xf32, #tpu.memory_space<vmem>>
          %dma_wait3A_286 = arith.constant 0 : i32
          %dma_wait3A_287 = tpu.memref_slice %arg8[%dma_wait3A_281, %dma_wait3A_286] : memref<4x64xi32, #tpu.memory_space<vmem>> -> memref<1x64xi32, #tpu.memory_space<vmem>>
          %dma_wait3A_288 = tpu.memref_squeeze %dma_wait3A_287 : memref<1x64xi32, #tpu.memory_space<vmem>> -> memref<64xi32, #tpu.memory_space<vmem>>
          %dma_wait3A_289 = arith.constant 0 : i32
          %dma_wait3A_290 = arith.constant 0 : i32
          %dma_wait3A_291 = tpu.memref_slice %arg10[%dma_wait3A_289, %dma_wait3A_290] : memref<10240x128xf32, #tpu.memory_space<vmem_shared>> -> memref<10240x128xf32, #tpu.memory_space<vmem_shared>>
          tpu.wait_indirect_dma semaphore(%arg17 : memref<!tpu.dma_semaphore, #tpu.memory_space<semaphore_mem>>) src(%dma_wait3A_285 : memref<64x128xf32, #tpu.memory_space<vmem>>) dst(%dma_wait3A_291 : memref<10240x128xf32, #tpu.memory_space<vmem_shared>>)
        } else {
        }
        %add3A_261 = arith.constant 2 : i32
        %add3A_262 = arith.addi %add3A_127, %add3A_261 : i32
        %mul3A_263 = arith.constant 64 : i32
        %mul3A_264 = arith.muli %add3A_262, %mul3A_263 : i32
        %add3A_265 = arith.addi %select_n3A, %mul3A_264 : i32
        %run_scoped3A_266 = arith.constant 2 : i32
        "tpu.region"() ({
          %run_scoped3A_280 = tpu.sem_alloc : memref<!tpu.dma_semaphore, #tpu.memory_space<semaphore_mem>>
          %dma_start3A_281 = arith.constant 0 : i32
          %dma_start3A_282 = tpu.memref_slice %arg7[%run_scoped3A_266, %dma_start3A_281] : memref<4x64xi32, #tpu.memory_space<vmem>> -> memref<1x64xi32, #tpu.memory_space<vmem>>
          %dma_start3A_283 = tpu.memref_squeeze %dma_start3A_282 : memref<1x64xi32, #tpu.memory_space<vmem>> -> memref<64xi32, #tpu.memory_space<vmem>>
          %dma_start3A_284 = tpu.memref_slice %arg3[%add3A_265] : memref<327680xi32, #tpu.memory_space<hbm>> -> memref<64xi32, #tpu.memory_space<hbm>>
          %dma_start3A_285 = arith.constant 0 : i32
          %dma_start3A_286 = tpu.memref_slice %arg7[%run_scoped3A_266, %dma_start3A_285] : memref<4x64xi32, #tpu.memory_space<vmem>> -> memref<1x64xi32, #tpu.memory_space<vmem>>
          %dma_start3A_287 = tpu.memref_squeeze %dma_start3A_286 : memref<1x64xi32, #tpu.memory_space<vmem>> -> memref<64xi32, #tpu.memory_space<vmem>>
          %dma_start3A_288 = tpu.memref_slice %arg3[%add3A_265] : memref<327680xi32, #tpu.memory_space<hbm>> -> memref<64xi32, #tpu.memory_space<hbm>>
          tpu.enqueue_dma source(%dma_start3A_288 : memref<64xi32, #tpu.memory_space<hbm>>) target(%dma_start3A_287 : memref<64xi32, #tpu.memory_space<vmem>>) target_semaphore(%run_scoped3A_280 : memref<!tpu.dma_semaphore, #tpu.memory_space<semaphore_mem>>)
          %dma_wait3A_289 = arith.constant 0 : i32
          %dma_wait3A_290 = tpu.memref_slice %arg7[%run_scoped3A_266, %dma_wait3A_289] : memref<4x64xi32, #tpu.memory_space<vmem>> -> memref<1x64xi32, #tpu.memory_space<vmem>>
          %dma_wait3A_291 = tpu.memref_squeeze %dma_wait3A_290 : memref<1x64xi32, #tpu.memory_space<vmem>> -> memref<64xi32, #tpu.memory_space<vmem>>
          %dma_wait3A_292 = tpu.memref_slice %arg3[%add3A_265] : memref<327680xi32, #tpu.memory_space<hbm>> -> memref<64xi32, #tpu.memory_space<hbm>>
          %dma_wait3A_293 = arith.constant 0 : i32
          %dma_wait3A_294 = tpu.memref_slice %arg7[%run_scoped3A_266, %dma_wait3A_293] : memref<4x64xi32, #tpu.memory_space<vmem>> -> memref<1x64xi32, #tpu.memory_space<vmem>>
          %dma_wait3A_295 = tpu.memref_squeeze %dma_wait3A_294 : memref<1x64xi32, #tpu.memory_space<vmem>> -> memref<64xi32, #tpu.memory_space<vmem>>
          %dma_wait3A_296 = tpu.memref_slice %arg3[%add3A_265] : memref<327680xi32, #tpu.memory_space<hbm>> -> memref<64xi32, #tpu.memory_space<hbm>>
          tpu.wait_dma2 semaphore(%run_scoped3A_280 : memref<!tpu.dma_semaphore, #tpu.memory_space<semaphore_mem>>) src(%dma_wait3A_296 : memref<64xi32, #tpu.memory_space<hbm>>) dst(%dma_wait3A_295 : memref<64xi32, #tpu.memory_space<vmem>>)
          tpu.yield
        }) : () -> ()
        %run_scoped3A_267 = arith.constant 2 : i32
        "tpu.region"() ({
          %run_scoped3A_280 = tpu.sem_alloc : memref<!tpu.dma_semaphore, #tpu.memory_space<semaphore_mem>>
          %dma_start3A_281 = arith.constant 0 : i32
          %dma_start3A_282 = tpu.memref_slice %arg8[%run_scoped3A_267, %dma_start3A_281] : memref<4x64xi32, #tpu.memory_space<vmem>> -> memref<1x64xi32, #tpu.memory_space<vmem>>
          %dma_start3A_283 = tpu.memref_squeeze %dma_start3A_282 : memref<1x64xi32, #tpu.memory_space<vmem>> -> memref<64xi32, #tpu.memory_space<vmem>>
          %dma_start3A_284 = tpu.memref_slice %arg4[%add3A_265] : memref<327680xi32, #tpu.memory_space<hbm>> -> memref<64xi32, #tpu.memory_space<hbm>>
          %dma_start3A_285 = arith.constant 0 : i32
          %dma_start3A_286 = tpu.memref_slice %arg8[%run_scoped3A_267, %dma_start3A_285] : memref<4x64xi32, #tpu.memory_space<vmem>> -> memref<1x64xi32, #tpu.memory_space<vmem>>
          %dma_start3A_287 = tpu.memref_squeeze %dma_start3A_286 : memref<1x64xi32, #tpu.memory_space<vmem>> -> memref<64xi32, #tpu.memory_space<vmem>>
          %dma_start3A_288 = tpu.memref_slice %arg4[%add3A_265] : memref<327680xi32, #tpu.memory_space<hbm>> -> memref<64xi32, #tpu.memory_space<hbm>>
          tpu.enqueue_dma source(%dma_start3A_288 : memref<64xi32, #tpu.memory_space<hbm>>) target(%dma_start3A_287 : memref<64xi32, #tpu.memory_space<vmem>>) target_semaphore(%run_scoped3A_280 : memref<!tpu.dma_semaphore, #tpu.memory_space<semaphore_mem>>)
          %dma_wait3A_289 = arith.constant 0 : i32
          %dma_wait3A_290 = tpu.memref_slice %arg8[%run_scoped3A_267, %dma_wait3A_289] : memref<4x64xi32, #tpu.memory_space<vmem>> -> memref<1x64xi32, #tpu.memory_space<vmem>>
          %dma_wait3A_291 = tpu.memref_squeeze %dma_wait3A_290 : memref<1x64xi32, #tpu.memory_space<vmem>> -> memref<64xi32, #tpu.memory_space<vmem>>
          %dma_wait3A_292 = tpu.memref_slice %arg4[%add3A_265] : memref<327680xi32, #tpu.memory_space<hbm>> -> memref<64xi32, #tpu.memory_space<hbm>>
          %dma_wait3A_293 = arith.constant 0 : i32
          %dma_wait3A_294 = tpu.memref_slice %arg8[%run_scoped3A_267, %dma_wait3A_293] : memref<4x64xi32, #tpu.memory_space<vmem>> -> memref<1x64xi32, #tpu.memory_space<vmem>>
          %dma_wait3A_295 = tpu.memref_squeeze %dma_wait3A_294 : memref<1x64xi32, #tpu.memory_space<vmem>> -> memref<64xi32, #tpu.memory_space<vmem>>
          %dma_wait3A_296 = tpu.memref_slice %arg4[%add3A_265] : memref<327680xi32, #tpu.memory_space<hbm>> -> memref<64xi32, #tpu.memory_space<hbm>>
          tpu.wait_dma2 semaphore(%run_scoped3A_280 : memref<!tpu.dma_semaphore, #tpu.memory_space<semaphore_mem>>) src(%dma_wait3A_296 : memref<64xi32, #tpu.memory_space<hbm>>) dst(%dma_wait3A_295 : memref<64xi32, #tpu.memory_space<vmem>>)
          tpu.yield
        }) : () -> ()
        %dma_start3A_268 = arith.constant 2 : i32
        %dma_start3A_269 = arith.constant 2 : i32
        %dma_start3A_270 = arith.constant 0 : i32
        %dma_start3A_271 = arith.constant 0 : i32
        %dma_start3A_272 = tpu.memref_slice %arg9[%dma_start3A_269, %dma_start3A_270, %dma_start3A_271] : memref<4x64x128xf32, #tpu.memory_space<vmem>> -> memref<1x64x128xf32, #tpu.memory_space<vmem>>
        %dma_start3A_273 = tpu.memref_squeeze %dma_start3A_272 : memref<1x64x128xf32, #tpu.memory_space<vmem>> -> memref<64x128xf32, #tpu.memory_space<vmem>>
        %dma_start3A_274 = arith.constant 0 : i32
        %dma_start3A_275 = tpu.memref_slice %arg7[%dma_start3A_268, %dma_start3A_274] : memref<4x64xi32, #tpu.memory_space<vmem>> -> memref<1x64xi32, #tpu.memory_space<vmem>>
        %dma_start3A_276 = tpu.memref_squeeze %dma_start3A_275 : memref<1x64xi32, #tpu.memory_space<vmem>> -> memref<64xi32, #tpu.memory_space<vmem>>
        %dma_start3A_277 = arith.constant 0 : i32
        %dma_start3A_278 = arith.constant 0 : i32
        %dma_start3A_279 = tpu.memref_slice %arg2[%dma_start3A_277, %dma_start3A_278] : memref<10000x128xf32, #tpu.memory_space<hbm>> -> memref<10000x128xf32, #tpu.memory_space<hbm>>
        tpu.enqueue_indirect_dma source(%dma_start3A_279 : memref<10000x128xf32, #tpu.memory_space<hbm>>) target(%dma_start3A_273 : memref<64x128xf32, #tpu.memory_space<vmem>>) offsets(%dma_start3A_276 : memref<64xi32, #tpu.memory_space<vmem>>) semaphore(%arg13 : memref<!tpu.dma_semaphore, #tpu.memory_space<semaphore_mem>>)
      } else {
      }
      %mul3A_155 = arith.constant 4 : i32
      %mul3A_156 = arith.muli %mul3A_155, %while3A_123 : i32
      %add3A_157 = arith.constant 1 : i32
      %add3A_158 = arith.addi %mul3A_156, %add3A_157 : i32
      %dma_wait3A_159 = arith.constant 1 : i32
      %dma_wait3A_160 = arith.constant 1 : i32
      %dma_wait3A_161 = arith.constant 0 : i32
      %dma_wait3A_162 = arith.constant 0 : i32
      %dma_wait3A_163 = tpu.memref_slice %arg9[%dma_wait3A_160, %dma_wait3A_161, %dma_wait3A_162] : memref<4x64x128xf32, #tpu.memory_space<vmem>> -> memref<1x64x128xf32, #tpu.memory_space<vmem>>
      %dma_wait3A_164 = tpu.memref_squeeze %dma_wait3A_163 : memref<1x64x128xf32, #tpu.memory_space<vmem>> -> memref<64x128xf32, #tpu.memory_space<vmem>>
      %dma_wait3A_165 = arith.constant 0 : i32
      %dma_wait3A_166 = tpu.memref_slice %arg7[%dma_wait3A_159, %dma_wait3A_165] : memref<4x64xi32, #tpu.memory_space<vmem>> -> memref<1x64xi32, #tpu.memory_space<vmem>>
      %dma_wait3A_167 = tpu.memref_squeeze %dma_wait3A_166 : memref<1x64xi32, #tpu.memory_space<vmem>> -> memref<64xi32, #tpu.memory_space<vmem>>
      %dma_wait3A_168 = arith.constant 0 : i32
      %dma_wait3A_169 = arith.constant 0 : i32
      %dma_wait3A_170 = tpu.memref_slice %arg2[%dma_wait3A_168, %dma_wait3A_169] : memref<10000x128xf32, #tpu.memory_space<hbm>> -> memref<10000x128xf32, #tpu.memory_space<hbm>>
      tpu.wait_indirect_dma semaphore(%arg12 : memref<!tpu.dma_semaphore, #tpu.memory_space<semaphore_mem>>) src(%dma_wait3A_170 : memref<10000x128xf32, #tpu.memory_space<hbm>>) dst(%dma_wait3A_164 : memref<64x128xf32, #tpu.memory_space<vmem>>)
      %dma_start3A_171 = arith.constant 1 : i32
      %dma_start3A_172 = arith.constant 1 : i32
      %dma_start3A_173 = arith.constant 0 : i32
      %dma_start3A_174 = arith.constant 0 : i32
      %dma_start3A_175 = tpu.memref_slice %arg9[%dma_start3A_171, %dma_start3A_173, %dma_start3A_174] : memref<4x64x128xf32, #tpu.memory_space<vmem>> -> memref<1x64x128xf32, #tpu.memory_space<vmem>>
      %dma_start3A_176 = tpu.memref_squeeze %dma_start3A_175 : memref<1x64x128xf32, #tpu.memory_space<vmem>> -> memref<64x128xf32, #tpu.memory_space<vmem>>
      %dma_start3A_177 = arith.constant 0 : i32
      %dma_start3A_178 = tpu.memref_slice %arg8[%dma_start3A_172, %dma_start3A_177] : memref<4x64xi32, #tpu.memory_space<vmem>> -> memref<1x64xi32, #tpu.memory_space<vmem>>
      %dma_start3A_179 = tpu.memref_squeeze %dma_start3A_178 : memref<1x64xi32, #tpu.memory_space<vmem>> -> memref<64xi32, #tpu.memory_space<vmem>>
      %dma_start3A_180 = arith.constant 0 : i32
      %dma_start3A_181 = arith.constant 0 : i32
      %dma_start3A_182 = tpu.memref_slice %arg10[%dma_start3A_180, %dma_start3A_181] : memref<10240x128xf32, #tpu.memory_space<vmem_shared>> -> memref<10240x128xf32, #tpu.memory_space<vmem_shared>>
      tpu.enqueue_indirect_dma source(%dma_start3A_176 : memref<64x128xf32, #tpu.memory_space<vmem>>) target(%dma_start3A_182 : memref<10240x128xf32, #tpu.memory_space<vmem_shared>>) offsets(%dma_start3A_179 : memref<64xi32, #tpu.memory_space<vmem>>) semaphore(%arg16 : memref<!tpu.dma_semaphore, #tpu.memory_space<semaphore_mem>>) {add = true}
      %add3A_183 = arith.constant 2 : i32
      %add3A_184 = arith.addi %add3A_158, %add3A_183 : i32
      %lt3A_185 = arith.cmpi slt, %add3A_184, %select_n3A_13 : i32
      %convert_element_type3A_186 = arith.extui %lt3A_185 : i1 to i32
      %cond3A_187 = arith.constant 0 : i32
      %cond3A_188 = arith.cmpi ne, %convert_element_type3A_186, %cond3A_187 : i32
      scf.if %cond3A_188 {
        %ge3A = arith.constant 2 : i32
        %ge3A_257 = arith.cmpi sge, %add3A_158, %ge3A : i32
        %convert_element_type3A_258 = arith.extui %ge3A_257 : i1 to i32
        %cond3A_259 = arith.constant 0 : i32
        %cond3A_260 = arith.cmpi ne, %convert_element_type3A_258, %cond3A_259 : i32
        scf.if %cond3A_260 {
          %dma_wait3A_280 = arith.constant 3 : i32
          %dma_wait3A_281 = arith.constant 3 : i32
          %dma_wait3A_282 = arith.constant 0 : i32
          %dma_wait3A_283 = arith.constant 0 : i32
          %dma_wait3A_284 = tpu.memref_slice %arg9[%dma_wait3A_280, %dma_wait3A_282, %dma_wait3A_283] : memref<4x64x128xf32, #tpu.memory_space<vmem>> -> memref<1x64x128xf32, #tpu.memory_space<vmem>>
          %dma_wait3A_285 = tpu.memref_squeeze %dma_wait3A_284 : memref<1x64x128xf32, #tpu.memory_space<vmem>> -> memref<64x128xf32, #tpu.memory_space<vmem>>
          %dma_wait3A_286 = arith.constant 0 : i32
          %dma_wait3A_287 = tpu.memref_slice %arg8[%dma_wait3A_281, %dma_wait3A_286] : memref<4x64xi32, #tpu.memory_space<vmem>> -> memref<1x64xi32, #tpu.memory_space<vmem>>
          %dma_wait3A_288 = tpu.memref_squeeze %dma_wait3A_287 : memref<1x64xi32, #tpu.memory_space<vmem>> -> memref<64xi32, #tpu.memory_space<vmem>>
          %dma_wait3A_289 = arith.constant 0 : i32
          %dma_wait3A_290 = arith.constant 0 : i32
          %dma_wait3A_291 = tpu.memref_slice %arg10[%dma_wait3A_289, %dma_wait3A_290] : memref<10240x128xf32, #tpu.memory_space<vmem_shared>> -> memref<10240x128xf32, #tpu.memory_space<vmem_shared>>
          tpu.wait_indirect_dma semaphore(%arg18 : memref<!tpu.dma_semaphore, #tpu.memory_space<semaphore_mem>>) src(%dma_wait3A_285 : memref<64x128xf32, #tpu.memory_space<vmem>>) dst(%dma_wait3A_291 : memref<10240x128xf32, #tpu.memory_space<vmem_shared>>)
        } else {
        }
        %add3A_261 = arith.constant 2 : i32
        %add3A_262 = arith.addi %add3A_158, %add3A_261 : i32
        %mul3A_263 = arith.constant 64 : i32
        %mul3A_264 = arith.muli %add3A_262, %mul3A_263 : i32
        %add3A_265 = arith.addi %select_n3A, %mul3A_264 : i32
        %run_scoped3A_266 = arith.constant 3 : i32
        "tpu.region"() ({
          %run_scoped3A_280 = tpu.sem_alloc : memref<!tpu.dma_semaphore, #tpu.memory_space<semaphore_mem>>
          %dma_start3A_281 = arith.constant 0 : i32
          %dma_start3A_282 = tpu.memref_slice %arg7[%run_scoped3A_266, %dma_start3A_281] : memref<4x64xi32, #tpu.memory_space<vmem>> -> memref<1x64xi32, #tpu.memory_space<vmem>>
          %dma_start3A_283 = tpu.memref_squeeze %dma_start3A_282 : memref<1x64xi32, #tpu.memory_space<vmem>> -> memref<64xi32, #tpu.memory_space<vmem>>
          %dma_start3A_284 = tpu.memref_slice %arg3[%add3A_265] : memref<327680xi32, #tpu.memory_space<hbm>> -> memref<64xi32, #tpu.memory_space<hbm>>
          %dma_start3A_285 = arith.constant 0 : i32
          %dma_start3A_286 = tpu.memref_slice %arg7[%run_scoped3A_266, %dma_start3A_285] : memref<4x64xi32, #tpu.memory_space<vmem>> -> memref<1x64xi32, #tpu.memory_space<vmem>>
          %dma_start3A_287 = tpu.memref_squeeze %dma_start3A_286 : memref<1x64xi32, #tpu.memory_space<vmem>> -> memref<64xi32, #tpu.memory_space<vmem>>
          %dma_start3A_288 = tpu.memref_slice %arg3[%add3A_265] : memref<327680xi32, #tpu.memory_space<hbm>> -> memref<64xi32, #tpu.memory_space<hbm>>
          tpu.enqueue_dma source(%dma_start3A_288 : memref<64xi32, #tpu.memory_space<hbm>>) target(%dma_start3A_287 : memref<64xi32, #tpu.memory_space<vmem>>) target_semaphore(%run_scoped3A_280 : memref<!tpu.dma_semaphore, #tpu.memory_space<semaphore_mem>>)
          %dma_wait3A_289 = arith.constant 0 : i32
          %dma_wait3A_290 = tpu.memref_slice %arg7[%run_scoped3A_266, %dma_wait3A_289] : memref<4x64xi32, #tpu.memory_space<vmem>> -> memref<1x64xi32, #tpu.memory_space<vmem>>
          %dma_wait3A_291 = tpu.memref_squeeze %dma_wait3A_290 : memref<1x64xi32, #tpu.memory_space<vmem>> -> memref<64xi32, #tpu.memory_space<vmem>>
          %dma_wait3A_292 = tpu.memref_slice %arg3[%add3A_265] : memref<327680xi32, #tpu.memory_space<hbm>> -> memref<64xi32, #tpu.memory_space<hbm>>
          %dma_wait3A_293 = arith.constant 0 : i32
          %dma_wait3A_294 = tpu.memref_slice %arg7[%run_scoped3A_266, %dma_wait3A_293] : memref<4x64xi32, #tpu.memory_space<vmem>> -> memref<1x64xi32, #tpu.memory_space<vmem>>
          %dma_wait3A_295 = tpu.memref_squeeze %dma_wait3A_294 : memref<1x64xi32, #tpu.memory_space<vmem>> -> memref<64xi32, #tpu.memory_space<vmem>>
          %dma_wait3A_296 = tpu.memref_slice %arg3[%add3A_265] : memref<327680xi32, #tpu.memory_space<hbm>> -> memref<64xi32, #tpu.memory_space<hbm>>
          tpu.wait_dma2 semaphore(%run_scoped3A_280 : memref<!tpu.dma_semaphore, #tpu.memory_space<semaphore_mem>>) src(%dma_wait3A_296 : memref<64xi32, #tpu.memory_space<hbm>>) dst(%dma_wait3A_295 : memref<64xi32, #tpu.memory_space<vmem>>)
          tpu.yield
        }) : () -> ()
        %run_scoped3A_267 = arith.constant 3 : i32
        "tpu.region"() ({
          %run_scoped3A_280 = tpu.sem_alloc : memref<!tpu.dma_semaphore, #tpu.memory_space<semaphore_mem>>
          %dma_start3A_281 = arith.constant 0 : i32
          %dma_start3A_282 = tpu.memref_slice %arg8[%run_scoped3A_267, %dma_start3A_281] : memref<4x64xi32, #tpu.memory_space<vmem>> -> memref<1x64xi32, #tpu.memory_space<vmem>>
          %dma_start3A_283 = tpu.memref_squeeze %dma_start3A_282 : memref<1x64xi32, #tpu.memory_space<vmem>> -> memref<64xi32, #tpu.memory_space<vmem>>
          %dma_start3A_284 = tpu.memref_slice %arg4[%add3A_265] : memref<327680xi32, #tpu.memory_space<hbm>> -> memref<64xi32, #tpu.memory_space<hbm>>
          %dma_start3A_285 = arith.constant 0 : i32
          %dma_start3A_286 = tpu.memref_slice %arg8[%run_scoped3A_267, %dma_start3A_285] : memref<4x64xi32, #tpu.memory_space<vmem>> -> memref<1x64xi32, #tpu.memory_space<vmem>>
          %dma_start3A_287 = tpu.memref_squeeze %dma_start3A_286 : memref<1x64xi32, #tpu.memory_space<vmem>> -> memref<64xi32, #tpu.memory_space<vmem>>
          %dma_start3A_288 = tpu.memref_slice %arg4[%add3A_265] : memref<327680xi32, #tpu.memory_space<hbm>> -> memref<64xi32, #tpu.memory_space<hbm>>
          tpu.enqueue_dma source(%dma_start3A_288 : memref<64xi32, #tpu.memory_space<hbm>>) target(%dma_start3A_287 : memref<64xi32, #tpu.memory_space<vmem>>) target_semaphore(%run_scoped3A_280 : memref<!tpu.dma_semaphore, #tpu.memory_space<semaphore_mem>>)
          %dma_wait3A_289 = arith.constant 0 : i32
          %dma_wait3A_290 = tpu.memref_slice %arg8[%run_scoped3A_267, %dma_wait3A_289] : memref<4x64xi32, #tpu.memory_space<vmem>> -> memref<1x64xi32, #tpu.memory_space<vmem>>
          %dma_wait3A_291 = tpu.memref_squeeze %dma_wait3A_290 : memref<1x64xi32, #tpu.memory_space<vmem>> -> memref<64xi32, #tpu.memory_space<vmem>>
          %dma_wait3A_292 = tpu.memref_slice %arg4[%add3A_265] : memref<327680xi32, #tpu.memory_space<hbm>> -> memref<64xi32, #tpu.memory_space<hbm>>
          %dma_wait3A_293 = arith.constant 0 : i32
          %dma_wait3A_294 = tpu.memref_slice %arg8[%run_scoped3A_267, %dma_wait3A_293] : memref<4x64xi32, #tpu.memory_space<vmem>> -> memref<1x64xi32, #tpu.memory_space<vmem>>
          %dma_wait3A_295 = tpu.memref_squeeze %dma_wait3A_294 : memref<1x64xi32, #tpu.memory_space<vmem>> -> memref<64xi32, #tpu.memory_space<vmem>>
          %dma_wait3A_296 = tpu.memref_slice %arg4[%add3A_265] : memref<327680xi32, #tpu.memory_space<hbm>> -> memref<64xi32, #tpu.memory_space<hbm>>
          tpu.wait_dma2 semaphore(%run_scoped3A_280 : memref<!tpu.dma_semaphore, #tpu.memory_space<semaphore_mem>>) src(%dma_wait3A_296 : memref<64xi32, #tpu.memory_space<hbm>>) dst(%dma_wait3A_295 : memref<64xi32, #tpu.memory_space<vmem>>)
          tpu.yield
        }) : () -> ()
        %dma_start3A_268 = arith.constant 3 : i32
        %dma_start3A_269 = arith.constant 3 : i32
        %dma_start3A_270 = arith.constant 0 : i32
        %dma_start3A_271 = arith.constant 0 : i32
        %dma_start3A_272 = tpu.memref_slice %arg9[%dma_start3A_269, %dma_start3A_270, %dma_start3A_271] : memref<4x64x128xf32, #tpu.memory_space<vmem>> -> memref<1x64x128xf32, #tpu.memory_space<vmem>>
        %dma_start3A_273 = tpu.memref_squeeze %dma_start3A_272 : memref<1x64x128xf32, #tpu.memory_space<vmem>> -> memref<64x128xf32, #tpu.memory_space<vmem>>
        %dma_start3A_274 = arith.constant 0 : i32
        %dma_start3A_275 = tpu.memref_slice %arg7[%dma_start3A_268, %dma_start3A_274] : memref<4x64xi32, #tpu.memory_space<vmem>> -> memref<1x64xi32, #tpu.memory_space<vmem>>
        %dma_start3A_276 = tpu.memref_squeeze %dma_start3A_275 : memref<1x64xi32, #tpu.memory_space<vmem>> -> memref<64xi32, #tpu.memory_space<vmem>>
        %dma_start3A_277 = arith.constant 0 : i32
        %dma_start3A_278 = arith.constant 0 : i32
        %dma_start3A_279 = tpu.memref_slice %arg2[%dma_start3A_277, %dma_start3A_278] : memref<10000x128xf32, #tpu.memory_space<hbm>> -> memref<10000x128xf32, #tpu.memory_space<hbm>>
        tpu.enqueue_indirect_dma source(%dma_start3A_279 : memref<10000x128xf32, #tpu.memory_space<hbm>>) target(%dma_start3A_273 : memref<64x128xf32, #tpu.memory_space<vmem>>) offsets(%dma_start3A_276 : memref<64xi32, #tpu.memory_space<vmem>>) semaphore(%arg14 : memref<!tpu.dma_semaphore, #tpu.memory_space<semaphore_mem>>)
      } else {
      }
      %mul3A_189 = arith.constant 4 : i32
      %mul3A_190 = arith.muli %mul3A_189, %while3A_123 : i32
      %add3A_191 = arith.constant 2 : i32
      %add3A_192 = arith.addi %mul3A_190, %add3A_191 : i32
      %dma_wait3A_193 = arith.constant 2 : i32
      %dma_wait3A_194 = arith.constant 2 : i32
      %dma_wait3A_195 = arith.constant 0 : i32
      %dma_wait3A_196 = arith.constant 0 : i32
      %dma_wait3A_197 = tpu.memref_slice %arg9[%dma_wait3A_194, %dma_wait3A_195, %dma_wait3A_196] : memref<4x64x128xf32, #tpu.memory_space<vmem>> -> memref<1x64x128xf32, #tpu.memory_space<vmem>>
      %dma_wait3A_198 = tpu.memref_squeeze %dma_wait3A_197 : memref<1x64x128xf32, #tpu.memory_space<vmem>> -> memref<64x128xf32, #tpu.memory_space<vmem>>
      %dma_wait3A_199 = arith.constant 0 : i32
      %dma_wait3A_200 = tpu.memref_slice %arg7[%dma_wait3A_193, %dma_wait3A_199] : memref<4x64xi32, #tpu.memory_space<vmem>> -> memref<1x64xi32, #tpu.memory_space<vmem>>
      %dma_wait3A_201 = tpu.memref_squeeze %dma_wait3A_200 : memref<1x64xi32, #tpu.memory_space<vmem>> -> memref<64xi32, #tpu.memory_space<vmem>>
      %dma_wait3A_202 = arith.constant 0 : i32
      %dma_wait3A_203 = arith.constant 0 : i32
      %dma_wait3A_204 = tpu.memref_slice %arg2[%dma_wait3A_202, %dma_wait3A_203] : memref<10000x128xf32, #tpu.memory_space<hbm>> -> memref<10000x128xf32, #tpu.memory_space<hbm>>
      tpu.wait_indirect_dma semaphore(%arg13 : memref<!tpu.dma_semaphore, #tpu.memory_space<semaphore_mem>>) src(%dma_wait3A_204 : memref<10000x128xf32, #tpu.memory_space<hbm>>) dst(%dma_wait3A_198 : memref<64x128xf32, #tpu.memory_space<vmem>>)
      %dma_start3A_205 = arith.constant 2 : i32
      %dma_start3A_206 = arith.constant 2 : i32
      %dma_start3A_207 = arith.constant 0 : i32
      %dma_start3A_208 = arith.constant 0 : i32
      %dma_start3A_209 = tpu.memref_slice %arg9[%dma_start3A_205, %dma_start3A_207, %dma_start3A_208] : memref<4x64x128xf32, #tpu.memory_space<vmem>> -> memref<1x64x128xf32, #tpu.memory_space<vmem>>
      %dma_start3A_210 = tpu.memref_squeeze %dma_start3A_209 : memref<1x64x128xf32, #tpu.memory_space<vmem>> -> memref<64x128xf32, #tpu.memory_space<vmem>>
      %dma_start3A_211 = arith.constant 0 : i32
      %dma_start3A_212 = tpu.memref_slice %arg8[%dma_start3A_206, %dma_start3A_211] : memref<4x64xi32, #tpu.memory_space<vmem>> -> memref<1x64xi32, #tpu.memory_space<vmem>>
      %dma_start3A_213 = tpu.memref_squeeze %dma_start3A_212 : memref<1x64xi32, #tpu.memory_space<vmem>> -> memref<64xi32, #tpu.memory_space<vmem>>
      %dma_start3A_214 = arith.constant 0 : i32
      %dma_start3A_215 = arith.constant 0 : i32
      %dma_start3A_216 = tpu.memref_slice %arg10[%dma_start3A_214, %dma_start3A_215] : memref<10240x128xf32, #tpu.memory_space<vmem_shared>> -> memref<10240x128xf32, #tpu.memory_space<vmem_shared>>
      tpu.enqueue_indirect_dma source(%dma_start3A_210 : memref<64x128xf32, #tpu.memory_space<vmem>>) target(%dma_start3A_216 : memref<10240x128xf32, #tpu.memory_space<vmem_shared>>) offsets(%dma_start3A_213 : memref<64xi32, #tpu.memory_space<vmem>>) semaphore(%arg17 : memref<!tpu.dma_semaphore, #tpu.memory_space<semaphore_mem>>) {add = true}
      %add3A_217 = arith.constant 2 : i32
      %add3A_218 = arith.addi %add3A_192, %add3A_217 : i32
      %lt3A_219 = arith.cmpi slt, %add3A_218, %select_n3A_13 : i32
      %convert_element_type3A_220 = arith.extui %lt3A_219 : i1 to i32
      %cond3A_221 = arith.constant 0 : i32
      %cond3A_222 = arith.cmpi ne, %convert_element_type3A_220, %cond3A_221 : i32
      scf.if %cond3A_222 {
        %ge3A = arith.constant 2 : i32
        %ge3A_257 = arith.cmpi sge, %add3A_192, %ge3A : i32
        %convert_element_type3A_258 = arith.extui %ge3A_257 : i1 to i32
        %cond3A_259 = arith.constant 0 : i32
        %cond3A_260 = arith.cmpi ne, %convert_element_type3A_258, %cond3A_259 : i32
        scf.if %cond3A_260 {
          %dma_wait3A_280 = arith.constant 0 : i32
          %dma_wait3A_281 = arith.constant 0 : i32
          %dma_wait3A_282 = arith.constant 0 : i32
          %dma_wait3A_283 = arith.constant 0 : i32
          %dma_wait3A_284 = tpu.memref_slice %arg9[%dma_wait3A_280, %dma_wait3A_282, %dma_wait3A_283] : memref<4x64x128xf32, #tpu.memory_space<vmem>> -> memref<1x64x128xf32, #tpu.memory_space<vmem>>
          %dma_wait3A_285 = tpu.memref_squeeze %dma_wait3A_284 : memref<1x64x128xf32, #tpu.memory_space<vmem>> -> memref<64x128xf32, #tpu.memory_space<vmem>>
          %dma_wait3A_286 = arith.constant 0 : i32
          %dma_wait3A_287 = tpu.memref_slice %arg8[%dma_wait3A_281, %dma_wait3A_286] : memref<4x64xi32, #tpu.memory_space<vmem>> -> memref<1x64xi32, #tpu.memory_space<vmem>>
          %dma_wait3A_288 = tpu.memref_squeeze %dma_wait3A_287 : memref<1x64xi32, #tpu.memory_space<vmem>> -> memref<64xi32, #tpu.memory_space<vmem>>
          %dma_wait3A_289 = arith.constant 0 : i32
          %dma_wait3A_290 = arith.constant 0 : i32
          %dma_wait3A_291 = tpu.memref_slice %arg10[%dma_wait3A_289, %dma_wait3A_290] : memref<10240x128xf32, #tpu.memory_space<vmem_shared>> -> memref<10240x128xf32, #tpu.memory_space<vmem_shared>>
          tpu.wait_indirect_dma semaphore(%arg15 : memref<!tpu.dma_semaphore, #tpu.memory_space<semaphore_mem>>) src(%dma_wait3A_285 : memref<64x128xf32, #tpu.memory_space<vmem>>) dst(%dma_wait3A_291 : memref<10240x128xf32, #tpu.memory_space<vmem_shared>>)
        } else {
        }
        %add3A_261 = arith.constant 2 : i32
        %add3A_262 = arith.addi %add3A_192, %add3A_261 : i32
        %mul3A_263 = arith.constant 64 : i32
        %mul3A_264 = arith.muli %add3A_262, %mul3A_263 : i32
        %add3A_265 = arith.addi %select_n3A, %mul3A_264 : i32
        %run_scoped3A_266 = arith.constant 0 : i32
        "tpu.region"() ({
          %run_scoped3A_280 = tpu.sem_alloc : memref<!tpu.dma_semaphore, #tpu.memory_space<semaphore_mem>>
          %dma_start3A_281 = arith.constant 0 : i32
          %dma_start3A_282 = tpu.memref_slice %arg7[%run_scoped3A_266, %dma_start3A_281] : memref<4x64xi32, #tpu.memory_space<vmem>> -> memref<1x64xi32, #tpu.memory_space<vmem>>
          %dma_start3A_283 = tpu.memref_squeeze %dma_start3A_282 : memref<1x64xi32, #tpu.memory_space<vmem>> -> memref<64xi32, #tpu.memory_space<vmem>>
          %dma_start3A_284 = tpu.memref_slice %arg3[%add3A_265] : memref<327680xi32, #tpu.memory_space<hbm>> -> memref<64xi32, #tpu.memory_space<hbm>>
          %dma_start3A_285 = arith.constant 0 : i32
          %dma_start3A_286 = tpu.memref_slice %arg7[%run_scoped3A_266, %dma_start3A_285] : memref<4x64xi32, #tpu.memory_space<vmem>> -> memref<1x64xi32, #tpu.memory_space<vmem>>
          %dma_start3A_287 = tpu.memref_squeeze %dma_start3A_286 : memref<1x64xi32, #tpu.memory_space<vmem>> -> memref<64xi32, #tpu.memory_space<vmem>>
          %dma_start3A_288 = tpu.memref_slice %arg3[%add3A_265] : memref<327680xi32, #tpu.memory_space<hbm>> -> memref<64xi32, #tpu.memory_space<hbm>>
          tpu.enqueue_dma source(%dma_start3A_288 : memref<64xi32, #tpu.memory_space<hbm>>) target(%dma_start3A_287 : memref<64xi32, #tpu.memory_space<vmem>>) target_semaphore(%run_scoped3A_280 : memref<!tpu.dma_semaphore, #tpu.memory_space<semaphore_mem>>)
          %dma_wait3A_289 = arith.constant 0 : i32
          %dma_wait3A_290 = tpu.memref_slice %arg7[%run_scoped3A_266, %dma_wait3A_289] : memref<4x64xi32, #tpu.memory_space<vmem>> -> memref<1x64xi32, #tpu.memory_space<vmem>>
          %dma_wait3A_291 = tpu.memref_squeeze %dma_wait3A_290 : memref<1x64xi32, #tpu.memory_space<vmem>> -> memref<64xi32, #tpu.memory_space<vmem>>
          %dma_wait3A_292 = tpu.memref_slice %arg3[%add3A_265] : memref<327680xi32, #tpu.memory_space<hbm>> -> memref<64xi32, #tpu.memory_space<hbm>>
          %dma_wait3A_293 = arith.constant 0 : i32
          %dma_wait3A_294 = tpu.memref_slice %arg7[%run_scoped3A_266, %dma_wait3A_293] : memref<4x64xi32, #tpu.memory_space<vmem>> -> memref<1x64xi32, #tpu.memory_space<vmem>>
          %dma_wait3A_295 = tpu.memref_squeeze %dma_wait3A_294 : memref<1x64xi32, #tpu.memory_space<vmem>> -> memref<64xi32, #tpu.memory_space<vmem>>
          %dma_wait3A_296 = tpu.memref_slice %arg3[%add3A_265] : memref<327680xi32, #tpu.memory_space<hbm>> -> memref<64xi32, #tpu.memory_space<hbm>>
          tpu.wait_dma2 semaphore(%run_scoped3A_280 : memref<!tpu.dma_semaphore, #tpu.memory_space<semaphore_mem>>) src(%dma_wait3A_296 : memref<64xi32, #tpu.memory_space<hbm>>) dst(%dma_wait3A_295 : memref<64xi32, #tpu.memory_space<vmem>>)
          tpu.yield
        }) : () -> ()
        %run_scoped3A_267 = arith.constant 0 : i32
        "tpu.region"() ({
          %run_scoped3A_280 = tpu.sem_alloc : memref<!tpu.dma_semaphore, #tpu.memory_space<semaphore_mem>>
          %dma_start3A_281 = arith.constant 0 : i32
          %dma_start3A_282 = tpu.memref_slice %arg8[%run_scoped3A_267, %dma_start3A_281] : memref<4x64xi32, #tpu.memory_space<vmem>> -> memref<1x64xi32, #tpu.memory_space<vmem>>
          %dma_start3A_283 = tpu.memref_squeeze %dma_start3A_282 : memref<1x64xi32, #tpu.memory_space<vmem>> -> memref<64xi32, #tpu.memory_space<vmem>>
          %dma_start3A_284 = tpu.memref_slice %arg4[%add3A_265] : memref<327680xi32, #tpu.memory_space<hbm>> -> memref<64xi32, #tpu.memory_space<hbm>>
          %dma_start3A_285 = arith.constant 0 : i32
          %dma_start3A_286 = tpu.memref_slice %arg8[%run_scoped3A_267, %dma_start3A_285] : memref<4x64xi32, #tpu.memory_space<vmem>> -> memref<1x64xi32, #tpu.memory_space<vmem>>
          %dma_start3A_287 = tpu.memref_squeeze %dma_start3A_286 : memref<1x64xi32, #tpu.memory_space<vmem>> -> memref<64xi32, #tpu.memory_space<vmem>>
          %dma_start3A_288 = tpu.memref_slice %arg4[%add3A_265] : memref<327680xi32, #tpu.memory_space<hbm>> -> memref<64xi32, #tpu.memory_space<hbm>>
          tpu.enqueue_dma source(%dma_start3A_288 : memref<64xi32, #tpu.memory_space<hbm>>) target(%dma_start3A_287 : memref<64xi32, #tpu.memory_space<vmem>>) target_semaphore(%run_scoped3A_280 : memref<!tpu.dma_semaphore, #tpu.memory_space<semaphore_mem>>)
          %dma_wait3A_289 = arith.constant 0 : i32
          %dma_wait3A_290 = tpu.memref_slice %arg8[%run_scoped3A_267, %dma_wait3A_289] : memref<4x64xi32, #tpu.memory_space<vmem>> -> memref<1x64xi32, #tpu.memory_space<vmem>>
          %dma_wait3A_291 = tpu.memref_squeeze %dma_wait3A_290 : memref<1x64xi32, #tpu.memory_space<vmem>> -> memref<64xi32, #tpu.memory_space<vmem>>
          %dma_wait3A_292 = tpu.memref_slice %arg4[%add3A_265] : memref<327680xi32, #tpu.memory_space<hbm>> -> memref<64xi32, #tpu.memory_space<hbm>>
          %dma_wait3A_293 = arith.constant 0 : i32
          %dma_wait3A_294 = tpu.memref_slice %arg8[%run_scoped3A_267, %dma_wait3A_293] : memref<4x64xi32, #tpu.memory_space<vmem>> -> memref<1x64xi32, #tpu.memory_space<vmem>>
          %dma_wait3A_295 = tpu.memref_squeeze %dma_wait3A_294 : memref<1x64xi32, #tpu.memory_space<vmem>> -> memref<64xi32, #tpu.memory_space<vmem>>
          %dma_wait3A_296 = tpu.memref_slice %arg4[%add3A_265] : memref<327680xi32, #tpu.memory_space<hbm>> -> memref<64xi32, #tpu.memory_space<hbm>>
          tpu.wait_dma2 semaphore(%run_scoped3A_280 : memref<!tpu.dma_semaphore, #tpu.memory_space<semaphore_mem>>) src(%dma_wait3A_296 : memref<64xi32, #tpu.memory_space<hbm>>) dst(%dma_wait3A_295 : memref<64xi32, #tpu.memory_space<vmem>>)
          tpu.yield
        }) : () -> ()
        %dma_start3A_268 = arith.constant 0 : i32
        %dma_start3A_269 = arith.constant 0 : i32
        %dma_start3A_270 = arith.constant 0 : i32
        %dma_start3A_271 = arith.constant 0 : i32
        %dma_start3A_272 = tpu.memref_slice %arg9[%dma_start3A_269, %dma_start3A_270, %dma_start3A_271] : memref<4x64x128xf32, #tpu.memory_space<vmem>> -> memref<1x64x128xf32, #tpu.memory_space<vmem>>
        %dma_start3A_273 = tpu.memref_squeeze %dma_start3A_272 : memref<1x64x128xf32, #tpu.memory_space<vmem>> -> memref<64x128xf32, #tpu.memory_space<vmem>>
        %dma_start3A_274 = arith.constant 0 : i32
        %dma_start3A_275 = tpu.memref_slice %arg7[%dma_start3A_268, %dma_start3A_274] : memref<4x64xi32, #tpu.memory_space<vmem>> -> memref<1x64xi32, #tpu.memory_space<vmem>>
        %dma_start3A_276 = tpu.memref_squeeze %dma_start3A_275 : memref<1x64xi32, #tpu.memory_space<vmem>> -> memref<64xi32, #tpu.memory_space<vmem>>
        %dma_start3A_277 = arith.constant 0 : i32
        %dma_start3A_278 = arith.constant 0 : i32
        %dma_start3A_279 = tpu.memref_slice %arg2[%dma_start3A_277, %dma_start3A_278] : memref<10000x128xf32, #tpu.memory_space<hbm>> -> memref<10000x128xf32, #tpu.memory_space<hbm>>
        tpu.enqueue_indirect_dma source(%dma_start3A_279 : memref<10000x128xf32, #tpu.memory_space<hbm>>) target(%dma_start3A_273 : memref<64x128xf32, #tpu.memory_space<vmem>>) offsets(%dma_start3A_276 : memref<64xi32, #tpu.memory_space<vmem>>) semaphore(%arg11 : memref<!tpu.dma_semaphore, #tpu.memory_space<semaphore_mem>>)
      } else {
      }
      %mul3A_223 = arith.constant 4 : i32
      %mul3A_224 = arith.muli %mul3A_223, %while3A_123 : i32
      %add3A_225 = arith.constant 3 : i32
      %add3A_226 = arith.addi %mul3A_224, %add3A_225 : i32
      %dma_wait3A_227 = arith.constant 3 : i32
      %dma_wait3A_228 = arith.constant 3 : i32
      %dma_wait3A_229 = arith.constant 0 : i32
      %dma_wait3A_230 = arith.constant 0 : i32
      %dma_wait3A_231 = tpu.memref_slice %arg9[%dma_wait3A_228, %dma_wait3A_229, %dma_wait3A_230] : memref<4x64x128xf32, #tpu.memory_space<vmem>> -> memref<1x64x128xf32, #tpu.memory_space<vmem>>
      %dma_wait3A_232 = tpu.memref_squeeze %dma_wait3A_231 : memref<1x64x128xf32, #tpu.memory_space<vmem>> -> memref<64x128xf32, #tpu.memory_space<vmem>>
      %dma_wait3A_233 = arith.constant 0 : i32
      %dma_wait3A_234 = tpu.memref_slice %arg7[%dma_wait3A_227, %dma_wait3A_233] : memref<4x64xi32, #tpu.memory_space<vmem>> -> memref<1x64xi32, #tpu.memory_space<vmem>>
      %dma_wait3A_235 = tpu.memref_squeeze %dma_wait3A_234 : memref<1x64xi32, #tpu.memory_space<vmem>> -> memref<64xi32, #tpu.memory_space<vmem>>
      %dma_wait3A_236 = arith.constant 0 : i32
      %dma_wait3A_237 = arith.constant 0 : i32
      %dma_wait3A_238 = tpu.memref_slice %arg2[%dma_wait3A_236, %dma_wait3A_237] : memref<10000x128xf32, #tpu.memory_space<hbm>> -> memref<10000x128xf32, #tpu.memory_space<hbm>>
      tpu.wait_indirect_dma semaphore(%arg14 : memref<!tpu.dma_semaphore, #tpu.memory_space<semaphore_mem>>) src(%dma_wait3A_238 : memref<10000x128xf32, #tpu.memory_space<hbm>>) dst(%dma_wait3A_232 : memref<64x128xf32, #tpu.memory_space<vmem>>)
      %dma_start3A_239 = arith.constant 3 : i32
      %dma_start3A_240 = arith.constant 3 : i32
      %dma_start3A_241 = arith.constant 0 : i32
      %dma_start3A_242 = arith.constant 0 : i32
      %dma_start3A_243 = tpu.memref_slice %arg9[%dma_start3A_239, %dma_start3A_241, %dma_start3A_242] : memref<4x64x128xf32, #tpu.memory_space<vmem>> -> memref<1x64x128xf32, #tpu.memory_space<vmem>>
      %dma_start3A_244 = tpu.memref_squeeze %dma_start3A_243 : memref<1x64x128xf32, #tpu.memory_space<vmem>> -> memref<64x128xf32, #tpu.memory_space<vmem>>
      %dma_start3A_245 = arith.constant 0 : i32
      %dma_start3A_246 = tpu.memref_slice %arg8[%dma_start3A_240, %dma_start3A_245] : memref<4x64xi32, #tpu.memory_space<vmem>> -> memref<1x64xi32, #tpu.memory_space<vmem>>
      %dma_start3A_247 = tpu.memref_squeeze %dma_start3A_246 : memref<1x64xi32, #tpu.memory_space<vmem>> -> memref<64xi32, #tpu.memory_space<vmem>>
      %dma_start3A_248 = arith.constant 0 : i32
      %dma_start3A_249 = arith.constant 0 : i32
      %dma_start3A_250 = tpu.memref_slice %arg10[%dma_start3A_248, %dma_start3A_249] : memref<10240x128xf32, #tpu.memory_space<vmem_shared>> -> memref<10240x128xf32, #tpu.memory_space<vmem_shared>>
      tpu.enqueue_indirect_dma source(%dma_start3A_244 : memref<64x128xf32, #tpu.memory_space<vmem>>) target(%dma_start3A_250 : memref<10240x128xf32, #tpu.memory_space<vmem_shared>>) offsets(%dma_start3A_247 : memref<64xi32, #tpu.memory_space<vmem>>) semaphore(%arg18 : memref<!tpu.dma_semaphore, #tpu.memory_space<semaphore_mem>>) {add = true}
      %add3A_251 = arith.constant 2 : i32
      %add3A_252 = arith.addi %add3A_226, %add3A_251 : i32
      %lt3A_253 = arith.cmpi slt, %add3A_252, %select_n3A_13 : i32
      %convert_element_type3A_254 = arith.extui %lt3A_253 : i1 to i32
      %cond3A_255 = arith.constant 0 : i32
      %cond3A_256 = arith.cmpi ne, %convert_element_type3A_254, %cond3A_255 : i32
      scf.if %cond3A_256 {
        %ge3A = arith.constant 2 : i32
        %ge3A_257 = arith.cmpi sge, %add3A_226, %ge3A : i32
        %convert_element_type3A_258 = arith.extui %ge3A_257 : i1 to i32
        %cond3A_259 = arith.constant 0 : i32
        %cond3A_260 = arith.cmpi ne, %convert_element_type3A_258, %cond3A_259 : i32
        scf.if %cond3A_260 {
          %dma_wait3A_280 = arith.constant 1 : i32
          %dma_wait3A_281 = arith.constant 1 : i32
          %dma_wait3A_282 = arith.constant 0 : i32
          %dma_wait3A_283 = arith.constant 0 : i32
          %dma_wait3A_284 = tpu.memref_slice %arg9[%dma_wait3A_280, %dma_wait3A_282, %dma_wait3A_283] : memref<4x64x128xf32, #tpu.memory_space<vmem>> -> memref<1x64x128xf32, #tpu.memory_space<vmem>>
          %dma_wait3A_285 = tpu.memref_squeeze %dma_wait3A_284 : memref<1x64x128xf32, #tpu.memory_space<vmem>> -> memref<64x128xf32, #tpu.memory_space<vmem>>
          %dma_wait3A_286 = arith.constant 0 : i32
          %dma_wait3A_287 = tpu.memref_slice %arg8[%dma_wait3A_281, %dma_wait3A_286] : memref<4x64xi32, #tpu.memory_space<vmem>> -> memref<1x64xi32, #tpu.memory_space<vmem>>
          %dma_wait3A_288 = tpu.memref_squeeze %dma_wait3A_287 : memref<1x64xi32, #tpu.memory_space<vmem>> -> memref<64xi32, #tpu.memory_space<vmem>>
          %dma_wait3A_289 = arith.constant 0 : i32
          %dma_wait3A_290 = arith.constant 0 : i32
          %dma_wait3A_291 = tpu.memref_slice %arg10[%dma_wait3A_289, %dma_wait3A_290] : memref<10240x128xf32, #tpu.memory_space<vmem_shared>> -> memref<10240x128xf32, #tpu.memory_space<vmem_shared>>
          tpu.wait_indirect_dma semaphore(%arg16 : memref<!tpu.dma_semaphore, #tpu.memory_space<semaphore_mem>>) src(%dma_wait3A_285 : memref<64x128xf32, #tpu.memory_space<vmem>>) dst(%dma_wait3A_291 : memref<10240x128xf32, #tpu.memory_space<vmem_shared>>)
        } else {
        }
        %add3A_261 = arith.constant 2 : i32
        %add3A_262 = arith.addi %add3A_226, %add3A_261 : i32
        %mul3A_263 = arith.constant 64 : i32
        %mul3A_264 = arith.muli %add3A_262, %mul3A_263 : i32
        %add3A_265 = arith.addi %select_n3A, %mul3A_264 : i32
        %run_scoped3A_266 = arith.constant 1 : i32
        "tpu.region"() ({
          %run_scoped3A_280 = tpu.sem_alloc : memref<!tpu.dma_semaphore, #tpu.memory_space<semaphore_mem>>
          %dma_start3A_281 = arith.constant 0 : i32
          %dma_start3A_282 = tpu.memref_slice %arg7[%run_scoped3A_266, %dma_start3A_281] : memref<4x64xi32, #tpu.memory_space<vmem>> -> memref<1x64xi32, #tpu.memory_space<vmem>>
          %dma_start3A_283 = tpu.memref_squeeze %dma_start3A_282 : memref<1x64xi32, #tpu.memory_space<vmem>> -> memref<64xi32, #tpu.memory_space<vmem>>
          %dma_start3A_284 = tpu.memref_slice %arg3[%add3A_265] : memref<327680xi32, #tpu.memory_space<hbm>> -> memref<64xi32, #tpu.memory_space<hbm>>
          %dma_start3A_285 = arith.constant 0 : i32
          %dma_start3A_286 = tpu.memref_slice %arg7[%run_scoped3A_266, %dma_start3A_285] : memref<4x64xi32, #tpu.memory_space<vmem>> -> memref<1x64xi32, #tpu.memory_space<vmem>>
          %dma_start3A_287 = tpu.memref_squeeze %dma_start3A_286 : memref<1x64xi32, #tpu.memory_space<vmem>> -> memref<64xi32, #tpu.memory_space<vmem>>
          %dma_start3A_288 = tpu.memref_slice %arg3[%add3A_265] : memref<327680xi32, #tpu.memory_space<hbm>> -> memref<64xi32, #tpu.memory_space<hbm>>
          tpu.enqueue_dma source(%dma_start3A_288 : memref<64xi32, #tpu.memory_space<hbm>>) target(%dma_start3A_287 : memref<64xi32, #tpu.memory_space<vmem>>) target_semaphore(%run_scoped3A_280 : memref<!tpu.dma_semaphore, #tpu.memory_space<semaphore_mem>>)
          %dma_wait3A_289 = arith.constant 0 : i32
          %dma_wait3A_290 = tpu.memref_slice %arg7[%run_scoped3A_266, %dma_wait3A_289] : memref<4x64xi32, #tpu.memory_space<vmem>> -> memref<1x64xi32, #tpu.memory_space<vmem>>
          %dma_wait3A_291 = tpu.memref_squeeze %dma_wait3A_290 : memref<1x64xi32, #tpu.memory_space<vmem>> -> memref<64xi32, #tpu.memory_space<vmem>>
          %dma_wait3A_292 = tpu.memref_slice %arg3[%add3A_265] : memref<327680xi32, #tpu.memory_space<hbm>> -> memref<64xi32, #tpu.memory_space<hbm>>
          %dma_wait3A_293 = arith.constant 0 : i32
          %dma_wait3A_294 = tpu.memref_slice %arg7[%run_scoped3A_266, %dma_wait3A_293] : memref<4x64xi32, #tpu.memory_space<vmem>> -> memref<1x64xi32, #tpu.memory_space<vmem>>
          %dma_wait3A_295 = tpu.memref_squeeze %dma_wait3A_294 : memref<1x64xi32, #tpu.memory_space<vmem>> -> memref<64xi32, #tpu.memory_space<vmem>>
          %dma_wait3A_296 = tpu.memref_slice %arg3[%add3A_265] : memref<327680xi32, #tpu.memory_space<hbm>> -> memref<64xi32, #tpu.memory_space<hbm>>
          tpu.wait_dma2 semaphore(%run_scoped3A_280 : memref<!tpu.dma_semaphore, #tpu.memory_space<semaphore_mem>>) src(%dma_wait3A_296 : memref<64xi32, #tpu.memory_space<hbm>>) dst(%dma_wait3A_295 : memref<64xi32, #tpu.memory_space<vmem>>)
          tpu.yield
        }) : () -> ()
        %run_scoped3A_267 = arith.constant 1 : i32
        "tpu.region"() ({
          %run_scoped3A_280 = tpu.sem_alloc : memref<!tpu.dma_semaphore, #tpu.memory_space<semaphore_mem>>
          %dma_start3A_281 = arith.constant 0 : i32
          %dma_start3A_282 = tpu.memref_slice %arg8[%run_scoped3A_267, %dma_start3A_281] : memref<4x64xi32, #tpu.memory_space<vmem>> -> memref<1x64xi32, #tpu.memory_space<vmem>>
          %dma_start3A_283 = tpu.memref_squeeze %dma_start3A_282 : memref<1x64xi32, #tpu.memory_space<vmem>> -> memref<64xi32, #tpu.memory_space<vmem>>
          %dma_start3A_284 = tpu.memref_slice %arg4[%add3A_265] : memref<327680xi32, #tpu.memory_space<hbm>> -> memref<64xi32, #tpu.memory_space<hbm>>
          %dma_start3A_285 = arith.constant 0 : i32
          %dma_start3A_286 = tpu.memref_slice %arg8[%run_scoped3A_267, %dma_start3A_285] : memref<4x64xi32, #tpu.memory_space<vmem>> -> memref<1x64xi32, #tpu.memory_space<vmem>>
          %dma_start3A_287 = tpu.memref_squeeze %dma_start3A_286 : memref<1x64xi32, #tpu.memory_space<vmem>> -> memref<64xi32, #tpu.memory_space<vmem>>
          %dma_start3A_288 = tpu.memref_slice %arg4[%add3A_265] : memref<327680xi32, #tpu.memory_space<hbm>> -> memref<64xi32, #tpu.memory_space<hbm>>
          tpu.enqueue_dma source(%dma_start3A_288 : memref<64xi32, #tpu.memory_space<hbm>>) target(%dma_start3A_287 : memref<64xi32, #tpu.memory_space<vmem>>) target_semaphore(%run_scoped3A_280 : memref<!tpu.dma_semaphore, #tpu.memory_space<semaphore_mem>>)
          %dma_wait3A_289 = arith.constant 0 : i32
          %dma_wait3A_290 = tpu.memref_slice %arg8[%run_scoped3A_267, %dma_wait3A_289] : memref<4x64xi32, #tpu.memory_space<vmem>> -> memref<1x64xi32, #tpu.memory_space<vmem>>
          %dma_wait3A_291 = tpu.memref_squeeze %dma_wait3A_290 : memref<1x64xi32, #tpu.memory_space<vmem>> -> memref<64xi32, #tpu.memory_space<vmem>>
          %dma_wait3A_292 = tpu.memref_slice %arg4[%add3A_265] : memref<327680xi32, #tpu.memory_space<hbm>> -> memref<64xi32, #tpu.memory_space<hbm>>
          %dma_wait3A_293 = arith.constant 0 : i32
          %dma_wait3A_294 = tpu.memref_slice %arg8[%run_scoped3A_267, %dma_wait3A_293] : memref<4x64xi32, #tpu.memory_space<vmem>> -> memref<1x64xi32, #tpu.memory_space<vmem>>
          %dma_wait3A_295 = tpu.memref_squeeze %dma_wait3A_294 : memref<1x64xi32, #tpu.memory_space<vmem>> -> memref<64xi32, #tpu.memory_space<vmem>>
          %dma_wait3A_296 = tpu.memref_slice %arg4[%add3A_265] : memref<327680xi32, #tpu.memory_space<hbm>> -> memref<64xi32, #tpu.memory_space<hbm>>
          tpu.wait_dma2 semaphore(%run_scoped3A_280 : memref<!tpu.dma_semaphore, #tpu.memory_space<semaphore_mem>>) src(%dma_wait3A_296 : memref<64xi32, #tpu.memory_space<hbm>>) dst(%dma_wait3A_295 : memref<64xi32, #tpu.memory_space<vmem>>)
          tpu.yield
        }) : () -> ()
        %dma_start3A_268 = arith.constant 1 : i32
        %dma_start3A_269 = arith.constant 1 : i32
        %dma_start3A_270 = arith.constant 0 : i32
        %dma_start3A_271 = arith.constant 0 : i32
        %dma_start3A_272 = tpu.memref_slice %arg9[%dma_start3A_269, %dma_start3A_270, %dma_start3A_271] : memref<4x64x128xf32, #tpu.memory_space<vmem>> -> memref<1x64x128xf32, #tpu.memory_space<vmem>>
        %dma_start3A_273 = tpu.memref_squeeze %dma_start3A_272 : memref<1x64x128xf32, #tpu.memory_space<vmem>> -> memref<64x128xf32, #tpu.memory_space<vmem>>
        %dma_start3A_274 = arith.constant 0 : i32
        %dma_start3A_275 = tpu.memref_slice %arg7[%dma_start3A_268, %dma_start3A_274] : memref<4x64xi32, #tpu.memory_space<vmem>> -> memref<1x64xi32, #tpu.memory_space<vmem>>
        %dma_start3A_276 = tpu.memref_squeeze %dma_start3A_275 : memref<1x64xi32, #tpu.memory_space<vmem>> -> memref<64xi32, #tpu.memory_space<vmem>>
        %dma_start3A_277 = arith.constant 0 : i32
        %dma_start3A_278 = arith.constant 0 : i32
        %dma_start3A_279 = tpu.memref_slice %arg2[%dma_start3A_277, %dma_start3A_278] : memref<10000x128xf32, #tpu.memory_space<hbm>> -> memref<10000x128xf32, #tpu.memory_space<hbm>>
        tpu.enqueue_indirect_dma source(%dma_start3A_279 : memref<10000x128xf32, #tpu.memory_space<hbm>>) target(%dma_start3A_273 : memref<64x128xf32, #tpu.memory_space<vmem>>) offsets(%dma_start3A_276 : memref<64xi32, #tpu.memory_space<vmem>>) semaphore(%arg12 : memref<!tpu.dma_semaphore, #tpu.memory_space<semaphore_mem>>)
      } else {
      }
    }
    %while3A_70 = arith.constant 1 : i32
    scf.for %while3A_123 = %while3A_68 to %while3A_64 step %while3A_70  : i32 {
      %mul3A_124 = arith.constant 4 : i32
      %mul3A_125 = arith.muli %mul3A_124, %while3A_123 : i32
      %add3A_126 = arith.constant 0 : i32
      %add3A_127 = arith.addi %mul3A_125, %add3A_126 : i32
      %dma_wait3A_128 = arith.constant 0 : i32
      %dma_wait3A_129 = arith.constant 0 : i32
      %dma_wait3A_130 = arith.constant 0 : i32
      %dma_wait3A_131 = arith.constant 0 : i32
      %dma_wait3A_132 = tpu.memref_slice %arg9[%dma_wait3A_129, %dma_wait3A_130, %dma_wait3A_131] : memref<4x64x128xf32, #tpu.memory_space<vmem>> -> memref<1x64x128xf32, #tpu.memory_space<vmem>>
      %dma_wait3A_133 = tpu.memref_squeeze %dma_wait3A_132 : memref<1x64x128xf32, #tpu.memory_space<vmem>> -> memref<64x128xf32, #tpu.memory_space<vmem>>
      %dma_wait3A_134 = arith.constant 0 : i32
      %dma_wait3A_135 = tpu.memref_slice %arg7[%dma_wait3A_128, %dma_wait3A_134] : memref<4x64xi32, #tpu.memory_space<vmem>> -> memref<1x64xi32, #tpu.memory_space<vmem>>
      %dma_wait3A_136 = tpu.memref_squeeze %dma_wait3A_135 : memref<1x64xi32, #tpu.memory_space<vmem>> -> memref<64xi32, #tpu.memory_space<vmem>>
      %dma_wait3A_137 = arith.constant 0 : i32
      %dma_wait3A_138 = arith.constant 0 : i32
      %dma_wait3A_139 = tpu.memref_slice %arg2[%dma_wait3A_137, %dma_wait3A_138] : memref<10000x128xf32, #tpu.memory_space<hbm>> -> memref<10000x128xf32, #tpu.memory_space<hbm>>
      tpu.wait_indirect_dma semaphore(%arg11 : memref<!tpu.dma_semaphore, #tpu.memory_space<semaphore_mem>>) src(%dma_wait3A_139 : memref<10000x128xf32, #tpu.memory_space<hbm>>) dst(%dma_wait3A_133 : memref<64x128xf32, #tpu.memory_space<vmem>>)
      %dma_start3A_140 = arith.constant 0 : i32
      %dma_start3A_141 = arith.constant 0 : i32
      %dma_start3A_142 = arith.constant 0 : i32
      %dma_start3A_143 = arith.constant 0 : i32
      %dma_start3A_144 = tpu.memref_slice %arg9[%dma_start3A_140, %dma_start3A_142, %dma_start3A_143] : memref<4x64x128xf32, #tpu.memory_space<vmem>> -> memref<1x64x128xf32, #tpu.memory_space<vmem>>
      %dma_start3A_145 = tpu.memref_squeeze %dma_start3A_144 : memref<1x64x128xf32, #tpu.memory_space<vmem>> -> memref<64x128xf32, #tpu.memory_space<vmem>>
      %dma_start3A_146 = arith.constant 0 : i32
      %dma_start3A_147 = tpu.memref_slice %arg8[%dma_start3A_141, %dma_start3A_146] : memref<4x64xi32, #tpu.memory_space<vmem>> -> memref<1x64xi32, #tpu.memory_space<vmem>>
      %dma_start3A_148 = tpu.memref_squeeze %dma_start3A_147 : memref<1x64xi32, #tpu.memory_space<vmem>> -> memref<64xi32, #tpu.memory_space<vmem>>
      %dma_start3A_149 = arith.constant 0 : i32
      %dma_start3A_150 = arith.constant 0 : i32
      %dma_start3A_151 = tpu.memref_slice %arg10[%dma_start3A_149, %dma_start3A_150] : memref<10240x128xf32, #tpu.memory_space<vmem_shared>> -> memref<10240x128xf32, #tpu.memory_space<vmem_shared>>
      tpu.enqueue_indirect_dma source(%dma_start3A_145 : memref<64x128xf32, #tpu.memory_space<vmem>>) target(%dma_start3A_151 : memref<10240x128xf32, #tpu.memory_space<vmem_shared>>) offsets(%dma_start3A_148 : memref<64xi32, #tpu.memory_space<vmem>>) semaphore(%arg15 : memref<!tpu.dma_semaphore, #tpu.memory_space<semaphore_mem>>) {add = true}
      %add3A_152 = arith.constant 2 : i32
      %add3A_153 = arith.addi %add3A_127, %add3A_152 : i32
      %lt3A = arith.cmpi slt, %add3A_153, %select_n3A_13 : i32
      %convert_element_type3A = arith.extui %lt3A : i1 to i32
      %cond3A = arith.constant 0 : i32
      %cond3A_154 = arith.cmpi ne, %convert_element_type3A, %cond3A : i32
      scf.if %cond3A_154 {
        %ge3A = arith.constant 2 : i32
        %ge3A_257 = arith.cmpi sge, %add3A_127, %ge3A : i32
        %convert_element_type3A_258 = arith.extui %ge3A_257 : i1 to i32
        %cond3A_259 = arith.constant 0 : i32
        %cond3A_260 = arith.cmpi ne, %convert_element_type3A_258, %cond3A_259 : i32
        scf.if %cond3A_260 {
          %dma_wait3A_280 = arith.constant 2 : i32
          %dma_wait3A_281 = arith.constant 2 : i32
          %dma_wait3A_282 = arith.constant 0 : i32
          %dma_wait3A_283 = arith.constant 0 : i32
          %dma_wait3A_284 = tpu.memref_slice %arg9[%dma_wait3A_280, %dma_wait3A_282, %dma_wait3A_283] : memref<4x64x128xf32, #tpu.memory_space<vmem>> -> memref<1x64x128xf32, #tpu.memory_space<vmem>>
          %dma_wait3A_285 = tpu.memref_squeeze %dma_wait3A_284 : memref<1x64x128xf32, #tpu.memory_space<vmem>> -> memref<64x128xf32, #tpu.memory_space<vmem>>
          %dma_wait3A_286 = arith.constant 0 : i32
          %dma_wait3A_287 = tpu.memref_slice %arg8[%dma_wait3A_281, %dma_wait3A_286] : memref<4x64xi32, #tpu.memory_space<vmem>> -> memref<1x64xi32, #tpu.memory_space<vmem>>
          %dma_wait3A_288 = tpu.memref_squeeze %dma_wait3A_287 : memref<1x64xi32, #tpu.memory_space<vmem>> -> memref<64xi32, #tpu.memory_space<vmem>>
          %dma_wait3A_289 = arith.constant 0 : i32
          %dma_wait3A_290 = arith.constant 0 : i32
          %dma_wait3A_291 = tpu.memref_slice %arg10[%dma_wait3A_289, %dma_wait3A_290] : memref<10240x128xf32, #tpu.memory_space<vmem_shared>> -> memref<10240x128xf32, #tpu.memory_space<vmem_shared>>
          tpu.wait_indirect_dma semaphore(%arg17 : memref<!tpu.dma_semaphore, #tpu.memory_space<semaphore_mem>>) src(%dma_wait3A_285 : memref<64x128xf32, #tpu.memory_space<vmem>>) dst(%dma_wait3A_291 : memref<10240x128xf32, #tpu.memory_space<vmem_shared>>)
        } else {
        }
        %add3A_261 = arith.constant 2 : i32
        %add3A_262 = arith.addi %add3A_127, %add3A_261 : i32
        %mul3A_263 = arith.constant 64 : i32
        %mul3A_264 = arith.muli %add3A_262, %mul3A_263 : i32
        %add3A_265 = arith.addi %select_n3A, %mul3A_264 : i32
        %run_scoped3A_266 = arith.constant 2 : i32
        "tpu.region"() ({
          %run_scoped3A_280 = tpu.sem_alloc : memref<!tpu.dma_semaphore, #tpu.memory_space<semaphore_mem>>
          %dma_start3A_281 = arith.constant 0 : i32
          %dma_start3A_282 = tpu.memref_slice %arg7[%run_scoped3A_266, %dma_start3A_281] : memref<4x64xi32, #tpu.memory_space<vmem>> -> memref<1x64xi32, #tpu.memory_space<vmem>>
          %dma_start3A_283 = tpu.memref_squeeze %dma_start3A_282 : memref<1x64xi32, #tpu.memory_space<vmem>> -> memref<64xi32, #tpu.memory_space<vmem>>
          %dma_start3A_284 = tpu.memref_slice %arg3[%add3A_265] : memref<327680xi32, #tpu.memory_space<hbm>> -> memref<64xi32, #tpu.memory_space<hbm>>
          %dma_start3A_285 = arith.constant 0 : i32
          %dma_start3A_286 = tpu.memref_slice %arg7[%run_scoped3A_266, %dma_start3A_285] : memref<4x64xi32, #tpu.memory_space<vmem>> -> memref<1x64xi32, #tpu.memory_space<vmem>>
          %dma_start3A_287 = tpu.memref_squeeze %dma_start3A_286 : memref<1x64xi32, #tpu.memory_space<vmem>> -> memref<64xi32, #tpu.memory_space<vmem>>
          %dma_start3A_288 = tpu.memref_slice %arg3[%add3A_265] : memref<327680xi32, #tpu.memory_space<hbm>> -> memref<64xi32, #tpu.memory_space<hbm>>
          tpu.enqueue_dma source(%dma_start3A_288 : memref<64xi32, #tpu.memory_space<hbm>>) target(%dma_start3A_287 : memref<64xi32, #tpu.memory_space<vmem>>) target_semaphore(%run_scoped3A_280 : memref<!tpu.dma_semaphore, #tpu.memory_space<semaphore_mem>>)
          %dma_wait3A_289 = arith.constant 0 : i32
          %dma_wait3A_290 = tpu.memref_slice %arg7[%run_scoped3A_266, %dma_wait3A_289] : memref<4x64xi32, #tpu.memory_space<vmem>> -> memref<1x64xi32, #tpu.memory_space<vmem>>
          %dma_wait3A_291 = tpu.memref_squeeze %dma_wait3A_290 : memref<1x64xi32, #tpu.memory_space<vmem>> -> memref<64xi32, #tpu.memory_space<vmem>>
          %dma_wait3A_292 = tpu.memref_slice %arg3[%add3A_265] : memref<327680xi32, #tpu.memory_space<hbm>> -> memref<64xi32, #tpu.memory_space<hbm>>
          %dma_wait3A_293 = arith.constant 0 : i32
          %dma_wait3A_294 = tpu.memref_slice %arg7[%run_scoped3A_266, %dma_wait3A_293] : memref<4x64xi32, #tpu.memory_space<vmem>> -> memref<1x64xi32, #tpu.memory_space<vmem>>
          %dma_wait3A_295 = tpu.memref_squeeze %dma_wait3A_294 : memref<1x64xi32, #tpu.memory_space<vmem>> -> memref<64xi32, #tpu.memory_space<vmem>>
          %dma_wait3A_296 = tpu.memref_slice %arg3[%add3A_265] : memref<327680xi32, #tpu.memory_space<hbm>> -> memref<64xi32, #tpu.memory_space<hbm>>
          tpu.wait_dma2 semaphore(%run_scoped3A_280 : memref<!tpu.dma_semaphore, #tpu.memory_space<semaphore_mem>>) src(%dma_wait3A_296 : memref<64xi32, #tpu.memory_space<hbm>>) dst(%dma_wait3A_295 : memref<64xi32, #tpu.memory_space<vmem>>)
          tpu.yield
        }) : () -> ()
        %run_scoped3A_267 = arith.constant 2 : i32
        "tpu.region"() ({
          %run_scoped3A_280 = tpu.sem_alloc : memref<!tpu.dma_semaphore, #tpu.memory_space<semaphore_mem>>
          %dma_start3A_281 = arith.constant 0 : i32
          %dma_start3A_282 = tpu.memref_slice %arg8[%run_scoped3A_267, %dma_start3A_281] : memref<4x64xi32, #tpu.memory_space<vmem>> -> memref<1x64xi32, #tpu.memory_space<vmem>>
          %dma_start3A_283 = tpu.memref_squeeze %dma_start3A_282 : memref<1x64xi32, #tpu.memory_space<vmem>> -> memref<64xi32, #tpu.memory_space<vmem>>
          %dma_start3A_284 = tpu.memref_slice %arg4[%add3A_265] : memref<327680xi32, #tpu.memory_space<hbm>> -> memref<64xi32, #tpu.memory_space<hbm>>
          %dma_start3A_285 = arith.constant 0 : i32
          %dma_start3A_286 = tpu.memref_slice %arg8[%run_scoped3A_267, %dma_start3A_285] : memref<4x64xi32, #tpu.memory_space<vmem>> -> memref<1x64xi32, #tpu.memory_space<vmem>>
          %dma_start3A_287 = tpu.memref_squeeze %dma_start3A_286 : memref<1x64xi32, #tpu.memory_space<vmem>> -> memref<64xi32, #tpu.memory_space<vmem>>
          %dma_start3A_288 = tpu.memref_slice %arg4[%add3A_265] : memref<327680xi32, #tpu.memory_space<hbm>> -> memref<64xi32, #tpu.memory_space<hbm>>
          tpu.enqueue_dma source(%dma_start3A_288 : memref<64xi32, #tpu.memory_space<hbm>>) target(%dma_start3A_287 : memref<64xi32, #tpu.memory_space<vmem>>) target_semaphore(%run_scoped3A_280 : memref<!tpu.dma_semaphore, #tpu.memory_space<semaphore_mem>>)
          %dma_wait3A_289 = arith.constant 0 : i32
          %dma_wait3A_290 = tpu.memref_slice %arg8[%run_scoped3A_267, %dma_wait3A_289] : memref<4x64xi32, #tpu.memory_space<vmem>> -> memref<1x64xi32, #tpu.memory_space<vmem>>
          %dma_wait3A_291 = tpu.memref_squeeze %dma_wait3A_290 : memref<1x64xi32, #tpu.memory_space<vmem>> -> memref<64xi32, #tpu.memory_space<vmem>>
          %dma_wait3A_292 = tpu.memref_slice %arg4[%add3A_265] : memref<327680xi32, #tpu.memory_space<hbm>> -> memref<64xi32, #tpu.memory_space<hbm>>
          %dma_wait3A_293 = arith.constant 0 : i32
          %dma_wait3A_294 = tpu.memref_slice %arg8[%run_scoped3A_267, %dma_wait3A_293] : memref<4x64xi32, #tpu.memory_space<vmem>> -> memref<1x64xi32, #tpu.memory_space<vmem>>
          %dma_wait3A_295 = tpu.memref_squeeze %dma_wait3A_294 : memref<1x64xi32, #tpu.memory_space<vmem>> -> memref<64xi32, #tpu.memory_space<vmem>>
          %dma_wait3A_296 = tpu.memref_slice %arg4[%add3A_265] : memref<327680xi32, #tpu.memory_space<hbm>> -> memref<64xi32, #tpu.memory_space<hbm>>
          tpu.wait_dma2 semaphore(%run_scoped3A_280 : memref<!tpu.dma_semaphore, #tpu.memory_space<semaphore_mem>>) src(%dma_wait3A_296 : memref<64xi32, #tpu.memory_space<hbm>>) dst(%dma_wait3A_295 : memref<64xi32, #tpu.memory_space<vmem>>)
          tpu.yield
        }) : () -> ()
        %dma_start3A_268 = arith.constant 2 : i32
        %dma_start3A_269 = arith.constant 2 : i32
        %dma_start3A_270 = arith.constant 0 : i32
        %dma_start3A_271 = arith.constant 0 : i32
        %dma_start3A_272 = tpu.memref_slice %arg9[%dma_start3A_269, %dma_start3A_270, %dma_start3A_271] : memref<4x64x128xf32, #tpu.memory_space<vmem>> -> memref<1x64x128xf32, #tpu.memory_space<vmem>>
        %dma_start3A_273 = tpu.memref_squeeze %dma_start3A_272 : memref<1x64x128xf32, #tpu.memory_space<vmem>> -> memref<64x128xf32, #tpu.memory_space<vmem>>
        %dma_start3A_274 = arith.constant 0 : i32
        %dma_start3A_275 = tpu.memref_slice %arg7[%dma_start3A_268, %dma_start3A_274] : memref<4x64xi32, #tpu.memory_space<vmem>> -> memref<1x64xi32, #tpu.memory_space<vmem>>
        %dma_start3A_276 = tpu.memref_squeeze %dma_start3A_275 : memref<1x64xi32, #tpu.memory_space<vmem>> -> memref<64xi32, #tpu.memory_space<vmem>>
        %dma_start3A_277 = arith.constant 0 : i32
        %dma_start3A_278 = arith.constant 0 : i32
        %dma_start3A_279 = tpu.memref_slice %arg2[%dma_start3A_277, %dma_start3A_278] : memref<10000x128xf32, #tpu.memory_space<hbm>> -> memref<10000x128xf32, #tpu.memory_space<hbm>>
        tpu.enqueue_indirect_dma source(%dma_start3A_279 : memref<10000x128xf32, #tpu.memory_space<hbm>>) target(%dma_start3A_273 : memref<64x128xf32, #tpu.memory_space<vmem>>) offsets(%dma_start3A_276 : memref<64xi32, #tpu.memory_space<vmem>>) semaphore(%arg13 : memref<!tpu.dma_semaphore, #tpu.memory_space<semaphore_mem>>)
      } else {
      }
      %mul3A_155 = arith.constant 4 : i32
      %mul3A_156 = arith.muli %mul3A_155, %while3A_123 : i32
      %add3A_157 = arith.constant 1 : i32
      %add3A_158 = arith.addi %mul3A_156, %add3A_157 : i32
      %dma_wait3A_159 = arith.constant 1 : i32
      %dma_wait3A_160 = arith.constant 1 : i32
      %dma_wait3A_161 = arith.constant 0 : i32
      %dma_wait3A_162 = arith.constant 0 : i32
      %dma_wait3A_163 = tpu.memref_slice %arg9[%dma_wait3A_160, %dma_wait3A_161, %dma_wait3A_162] : memref<4x64x128xf32, #tpu.memory_space<vmem>> -> memref<1x64x128xf32, #tpu.memory_space<vmem>>
      %dma_wait3A_164 = tpu.memref_squeeze %dma_wait3A_163 : memref<1x64x128xf32, #tpu.memory_space<vmem>> -> memref<64x128xf32, #tpu.memory_space<vmem>>
      %dma_wait3A_165 = arith.constant 0 : i32
      %dma_wait3A_166 = tpu.memref_slice %arg7[%dma_wait3A_159, %dma_wait3A_165] : memref<4x64xi32, #tpu.memory_space<vmem>> -> memref<1x64xi32, #tpu.memory_space<vmem>>
      %dma_wait3A_167 = tpu.memref_squeeze %dma_wait3A_166 : memref<1x64xi32, #tpu.memory_space<vmem>> -> memref<64xi32, #tpu.memory_space<vmem>>
      %dma_wait3A_168 = arith.constant 0 : i32
      %dma_wait3A_169 = arith.constant 0 : i32
      %dma_wait3A_170 = tpu.memref_slice %arg2[%dma_wait3A_168, %dma_wait3A_169] : memref<10000x128xf32, #tpu.memory_space<hbm>> -> memref<10000x128xf32, #tpu.memory_space<hbm>>
      tpu.wait_indirect_dma semaphore(%arg12 : memref<!tpu.dma_semaphore, #tpu.memory_space<semaphore_mem>>) src(%dma_wait3A_170 : memref<10000x128xf32, #tpu.memory_space<hbm>>) dst(%dma_wait3A_164 : memref<64x128xf32, #tpu.memory_space<vmem>>)
      %dma_start3A_171 = arith.constant 1 : i32
      %dma_start3A_172 = arith.constant 1 : i32
      %dma_start3A_173 = arith.constant 0 : i32
      %dma_start3A_174 = arith.constant 0 : i32
      %dma_start3A_175 = tpu.memref_slice %arg9[%dma_start3A_171, %dma_start3A_173, %dma_start3A_174] : memref<4x64x128xf32, #tpu.memory_space<vmem>> -> memref<1x64x128xf32, #tpu.memory_space<vmem>>
      %dma_start3A_176 = tpu.memref_squeeze %dma_start3A_175 : memref<1x64x128xf32, #tpu.memory_space<vmem>> -> memref<64x128xf32, #tpu.memory_space<vmem>>
      %dma_start3A_177 = arith.constant 0 : i32
      %dma_start3A_178 = tpu.memref_slice %arg8[%dma_start3A_172, %dma_start3A_177] : memref<4x64xi32, #tpu.memory_space<vmem>> -> memref<1x64xi32, #tpu.memory_space<vmem>>
      %dma_start3A_179 = tpu.memref_squeeze %dma_start3A_178 : memref<1x64xi32, #tpu.memory_space<vmem>> -> memref<64xi32, #tpu.memory_space<vmem>>
      %dma_start3A_180 = arith.constant 0 : i32
      %dma_start3A_181 = arith.constant 0 : i32
      %dma_start3A_182 = tpu.memref_slice %arg10[%dma_start3A_180, %dma_start3A_181] : memref<10240x128xf32, #tpu.memory_space<vmem_shared>> -> memref<10240x128xf32, #tpu.memory_space<vmem_shared>>
      tpu.enqueue_indirect_dma source(%dma_start3A_176 : memref<64x128xf32, #tpu.memory_space<vmem>>) target(%dma_start3A_182 : memref<10240x128xf32, #tpu.memory_space<vmem_shared>>) offsets(%dma_start3A_179 : memref<64xi32, #tpu.memory_space<vmem>>) semaphore(%arg16 : memref<!tpu.dma_semaphore, #tpu.memory_space<semaphore_mem>>) {add = true}
      %add3A_183 = arith.constant 2 : i32
      %add3A_184 = arith.addi %add3A_158, %add3A_183 : i32
      %lt3A_185 = arith.cmpi slt, %add3A_184, %select_n3A_13 : i32
      %convert_element_type3A_186 = arith.extui %lt3A_185 : i1 to i32
      %cond3A_187 = arith.constant 0 : i32
      %cond3A_188 = arith.cmpi ne, %convert_element_type3A_186, %cond3A_187 : i32
      scf.if %cond3A_188 {
        %ge3A = arith.constant 2 : i32
        %ge3A_257 = arith.cmpi sge, %add3A_158, %ge3A : i32
        %convert_element_type3A_258 = arith.extui %ge3A_257 : i1 to i32
        %cond3A_259 = arith.constant 0 : i32
        %cond3A_260 = arith.cmpi ne, %convert_element_type3A_258, %cond3A_259 : i32
        scf.if %cond3A_260 {
          %dma_wait3A_280 = arith.constant 3 : i32
          %dma_wait3A_281 = arith.constant 3 : i32
          %dma_wait3A_282 = arith.constant 0 : i32
          %dma_wait3A_283 = arith.constant 0 : i32
          %dma_wait3A_284 = tpu.memref_slice %arg9[%dma_wait3A_280, %dma_wait3A_282, %dma_wait3A_283] : memref<4x64x128xf32, #tpu.memory_space<vmem>> -> memref<1x64x128xf32, #tpu.memory_space<vmem>>
          %dma_wait3A_285 = tpu.memref_squeeze %dma_wait3A_284 : memref<1x64x128xf32, #tpu.memory_space<vmem>> -> memref<64x128xf32, #tpu.memory_space<vmem>>
          %dma_wait3A_286 = arith.constant 0 : i32
          %dma_wait3A_287 = tpu.memref_slice %arg8[%dma_wait3A_281, %dma_wait3A_286] : memref<4x64xi32, #tpu.memory_space<vmem>> -> memref<1x64xi32, #tpu.memory_space<vmem>>
          %dma_wait3A_288 = tpu.memref_squeeze %dma_wait3A_287 : memref<1x64xi32, #tpu.memory_space<vmem>> -> memref<64xi32, #tpu.memory_space<vmem>>
          %dma_wait3A_289 = arith.constant 0 : i32
          %dma_wait3A_290 = arith.constant 0 : i32
          %dma_wait3A_291 = tpu.memref_slice %arg10[%dma_wait3A_289, %dma_wait3A_290] : memref<10240x128xf32, #tpu.memory_space<vmem_shared>> -> memref<10240x128xf32, #tpu.memory_space<vmem_shared>>
          tpu.wait_indirect_dma semaphore(%arg18 : memref<!tpu.dma_semaphore, #tpu.memory_space<semaphore_mem>>) src(%dma_wait3A_285 : memref<64x128xf32, #tpu.memory_space<vmem>>) dst(%dma_wait3A_291 : memref<10240x128xf32, #tpu.memory_space<vmem_shared>>)
        } else {
        }
        %add3A_261 = arith.constant 2 : i32
        %add3A_262 = arith.addi %add3A_158, %add3A_261 : i32
        %mul3A_263 = arith.constant 64 : i32
        %mul3A_264 = arith.muli %add3A_262, %mul3A_263 : i32
        %add3A_265 = arith.addi %select_n3A, %mul3A_264 : i32
        %run_scoped3A_266 = arith.constant 3 : i32
        "tpu.region"() ({
          %run_scoped3A_280 = tpu.sem_alloc : memref<!tpu.dma_semaphore, #tpu.memory_space<semaphore_mem>>
          %dma_start3A_281 = arith.constant 0 : i32
          %dma_start3A_282 = tpu.memref_slice %arg7[%run_scoped3A_266, %dma_start3A_281] : memref<4x64xi32, #tpu.memory_space<vmem>> -> memref<1x64xi32, #tpu.memory_space<vmem>>
          %dma_start3A_283 = tpu.memref_squeeze %dma_start3A_282 : memref<1x64xi32, #tpu.memory_space<vmem>> -> memref<64xi32, #tpu.memory_space<vmem>>
          %dma_start3A_284 = tpu.memref_slice %arg3[%add3A_265] : memref<327680xi32, #tpu.memory_space<hbm>> -> memref<64xi32, #tpu.memory_space<hbm>>
          %dma_start3A_285 = arith.constant 0 : i32
          %dma_start3A_286 = tpu.memref_slice %arg7[%run_scoped3A_266, %dma_start3A_285] : memref<4x64xi32, #tpu.memory_space<vmem>> -> memref<1x64xi32, #tpu.memory_space<vmem>>
          %dma_start3A_287 = tpu.memref_squeeze %dma_start3A_286 : memref<1x64xi32, #tpu.memory_space<vmem>> -> memref<64xi32, #tpu.memory_space<vmem>>
          %dma_start3A_288 = tpu.memref_slice %arg3[%add3A_265] : memref<327680xi32, #tpu.memory_space<hbm>> -> memref<64xi32, #tpu.memory_space<hbm>>
          tpu.enqueue_dma source(%dma_start3A_288 : memref<64xi32, #tpu.memory_space<hbm>>) target(%dma_start3A_287 : memref<64xi32, #tpu.memory_space<vmem>>) target_semaphore(%run_scoped3A_280 : memref<!tpu.dma_semaphore, #tpu.memory_space<semaphore_mem>>)
          %dma_wait3A_289 = arith.constant 0 : i32
          %dma_wait3A_290 = tpu.memref_slice %arg7[%run_scoped3A_266, %dma_wait3A_289] : memref<4x64xi32, #tpu.memory_space<vmem>> -> memref<1x64xi32, #tpu.memory_space<vmem>>
          %dma_wait3A_291 = tpu.memref_squeeze %dma_wait3A_290 : memref<1x64xi32, #tpu.memory_space<vmem>> -> memref<64xi32, #tpu.memory_space<vmem>>
          %dma_wait3A_292 = tpu.memref_slice %arg3[%add3A_265] : memref<327680xi32, #tpu.memory_space<hbm>> -> memref<64xi32, #tpu.memory_space<hbm>>
          %dma_wait3A_293 = arith.constant 0 : i32
          %dma_wait3A_294 = tpu.memref_slice %arg7[%run_scoped3A_266, %dma_wait3A_293] : memref<4x64xi32, #tpu.memory_space<vmem>> -> memref<1x64xi32, #tpu.memory_space<vmem>>
          %dma_wait3A_295 = tpu.memref_squeeze %dma_wait3A_294 : memref<1x64xi32, #tpu.memory_space<vmem>> -> memref<64xi32, #tpu.memory_space<vmem>>
          %dma_wait3A_296 = tpu.memref_slice %arg3[%add3A_265] : memref<327680xi32, #tpu.memory_space<hbm>> -> memref<64xi32, #tpu.memory_space<hbm>>
          tpu.wait_dma2 semaphore(%run_scoped3A_280 : memref<!tpu.dma_semaphore, #tpu.memory_space<semaphore_mem>>) src(%dma_wait3A_296 : memref<64xi32, #tpu.memory_space<hbm>>) dst(%dma_wait3A_295 : memref<64xi32, #tpu.memory_space<vmem>>)
          tpu.yield
        }) : () -> ()
        %run_scoped3A_267 = arith.constant 3 : i32
        "tpu.region"() ({
          %run_scoped3A_280 = tpu.sem_alloc : memref<!tpu.dma_semaphore, #tpu.memory_space<semaphore_mem>>
          %dma_start3A_281 = arith.constant 0 : i32
          %dma_start3A_282 = tpu.memref_slice %arg8[%run_scoped3A_267, %dma_start3A_281] : memref<4x64xi32, #tpu.memory_space<vmem>> -> memref<1x64xi32, #tpu.memory_space<vmem>>
          %dma_start3A_283 = tpu.memref_squeeze %dma_start3A_282 : memref<1x64xi32, #tpu.memory_space<vmem>> -> memref<64xi32, #tpu.memory_space<vmem>>
          %dma_start3A_284 = tpu.memref_slice %arg4[%add3A_265] : memref<327680xi32, #tpu.memory_space<hbm>> -> memref<64xi32, #tpu.memory_space<hbm>>
          %dma_start3A_285 = arith.constant 0 : i32
          %dma_start3A_286 = tpu.memref_slice %arg8[%run_scoped3A_267, %dma_start3A_285] : memref<4x64xi32, #tpu.memory_space<vmem>> -> memref<1x64xi32, #tpu.memory_space<vmem>>
          %dma_start3A_287 = tpu.memref_squeeze %dma_start3A_286 : memref<1x64xi32, #tpu.memory_space<vmem>> -> memref<64xi32, #tpu.memory_space<vmem>>
          %dma_start3A_288 = tpu.memref_slice %arg4[%add3A_265] : memref<327680xi32, #tpu.memory_space<hbm>> -> memref<64xi32, #tpu.memory_space<hbm>>
          tpu.enqueue_dma source(%dma_start3A_288 : memref<64xi32, #tpu.memory_space<hbm>>) target(%dma_start3A_287 : memref<64xi32, #tpu.memory_space<vmem>>) target_semaphore(%run_scoped3A_280 : memref<!tpu.dma_semaphore, #tpu.memory_space<semaphore_mem>>)
          %dma_wait3A_289 = arith.constant 0 : i32
          %dma_wait3A_290 = tpu.memref_slice %arg8[%run_scoped3A_267, %dma_wait3A_289] : memref<4x64xi32, #tpu.memory_space<vmem>> -> memref<1x64xi32, #tpu.memory_space<vmem>>
          %dma_wait3A_291 = tpu.memref_squeeze %dma_wait3A_290 : memref<1x64xi32, #tpu.memory_space<vmem>> -> memref<64xi32, #tpu.memory_space<vmem>>
          %dma_wait3A_292 = tpu.memref_slice %arg4[%add3A_265] : memref<327680xi32, #tpu.memory_space<hbm>> -> memref<64xi32, #tpu.memory_space<hbm>>
          %dma_wait3A_293 = arith.constant 0 : i32
          %dma_wait3A_294 = tpu.memref_slice %arg8[%run_scoped3A_267, %dma_wait3A_293] : memref<4x64xi32, #tpu.memory_space<vmem>> -> memref<1x64xi32, #tpu.memory_space<vmem>>
          %dma_wait3A_295 = tpu.memref_squeeze %dma_wait3A_294 : memref<1x64xi32, #tpu.memory_space<vmem>> -> memref<64xi32, #tpu.memory_space<vmem>>
          %dma_wait3A_296 = tpu.memref_slice %arg4[%add3A_265] : memref<327680xi32, #tpu.memory_space<hbm>> -> memref<64xi32, #tpu.memory_space<hbm>>
          tpu.wait_dma2 semaphore(%run_scoped3A_280 : memref<!tpu.dma_semaphore, #tpu.memory_space<semaphore_mem>>) src(%dma_wait3A_296 : memref<64xi32, #tpu.memory_space<hbm>>) dst(%dma_wait3A_295 : memref<64xi32, #tpu.memory_space<vmem>>)
          tpu.yield
        }) : () -> ()
        %dma_start3A_268 = arith.constant 3 : i32
        %dma_start3A_269 = arith.constant 3 : i32
        %dma_start3A_270 = arith.constant 0 : i32
        %dma_start3A_271 = arith.constant 0 : i32
        %dma_start3A_272 = tpu.memref_slice %arg9[%dma_start3A_269, %dma_start3A_270, %dma_start3A_271] : memref<4x64x128xf32, #tpu.memory_space<vmem>> -> memref<1x64x128xf32, #tpu.memory_space<vmem>>
        %dma_start3A_273 = tpu.memref_squeeze %dma_start3A_272 : memref<1x64x128xf32, #tpu.memory_space<vmem>> -> memref<64x128xf32, #tpu.memory_space<vmem>>
        %dma_start3A_274 = arith.constant 0 : i32
        %dma_start3A_275 = tpu.memref_slice %arg7[%dma_start3A_268, %dma_start3A_274] : memref<4x64xi32, #tpu.memory_space<vmem>> -> memref<1x64xi32, #tpu.memory_space<vmem>>
        %dma_start3A_276 = tpu.memref_squeeze %dma_start3A_275 : memref<1x64xi32, #tpu.memory_space<vmem>> -> memref<64xi32, #tpu.memory_space<vmem>>
        %dma_start3A_277 = arith.constant 0 : i32
        %dma_start3A_278 = arith.constant 0 : i32
        %dma_start3A_279 = tpu.memref_slice %arg2[%dma_start3A_277, %dma_start3A_278] : memref<10000x128xf32, #tpu.memory_space<hbm>> -> memref<10000x128xf32, #tpu.memory_space<hbm>>
        tpu.enqueue_indirect_dma source(%dma_start3A_279 : memref<10000x128xf32, #tpu.memory_space<hbm>>) target(%dma_start3A_273 : memref<64x128xf32, #tpu.memory_space<vmem>>) offsets(%dma_start3A_276 : memref<64xi32, #tpu.memory_space<vmem>>) semaphore(%arg14 : memref<!tpu.dma_semaphore, #tpu.memory_space<semaphore_mem>>)
      } else {
      }
      %mul3A_189 = arith.constant 4 : i32
      %mul3A_190 = arith.muli %mul3A_189, %while3A_123 : i32
      %add3A_191 = arith.constant 2 : i32
      %add3A_192 = arith.addi %mul3A_190, %add3A_191 : i32
      %dma_wait3A_193 = arith.constant 2 : i32
      %dma_wait3A_194 = arith.constant 2 : i32
      %dma_wait3A_195 = arith.constant 0 : i32
      %dma_wait3A_196 = arith.constant 0 : i32
      %dma_wait3A_197 = tpu.memref_slice %arg9[%dma_wait3A_194, %dma_wait3A_195, %dma_wait3A_196] : memref<4x64x128xf32, #tpu.memory_space<vmem>> -> memref<1x64x128xf32, #tpu.memory_space<vmem>>
      %dma_wait3A_198 = tpu.memref_squeeze %dma_wait3A_197 : memref<1x64x128xf32, #tpu.memory_space<vmem>> -> memref<64x128xf32, #tpu.memory_space<vmem>>
      %dma_wait3A_199 = arith.constant 0 : i32
      %dma_wait3A_200 = tpu.memref_slice %arg7[%dma_wait3A_193, %dma_wait3A_199] : memref<4x64xi32, #tpu.memory_space<vmem>> -> memref<1x64xi32, #tpu.memory_space<vmem>>
      %dma_wait3A_201 = tpu.memref_squeeze %dma_wait3A_200 : memref<1x64xi32, #tpu.memory_space<vmem>> -> memref<64xi32, #tpu.memory_space<vmem>>
      %dma_wait3A_202 = arith.constant 0 : i32
      %dma_wait3A_203 = arith.constant 0 : i32
      %dma_wait3A_204 = tpu.memref_slice %arg2[%dma_wait3A_202, %dma_wait3A_203] : memref<10000x128xf32, #tpu.memory_space<hbm>> -> memref<10000x128xf32, #tpu.memory_space<hbm>>
      tpu.wait_indirect_dma semaphore(%arg13 : memref<!tpu.dma_semaphore, #tpu.memory_space<semaphore_mem>>) src(%dma_wait3A_204 : memref<10000x128xf32, #tpu.memory_space<hbm>>) dst(%dma_wait3A_198 : memref<64x128xf32, #tpu.memory_space<vmem>>)
      %dma_start3A_205 = arith.constant 2 : i32
      %dma_start3A_206 = arith.constant 2 : i32
      %dma_start3A_207 = arith.constant 0 : i32
      %dma_start3A_208 = arith.constant 0 : i32
      %dma_start3A_209 = tpu.memref_slice %arg9[%dma_start3A_205, %dma_start3A_207, %dma_start3A_208] : memref<4x64x128xf32, #tpu.memory_space<vmem>> -> memref<1x64x128xf32, #tpu.memory_space<vmem>>
      %dma_start3A_210 = tpu.memref_squeeze %dma_start3A_209 : memref<1x64x128xf32, #tpu.memory_space<vmem>> -> memref<64x128xf32, #tpu.memory_space<vmem>>
      %dma_start3A_211 = arith.constant 0 : i32
      %dma_start3A_212 = tpu.memref_slice %arg8[%dma_start3A_206, %dma_start3A_211] : memref<4x64xi32, #tpu.memory_space<vmem>> -> memref<1x64xi32, #tpu.memory_space<vmem>>
      %dma_start3A_213 = tpu.memref_squeeze %dma_start3A_212 : memref<1x64xi32, #tpu.memory_space<vmem>> -> memref<64xi32, #tpu.memory_space<vmem>>
      %dma_start3A_214 = arith.constant 0 : i32
      %dma_start3A_215 = arith.constant 0 : i32
      %dma_start3A_216 = tpu.memref_slice %arg10[%dma_start3A_214, %dma_start3A_215] : memref<10240x128xf32, #tpu.memory_space<vmem_shared>> -> memref<10240x128xf32, #tpu.memory_space<vmem_shared>>
      tpu.enqueue_indirect_dma source(%dma_start3A_210 : memref<64x128xf32, #tpu.memory_space<vmem>>) target(%dma_start3A_216 : memref<10240x128xf32, #tpu.memory_space<vmem_shared>>) offsets(%dma_start3A_213 : memref<64xi32, #tpu.memory_space<vmem>>) semaphore(%arg17 : memref<!tpu.dma_semaphore, #tpu.memory_space<semaphore_mem>>) {add = true}
      %add3A_217 = arith.constant 2 : i32
      %add3A_218 = arith.addi %add3A_192, %add3A_217 : i32
      %lt3A_219 = arith.cmpi slt, %add3A_218, %select_n3A_13 : i32
      %convert_element_type3A_220 = arith.extui %lt3A_219 : i1 to i32
      %cond3A_221 = arith.constant 0 : i32
      %cond3A_222 = arith.cmpi ne, %convert_element_type3A_220, %cond3A_221 : i32
      scf.if %cond3A_222 {
        %ge3A = arith.constant 2 : i32
        %ge3A_257 = arith.cmpi sge, %add3A_192, %ge3A : i32
        %convert_element_type3A_258 = arith.extui %ge3A_257 : i1 to i32
        %cond3A_259 = arith.constant 0 : i32
        %cond3A_260 = arith.cmpi ne, %convert_element_type3A_258, %cond3A_259 : i32
        scf.if %cond3A_260 {
          %dma_wait3A_280 = arith.constant 0 : i32
          %dma_wait3A_281 = arith.constant 0 : i32
          %dma_wait3A_282 = arith.constant 0 : i32
          %dma_wait3A_283 = arith.constant 0 : i32
          %dma_wait3A_284 = tpu.memref_slice %arg9[%dma_wait3A_280, %dma_wait3A_282, %dma_wait3A_283] : memref<4x64x128xf32, #tpu.memory_space<vmem>> -> memref<1x64x128xf32, #tpu.memory_space<vmem>>
          %dma_wait3A_285 = tpu.memref_squeeze %dma_wait3A_284 : memref<1x64x128xf32, #tpu.memory_space<vmem>> -> memref<64x128xf32, #tpu.memory_space<vmem>>
          %dma_wait3A_286 = arith.constant 0 : i32
          %dma_wait3A_287 = tpu.memref_slice %arg8[%dma_wait3A_281, %dma_wait3A_286] : memref<4x64xi32, #tpu.memory_space<vmem>> -> memref<1x64xi32, #tpu.memory_space<vmem>>
          %dma_wait3A_288 = tpu.memref_squeeze %dma_wait3A_287 : memref<1x64xi32, #tpu.memory_space<vmem>> -> memref<64xi32, #tpu.memory_space<vmem>>
          %dma_wait3A_289 = arith.constant 0 : i32
          %dma_wait3A_290 = arith.constant 0 : i32
          %dma_wait3A_291 = tpu.memref_slice %arg10[%dma_wait3A_289, %dma_wait3A_290] : memref<10240x128xf32, #tpu.memory_space<vmem_shared>> -> memref<10240x128xf32, #tpu.memory_space<vmem_shared>>
          tpu.wait_indirect_dma semaphore(%arg15 : memref<!tpu.dma_semaphore, #tpu.memory_space<semaphore_mem>>) src(%dma_wait3A_285 : memref<64x128xf32, #tpu.memory_space<vmem>>) dst(%dma_wait3A_291 : memref<10240x128xf32, #tpu.memory_space<vmem_shared>>)
        } else {
        }
        %add3A_261 = arith.constant 2 : i32
        %add3A_262 = arith.addi %add3A_192, %add3A_261 : i32
        %mul3A_263 = arith.constant 64 : i32
        %mul3A_264 = arith.muli %add3A_262, %mul3A_263 : i32
        %add3A_265 = arith.addi %select_n3A, %mul3A_264 : i32
        %run_scoped3A_266 = arith.constant 0 : i32
        "tpu.region"() ({
          %run_scoped3A_280 = tpu.sem_alloc : memref<!tpu.dma_semaphore, #tpu.memory_space<semaphore_mem>>
          %dma_start3A_281 = arith.constant 0 : i32
          %dma_start3A_282 = tpu.memref_slice %arg7[%run_scoped3A_266, %dma_start3A_281] : memref<4x64xi32, #tpu.memory_space<vmem>> -> memref<1x64xi32, #tpu.memory_space<vmem>>
          %dma_start3A_283 = tpu.memref_squeeze %dma_start3A_282 : memref<1x64xi32, #tpu.memory_space<vmem>> -> memref<64xi32, #tpu.memory_space<vmem>>
          %dma_start3A_284 = tpu.memref_slice %arg3[%add3A_265] : memref<327680xi32, #tpu.memory_space<hbm>> -> memref<64xi32, #tpu.memory_space<hbm>>
          %dma_start3A_285 = arith.constant 0 : i32
          %dma_start3A_286 = tpu.memref_slice %arg7[%run_scoped3A_266, %dma_start3A_285] : memref<4x64xi32, #tpu.memory_space<vmem>> -> memref<1x64xi32, #tpu.memory_space<vmem>>
          %dma_start3A_287 = tpu.memref_squeeze %dma_start3A_286 : memref<1x64xi32, #tpu.memory_space<vmem>> -> memref<64xi32, #tpu.memory_space<vmem>>
          %dma_start3A_288 = tpu.memref_slice %arg3[%add3A_265] : memref<327680xi32, #tpu.memory_space<hbm>> -> memref<64xi32, #tpu.memory_space<hbm>>
          tpu.enqueue_dma source(%dma_start3A_288 : memref<64xi32, #tpu.memory_space<hbm>>) target(%dma_start3A_287 : memref<64xi32, #tpu.memory_space<vmem>>) target_semaphore(%run_scoped3A_280 : memref<!tpu.dma_semaphore, #tpu.memory_space<semaphore_mem>>)
          %dma_wait3A_289 = arith.constant 0 : i32
          %dma_wait3A_290 = tpu.memref_slice %arg7[%run_scoped3A_266, %dma_wait3A_289] : memref<4x64xi32, #tpu.memory_space<vmem>> -> memref<1x64xi32, #tpu.memory_space<vmem>>
          %dma_wait3A_291 = tpu.memref_squeeze %dma_wait3A_290 : memref<1x64xi32, #tpu.memory_space<vmem>> -> memref<64xi32, #tpu.memory_space<vmem>>
          %dma_wait3A_292 = tpu.memref_slice %arg3[%add3A_265] : memref<327680xi32, #tpu.memory_space<hbm>> -> memref<64xi32, #tpu.memory_space<hbm>>
          %dma_wait3A_293 = arith.constant 0 : i32
          %dma_wait3A_294 = tpu.memref_slice %arg7[%run_scoped3A_266, %dma_wait3A_293] : memref<4x64xi32, #tpu.memory_space<vmem>> -> memref<1x64xi32, #tpu.memory_space<vmem>>
          %dma_wait3A_295 = tpu.memref_squeeze %dma_wait3A_294 : memref<1x64xi32, #tpu.memory_space<vmem>> -> memref<64xi32, #tpu.memory_space<vmem>>
          %dma_wait3A_296 = tpu.memref_slice %arg3[%add3A_265] : memref<327680xi32, #tpu.memory_space<hbm>> -> memref<64xi32, #tpu.memory_space<hbm>>
          tpu.wait_dma2 semaphore(%run_scoped3A_280 : memref<!tpu.dma_semaphore, #tpu.memory_space<semaphore_mem>>) src(%dma_wait3A_296 : memref<64xi32, #tpu.memory_space<hbm>>) dst(%dma_wait3A_295 : memref<64xi32, #tpu.memory_space<vmem>>)
          tpu.yield
        }) : () -> ()
        %run_scoped3A_267 = arith.constant 0 : i32
        "tpu.region"() ({
          %run_scoped3A_280 = tpu.sem_alloc : memref<!tpu.dma_semaphore, #tpu.memory_space<semaphore_mem>>
          %dma_start3A_281 = arith.constant 0 : i32
          %dma_start3A_282 = tpu.memref_slice %arg8[%run_scoped3A_267, %dma_start3A_281] : memref<4x64xi32, #tpu.memory_space<vmem>> -> memref<1x64xi32, #tpu.memory_space<vmem>>
          %dma_start3A_283 = tpu.memref_squeeze %dma_start3A_282 : memref<1x64xi32, #tpu.memory_space<vmem>> -> memref<64xi32, #tpu.memory_space<vmem>>
          %dma_start3A_284 = tpu.memref_slice %arg4[%add3A_265] : memref<327680xi32, #tpu.memory_space<hbm>> -> memref<64xi32, #tpu.memory_space<hbm>>
          %dma_start3A_285 = arith.constant 0 : i32
          %dma_start3A_286 = tpu.memref_slice %arg8[%run_scoped3A_267, %dma_start3A_285] : memref<4x64xi32, #tpu.memory_space<vmem>> -> memref<1x64xi32, #tpu.memory_space<vmem>>
          %dma_start3A_287 = tpu.memref_squeeze %dma_start3A_286 : memref<1x64xi32, #tpu.memory_space<vmem>> -> memref<64xi32, #tpu.memory_space<vmem>>
          %dma_start3A_288 = tpu.memref_slice %arg4[%add3A_265] : memref<327680xi32, #tpu.memory_space<hbm>> -> memref<64xi32, #tpu.memory_space<hbm>>
          tpu.enqueue_dma source(%dma_start3A_288 : memref<64xi32, #tpu.memory_space<hbm>>) target(%dma_start3A_287 : memref<64xi32, #tpu.memory_space<vmem>>) target_semaphore(%run_scoped3A_280 : memref<!tpu.dma_semaphore, #tpu.memory_space<semaphore_mem>>)
          %dma_wait3A_289 = arith.constant 0 : i32
          %dma_wait3A_290 = tpu.memref_slice %arg8[%run_scoped3A_267, %dma_wait3A_289] : memref<4x64xi32, #tpu.memory_space<vmem>> -> memref<1x64xi32, #tpu.memory_space<vmem>>
          %dma_wait3A_291 = tpu.memref_squeeze %dma_wait3A_290 : memref<1x64xi32, #tpu.memory_space<vmem>> -> memref<64xi32, #tpu.memory_space<vmem>>
          %dma_wait3A_292 = tpu.memref_slice %arg4[%add3A_265] : memref<327680xi32, #tpu.memory_space<hbm>> -> memref<64xi32, #tpu.memory_space<hbm>>
          %dma_wait3A_293 = arith.constant 0 : i32
          %dma_wait3A_294 = tpu.memref_slice %arg8[%run_scoped3A_267, %dma_wait3A_293] : memref<4x64xi32, #tpu.memory_space<vmem>> -> memref<1x64xi32, #tpu.memory_space<vmem>>
          %dma_wait3A_295 = tpu.memref_squeeze %dma_wait3A_294 : memref<1x64xi32, #tpu.memory_space<vmem>> -> memref<64xi32, #tpu.memory_space<vmem>>
          %dma_wait3A_296 = tpu.memref_slice %arg4[%add3A_265] : memref<327680xi32, #tpu.memory_space<hbm>> -> memref<64xi32, #tpu.memory_space<hbm>>
          tpu.wait_dma2 semaphore(%run_scoped3A_280 : memref<!tpu.dma_semaphore, #tpu.memory_space<semaphore_mem>>) src(%dma_wait3A_296 : memref<64xi32, #tpu.memory_space<hbm>>) dst(%dma_wait3A_295 : memref<64xi32, #tpu.memory_space<vmem>>)
          tpu.yield
        }) : () -> ()
        %dma_start3A_268 = arith.constant 0 : i32
        %dma_start3A_269 = arith.constant 0 : i32
        %dma_start3A_270 = arith.constant 0 : i32
        %dma_start3A_271 = arith.constant 0 : i32
        %dma_start3A_272 = tpu.memref_slice %arg9[%dma_start3A_269, %dma_start3A_270, %dma_start3A_271] : memref<4x64x128xf32, #tpu.memory_space<vmem>> -> memref<1x64x128xf32, #tpu.memory_space<vmem>>
        %dma_start3A_273 = tpu.memref_squeeze %dma_start3A_272 : memref<1x64x128xf32, #tpu.memory_space<vmem>> -> memref<64x128xf32, #tpu.memory_space<vmem>>
        %dma_start3A_274 = arith.constant 0 : i32
        %dma_start3A_275 = tpu.memref_slice %arg7[%dma_start3A_268, %dma_start3A_274] : memref<4x64xi32, #tpu.memory_space<vmem>> -> memref<1x64xi32, #tpu.memory_space<vmem>>
        %dma_start3A_276 = tpu.memref_squeeze %dma_start3A_275 : memref<1x64xi32, #tpu.memory_space<vmem>> -> memref<64xi32, #tpu.memory_space<vmem>>
        %dma_start3A_277 = arith.constant 0 : i32
        %dma_start3A_278 = arith.constant 0 : i32
        %dma_start3A_279 = tpu.memref_slice %arg2[%dma_start3A_277, %dma_start3A_278] : memref<10000x128xf32, #tpu.memory_space<hbm>> -> memref<10000x128xf32, #tpu.memory_space<hbm>>
        tpu.enqueue_indirect_dma source(%dma_start3A_279 : memref<10000x128xf32, #tpu.memory_space<hbm>>) target(%dma_start3A_273 : memref<64x128xf32, #tpu.memory_space<vmem>>) offsets(%dma_start3A_276 : memref<64xi32, #tpu.memory_space<vmem>>) semaphore(%arg11 : memref<!tpu.dma_semaphore, #tpu.memory_space<semaphore_mem>>)
      } else {
      }
      %mul3A_223 = arith.constant 4 : i32
      %mul3A_224 = arith.muli %mul3A_223, %while3A_123 : i32
      %add3A_225 = arith.constant 3 : i32
      %add3A_226 = arith.addi %mul3A_224, %add3A_225 : i32
      %dma_wait3A_227 = arith.constant 3 : i32
      %dma_wait3A_228 = arith.constant 3 : i32
      %dma_wait3A_229 = arith.constant 0 : i32
      %dma_wait3A_230 = arith.constant 0 : i32
      %dma_wait3A_231 = tpu.memref_slice %arg9[%dma_wait3A_228, %dma_wait3A_229, %dma_wait3A_230] : memref<4x64x128xf32, #tpu.memory_space<vmem>> -> memref<1x64x128xf32, #tpu.memory_space<vmem>>
      %dma_wait3A_232 = tpu.memref_squeeze %dma_wait3A_231 : memref<1x64x128xf32, #tpu.memory_space<vmem>> -> memref<64x128xf32, #tpu.memory_space<vmem>>
      %dma_wait3A_233 = arith.constant 0 : i32
      %dma_wait3A_234 = tpu.memref_slice %arg7[%dma_wait3A_227, %dma_wait3A_233] : memref<4x64xi32, #tpu.memory_space<vmem>> -> memref<1x64xi32, #tpu.memory_space<vmem>>
      %dma_wait3A_235 = tpu.memref_squeeze %dma_wait3A_234 : memref<1x64xi32, #tpu.memory_space<vmem>> -> memref<64xi32, #tpu.memory_space<vmem>>
      %dma_wait3A_236 = arith.constant 0 : i32
      %dma_wait3A_237 = arith.constant 0 : i32
      %dma_wait3A_238 = tpu.memref_slice %arg2[%dma_wait3A_236, %dma_wait3A_237] : memref<10000x128xf32, #tpu.memory_space<hbm>> -> memref<10000x128xf32, #tpu.memory_space<hbm>>
      tpu.wait_indirect_dma semaphore(%arg14 : memref<!tpu.dma_semaphore, #tpu.memory_space<semaphore_mem>>) src(%dma_wait3A_238 : memref<10000x128xf32, #tpu.memory_space<hbm>>) dst(%dma_wait3A_232 : memref<64x128xf32, #tpu.memory_space<vmem>>)
      %dma_start3A_239 = arith.constant 3 : i32
      %dma_start3A_240 = arith.constant 3 : i32
      %dma_start3A_241 = arith.constant 0 : i32
      %dma_start3A_242 = arith.constant 0 : i32
      %dma_start3A_243 = tpu.memref_slice %arg9[%dma_start3A_239, %dma_start3A_241, %dma_start3A_242] : memref<4x64x128xf32, #tpu.memory_space<vmem>> -> memref<1x64x128xf32, #tpu.memory_space<vmem>>
      %dma_start3A_244 = tpu.memref_squeeze %dma_start3A_243 : memref<1x64x128xf32, #tpu.memory_space<vmem>> -> memref<64x128xf32, #tpu.memory_space<vmem>>
      %dma_start3A_245 = arith.constant 0 : i32
      %dma_start3A_246 = tpu.memref_slice %arg8[%dma_start3A_240, %dma_start3A_245] : memref<4x64xi32, #tpu.memory_space<vmem>> -> memref<1x64xi32, #tpu.memory_space<vmem>>
      %dma_start3A_247 = tpu.memref_squeeze %dma_start3A_246 : memref<1x64xi32, #tpu.memory_space<vmem>> -> memref<64xi32, #tpu.memory_space<vmem>>
      %dma_start3A_248 = arith.constant 0 : i32
      %dma_start3A_249 = arith.constant 0 : i32
      %dma_start3A_250 = tpu.memref_slice %arg10[%dma_start3A_248, %dma_start3A_249] : memref<10240x128xf32, #tpu.memory_space<vmem_shared>> -> memref<10240x128xf32, #tpu.memory_space<vmem_shared>>
      tpu.enqueue_indirect_dma source(%dma_start3A_244 : memref<64x128xf32, #tpu.memory_space<vmem>>) target(%dma_start3A_250 : memref<10240x128xf32, #tpu.memory_space<vmem_shared>>) offsets(%dma_start3A_247 : memref<64xi32, #tpu.memory_space<vmem>>) semaphore(%arg18 : memref<!tpu.dma_semaphore, #tpu.memory_space<semaphore_mem>>) {add = true}
      %add3A_251 = arith.constant 2 : i32
      %add3A_252 = arith.addi %add3A_226, %add3A_251 : i32
      %lt3A_253 = arith.cmpi slt, %add3A_252, %select_n3A_13 : i32
      %convert_element_type3A_254 = arith.extui %lt3A_253 : i1 to i32
      %cond3A_255 = arith.constant 0 : i32
      %cond3A_256 = arith.cmpi ne, %convert_element_type3A_254, %cond3A_255 : i32
      scf.if %cond3A_256 {
        %ge3A = arith.constant 2 : i32
        %ge3A_257 = arith.cmpi sge, %add3A_226, %ge3A : i32
        %convert_element_type3A_258 = arith.extui %ge3A_257 : i1 to i32
        %cond3A_259 = arith.constant 0 : i32
        %cond3A_260 = arith.cmpi ne, %convert_element_type3A_258, %cond3A_259 : i32
        scf.if %cond3A_260 {
          %dma_wait3A_280 = arith.constant 1 : i32
          %dma_wait3A_281 = arith.constant 1 : i32
          %dma_wait3A_282 = arith.constant 0 : i32
          %dma_wait3A_283 = arith.constant 0 : i32
          %dma_wait3A_284 = tpu.memref_slice %arg9[%dma_wait3A_280, %dma_wait3A_282, %dma_wait3A_283] : memref<4x64x128xf32, #tpu.memory_space<vmem>> -> memref<1x64x128xf32, #tpu.memory_space<vmem>>
          %dma_wait3A_285 = tpu.memref_squeeze %dma_wait3A_284 : memref<1x64x128xf32, #tpu.memory_space<vmem>> -> memref<64x128xf32, #tpu.memory_space<vmem>>
          %dma_wait3A_286 = arith.constant 0 : i32
          %dma_wait3A_287 = tpu.memref_slice %arg8[%dma_wait3A_281, %dma_wait3A_286] : memref<4x64xi32, #tpu.memory_space<vmem>> -> memref<1x64xi32, #tpu.memory_space<vmem>>
          %dma_wait3A_288 = tpu.memref_squeeze %dma_wait3A_287 : memref<1x64xi32, #tpu.memory_space<vmem>> -> memref<64xi32, #tpu.memory_space<vmem>>
          %dma_wait3A_289 = arith.constant 0 : i32
          %dma_wait3A_290 = arith.constant 0 : i32
          %dma_wait3A_291 = tpu.memref_slice %arg10[%dma_wait3A_289, %dma_wait3A_290] : memref<10240x128xf32, #tpu.memory_space<vmem_shared>> -> memref<10240x128xf32, #tpu.memory_space<vmem_shared>>
          tpu.wait_indirect_dma semaphore(%arg16 : memref<!tpu.dma_semaphore, #tpu.memory_space<semaphore_mem>>) src(%dma_wait3A_285 : memref<64x128xf32, #tpu.memory_space<vmem>>) dst(%dma_wait3A_291 : memref<10240x128xf32, #tpu.memory_space<vmem_shared>>)
        } else {
        }
        %add3A_261 = arith.constant 2 : i32
        %add3A_262 = arith.addi %add3A_226, %add3A_261 : i32
        %mul3A_263 = arith.constant 64 : i32
        %mul3A_264 = arith.muli %add3A_262, %mul3A_263 : i32
        %add3A_265 = arith.addi %select_n3A, %mul3A_264 : i32
        %run_scoped3A_266 = arith.constant 1 : i32
        "tpu.region"() ({
          %run_scoped3A_280 = tpu.sem_alloc : memref<!tpu.dma_semaphore, #tpu.memory_space<semaphore_mem>>
          %dma_start3A_281 = arith.constant 0 : i32
          %dma_start3A_282 = tpu.memref_slice %arg7[%run_scoped3A_266, %dma_start3A_281] : memref<4x64xi32, #tpu.memory_space<vmem>> -> memref<1x64xi32, #tpu.memory_space<vmem>>
          %dma_start3A_283 = tpu.memref_squeeze %dma_start3A_282 : memref<1x64xi32, #tpu.memory_space<vmem>> -> memref<64xi32, #tpu.memory_space<vmem>>
          %dma_start3A_284 = tpu.memref_slice %arg3[%add3A_265] : memref<327680xi32, #tpu.memory_space<hbm>> -> memref<64xi32, #tpu.memory_space<hbm>>
          %dma_start3A_285 = arith.constant 0 : i32
          %dma_start3A_286 = tpu.memref_slice %arg7[%run_scoped3A_266, %dma_start3A_285] : memref<4x64xi32, #tpu.memory_space<vmem>> -> memref<1x64xi32, #tpu.memory_space<vmem>>
          %dma_start3A_287 = tpu.memref_squeeze %dma_start3A_286 : memref<1x64xi32, #tpu.memory_space<vmem>> -> memref<64xi32, #tpu.memory_space<vmem>>
          %dma_start3A_288 = tpu.memref_slice %arg3[%add3A_265] : memref<327680xi32, #tpu.memory_space<hbm>> -> memref<64xi32, #tpu.memory_space<hbm>>
          tpu.enqueue_dma source(%dma_start3A_288 : memref<64xi32, #tpu.memory_space<hbm>>) target(%dma_start3A_287 : memref<64xi32, #tpu.memory_space<vmem>>) target_semaphore(%run_scoped3A_280 : memref<!tpu.dma_semaphore, #tpu.memory_space<semaphore_mem>>)
          %dma_wait3A_289 = arith.constant 0 : i32
          %dma_wait3A_290 = tpu.memref_slice %arg7[%run_scoped3A_266, %dma_wait3A_289] : memref<4x64xi32, #tpu.memory_space<vmem>> -> memref<1x64xi32, #tpu.memory_space<vmem>>
          %dma_wait3A_291 = tpu.memref_squeeze %dma_wait3A_290 : memref<1x64xi32, #tpu.memory_space<vmem>> -> memref<64xi32, #tpu.memory_space<vmem>>
          %dma_wait3A_292 = tpu.memref_slice %arg3[%add3A_265] : memref<327680xi32, #tpu.memory_space<hbm>> -> memref<64xi32, #tpu.memory_space<hbm>>
          %dma_wait3A_293 = arith.constant 0 : i32
          %dma_wait3A_294 = tpu.memref_slice %arg7[%run_scoped3A_266, %dma_wait3A_293] : memref<4x64xi32, #tpu.memory_space<vmem>> -> memref<1x64xi32, #tpu.memory_space<vmem>>
          %dma_wait3A_295 = tpu.memref_squeeze %dma_wait3A_294 : memref<1x64xi32, #tpu.memory_space<vmem>> -> memref<64xi32, #tpu.memory_space<vmem>>
          %dma_wait3A_296 = tpu.memref_slice %arg3[%add3A_265] : memref<327680xi32, #tpu.memory_space<hbm>> -> memref<64xi32, #tpu.memory_space<hbm>>
          tpu.wait_dma2 semaphore(%run_scoped3A_280 : memref<!tpu.dma_semaphore, #tpu.memory_space<semaphore_mem>>) src(%dma_wait3A_296 : memref<64xi32, #tpu.memory_space<hbm>>) dst(%dma_wait3A_295 : memref<64xi32, #tpu.memory_space<vmem>>)
          tpu.yield
        }) : () -> ()
        %run_scoped3A_267 = arith.constant 1 : i32
        "tpu.region"() ({
          %run_scoped3A_280 = tpu.sem_alloc : memref<!tpu.dma_semaphore, #tpu.memory_space<semaphore_mem>>
          %dma_start3A_281 = arith.constant 0 : i32
          %dma_start3A_282 = tpu.memref_slice %arg8[%run_scoped3A_267, %dma_start3A_281] : memref<4x64xi32, #tpu.memory_space<vmem>> -> memref<1x64xi32, #tpu.memory_space<vmem>>
          %dma_start3A_283 = tpu.memref_squeeze %dma_start3A_282 : memref<1x64xi32, #tpu.memory_space<vmem>> -> memref<64xi32, #tpu.memory_space<vmem>>
          %dma_start3A_284 = tpu.memref_slice %arg4[%add3A_265] : memref<327680xi32, #tpu.memory_space<hbm>> -> memref<64xi32, #tpu.memory_space<hbm>>
          %dma_start3A_285 = arith.constant 0 : i32
          %dma_start3A_286 = tpu.memref_slice %arg8[%run_scoped3A_267, %dma_start3A_285] : memref<4x64xi32, #tpu.memory_space<vmem>> -> memref<1x64xi32, #tpu.memory_space<vmem>>
          %dma_start3A_287 = tpu.memref_squeeze %dma_start3A_286 : memref<1x64xi32, #tpu.memory_space<vmem>> -> memref<64xi32, #tpu.memory_space<vmem>>
          %dma_start3A_288 = tpu.memref_slice %arg4[%add3A_265] : memref<327680xi32, #tpu.memory_space<hbm>> -> memref<64xi32, #tpu.memory_space<hbm>>
          tpu.enqueue_dma source(%dma_start3A_288 : memref<64xi32, #tpu.memory_space<hbm>>) target(%dma_start3A_287 : memref<64xi32, #tpu.memory_space<vmem>>) target_semaphore(%run_scoped3A_280 : memref<!tpu.dma_semaphore, #tpu.memory_space<semaphore_mem>>)
          %dma_wait3A_289 = arith.constant 0 : i32
          %dma_wait3A_290 = tpu.memref_slice %arg8[%run_scoped3A_267, %dma_wait3A_289] : memref<4x64xi32, #tpu.memory_space<vmem>> -> memref<1x64xi32, #tpu.memory_space<vmem>>
          %dma_wait3A_291 = tpu.memref_squeeze %dma_wait3A_290 : memref<1x64xi32, #tpu.memory_space<vmem>> -> memref<64xi32, #tpu.memory_space<vmem>>
          %dma_wait3A_292 = tpu.memref_slice %arg4[%add3A_265] : memref<327680xi32, #tpu.memory_space<hbm>> -> memref<64xi32, #tpu.memory_space<hbm>>
          %dma_wait3A_293 = arith.constant 0 : i32
          %dma_wait3A_294 = tpu.memref_slice %arg8[%run_scoped3A_267, %dma_wait3A_293] : memref<4x64xi32, #tpu.memory_space<vmem>> -> memref<1x64xi32, #tpu.memory_space<vmem>>
          %dma_wait3A_295 = tpu.memref_squeeze %dma_wait3A_294 : memref<1x64xi32, #tpu.memory_space<vmem>> -> memref<64xi32, #tpu.memory_space<vmem>>
          %dma_wait3A_296 = tpu.memref_slice %arg4[%add3A_265] : memref<327680xi32, #tpu.memory_space<hbm>> -> memref<64xi32, #tpu.memory_space<hbm>>
          tpu.wait_dma2 semaphore(%run_scoped3A_280 : memref<!tpu.dma_semaphore, #tpu.memory_space<semaphore_mem>>) src(%dma_wait3A_296 : memref<64xi32, #tpu.memory_space<hbm>>) dst(%dma_wait3A_295 : memref<64xi32, #tpu.memory_space<vmem>>)
          tpu.yield
        }) : () -> ()
        %dma_start3A_268 = arith.constant 1 : i32
        %dma_start3A_269 = arith.constant 1 : i32
        %dma_start3A_270 = arith.constant 0 : i32
        %dma_start3A_271 = arith.constant 0 : i32
        %dma_start3A_272 = tpu.memref_slice %arg9[%dma_start3A_269, %dma_start3A_270, %dma_start3A_271] : memref<4x64x128xf32, #tpu.memory_space<vmem>> -> memref<1x64x128xf32, #tpu.memory_space<vmem>>
        %dma_start3A_273 = tpu.memref_squeeze %dma_start3A_272 : memref<1x64x128xf32, #tpu.memory_space<vmem>> -> memref<64x128xf32, #tpu.memory_space<vmem>>
        %dma_start3A_274 = arith.constant 0 : i32
        %dma_start3A_275 = tpu.memref_slice %arg7[%dma_start3A_268, %dma_start3A_274] : memref<4x64xi32, #tpu.memory_space<vmem>> -> memref<1x64xi32, #tpu.memory_space<vmem>>
        %dma_start3A_276 = tpu.memref_squeeze %dma_start3A_275 : memref<1x64xi32, #tpu.memory_space<vmem>> -> memref<64xi32, #tpu.memory_space<vmem>>
        %dma_start3A_277 = arith.constant 0 : i32
        %dma_start3A_278 = arith.constant 0 : i32
        %dma_start3A_279 = tpu.memref_slice %arg2[%dma_start3A_277, %dma_start3A_278] : memref<10000x128xf32, #tpu.memory_space<hbm>> -> memref<10000x128xf32, #tpu.memory_space<hbm>>
        tpu.enqueue_indirect_dma source(%dma_start3A_279 : memref<10000x128xf32, #tpu.memory_space<hbm>>) target(%dma_start3A_273 : memref<64x128xf32, #tpu.memory_space<vmem>>) offsets(%dma_start3A_276 : memref<64xi32, #tpu.memory_space<vmem>>) semaphore(%arg12 : memref<!tpu.dma_semaphore, #tpu.memory_space<semaphore_mem>>)
      } else {
      }
    }
    %dma_wait3A = arith.constant 0 : i32
    %dma_wait3A_71 = arith.constant 0 : i32
    %dma_wait3A_72 = arith.constant 0 : i32
    %dma_wait3A_73 = arith.constant 0 : i32
    %dma_wait3A_74 = tpu.memref_slice %arg9[%dma_wait3A, %dma_wait3A_72, %dma_wait3A_73] : memref<4x64x128xf32, #tpu.memory_space<vmem>> -> memref<1x64x128xf32, #tpu.memory_space<vmem>>
    %dma_wait3A_75 = tpu.memref_squeeze %dma_wait3A_74 : memref<1x64x128xf32, #tpu.memory_space<vmem>> -> memref<64x128xf32, #tpu.memory_space<vmem>>
    %dma_wait3A_76 = arith.constant 0 : i32
    %dma_wait3A_77 = tpu.memref_slice %arg8[%dma_wait3A_71, %dma_wait3A_76] : memref<4x64xi32, #tpu.memory_space<vmem>> -> memref<1x64xi32, #tpu.memory_space<vmem>>
    %dma_wait3A_78 = tpu.memref_squeeze %dma_wait3A_77 : memref<1x64xi32, #tpu.memory_space<vmem>> -> memref<64xi32, #tpu.memory_space<vmem>>
    %dma_wait3A_79 = arith.constant 0 : i32
    %dma_wait3A_80 = arith.constant 0 : i32
    %dma_wait3A_81 = tpu.memref_slice %arg10[%dma_wait3A_79, %dma_wait3A_80] : memref<10240x128xf32, #tpu.memory_space<vmem_shared>> -> memref<10240x128xf32, #tpu.memory_space<vmem_shared>>
    tpu.wait_indirect_dma semaphore(%arg15 : memref<!tpu.dma_semaphore, #tpu.memory_space<semaphore_mem>>) src(%dma_wait3A_75 : memref<64x128xf32, #tpu.memory_space<vmem>>) dst(%dma_wait3A_81 : memref<10240x128xf32, #tpu.memory_space<vmem_shared>>)
    %dma_wait3A_82 = arith.constant 1 : i32
    %dma_wait3A_83 = arith.constant 1 : i32
    %dma_wait3A_84 = arith.constant 0 : i32
    %dma_wait3A_85 = arith.constant 0 : i32
    %dma_wait3A_86 = tpu.memref_slice %arg9[%dma_wait3A_82, %dma_wait3A_84, %dma_wait3A_85] : memref<4x64x128xf32, #tpu.memory_space<vmem>> -> memref<1x64x128xf32, #tpu.memory_space<vmem>>
    %dma_wait3A_87 = tpu.memref_squeeze %dma_wait3A_86 : memref<1x64x128xf32, #tpu.memory_space<vmem>> -> memref<64x128xf32, #tpu.memory_space<vmem>>
    %dma_wait3A_88 = arith.constant 0 : i32
    %dma_wait3A_89 = tpu.memref_slice %arg8[%dma_wait3A_83, %dma_wait3A_88] : memref<4x64xi32, #tpu.memory_space<vmem>> -> memref<1x64xi32, #tpu.memory_space<vmem>>
    %dma_wait3A_90 = tpu.memref_squeeze %dma_wait3A_89 : memref<1x64xi32, #tpu.memory_space<vmem>> -> memref<64xi32, #tpu.memory_space<vmem>>
    %dma_wait3A_91 = arith.constant 0 : i32
    %dma_wait3A_92 = arith.constant 0 : i32
    %dma_wait3A_93 = tpu.memref_slice %arg10[%dma_wait3A_91, %dma_wait3A_92] : memref<10240x128xf32, #tpu.memory_space<vmem_shared>> -> memref<10240x128xf32, #tpu.memory_space<vmem_shared>>
    tpu.wait_indirect_dma semaphore(%arg16 : memref<!tpu.dma_semaphore, #tpu.memory_space<semaphore_mem>>) src(%dma_wait3A_87 : memref<64x128xf32, #tpu.memory_space<vmem>>) dst(%dma_wait3A_93 : memref<10240x128xf32, #tpu.memory_space<vmem_shared>>)
    %dma_wait3A_94 = arith.constant 2 : i32
    %dma_wait3A_95 = arith.constant 2 : i32
    %dma_wait3A_96 = arith.constant 0 : i32
    %dma_wait3A_97 = arith.constant 0 : i32
    %dma_wait3A_98 = tpu.memref_slice %arg9[%dma_wait3A_94, %dma_wait3A_96, %dma_wait3A_97] : memref<4x64x128xf32, #tpu.memory_space<vmem>> -> memref<1x64x128xf32, #tpu.memory_space<vmem>>
    %dma_wait3A_99 = tpu.memref_squeeze %dma_wait3A_98 : memref<1x64x128xf32, #tpu.memory_space<vmem>> -> memref<64x128xf32, #tpu.memory_space<vmem>>
    %dma_wait3A_100 = arith.constant 0 : i32
    %dma_wait3A_101 = tpu.memref_slice %arg8[%dma_wait3A_95, %dma_wait3A_100] : memref<4x64xi32, #tpu.memory_space<vmem>> -> memref<1x64xi32, #tpu.memory_space<vmem>>
    %dma_wait3A_102 = tpu.memref_squeeze %dma_wait3A_101 : memref<1x64xi32, #tpu.memory_space<vmem>> -> memref<64xi32, #tpu.memory_space<vmem>>
    %dma_wait3A_103 = arith.constant 0 : i32
    %dma_wait3A_104 = arith.constant 0 : i32
    %dma_wait3A_105 = tpu.memref_slice %arg10[%dma_wait3A_103, %dma_wait3A_104] : memref<10240x128xf32, #tpu.memory_space<vmem_shared>> -> memref<10240x128xf32, #tpu.memory_space<vmem_shared>>
    tpu.wait_indirect_dma semaphore(%arg17 : memref<!tpu.dma_semaphore, #tpu.memory_space<semaphore_mem>>) src(%dma_wait3A_99 : memref<64x128xf32, #tpu.memory_space<vmem>>) dst(%dma_wait3A_105 : memref<10240x128xf32, #tpu.memory_space<vmem_shared>>)
    %dma_wait3A_106 = arith.constant 3 : i32
    %dma_wait3A_107 = arith.constant 3 : i32
    %dma_wait3A_108 = arith.constant 0 : i32
    %dma_wait3A_109 = arith.constant 0 : i32
    %dma_wait3A_110 = tpu.memref_slice %arg9[%dma_wait3A_106, %dma_wait3A_108, %dma_wait3A_109] : memref<4x64x128xf32, #tpu.memory_space<vmem>> -> memref<1x64x128xf32, #tpu.memory_space<vmem>>
    %dma_wait3A_111 = tpu.memref_squeeze %dma_wait3A_110 : memref<1x64x128xf32, #tpu.memory_space<vmem>> -> memref<64x128xf32, #tpu.memory_space<vmem>>
    %dma_wait3A_112 = arith.constant 0 : i32
    %dma_wait3A_113 = tpu.memref_slice %arg8[%dma_wait3A_107, %dma_wait3A_112] : memref<4x64xi32, #tpu.memory_space<vmem>> -> memref<1x64xi32, #tpu.memory_space<vmem>>
    %dma_wait3A_114 = tpu.memref_squeeze %dma_wait3A_113 : memref<1x64xi32, #tpu.memory_space<vmem>> -> memref<64xi32, #tpu.memory_space<vmem>>
    %dma_wait3A_115 = arith.constant 0 : i32
    %dma_wait3A_116 = arith.constant 0 : i32
    %dma_wait3A_117 = tpu.memref_slice %arg10[%dma_wait3A_115, %dma_wait3A_116] : memref<10240x128xf32, #tpu.memory_space<vmem_shared>> -> memref<10240x128xf32, #tpu.memory_space<vmem_shared>>
    tpu.wait_indirect_dma semaphore(%arg18 : memref<!tpu.dma_semaphore, #tpu.memory_space<semaphore_mem>>) src(%dma_wait3A_111 : memref<64x128xf32, #tpu.memory_space<vmem>>) dst(%dma_wait3A_117 : memref<10240x128xf32, #tpu.memory_space<vmem_shared>>)
    %barrier3A_118 = arith.constant 0 : index
    tpu.barrier barrier_id(%barrier3A_118)
    %mul3A_119 = arith.constant 640 : i32
    %mul3A_120 = arith.muli %arg1, %mul3A_119 : i32
    %mul3A_121 = arith.constant 640 : i32
    %mul3A_122 = arith.muli %arg1, %mul3A_121 : i32
    "tpu.region"() ({
      %run_scoped3A_123 = tpu.sem_alloc : memref<!tpu.dma_semaphore, #tpu.memory_space<semaphore_mem>>
      %dma_start3A_124 = arith.constant 0 : i32
      %dma_start3A_125 = tpu.memref_slice %arg6[%arg0, %mul3A_122, %dma_start3A_124] : memref<2x10240x128xf32, #tpu.memory_space<hbm>> -> memref<1x640x128xf32, #tpu.memory_space<hbm>>
      %dma_start3A_126 = tpu.memref_squeeze %dma_start3A_125 : memref<1x640x128xf32, #tpu.memory_space<hbm>> -> memref<640x128xf32, #tpu.memory_space<hbm>>
      %dma_start3A_127 = arith.constant 0 : i32
      %dma_start3A_128 = tpu.memref_slice %arg10[%mul3A_120, %dma_start3A_127] : memref<10240x128xf32, #tpu.memory_space<vmem_shared>> -> memref<640x128xf32, #tpu.memory_space<vmem_shared>>
      tpu.enqueue_dma source(%dma_start3A_128 : memref<640x128xf32, #tpu.memory_space<vmem_shared>>) target(%dma_start3A_126 : memref<640x128xf32, #tpu.memory_space<hbm>>) target_semaphore(%run_scoped3A_123 : memref<!tpu.dma_semaphore, #tpu.memory_space<semaphore_mem>>)
      %dma_wait3A_129 = arith.constant 0 : i32
      %dma_wait3A_130 = tpu.memref_slice %arg6[%arg0, %mul3A_122, %dma_wait3A_129] : memref<2x10240x128xf32, #tpu.memory_space<hbm>> -> memref<1x640x128xf32, #tpu.memory_space<hbm>>
      %dma_wait3A_131 = tpu.memref_squeeze %dma_wait3A_130 : memref<1x640x128xf32, #tpu.memory_space<hbm>> -> memref<640x128xf32, #tpu.memory_space<hbm>>
      %dma_wait3A_132 = arith.constant 0 : i32
      %dma_wait3A_133 = tpu.memref_slice %arg10[%mul3A_120, %dma_wait3A_132] : memref<10240x128xf32, #tpu.memory_space<vmem_shared>> -> memref<640x128xf32, #tpu.memory_space<vmem_shared>>
      tpu.wait_dma2 semaphore(%run_scoped3A_123 : memref<!tpu.dma_semaphore, #tpu.memory_space<semaphore_mem>>) src(%dma_wait3A_133 : memref<640x128xf32, #tpu.memory_space<vmem_shared>>) dst(%dma_wait3A_131 : memref<640x128xf32, #tpu.memory_space<hbm>>)
      tpu.yield
    }) : () -> ()
    return
  }
}

#map = affine_map<(d0, d1) -> (0, 0)>
#map1 = affine_map<(d0, d1) -> (0)>
#map2 = affine_map<(d0, d1) -> (0, 0, 0)>
module attributes {stable_mosaic.version = 14 : i64} {
  func.func @_agg_kernel(%arg0: i32, %arg1: i32, %arg2: memref<10000x128xf32, #tpu.memory_space<hbm>>, %arg3: memref<327680xi32, #tpu.memory_space<hbm>>, %arg4: memref<327680xi32, #tpu.memory_space<hbm>>, %arg5: memref<10240x128xf32, #tpu.memory_space<hbm>>, %arg6: memref<2x10240x128xf32, #tpu.memory_space<hbm>>, %arg7: memref<4x64xi32, #tpu.memory_space<vmem>>, %arg8: memref<4x64xi32, #tpu.memory_space<vmem>>, %arg9: memref<4x64x128xf32, #tpu.memory_space<vmem>>, %arg10: memref<10240x128xf32, #tpu.memory_space<vmem_shared>>, %arg11: memref<!tpu.dma_semaphore, #tpu.memory_space<semaphore_mem>>, %arg12: memref<!tpu.dma_semaphore, #tpu.memory_space<semaphore_mem>>, %arg13: memref<!tpu.dma_semaphore, #tpu.memory_space<semaphore_mem>>, %arg14: memref<!tpu.dma_semaphore, #tpu.memory_space<semaphore_mem>>, %arg15: memref<!tpu.dma_semaphore, #tpu.memory_space<semaphore_mem>>, %arg16: memref<!tpu.dma_semaphore, #tpu.memory_space<semaphore_mem>>, %arg17: memref<!tpu.dma_semaphore, #tpu.memory_space<semaphore_mem>>, %arg18: memref<!tpu.dma_semaphore, #tpu.memory_space<semaphore_mem>>) attributes {dimension_semantics = [#tpu.dimension_semantics<core_parallel>, #tpu.dimension_semantics<subcore_parallel>], iteration_bounds = array<i64: 2, 16>, scalar_prefetch = 0 : i64, scratch_operands = 12 : i64, tpu.core_type = #tpu.core_type<sc_vector_subcore>, window_params = [{transform_indices = #map}, {transform_indices = #map1}, {transform_indices = #map1}, {transform_indices = #map}, {transform_indices = #map2}]} {
    %mul3A = arith.constant 2 : i32
    %mul3A_0 = arith.muli %arg1, %mul3A : i32
    %add3A = arith.addi %mul3A_0, %arg0 : i32
    %mul3A_1 = arith.constant 640 : i32
    %mul3A_2 = arith.muli %arg1, %mul3A_1 : i32
    %mul3A_3 = arith.constant 640 : i32
    %mul3A_4 = arith.muli %arg1, %mul3A_3 : i32
    "tpu.region"() ({
      %run_scoped3A_123 = tpu.sem_alloc : memref<!tpu.dma_semaphore, #tpu.memory_space<semaphore_mem>>
      %dma_start3A_124 = arith.constant 0 : i32
      %dma_start3A_125 = tpu.memref_slice %arg10[%mul3A_4, %dma_start3A_124] : memref<10240x128xf32, #tpu.memory_space<vmem_shared>> -> memref<640x128xf32, #tpu.memory_space<vmem_shared>>
      %dma_start3A_126 = arith.constant 0 : i32
      %dma_start3A_127 = tpu.memref_slice %arg5[%mul3A_2, %dma_start3A_126] : memref<10240x128xf32, #tpu.memory_space<hbm>> -> memref<640x128xf32, #tpu.memory_space<hbm>>
      tpu.enqueue_dma source(%dma_start3A_127 : memref<640x128xf32, #tpu.memory_space<hbm>>) target(%dma_start3A_125 : memref<640x128xf32, #tpu.memory_space<vmem_shared>>) target_semaphore(%run_scoped3A_123 : memref<!tpu.dma_semaphore, #tpu.memory_space<semaphore_mem>>)
      %dma_wait3A_128 = arith.constant 0 : i32
      %dma_wait3A_129 = tpu.memref_slice %arg10[%mul3A_4, %dma_wait3A_128] : memref<10240x128xf32, #tpu.memory_space<vmem_shared>> -> memref<640x128xf32, #tpu.memory_space<vmem_shared>>
      %dma_wait3A_130 = arith.constant 0 : i32
      %dma_wait3A_131 = tpu.memref_slice %arg5[%mul3A_2, %dma_wait3A_130] : memref<10240x128xf32, #tpu.memory_space<hbm>> -> memref<640x128xf32, #tpu.memory_space<hbm>>
      tpu.wait_dma2 semaphore(%run_scoped3A_123 : memref<!tpu.dma_semaphore, #tpu.memory_space<semaphore_mem>>) src(%dma_wait3A_131 : memref<640x128xf32, #tpu.memory_space<hbm>>) dst(%dma_wait3A_129 : memref<640x128xf32, #tpu.memory_space<vmem_shared>>)
      tpu.yield
    }) : () -> ()
    %barrier3A = arith.constant 0 : index
    tpu.barrier barrier_id(%barrier3A)
    %eq3A = arith.constant 0 : i32
    %eq3A_5 = arith.cmpi eq, %arg0, %eq3A : i32
    %mul3A_6 = arith.constant 16384 : i32
    %mul3A_7 = arith.muli %arg1, %mul3A_6 : i32
    %mul3A_8 = arith.constant 4096 : i32
    %mul3A_9 = arith.muli %arg1, %mul3A_8 : i32
    %add3A_10 = arith.constant 262144 : i32
    %add3A_11 = arith.addi %add3A_10, %mul3A_9 : i32
    %select_n3A = arith.select %eq3A_5, %mul3A_7, %add3A_11 : i32
    %jit3A = arith.constant 256 : i32
    %jit3A_12 = arith.constant 64 : i32
    %select_n3A_13 = arith.select %eq3A_5, %jit3A, %jit3A_12 : i32
    %add3A_14 = arith.constant 0 : i32
    %add3A_15 = arith.addi %select_n3A, %add3A_14 : i32
    %run_scoped3A = arith.constant 0 : i32
    "tpu.region"() ({
      %run_scoped3A_123 = tpu.sem_alloc : memref<!tpu.dma_semaphore, #tpu.memory_space<semaphore_mem>>
      %dma_start3A_124 = arith.constant 0 : i32
      %dma_start3A_125 = tpu.memref_slice %arg7[%run_scoped3A, %dma_start3A_124] : memref<4x64xi32, #tpu.memory_space<vmem>> -> memref<1x64xi32, #tpu.memory_space<vmem>>
      %dma_start3A_126 = tpu.memref_squeeze %dma_start3A_125 : memref<1x64xi32, #tpu.memory_space<vmem>> -> memref<64xi32, #tpu.memory_space<vmem>>
      %dma_start3A_127 = tpu.memref_slice %arg3[%add3A_15] : memref<327680xi32, #tpu.memory_space<hbm>> -> memref<64xi32, #tpu.memory_space<hbm>>
      %dma_start3A_128 = arith.constant 0 : i32
      %dma_start3A_129 = tpu.memref_slice %arg7[%run_scoped3A, %dma_start3A_128] : memref<4x64xi32, #tpu.memory_space<vmem>> -> memref<1x64xi32, #tpu.memory_space<vmem>>
      %dma_start3A_130 = tpu.memref_squeeze %dma_start3A_129 : memref<1x64xi32, #tpu.memory_space<vmem>> -> memref<64xi32, #tpu.memory_space<vmem>>
      %dma_start3A_131 = tpu.memref_slice %arg3[%add3A_15] : memref<327680xi32, #tpu.memory_space<hbm>> -> memref<64xi32, #tpu.memory_space<hbm>>
      tpu.enqueue_dma source(%dma_start3A_131 : memref<64xi32, #tpu.memory_space<hbm>>) target(%dma_start3A_130 : memref<64xi32, #tpu.memory_space<vmem>>) target_semaphore(%run_scoped3A_123 : memref<!tpu.dma_semaphore, #tpu.memory_space<semaphore_mem>>)
      %dma_wait3A_132 = arith.constant 0 : i32
      %dma_wait3A_133 = tpu.memref_slice %arg7[%run_scoped3A, %dma_wait3A_132] : memref<4x64xi32, #tpu.memory_space<vmem>> -> memref<1x64xi32, #tpu.memory_space<vmem>>
      %dma_wait3A_134 = tpu.memref_squeeze %dma_wait3A_133 : memref<1x64xi32, #tpu.memory_space<vmem>> -> memref<64xi32, #tpu.memory_space<vmem>>
      %dma_wait3A_135 = tpu.memref_slice %arg3[%add3A_15] : memref<327680xi32, #tpu.memory_space<hbm>> -> memref<64xi32, #tpu.memory_space<hbm>>
      %dma_wait3A_136 = arith.constant 0 : i32
      %dma_wait3A_137 = tpu.memref_slice %arg7[%run_scoped3A, %dma_wait3A_136] : memref<4x64xi32, #tpu.memory_space<vmem>> -> memref<1x64xi32, #tpu.memory_space<vmem>>
      %dma_wait3A_138 = tpu.memref_squeeze %dma_wait3A_137 : memref<1x64xi32, #tpu.memory_space<vmem>> -> memref<64xi32, #tpu.memory_space<vmem>>
      %dma_wait3A_139 = tpu.memref_slice %arg3[%add3A_15] : memref<327680xi32, #tpu.memory_space<hbm>> -> memref<64xi32, #tpu.memory_space<hbm>>
      tpu.wait_dma2 semaphore(%run_scoped3A_123 : memref<!tpu.dma_semaphore, #tpu.memory_space<semaphore_mem>>) src(%dma_wait3A_139 : memref<64xi32, #tpu.memory_space<hbm>>) dst(%dma_wait3A_138 : memref<64xi32, #tpu.memory_space<vmem>>)
      tpu.yield
    }) : () -> ()
    %run_scoped3A_16 = arith.constant 0 : i32
    "tpu.region"() ({
      %run_scoped3A_123 = tpu.sem_alloc : memref<!tpu.dma_semaphore, #tpu.memory_space<semaphore_mem>>
      %dma_start3A_124 = arith.constant 0 : i32
      %dma_start3A_125 = tpu.memref_slice %arg8[%run_scoped3A_16, %dma_start3A_124] : memref<4x64xi32, #tpu.memory_space<vmem>> -> memref<1x64xi32, #tpu.memory_space<vmem>>
      %dma_start3A_126 = tpu.memref_squeeze %dma_start3A_125 : memref<1x64xi32, #tpu.memory_space<vmem>> -> memref<64xi32, #tpu.memory_space<vmem>>
      %dma_start3A_127 = tpu.memref_slice %arg4[%add3A_15] : memref<327680xi32, #tpu.memory_space<hbm>> -> memref<64xi32, #tpu.memory_space<hbm>>
      %dma_start3A_128 = arith.constant 0 : i32
      %dma_start3A_129 = tpu.memref_slice %arg8[%run_scoped3A_16, %dma_start3A_128] : memref<4x64xi32, #tpu.memory_space<vmem>> -> memref<1x64xi32, #tpu.memory_space<vmem>>
      %dma_start3A_130 = tpu.memref_squeeze %dma_start3A_129 : memref<1x64xi32, #tpu.memory_space<vmem>> -> memref<64xi32, #tpu.memory_space<vmem>>
      %dma_start3A_131 = tpu.memref_slice %arg4[%add3A_15] : memref<327680xi32, #tpu.memory_space<hbm>> -> memref<64xi32, #tpu.memory_space<hbm>>
      tpu.enqueue_dma source(%dma_start3A_131 : memref<64xi32, #tpu.memory_space<hbm>>) target(%dma_start3A_130 : memref<64xi32, #tpu.memory_space<vmem>>) target_semaphore(%run_scoped3A_123 : memref<!tpu.dma_semaphore, #tpu.memory_space<semaphore_mem>>)
      %dma_wait3A_132 = arith.constant 0 : i32
      %dma_wait3A_133 = tpu.memref_slice %arg8[%run_scoped3A_16, %dma_wait3A_132] : memref<4x64xi32, #tpu.memory_space<vmem>> -> memref<1x64xi32, #tpu.memory_space<vmem>>
      %dma_wait3A_134 = tpu.memref_squeeze %dma_wait3A_133 : memref<1x64xi32, #tpu.memory_space<vmem>> -> memref<64xi32, #tpu.memory_space<vmem>>
      %dma_wait3A_135 = tpu.memref_slice %arg4[%add3A_15] : memref<327680xi32, #tpu.memory_space<hbm>> -> memref<64xi32, #tpu.memory_space<hbm>>
      %dma_wait3A_136 = arith.constant 0 : i32
      %dma_wait3A_137 = tpu.memref_slice %arg8[%run_scoped3A_16, %dma_wait3A_136] : memref<4x64xi32, #tpu.memory_space<vmem>> -> memref<1x64xi32, #tpu.memory_space<vmem>>
      %dma_wait3A_138 = tpu.memref_squeeze %dma_wait3A_137 : memref<1x64xi32, #tpu.memory_space<vmem>> -> memref<64xi32, #tpu.memory_space<vmem>>
      %dma_wait3A_139 = tpu.memref_slice %arg4[%add3A_15] : memref<327680xi32, #tpu.memory_space<hbm>> -> memref<64xi32, #tpu.memory_space<hbm>>
      tpu.wait_dma2 semaphore(%run_scoped3A_123 : memref<!tpu.dma_semaphore, #tpu.memory_space<semaphore_mem>>) src(%dma_wait3A_139 : memref<64xi32, #tpu.memory_space<hbm>>) dst(%dma_wait3A_138 : memref<64xi32, #tpu.memory_space<vmem>>)
      tpu.yield
    }) : () -> ()
    %dma_start3A = arith.constant 0 : i32
    %dma_start3A_17 = arith.constant 0 : i32
    %dma_start3A_18 = arith.constant 0 : i32
    %dma_start3A_19 = arith.constant 0 : i32
    %dma_start3A_20 = tpu.memref_slice %arg9[%dma_start3A_17, %dma_start3A_18, %dma_start3A_19] : memref<4x64x128xf32, #tpu.memory_space<vmem>> -> memref<1x64x128xf32, #tpu.memory_space<vmem>>
    %dma_start3A_21 = tpu.memref_squeeze %dma_start3A_20 : memref<1x64x128xf32, #tpu.memory_space<vmem>> -> memref<64x128xf32, #tpu.memory_space<vmem>>
    %dma_start3A_22 = arith.constant 0 : i32
    %dma_start3A_23 = tpu.memref_slice %arg7[%dma_start3A, %dma_start3A_22] : memref<4x64xi32, #tpu.memory_space<vmem>> -> memref<1x64xi32, #tpu.memory_space<vmem>>
    %dma_start3A_24 = tpu.memref_squeeze %dma_start3A_23 : memref<1x64xi32, #tpu.memory_space<vmem>> -> memref<64xi32, #tpu.memory_space<vmem>>
    %dma_start3A_25 = arith.constant 0 : i32
    %dma_start3A_26 = arith.constant 0 : i32
    %dma_start3A_27 = tpu.memref_slice %arg2[%dma_start3A_25, %dma_start3A_26] : memref<10000x128xf32, #tpu.memory_space<hbm>> -> memref<10000x128xf32, #tpu.memory_space<hbm>>
    tpu.enqueue_indirect_dma source(%dma_start3A_27 : memref<10000x128xf32, #tpu.memory_space<hbm>>) target(%dma_start3A_21 : memref<64x128xf32, #tpu.memory_space<vmem>>) offsets(%dma_start3A_24 : memref<64xi32, #tpu.memory_space<vmem>>) semaphore(%arg11 : memref<!tpu.dma_semaphore, #tpu.memory_space<semaphore_mem>>)
    %add3A_28 = arith.constant 64 : i32
    %add3A_29 = arith.addi %select_n3A, %add3A_28 : i32
    %run_scoped3A_30 = arith.constant 1 : i32
    "tpu.region"() ({
      %run_scoped3A_123 = tpu.sem_alloc : memref<!tpu.dma_semaphore, #tpu.memory_space<semaphore_mem>>
      %dma_start3A_124 = arith.constant 0 : i32
      %dma_start3A_125 = tpu.memref_slice %arg7[%run_scoped3A_30, %dma_start3A_124] : memref<4x64xi32, #tpu.memory_space<vmem>> -> memref<1x64xi32, #tpu.memory_space<vmem>>
      %dma_start3A_126 = tpu.memref_squeeze %dma_start3A_125 : memref<1x64xi32, #tpu.memory_space<vmem>> -> memref<64xi32, #tpu.memory_space<vmem>>
      %dma_start3A_127 = tpu.memref_slice %arg3[%add3A_29] : memref<327680xi32, #tpu.memory_space<hbm>> -> memref<64xi32, #tpu.memory_space<hbm>>
      %dma_start3A_128 = arith.constant 0 : i32
      %dma_start3A_129 = tpu.memref_slice %arg7[%run_scoped3A_30, %dma_start3A_128] : memref<4x64xi32, #tpu.memory_space<vmem>> -> memref<1x64xi32, #tpu.memory_space<vmem>>
      %dma_start3A_130 = tpu.memref_squeeze %dma_start3A_129 : memref<1x64xi32, #tpu.memory_space<vmem>> -> memref<64xi32, #tpu.memory_space<vmem>>
      %dma_start3A_131 = tpu.memref_slice %arg3[%add3A_29] : memref<327680xi32, #tpu.memory_space<hbm>> -> memref<64xi32, #tpu.memory_space<hbm>>
      tpu.enqueue_dma source(%dma_start3A_131 : memref<64xi32, #tpu.memory_space<hbm>>) target(%dma_start3A_130 : memref<64xi32, #tpu.memory_space<vmem>>) target_semaphore(%run_scoped3A_123 : memref<!tpu.dma_semaphore, #tpu.memory_space<semaphore_mem>>)
      %dma_wait3A_132 = arith.constant 0 : i32
      %dma_wait3A_133 = tpu.memref_slice %arg7[%run_scoped3A_30, %dma_wait3A_132] : memref<4x64xi32, #tpu.memory_space<vmem>> -> memref<1x64xi32, #tpu.memory_space<vmem>>
      %dma_wait3A_134 = tpu.memref_squeeze %dma_wait3A_133 : memref<1x64xi32, #tpu.memory_space<vmem>> -> memref<64xi32, #tpu.memory_space<vmem>>
      %dma_wait3A_135 = tpu.memref_slice %arg3[%add3A_29] : memref<327680xi32, #tpu.memory_space<hbm>> -> memref<64xi32, #tpu.memory_space<hbm>>
      %dma_wait3A_136 = arith.constant 0 : i32
      %dma_wait3A_137 = tpu.memref_slice %arg7[%run_scoped3A_30, %dma_wait3A_136] : memref<4x64xi32, #tpu.memory_space<vmem>> -> memref<1x64xi32, #tpu.memory_space<vmem>>
      %dma_wait3A_138 = tpu.memref_squeeze %dma_wait3A_137 : memref<1x64xi32, #tpu.memory_space<vmem>> -> memref<64xi32, #tpu.memory_space<vmem>>
      %dma_wait3A_139 = tpu.memref_slice %arg3[%add3A_29] : memref<327680xi32, #tpu.memory_space<hbm>> -> memref<64xi32, #tpu.memory_space<hbm>>
      tpu.wait_dma2 semaphore(%run_scoped3A_123 : memref<!tpu.dma_semaphore, #tpu.memory_space<semaphore_mem>>) src(%dma_wait3A_139 : memref<64xi32, #tpu.memory_space<hbm>>) dst(%dma_wait3A_138 : memref<64xi32, #tpu.memory_space<vmem>>)
      tpu.yield
    }) : () -> ()
    %run_scoped3A_31 = arith.constant 1 : i32
    "tpu.region"() ({
      %run_scoped3A_123 = tpu.sem_alloc : memref<!tpu.dma_semaphore, #tpu.memory_space<semaphore_mem>>
      %dma_start3A_124 = arith.constant 0 : i32
      %dma_start3A_125 = tpu.memref_slice %arg8[%run_scoped3A_31, %dma_start3A_124] : memref<4x64xi32, #tpu.memory_space<vmem>> -> memref<1x64xi32, #tpu.memory_space<vmem>>
      %dma_start3A_126 = tpu.memref_squeeze %dma_start3A_125 : memref<1x64xi32, #tpu.memory_space<vmem>> -> memref<64xi32, #tpu.memory_space<vmem>>
      %dma_start3A_127 = tpu.memref_slice %arg4[%add3A_29] : memref<327680xi32, #tpu.memory_space<hbm>> -> memref<64xi32, #tpu.memory_space<hbm>>
      %dma_start3A_128 = arith.constant 0 : i32
      %dma_start3A_129 = tpu.memref_slice %arg8[%run_scoped3A_31, %dma_start3A_128] : memref<4x64xi32, #tpu.memory_space<vmem>> -> memref<1x64xi32, #tpu.memory_space<vmem>>
      %dma_start3A_130 = tpu.memref_squeeze %dma_start3A_129 : memref<1x64xi32, #tpu.memory_space<vmem>> -> memref<64xi32, #tpu.memory_space<vmem>>
      %dma_start3A_131 = tpu.memref_slice %arg4[%add3A_29] : memref<327680xi32, #tpu.memory_space<hbm>> -> memref<64xi32, #tpu.memory_space<hbm>>
      tpu.enqueue_dma source(%dma_start3A_131 : memref<64xi32, #tpu.memory_space<hbm>>) target(%dma_start3A_130 : memref<64xi32, #tpu.memory_space<vmem>>) target_semaphore(%run_scoped3A_123 : memref<!tpu.dma_semaphore, #tpu.memory_space<semaphore_mem>>)
      %dma_wait3A_132 = arith.constant 0 : i32
      %dma_wait3A_133 = tpu.memref_slice %arg8[%run_scoped3A_31, %dma_wait3A_132] : memref<4x64xi32, #tpu.memory_space<vmem>> -> memref<1x64xi32, #tpu.memory_space<vmem>>
      %dma_wait3A_134 = tpu.memref_squeeze %dma_wait3A_133 : memref<1x64xi32, #tpu.memory_space<vmem>> -> memref<64xi32, #tpu.memory_space<vmem>>
      %dma_wait3A_135 = tpu.memref_slice %arg4[%add3A_29] : memref<327680xi32, #tpu.memory_space<hbm>> -> memref<64xi32, #tpu.memory_space<hbm>>
      %dma_wait3A_136 = arith.constant 0 : i32
      %dma_wait3A_137 = tpu.memref_slice %arg8[%run_scoped3A_31, %dma_wait3A_136] : memref<4x64xi32, #tpu.memory_space<vmem>> -> memref<1x64xi32, #tpu.memory_space<vmem>>
      %dma_wait3A_138 = tpu.memref_squeeze %dma_wait3A_137 : memref<1x64xi32, #tpu.memory_space<vmem>> -> memref<64xi32, #tpu.memory_space<vmem>>
      %dma_wait3A_139 = tpu.memref_slice %arg4[%add3A_29] : memref<327680xi32, #tpu.memory_space<hbm>> -> memref<64xi32, #tpu.memory_space<hbm>>
      tpu.wait_dma2 semaphore(%run_scoped3A_123 : memref<!tpu.dma_semaphore, #tpu.memory_space<semaphore_mem>>) src(%dma_wait3A_139 : memref<64xi32, #tpu.memory_space<hbm>>) dst(%dma_wait3A_138 : memref<64xi32, #tpu.memory_space<vmem>>)
      tpu.yield
    }) : () -> ()
    %dma_start3A_32 = arith.constant 1 : i32
    %dma_start3A_33 = arith.constant 1 : i32
    %dma_start3A_34 = arith.constant 0 : i32
    %dma_start3A_35 = arith.constant 0 : i32
    %dma_start3A_36 = tpu.memref_slice %arg9[%dma_start3A_33, %dma_start3A_34, %dma_start3A_35] : memref<4x64x128xf32, #tpu.memory_space<vmem>> -> memref<1x64x128xf32, #tpu.memory_space<vmem>>
    %dma_start3A_37 = tpu.memref_squeeze %dma_start3A_36 : memref<1x64x128xf32, #tpu.memory_space<vmem>> -> memref<64x128xf32, #tpu.memory_space<vmem>>
    %dma_start3A_38 = arith.constant 0 : i32
    %dma_start3A_39 = tpu.memref_slice %arg7[%dma_start3A_32, %dma_start3A_38] : memref<4x64xi32, #tpu.memory_space<vmem>> -> memref<1x64xi32, #tpu.memory_space<vmem>>
    %dma_start3A_40 = tpu.memref_squeeze %dma_start3A_39 : memref<1x64xi32, #tpu.memory_space<vmem>> -> memref<64xi32, #tpu.memory_space<vmem>>
    %dma_start3A_41 = arith.constant 0 : i32
    %dma_start3A_42 = arith.constant 0 : i32
    %dma_start3A_43 = tpu.memref_slice %arg2[%dma_start3A_41, %dma_start3A_42] : memref<10000x128xf32, #tpu.memory_space<hbm>> -> memref<10000x128xf32, #tpu.memory_space<hbm>>
    tpu.enqueue_indirect_dma source(%dma_start3A_43 : memref<10000x128xf32, #tpu.memory_space<hbm>>) target(%dma_start3A_37 : memref<64x128xf32, #tpu.memory_space<vmem>>) offsets(%dma_start3A_40 : memref<64xi32, #tpu.memory_space<vmem>>) semaphore(%arg12 : memref<!tpu.dma_semaphore, #tpu.memory_space<semaphore_mem>>)
    %jit3A_44 = arith.constant 4 : i32
    %div3A = arith.divsi %select_n3A_13, %jit3A_44 : i32
    %sign3A = arith.constant 0 : i32
    %sign3A_45 = arith.cmpi sgt, %select_n3A_13, %sign3A : i32
    %sign3A_46 = arith.extui %sign3A_45 : i1 to i32
    %sign3A_47 = arith.constant 0 : i32
    %sign3A_48 = arith.cmpi slt, %select_n3A_13, %sign3A_47 : i32
    %sign3A_49 = arith.extui %sign3A_48 : i1 to i32
    %sign3A_50 = arith.subi %sign3A_46, %sign3A_49 : i32
    %sign3A_51 = arith.constant 0 : i32
    %sign3A_52 = arith.cmpi sgt, %jit3A_44, %sign3A_51 : i32
    %sign3A_53 = arith.extui %sign3A_52 : i1 to i32
    %sign3A_54 = arith.constant 0 : i32
    %sign3A_55 = arith.cmpi slt, %jit3A_44, %sign3A_54 : i32
    %sign3A_56 = arith.extui %sign3A_55 : i1 to i32
    %sign3A_57 = arith.subi %sign3A_53, %sign3A_56 : i32
    %ne3A = arith.cmpi ne, %sign3A_50, %sign3A_57 : i32
    %rem3A = arith.remsi %select_n3A_13, %jit3A_44 : i32
    %ne3A_58 = arith.constant 0 : i32
    %ne3A_59 = arith.cmpi ne, %rem3A, %ne3A_58 : i32
    %and3A = arith.andi %ne3A, %ne3A_59 : i1
    %sub3A = arith.constant 1 : i32
    %sub3A_60 = arith.subi %div3A, %sub3A : i32
    %select_n3A_61 = arith.select %and3A, %sub3A_60, %div3A : i32
    %while3A = arith.constant 0 : i32
    %while3A_62 = arith.constant 0 : i32
    %while3A_63 = arith.subi %select_n3A_61, %while3A_62 : i32
    %while3A_64 = arith.addi %while3A_62, %while3A_63 : i32
    %while3A_65 = arith.constant 1 : i32
    %while3A_66 = arith.divsi %while3A_63, %while3A_65 : i32
    %while3A_67 = arith.muli %while3A_66, %while3A_65 : i32
    %while3A_68 = arith.addi %while3A_62, %while3A_67 : i32
    %while3A_69 = arith.constant 1 : i32
    scf.for %while3A_123 = %while3A_62 to %while3A_68 step %while3A_69  : i32 {
      %mul3A_124 = arith.constant 4 : i32
      %mul3A_125 = arith.muli %mul3A_124, %while3A_123 : i32
      %add3A_126 = arith.constant 0 : i32
      %add3A_127 = arith.addi %mul3A_125, %add3A_126 : i32
      %dma_wait3A_128 = arith.constant 0 : i32
      %dma_wait3A_129 = arith.constant 0 : i32
      %dma_wait3A_130 = arith.constant 0 : i32
      %dma_wait3A_131 = arith.constant 0 : i32
      %dma_wait3A_132 = tpu.memref_slice %arg9[%dma_wait3A_129, %dma_wait3A_130, %dma_wait3A_131] : memref<4x64x128xf32, #tpu.memory_space<vmem>> -> memref<1x64x128xf32, #tpu.memory_space<vmem>>
      %dma_wait3A_133 = tpu.memref_squeeze %dma_wait3A_132 : memref<1x64x128xf32, #tpu.memory_space<vmem>> -> memref<64x128xf32, #tpu.memory_space<vmem>>
      %dma_wait3A_134 = arith.constant 0 : i32
      %dma_wait3A_135 = tpu.memref_slice %arg7[%dma_wait3A_128, %dma_wait3A_134] : memref<4x64xi32, #tpu.memory_space<vmem>> -> memref<1x64xi32, #tpu.memory_space<vmem>>
      %dma_wait3A_136 = tpu.memref_squeeze %dma_wait3A_135 : memref<1x64xi32, #tpu.memory_space<vmem>> -> memref<64xi32, #tpu.memory_space<vmem>>
      %dma_wait3A_137 = arith.constant 0 : i32
      %dma_wait3A_138 = arith.constant 0 : i32
      %dma_wait3A_139 = tpu.memref_slice %arg2[%dma_wait3A_137, %dma_wait3A_138] : memref<10000x128xf32, #tpu.memory_space<hbm>> -> memref<10000x128xf32, #tpu.memory_space<hbm>>
      tpu.wait_indirect_dma semaphore(%arg11 : memref<!tpu.dma_semaphore, #tpu.memory_space<semaphore_mem>>) src(%dma_wait3A_139 : memref<10000x128xf32, #tpu.memory_space<hbm>>) dst(%dma_wait3A_133 : memref<64x128xf32, #tpu.memory_space<vmem>>)
      %dma_start3A_140 = arith.constant 0 : i32
      %dma_start3A_141 = arith.constant 0 : i32
      %dma_start3A_142 = arith.constant 0 : i32
      %dma_start3A_143 = arith.constant 0 : i32
      %dma_start3A_144 = tpu.memref_slice %arg9[%dma_start3A_140, %dma_start3A_142, %dma_start3A_143] : memref<4x64x128xf32, #tpu.memory_space<vmem>> -> memref<1x64x128xf32, #tpu.memory_space<vmem>>
      %dma_start3A_145 = tpu.memref_squeeze %dma_start3A_144 : memref<1x64x128xf32, #tpu.memory_space<vmem>> -> memref<64x128xf32, #tpu.memory_space<vmem>>
      %dma_start3A_146 = arith.constant 0 : i32
      %dma_start3A_147 = tpu.memref_slice %arg8[%dma_start3A_141, %dma_start3A_146] : memref<4x64xi32, #tpu.memory_space<vmem>> -> memref<1x64xi32, #tpu.memory_space<vmem>>
      %dma_start3A_148 = tpu.memref_squeeze %dma_start3A_147 : memref<1x64xi32, #tpu.memory_space<vmem>> -> memref<64xi32, #tpu.memory_space<vmem>>
      %dma_start3A_149 = arith.constant 0 : i32
      %dma_start3A_150 = arith.constant 0 : i32
      %dma_start3A_151 = tpu.memref_slice %arg10[%dma_start3A_149, %dma_start3A_150] : memref<10240x128xf32, #tpu.memory_space<vmem_shared>> -> memref<10240x128xf32, #tpu.memory_space<vmem_shared>>
      tpu.enqueue_indirect_dma source(%dma_start3A_145 : memref<64x128xf32, #tpu.memory_space<vmem>>) target(%dma_start3A_151 : memref<10240x128xf32, #tpu.memory_space<vmem_shared>>) offsets(%dma_start3A_148 : memref<64xi32, #tpu.memory_space<vmem>>) semaphore(%arg15 : memref<!tpu.dma_semaphore, #tpu.memory_space<semaphore_mem>>) {add = true}
      %add3A_152 = arith.constant 2 : i32
      %add3A_153 = arith.addi %add3A_127, %add3A_152 : i32
      %lt3A = arith.cmpi slt, %add3A_153, %select_n3A_13 : i32
      %convert_element_type3A = arith.extui %lt3A : i1 to i32
      %cond3A = arith.constant 0 : i32
      %cond3A_154 = arith.cmpi ne, %convert_element_type3A, %cond3A : i32
      scf.if %cond3A_154 {
        %ge3A = arith.constant 2 : i32
        %ge3A_257 = arith.cmpi sge, %add3A_127, %ge3A : i32
        %convert_element_type3A_258 = arith.extui %ge3A_257 : i1 to i32
        %cond3A_259 = arith.constant 0 : i32
        %cond3A_260 = arith.cmpi ne, %convert_element_type3A_258, %cond3A_259 : i32
        scf.if %cond3A_260 {
          %dma_wait3A_280 = arith.constant 2 : i32
          %dma_wait3A_281 = arith.constant 2 : i32
          %dma_wait3A_282 = arith.constant 0 : i32
          %dma_wait3A_283 = arith.constant 0 : i32
          %dma_wait3A_284 = tpu.memref_slice %arg9[%dma_wait3A_280, %dma_wait3A_282, %dma_wait3A_283] : memref<4x64x128xf32, #tpu.memory_space<vmem>> -> memref<1x64x128xf32, #tpu.memory_space<vmem>>
          %dma_wait3A_285 = tpu.memref_squeeze %dma_wait3A_284 : memref<1x64x128xf32, #tpu.memory_space<vmem>> -> memref<64x128xf32, #tpu.memory_space<vmem>>
          %dma_wait3A_286 = arith.constant 0 : i32
          %dma_wait3A_287 = tpu.memref_slice %arg8[%dma_wait3A_281, %dma_wait3A_286] : memref<4x64xi32, #tpu.memory_space<vmem>> -> memref<1x64xi32, #tpu.memory_space<vmem>>
          %dma_wait3A_288 = tpu.memref_squeeze %dma_wait3A_287 : memref<1x64xi32, #tpu.memory_space<vmem>> -> memref<64xi32, #tpu.memory_space<vmem>>
          %dma_wait3A_289 = arith.constant 0 : i32
          %dma_wait3A_290 = arith.constant 0 : i32
          %dma_wait3A_291 = tpu.memref_slice %arg10[%dma_wait3A_289, %dma_wait3A_290] : memref<10240x128xf32, #tpu.memory_space<vmem_shared>> -> memref<10240x128xf32, #tpu.memory_space<vmem_shared>>
          tpu.wait_indirect_dma semaphore(%arg17 : memref<!tpu.dma_semaphore, #tpu.memory_space<semaphore_mem>>) src(%dma_wait3A_285 : memref<64x128xf32, #tpu.memory_space<vmem>>) dst(%dma_wait3A_291 : memref<10240x128xf32, #tpu.memory_space<vmem_shared>>)
        } else {
        }
        %add3A_261 = arith.constant 2 : i32
        %add3A_262 = arith.addi %add3A_127, %add3A_261 : i32
        %mul3A_263 = arith.constant 64 : i32
        %mul3A_264 = arith.muli %add3A_262, %mul3A_263 : i32
        %add3A_265 = arith.addi %select_n3A, %mul3A_264 : i32
        %run_scoped3A_266 = arith.constant 2 : i32
        "tpu.region"() ({
          %run_scoped3A_280 = tpu.sem_alloc : memref<!tpu.dma_semaphore, #tpu.memory_space<semaphore_mem>>
          %dma_start3A_281 = arith.constant 0 : i32
          %dma_start3A_282 = tpu.memref_slice %arg7[%run_scoped3A_266, %dma_start3A_281] : memref<4x64xi32, #tpu.memory_space<vmem>> -> memref<1x64xi32, #tpu.memory_space<vmem>>
          %dma_start3A_283 = tpu.memref_squeeze %dma_start3A_282 : memref<1x64xi32, #tpu.memory_space<vmem>> -> memref<64xi32, #tpu.memory_space<vmem>>
          %dma_start3A_284 = tpu.memref_slice %arg3[%add3A_265] : memref<327680xi32, #tpu.memory_space<hbm>> -> memref<64xi32, #tpu.memory_space<hbm>>
          %dma_start3A_285 = arith.constant 0 : i32
          %dma_start3A_286 = tpu.memref_slice %arg7[%run_scoped3A_266, %dma_start3A_285] : memref<4x64xi32, #tpu.memory_space<vmem>> -> memref<1x64xi32, #tpu.memory_space<vmem>>
          %dma_start3A_287 = tpu.memref_squeeze %dma_start3A_286 : memref<1x64xi32, #tpu.memory_space<vmem>> -> memref<64xi32, #tpu.memory_space<vmem>>
          %dma_start3A_288 = tpu.memref_slice %arg3[%add3A_265] : memref<327680xi32, #tpu.memory_space<hbm>> -> memref<64xi32, #tpu.memory_space<hbm>>
          tpu.enqueue_dma source(%dma_start3A_288 : memref<64xi32, #tpu.memory_space<hbm>>) target(%dma_start3A_287 : memref<64xi32, #tpu.memory_space<vmem>>) target_semaphore(%run_scoped3A_280 : memref<!tpu.dma_semaphore, #tpu.memory_space<semaphore_mem>>)
          %dma_wait3A_289 = arith.constant 0 : i32
          %dma_wait3A_290 = tpu.memref_slice %arg7[%run_scoped3A_266, %dma_wait3A_289] : memref<4x64xi32, #tpu.memory_space<vmem>> -> memref<1x64xi32, #tpu.memory_space<vmem>>
          %dma_wait3A_291 = tpu.memref_squeeze %dma_wait3A_290 : memref<1x64xi32, #tpu.memory_space<vmem>> -> memref<64xi32, #tpu.memory_space<vmem>>
          %dma_wait3A_292 = tpu.memref_slice %arg3[%add3A_265] : memref<327680xi32, #tpu.memory_space<hbm>> -> memref<64xi32, #tpu.memory_space<hbm>>
          %dma_wait3A_293 = arith.constant 0 : i32
          %dma_wait3A_294 = tpu.memref_slice %arg7[%run_scoped3A_266, %dma_wait3A_293] : memref<4x64xi32, #tpu.memory_space<vmem>> -> memref<1x64xi32, #tpu.memory_space<vmem>>
          %dma_wait3A_295 = tpu.memref_squeeze %dma_wait3A_294 : memref<1x64xi32, #tpu.memory_space<vmem>> -> memref<64xi32, #tpu.memory_space<vmem>>
          %dma_wait3A_296 = tpu.memref_slice %arg3[%add3A_265] : memref<327680xi32, #tpu.memory_space<hbm>> -> memref<64xi32, #tpu.memory_space<hbm>>
          tpu.wait_dma2 semaphore(%run_scoped3A_280 : memref<!tpu.dma_semaphore, #tpu.memory_space<semaphore_mem>>) src(%dma_wait3A_296 : memref<64xi32, #tpu.memory_space<hbm>>) dst(%dma_wait3A_295 : memref<64xi32, #tpu.memory_space<vmem>>)
          tpu.yield
        }) : () -> ()
        %run_scoped3A_267 = arith.constant 2 : i32
        "tpu.region"() ({
          %run_scoped3A_280 = tpu.sem_alloc : memref<!tpu.dma_semaphore, #tpu.memory_space<semaphore_mem>>
          %dma_start3A_281 = arith.constant 0 : i32
          %dma_start3A_282 = tpu.memref_slice %arg8[%run_scoped3A_267, %dma_start3A_281] : memref<4x64xi32, #tpu.memory_space<vmem>> -> memref<1x64xi32, #tpu.memory_space<vmem>>
          %dma_start3A_283 = tpu.memref_squeeze %dma_start3A_282 : memref<1x64xi32, #tpu.memory_space<vmem>> -> memref<64xi32, #tpu.memory_space<vmem>>
          %dma_start3A_284 = tpu.memref_slice %arg4[%add3A_265] : memref<327680xi32, #tpu.memory_space<hbm>> -> memref<64xi32, #tpu.memory_space<hbm>>
          %dma_start3A_285 = arith.constant 0 : i32
          %dma_start3A_286 = tpu.memref_slice %arg8[%run_scoped3A_267, %dma_start3A_285] : memref<4x64xi32, #tpu.memory_space<vmem>> -> memref<1x64xi32, #tpu.memory_space<vmem>>
          %dma_start3A_287 = tpu.memref_squeeze %dma_start3A_286 : memref<1x64xi32, #tpu.memory_space<vmem>> -> memref<64xi32, #tpu.memory_space<vmem>>
          %dma_start3A_288 = tpu.memref_slice %arg4[%add3A_265] : memref<327680xi32, #tpu.memory_space<hbm>> -> memref<64xi32, #tpu.memory_space<hbm>>
          tpu.enqueue_dma source(%dma_start3A_288 : memref<64xi32, #tpu.memory_space<hbm>>) target(%dma_start3A_287 : memref<64xi32, #tpu.memory_space<vmem>>) target_semaphore(%run_scoped3A_280 : memref<!tpu.dma_semaphore, #tpu.memory_space<semaphore_mem>>)
          %dma_wait3A_289 = arith.constant 0 : i32
          %dma_wait3A_290 = tpu.memref_slice %arg8[%run_scoped3A_267, %dma_wait3A_289] : memref<4x64xi32, #tpu.memory_space<vmem>> -> memref<1x64xi32, #tpu.memory_space<vmem>>
          %dma_wait3A_291 = tpu.memref_squeeze %dma_wait3A_290 : memref<1x64xi32, #tpu.memory_space<vmem>> -> memref<64xi32, #tpu.memory_space<vmem>>
          %dma_wait3A_292 = tpu.memref_slice %arg4[%add3A_265] : memref<327680xi32, #tpu.memory_space<hbm>> -> memref<64xi32, #tpu.memory_space<hbm>>
          %dma_wait3A_293 = arith.constant 0 : i32
          %dma_wait3A_294 = tpu.memref_slice %arg8[%run_scoped3A_267, %dma_wait3A_293] : memref<4x64xi32, #tpu.memory_space<vmem>> -> memref<1x64xi32, #tpu.memory_space<vmem>>
          %dma_wait3A_295 = tpu.memref_squeeze %dma_wait3A_294 : memref<1x64xi32, #tpu.memory_space<vmem>> -> memref<64xi32, #tpu.memory_space<vmem>>
          %dma_wait3A_296 = tpu.memref_slice %arg4[%add3A_265] : memref<327680xi32, #tpu.memory_space<hbm>> -> memref<64xi32, #tpu.memory_space<hbm>>
          tpu.wait_dma2 semaphore(%run_scoped3A_280 : memref<!tpu.dma_semaphore, #tpu.memory_space<semaphore_mem>>) src(%dma_wait3A_296 : memref<64xi32, #tpu.memory_space<hbm>>) dst(%dma_wait3A_295 : memref<64xi32, #tpu.memory_space<vmem>>)
          tpu.yield
        }) : () -> ()
        %dma_start3A_268 = arith.constant 2 : i32
        %dma_start3A_269 = arith.constant 2 : i32
        %dma_start3A_270 = arith.constant 0 : i32
        %dma_start3A_271 = arith.constant 0 : i32
        %dma_start3A_272 = tpu.memref_slice %arg9[%dma_start3A_269, %dma_start3A_270, %dma_start3A_271] : memref<4x64x128xf32, #tpu.memory_space<vmem>> -> memref<1x64x128xf32, #tpu.memory_space<vmem>>
        %dma_start3A_273 = tpu.memref_squeeze %dma_start3A_272 : memref<1x64x128xf32, #tpu.memory_space<vmem>> -> memref<64x128xf32, #tpu.memory_space<vmem>>
        %dma_start3A_274 = arith.constant 0 : i32
        %dma_start3A_275 = tpu.memref_slice %arg7[%dma_start3A_268, %dma_start3A_274] : memref<4x64xi32, #tpu.memory_space<vmem>> -> memref<1x64xi32, #tpu.memory_space<vmem>>
        %dma_start3A_276 = tpu.memref_squeeze %dma_start3A_275 : memref<1x64xi32, #tpu.memory_space<vmem>> -> memref<64xi32, #tpu.memory_space<vmem>>
        %dma_start3A_277 = arith.constant 0 : i32
        %dma_start3A_278 = arith.constant 0 : i32
        %dma_start3A_279 = tpu.memref_slice %arg2[%dma_start3A_277, %dma_start3A_278] : memref<10000x128xf32, #tpu.memory_space<hbm>> -> memref<10000x128xf32, #tpu.memory_space<hbm>>
        tpu.enqueue_indirect_dma source(%dma_start3A_279 : memref<10000x128xf32, #tpu.memory_space<hbm>>) target(%dma_start3A_273 : memref<64x128xf32, #tpu.memory_space<vmem>>) offsets(%dma_start3A_276 : memref<64xi32, #tpu.memory_space<vmem>>) semaphore(%arg13 : memref<!tpu.dma_semaphore, #tpu.memory_space<semaphore_mem>>)
      } else {
      }
      %mul3A_155 = arith.constant 4 : i32
      %mul3A_156 = arith.muli %mul3A_155, %while3A_123 : i32
      %add3A_157 = arith.constant 1 : i32
      %add3A_158 = arith.addi %mul3A_156, %add3A_157 : i32
      %dma_wait3A_159 = arith.constant 1 : i32
      %dma_wait3A_160 = arith.constant 1 : i32
      %dma_wait3A_161 = arith.constant 0 : i32
      %dma_wait3A_162 = arith.constant 0 : i32
      %dma_wait3A_163 = tpu.memref_slice %arg9[%dma_wait3A_160, %dma_wait3A_161, %dma_wait3A_162] : memref<4x64x128xf32, #tpu.memory_space<vmem>> -> memref<1x64x128xf32, #tpu.memory_space<vmem>>
      %dma_wait3A_164 = tpu.memref_squeeze %dma_wait3A_163 : memref<1x64x128xf32, #tpu.memory_space<vmem>> -> memref<64x128xf32, #tpu.memory_space<vmem>>
      %dma_wait3A_165 = arith.constant 0 : i32
      %dma_wait3A_166 = tpu.memref_slice %arg7[%dma_wait3A_159, %dma_wait3A_165] : memref<4x64xi32, #tpu.memory_space<vmem>> -> memref<1x64xi32, #tpu.memory_space<vmem>>
      %dma_wait3A_167 = tpu.memref_squeeze %dma_wait3A_166 : memref<1x64xi32, #tpu.memory_space<vmem>> -> memref<64xi32, #tpu.memory_space<vmem>>
      %dma_wait3A_168 = arith.constant 0 : i32
      %dma_wait3A_169 = arith.constant 0 : i32
      %dma_wait3A_170 = tpu.memref_slice %arg2[%dma_wait3A_168, %dma_wait3A_169] : memref<10000x128xf32, #tpu.memory_space<hbm>> -> memref<10000x128xf32, #tpu.memory_space<hbm>>
      tpu.wait_indirect_dma semaphore(%arg12 : memref<!tpu.dma_semaphore, #tpu.memory_space<semaphore_mem>>) src(%dma_wait3A_170 : memref<10000x128xf32, #tpu.memory_space<hbm>>) dst(%dma_wait3A_164 : memref<64x128xf32, #tpu.memory_space<vmem>>)
      %dma_start3A_171 = arith.constant 1 : i32
      %dma_start3A_172 = arith.constant 1 : i32
      %dma_start3A_173 = arith.constant 0 : i32
      %dma_start3A_174 = arith.constant 0 : i32
      %dma_start3A_175 = tpu.memref_slice %arg9[%dma_start3A_171, %dma_start3A_173, %dma_start3A_174] : memref<4x64x128xf32, #tpu.memory_space<vmem>> -> memref<1x64x128xf32, #tpu.memory_space<vmem>>
      %dma_start3A_176 = tpu.memref_squeeze %dma_start3A_175 : memref<1x64x128xf32, #tpu.memory_space<vmem>> -> memref<64x128xf32, #tpu.memory_space<vmem>>
      %dma_start3A_177 = arith.constant 0 : i32
      %dma_start3A_178 = tpu.memref_slice %arg8[%dma_start3A_172, %dma_start3A_177] : memref<4x64xi32, #tpu.memory_space<vmem>> -> memref<1x64xi32, #tpu.memory_space<vmem>>
      %dma_start3A_179 = tpu.memref_squeeze %dma_start3A_178 : memref<1x64xi32, #tpu.memory_space<vmem>> -> memref<64xi32, #tpu.memory_space<vmem>>
      %dma_start3A_180 = arith.constant 0 : i32
      %dma_start3A_181 = arith.constant 0 : i32
      %dma_start3A_182 = tpu.memref_slice %arg10[%dma_start3A_180, %dma_start3A_181] : memref<10240x128xf32, #tpu.memory_space<vmem_shared>> -> memref<10240x128xf32, #tpu.memory_space<vmem_shared>>
      tpu.enqueue_indirect_dma source(%dma_start3A_176 : memref<64x128xf32, #tpu.memory_space<vmem>>) target(%dma_start3A_182 : memref<10240x128xf32, #tpu.memory_space<vmem_shared>>) offsets(%dma_start3A_179 : memref<64xi32, #tpu.memory_space<vmem>>) semaphore(%arg16 : memref<!tpu.dma_semaphore, #tpu.memory_space<semaphore_mem>>) {add = true}
      %add3A_183 = arith.constant 2 : i32
      %add3A_184 = arith.addi %add3A_158, %add3A_183 : i32
      %lt3A_185 = arith.cmpi slt, %add3A_184, %select_n3A_13 : i32
      %convert_element_type3A_186 = arith.extui %lt3A_185 : i1 to i32
      %cond3A_187 = arith.constant 0 : i32
      %cond3A_188 = arith.cmpi ne, %convert_element_type3A_186, %cond3A_187 : i32
      scf.if %cond3A_188 {
        %ge3A = arith.constant 2 : i32
        %ge3A_257 = arith.cmpi sge, %add3A_158, %ge3A : i32
        %convert_element_type3A_258 = arith.extui %ge3A_257 : i1 to i32
        %cond3A_259 = arith.constant 0 : i32
        %cond3A_260 = arith.cmpi ne, %convert_element_type3A_258, %cond3A_259 : i32
        scf.if %cond3A_260 {
          %dma_wait3A_280 = arith.constant 3 : i32
          %dma_wait3A_281 = arith.constant 3 : i32
          %dma_wait3A_282 = arith.constant 0 : i32
          %dma_wait3A_283 = arith.constant 0 : i32
          %dma_wait3A_284 = tpu.memref_slice %arg9[%dma_wait3A_280, %dma_wait3A_282, %dma_wait3A_283] : memref<4x64x128xf32, #tpu.memory_space<vmem>> -> memref<1x64x128xf32, #tpu.memory_space<vmem>>
          %dma_wait3A_285 = tpu.memref_squeeze %dma_wait3A_284 : memref<1x64x128xf32, #tpu.memory_space<vmem>> -> memref<64x128xf32, #tpu.memory_space<vmem>>
          %dma_wait3A_286 = arith.constant 0 : i32
          %dma_wait3A_287 = tpu.memref_slice %arg8[%dma_wait3A_281, %dma_wait3A_286] : memref<4x64xi32, #tpu.memory_space<vmem>> -> memref<1x64xi32, #tpu.memory_space<vmem>>
          %dma_wait3A_288 = tpu.memref_squeeze %dma_wait3A_287 : memref<1x64xi32, #tpu.memory_space<vmem>> -> memref<64xi32, #tpu.memory_space<vmem>>
          %dma_wait3A_289 = arith.constant 0 : i32
          %dma_wait3A_290 = arith.constant 0 : i32
          %dma_wait3A_291 = tpu.memref_slice %arg10[%dma_wait3A_289, %dma_wait3A_290] : memref<10240x128xf32, #tpu.memory_space<vmem_shared>> -> memref<10240x128xf32, #tpu.memory_space<vmem_shared>>
          tpu.wait_indirect_dma semaphore(%arg18 : memref<!tpu.dma_semaphore, #tpu.memory_space<semaphore_mem>>) src(%dma_wait3A_285 : memref<64x128xf32, #tpu.memory_space<vmem>>) dst(%dma_wait3A_291 : memref<10240x128xf32, #tpu.memory_space<vmem_shared>>)
        } else {
        }
        %add3A_261 = arith.constant 2 : i32
        %add3A_262 = arith.addi %add3A_158, %add3A_261 : i32
        %mul3A_263 = arith.constant 64 : i32
        %mul3A_264 = arith.muli %add3A_262, %mul3A_263 : i32
        %add3A_265 = arith.addi %select_n3A, %mul3A_264 : i32
        %run_scoped3A_266 = arith.constant 3 : i32
        "tpu.region"() ({
          %run_scoped3A_280 = tpu.sem_alloc : memref<!tpu.dma_semaphore, #tpu.memory_space<semaphore_mem>>
          %dma_start3A_281 = arith.constant 0 : i32
          %dma_start3A_282 = tpu.memref_slice %arg7[%run_scoped3A_266, %dma_start3A_281] : memref<4x64xi32, #tpu.memory_space<vmem>> -> memref<1x64xi32, #tpu.memory_space<vmem>>
          %dma_start3A_283 = tpu.memref_squeeze %dma_start3A_282 : memref<1x64xi32, #tpu.memory_space<vmem>> -> memref<64xi32, #tpu.memory_space<vmem>>
          %dma_start3A_284 = tpu.memref_slice %arg3[%add3A_265] : memref<327680xi32, #tpu.memory_space<hbm>> -> memref<64xi32, #tpu.memory_space<hbm>>
          %dma_start3A_285 = arith.constant 0 : i32
          %dma_start3A_286 = tpu.memref_slice %arg7[%run_scoped3A_266, %dma_start3A_285] : memref<4x64xi32, #tpu.memory_space<vmem>> -> memref<1x64xi32, #tpu.memory_space<vmem>>
          %dma_start3A_287 = tpu.memref_squeeze %dma_start3A_286 : memref<1x64xi32, #tpu.memory_space<vmem>> -> memref<64xi32, #tpu.memory_space<vmem>>
          %dma_start3A_288 = tpu.memref_slice %arg3[%add3A_265] : memref<327680xi32, #tpu.memory_space<hbm>> -> memref<64xi32, #tpu.memory_space<hbm>>
          tpu.enqueue_dma source(%dma_start3A_288 : memref<64xi32, #tpu.memory_space<hbm>>) target(%dma_start3A_287 : memref<64xi32, #tpu.memory_space<vmem>>) target_semaphore(%run_scoped3A_280 : memref<!tpu.dma_semaphore, #tpu.memory_space<semaphore_mem>>)
          %dma_wait3A_289 = arith.constant 0 : i32
          %dma_wait3A_290 = tpu.memref_slice %arg7[%run_scoped3A_266, %dma_wait3A_289] : memref<4x64xi32, #tpu.memory_space<vmem>> -> memref<1x64xi32, #tpu.memory_space<vmem>>
          %dma_wait3A_291 = tpu.memref_squeeze %dma_wait3A_290 : memref<1x64xi32, #tpu.memory_space<vmem>> -> memref<64xi32, #tpu.memory_space<vmem>>
          %dma_wait3A_292 = tpu.memref_slice %arg3[%add3A_265] : memref<327680xi32, #tpu.memory_space<hbm>> -> memref<64xi32, #tpu.memory_space<hbm>>
          %dma_wait3A_293 = arith.constant 0 : i32
          %dma_wait3A_294 = tpu.memref_slice %arg7[%run_scoped3A_266, %dma_wait3A_293] : memref<4x64xi32, #tpu.memory_space<vmem>> -> memref<1x64xi32, #tpu.memory_space<vmem>>
          %dma_wait3A_295 = tpu.memref_squeeze %dma_wait3A_294 : memref<1x64xi32, #tpu.memory_space<vmem>> -> memref<64xi32, #tpu.memory_space<vmem>>
          %dma_wait3A_296 = tpu.memref_slice %arg3[%add3A_265] : memref<327680xi32, #tpu.memory_space<hbm>> -> memref<64xi32, #tpu.memory_space<hbm>>
          tpu.wait_dma2 semaphore(%run_scoped3A_280 : memref<!tpu.dma_semaphore, #tpu.memory_space<semaphore_mem>>) src(%dma_wait3A_296 : memref<64xi32, #tpu.memory_space<hbm>>) dst(%dma_wait3A_295 : memref<64xi32, #tpu.memory_space<vmem>>)
          tpu.yield
        }) : () -> ()
        %run_scoped3A_267 = arith.constant 3 : i32
        "tpu.region"() ({
          %run_scoped3A_280 = tpu.sem_alloc : memref<!tpu.dma_semaphore, #tpu.memory_space<semaphore_mem>>
          %dma_start3A_281 = arith.constant 0 : i32
          %dma_start3A_282 = tpu.memref_slice %arg8[%run_scoped3A_267, %dma_start3A_281] : memref<4x64xi32, #tpu.memory_space<vmem>> -> memref<1x64xi32, #tpu.memory_space<vmem>>
          %dma_start3A_283 = tpu.memref_squeeze %dma_start3A_282 : memref<1x64xi32, #tpu.memory_space<vmem>> -> memref<64xi32, #tpu.memory_space<vmem>>
          %dma_start3A_284 = tpu.memref_slice %arg4[%add3A_265] : memref<327680xi32, #tpu.memory_space<hbm>> -> memref<64xi32, #tpu.memory_space<hbm>>
          %dma_start3A_285 = arith.constant 0 : i32
          %dma_start3A_286 = tpu.memref_slice %arg8[%run_scoped3A_267, %dma_start3A_285] : memref<4x64xi32, #tpu.memory_space<vmem>> -> memref<1x64xi32, #tpu.memory_space<vmem>>
          %dma_start3A_287 = tpu.memref_squeeze %dma_start3A_286 : memref<1x64xi32, #tpu.memory_space<vmem>> -> memref<64xi32, #tpu.memory_space<vmem>>
          %dma_start3A_288 = tpu.memref_slice %arg4[%add3A_265] : memref<327680xi32, #tpu.memory_space<hbm>> -> memref<64xi32, #tpu.memory_space<hbm>>
          tpu.enqueue_dma source(%dma_start3A_288 : memref<64xi32, #tpu.memory_space<hbm>>) target(%dma_start3A_287 : memref<64xi32, #tpu.memory_space<vmem>>) target_semaphore(%run_scoped3A_280 : memref<!tpu.dma_semaphore, #tpu.memory_space<semaphore_mem>>)
          %dma_wait3A_289 = arith.constant 0 : i32
          %dma_wait3A_290 = tpu.memref_slice %arg8[%run_scoped3A_267, %dma_wait3A_289] : memref<4x64xi32, #tpu.memory_space<vmem>> -> memref<1x64xi32, #tpu.memory_space<vmem>>
          %dma_wait3A_291 = tpu.memref_squeeze %dma_wait3A_290 : memref<1x64xi32, #tpu.memory_space<vmem>> -> memref<64xi32, #tpu.memory_space<vmem>>
          %dma_wait3A_292 = tpu.memref_slice %arg4[%add3A_265] : memref<327680xi32, #tpu.memory_space<hbm>> -> memref<64xi32, #tpu.memory_space<hbm>>
          %dma_wait3A_293 = arith.constant 0 : i32
          %dma_wait3A_294 = tpu.memref_slice %arg8[%run_scoped3A_267, %dma_wait3A_293] : memref<4x64xi32, #tpu.memory_space<vmem>> -> memref<1x64xi32, #tpu.memory_space<vmem>>
          %dma_wait3A_295 = tpu.memref_squeeze %dma_wait3A_294 : memref<1x64xi32, #tpu.memory_space<vmem>> -> memref<64xi32, #tpu.memory_space<vmem>>
          %dma_wait3A_296 = tpu.memref_slice %arg4[%add3A_265] : memref<327680xi32, #tpu.memory_space<hbm>> -> memref<64xi32, #tpu.memory_space<hbm>>
          tpu.wait_dma2 semaphore(%run_scoped3A_280 : memref<!tpu.dma_semaphore, #tpu.memory_space<semaphore_mem>>) src(%dma_wait3A_296 : memref<64xi32, #tpu.memory_space<hbm>>) dst(%dma_wait3A_295 : memref<64xi32, #tpu.memory_space<vmem>>)
          tpu.yield
        }) : () -> ()
        %dma_start3A_268 = arith.constant 3 : i32
        %dma_start3A_269 = arith.constant 3 : i32
        %dma_start3A_270 = arith.constant 0 : i32
        %dma_start3A_271 = arith.constant 0 : i32
        %dma_start3A_272 = tpu.memref_slice %arg9[%dma_start3A_269, %dma_start3A_270, %dma_start3A_271] : memref<4x64x128xf32, #tpu.memory_space<vmem>> -> memref<1x64x128xf32, #tpu.memory_space<vmem>>
        %dma_start3A_273 = tpu.memref_squeeze %dma_start3A_272 : memref<1x64x128xf32, #tpu.memory_space<vmem>> -> memref<64x128xf32, #tpu.memory_space<vmem>>
        %dma_start3A_274 = arith.constant 0 : i32
        %dma_start3A_275 = tpu.memref_slice %arg7[%dma_start3A_268, %dma_start3A_274] : memref<4x64xi32, #tpu.memory_space<vmem>> -> memref<1x64xi32, #tpu.memory_space<vmem>>
        %dma_start3A_276 = tpu.memref_squeeze %dma_start3A_275 : memref<1x64xi32, #tpu.memory_space<vmem>> -> memref<64xi32, #tpu.memory_space<vmem>>
        %dma_start3A_277 = arith.constant 0 : i32
        %dma_start3A_278 = arith.constant 0 : i32
        %dma_start3A_279 = tpu.memref_slice %arg2[%dma_start3A_277, %dma_start3A_278] : memref<10000x128xf32, #tpu.memory_space<hbm>> -> memref<10000x128xf32, #tpu.memory_space<hbm>>
        tpu.enqueue_indirect_dma source(%dma_start3A_279 : memref<10000x128xf32, #tpu.memory_space<hbm>>) target(%dma_start3A_273 : memref<64x128xf32, #tpu.memory_space<vmem>>) offsets(%dma_start3A_276 : memref<64xi32, #tpu.memory_space<vmem>>) semaphore(%arg14 : memref<!tpu.dma_semaphore, #tpu.memory_space<semaphore_mem>>)
      } else {
      }
      %mul3A_189 = arith.constant 4 : i32
      %mul3A_190 = arith.muli %mul3A_189, %while3A_123 : i32
      %add3A_191 = arith.constant 2 : i32
      %add3A_192 = arith.addi %mul3A_190, %add3A_191 : i32
      %dma_wait3A_193 = arith.constant 2 : i32
      %dma_wait3A_194 = arith.constant 2 : i32
      %dma_wait3A_195 = arith.constant 0 : i32
      %dma_wait3A_196 = arith.constant 0 : i32
      %dma_wait3A_197 = tpu.memref_slice %arg9[%dma_wait3A_194, %dma_wait3A_195, %dma_wait3A_196] : memref<4x64x128xf32, #tpu.memory_space<vmem>> -> memref<1x64x128xf32, #tpu.memory_space<vmem>>
      %dma_wait3A_198 = tpu.memref_squeeze %dma_wait3A_197 : memref<1x64x128xf32, #tpu.memory_space<vmem>> -> memref<64x128xf32, #tpu.memory_space<vmem>>
      %dma_wait3A_199 = arith.constant 0 : i32
      %dma_wait3A_200 = tpu.memref_slice %arg7[%dma_wait3A_193, %dma_wait3A_199] : memref<4x64xi32, #tpu.memory_space<vmem>> -> memref<1x64xi32, #tpu.memory_space<vmem>>
      %dma_wait3A_201 = tpu.memref_squeeze %dma_wait3A_200 : memref<1x64xi32, #tpu.memory_space<vmem>> -> memref<64xi32, #tpu.memory_space<vmem>>
      %dma_wait3A_202 = arith.constant 0 : i32
      %dma_wait3A_203 = arith.constant 0 : i32
      %dma_wait3A_204 = tpu.memref_slice %arg2[%dma_wait3A_202, %dma_wait3A_203] : memref<10000x128xf32, #tpu.memory_space<hbm>> -> memref<10000x128xf32, #tpu.memory_space<hbm>>
      tpu.wait_indirect_dma semaphore(%arg13 : memref<!tpu.dma_semaphore, #tpu.memory_space<semaphore_mem>>) src(%dma_wait3A_204 : memref<10000x128xf32, #tpu.memory_space<hbm>>) dst(%dma_wait3A_198 : memref<64x128xf32, #tpu.memory_space<vmem>>)
      %dma_start3A_205 = arith.constant 2 : i32
      %dma_start3A_206 = arith.constant 2 : i32
      %dma_start3A_207 = arith.constant 0 : i32
      %dma_start3A_208 = arith.constant 0 : i32
      %dma_start3A_209 = tpu.memref_slice %arg9[%dma_start3A_205, %dma_start3A_207, %dma_start3A_208] : memref<4x64x128xf32, #tpu.memory_space<vmem>> -> memref<1x64x128xf32, #tpu.memory_space<vmem>>
      %dma_start3A_210 = tpu.memref_squeeze %dma_start3A_209 : memref<1x64x128xf32, #tpu.memory_space<vmem>> -> memref<64x128xf32, #tpu.memory_space<vmem>>
      %dma_start3A_211 = arith.constant 0 : i32
      %dma_start3A_212 = tpu.memref_slice %arg8[%dma_start3A_206, %dma_start3A_211] : memref<4x64xi32, #tpu.memory_space<vmem>> -> memref<1x64xi32, #tpu.memory_space<vmem>>
      %dma_start3A_213 = tpu.memref_squeeze %dma_start3A_212 : memref<1x64xi32, #tpu.memory_space<vmem>> -> memref<64xi32, #tpu.memory_space<vmem>>
      %dma_start3A_214 = arith.constant 0 : i32
      %dma_start3A_215 = arith.constant 0 : i32
      %dma_start3A_216 = tpu.memref_slice %arg10[%dma_start3A_214, %dma_start3A_215] : memref<10240x128xf32, #tpu.memory_space<vmem_shared>> -> memref<10240x128xf32, #tpu.memory_space<vmem_shared>>
      tpu.enqueue_indirect_dma source(%dma_start3A_210 : memref<64x128xf32, #tpu.memory_space<vmem>>) target(%dma_start3A_216 : memref<10240x128xf32, #tpu.memory_space<vmem_shared>>) offsets(%dma_start3A_213 : memref<64xi32, #tpu.memory_space<vmem>>) semaphore(%arg17 : memref<!tpu.dma_semaphore, #tpu.memory_space<semaphore_mem>>) {add = true}
      %add3A_217 = arith.constant 2 : i32
      %add3A_218 = arith.addi %add3A_192, %add3A_217 : i32
      %lt3A_219 = arith.cmpi slt, %add3A_218, %select_n3A_13 : i32
      %convert_element_type3A_220 = arith.extui %lt3A_219 : i1 to i32
      %cond3A_221 = arith.constant 0 : i32
      %cond3A_222 = arith.cmpi ne, %convert_element_type3A_220, %cond3A_221 : i32
      scf.if %cond3A_222 {
        %ge3A = arith.constant 2 : i32
        %ge3A_257 = arith.cmpi sge, %add3A_192, %ge3A : i32
        %convert_element_type3A_258 = arith.extui %ge3A_257 : i1 to i32
        %cond3A_259 = arith.constant 0 : i32
        %cond3A_260 = arith.cmpi ne, %convert_element_type3A_258, %cond3A_259 : i32
        scf.if %cond3A_260 {
          %dma_wait3A_280 = arith.constant 0 : i32
          %dma_wait3A_281 = arith.constant 0 : i32
          %dma_wait3A_282 = arith.constant 0 : i32
          %dma_wait3A_283 = arith.constant 0 : i32
          %dma_wait3A_284 = tpu.memref_slice %arg9[%dma_wait3A_280, %dma_wait3A_282, %dma_wait3A_283] : memref<4x64x128xf32, #tpu.memory_space<vmem>> -> memref<1x64x128xf32, #tpu.memory_space<vmem>>
          %dma_wait3A_285 = tpu.memref_squeeze %dma_wait3A_284 : memref<1x64x128xf32, #tpu.memory_space<vmem>> -> memref<64x128xf32, #tpu.memory_space<vmem>>
          %dma_wait3A_286 = arith.constant 0 : i32
          %dma_wait3A_287 = tpu.memref_slice %arg8[%dma_wait3A_281, %dma_wait3A_286] : memref<4x64xi32, #tpu.memory_space<vmem>> -> memref<1x64xi32, #tpu.memory_space<vmem>>
          %dma_wait3A_288 = tpu.memref_squeeze %dma_wait3A_287 : memref<1x64xi32, #tpu.memory_space<vmem>> -> memref<64xi32, #tpu.memory_space<vmem>>
          %dma_wait3A_289 = arith.constant 0 : i32
          %dma_wait3A_290 = arith.constant 0 : i32
          %dma_wait3A_291 = tpu.memref_slice %arg10[%dma_wait3A_289, %dma_wait3A_290] : memref<10240x128xf32, #tpu.memory_space<vmem_shared>> -> memref<10240x128xf32, #tpu.memory_space<vmem_shared>>
          tpu.wait_indirect_dma semaphore(%arg15 : memref<!tpu.dma_semaphore, #tpu.memory_space<semaphore_mem>>) src(%dma_wait3A_285 : memref<64x128xf32, #tpu.memory_space<vmem>>) dst(%dma_wait3A_291 : memref<10240x128xf32, #tpu.memory_space<vmem_shared>>)
        } else {
        }
        %add3A_261 = arith.constant 2 : i32
        %add3A_262 = arith.addi %add3A_192, %add3A_261 : i32
        %mul3A_263 = arith.constant 64 : i32
        %mul3A_264 = arith.muli %add3A_262, %mul3A_263 : i32
        %add3A_265 = arith.addi %select_n3A, %mul3A_264 : i32
        %run_scoped3A_266 = arith.constant 0 : i32
        "tpu.region"() ({
          %run_scoped3A_280 = tpu.sem_alloc : memref<!tpu.dma_semaphore, #tpu.memory_space<semaphore_mem>>
          %dma_start3A_281 = arith.constant 0 : i32
          %dma_start3A_282 = tpu.memref_slice %arg7[%run_scoped3A_266, %dma_start3A_281] : memref<4x64xi32, #tpu.memory_space<vmem>> -> memref<1x64xi32, #tpu.memory_space<vmem>>
          %dma_start3A_283 = tpu.memref_squeeze %dma_start3A_282 : memref<1x64xi32, #tpu.memory_space<vmem>> -> memref<64xi32, #tpu.memory_space<vmem>>
          %dma_start3A_284 = tpu.memref_slice %arg3[%add3A_265] : memref<327680xi32, #tpu.memory_space<hbm>> -> memref<64xi32, #tpu.memory_space<hbm>>
          %dma_start3A_285 = arith.constant 0 : i32
          %dma_start3A_286 = tpu.memref_slice %arg7[%run_scoped3A_266, %dma_start3A_285] : memref<4x64xi32, #tpu.memory_space<vmem>> -> memref<1x64xi32, #tpu.memory_space<vmem>>
          %dma_start3A_287 = tpu.memref_squeeze %dma_start3A_286 : memref<1x64xi32, #tpu.memory_space<vmem>> -> memref<64xi32, #tpu.memory_space<vmem>>
          %dma_start3A_288 = tpu.memref_slice %arg3[%add3A_265] : memref<327680xi32, #tpu.memory_space<hbm>> -> memref<64xi32, #tpu.memory_space<hbm>>
          tpu.enqueue_dma source(%dma_start3A_288 : memref<64xi32, #tpu.memory_space<hbm>>) target(%dma_start3A_287 : memref<64xi32, #tpu.memory_space<vmem>>) target_semaphore(%run_scoped3A_280 : memref<!tpu.dma_semaphore, #tpu.memory_space<semaphore_mem>>)
          %dma_wait3A_289 = arith.constant 0 : i32
          %dma_wait3A_290 = tpu.memref_slice %arg7[%run_scoped3A_266, %dma_wait3A_289] : memref<4x64xi32, #tpu.memory_space<vmem>> -> memref<1x64xi32, #tpu.memory_space<vmem>>
          %dma_wait3A_291 = tpu.memref_squeeze %dma_wait3A_290 : memref<1x64xi32, #tpu.memory_space<vmem>> -> memref<64xi32, #tpu.memory_space<vmem>>
          %dma_wait3A_292 = tpu.memref_slice %arg3[%add3A_265] : memref<327680xi32, #tpu.memory_space<hbm>> -> memref<64xi32, #tpu.memory_space<hbm>>
          %dma_wait3A_293 = arith.constant 0 : i32
          %dma_wait3A_294 = tpu.memref_slice %arg7[%run_scoped3A_266, %dma_wait3A_293] : memref<4x64xi32, #tpu.memory_space<vmem>> -> memref<1x64xi32, #tpu.memory_space<vmem>>
          %dma_wait3A_295 = tpu.memref_squeeze %dma_wait3A_294 : memref<1x64xi32, #tpu.memory_space<vmem>> -> memref<64xi32, #tpu.memory_space<vmem>>
          %dma_wait3A_296 = tpu.memref_slice %arg3[%add3A_265] : memref<327680xi32, #tpu.memory_space<hbm>> -> memref<64xi32, #tpu.memory_space<hbm>>
          tpu.wait_dma2 semaphore(%run_scoped3A_280 : memref<!tpu.dma_semaphore, #tpu.memory_space<semaphore_mem>>) src(%dma_wait3A_296 : memref<64xi32, #tpu.memory_space<hbm>>) dst(%dma_wait3A_295 : memref<64xi32, #tpu.memory_space<vmem>>)
          tpu.yield
        }) : () -> ()
        %run_scoped3A_267 = arith.constant 0 : i32
        "tpu.region"() ({
          %run_scoped3A_280 = tpu.sem_alloc : memref<!tpu.dma_semaphore, #tpu.memory_space<semaphore_mem>>
          %dma_start3A_281 = arith.constant 0 : i32
          %dma_start3A_282 = tpu.memref_slice %arg8[%run_scoped3A_267, %dma_start3A_281] : memref<4x64xi32, #tpu.memory_space<vmem>> -> memref<1x64xi32, #tpu.memory_space<vmem>>
          %dma_start3A_283 = tpu.memref_squeeze %dma_start3A_282 : memref<1x64xi32, #tpu.memory_space<vmem>> -> memref<64xi32, #tpu.memory_space<vmem>>
          %dma_start3A_284 = tpu.memref_slice %arg4[%add3A_265] : memref<327680xi32, #tpu.memory_space<hbm>> -> memref<64xi32, #tpu.memory_space<hbm>>
          %dma_start3A_285 = arith.constant 0 : i32
          %dma_start3A_286 = tpu.memref_slice %arg8[%run_scoped3A_267, %dma_start3A_285] : memref<4x64xi32, #tpu.memory_space<vmem>> -> memref<1x64xi32, #tpu.memory_space<vmem>>
          %dma_start3A_287 = tpu.memref_squeeze %dma_start3A_286 : memref<1x64xi32, #tpu.memory_space<vmem>> -> memref<64xi32, #tpu.memory_space<vmem>>
          %dma_start3A_288 = tpu.memref_slice %arg4[%add3A_265] : memref<327680xi32, #tpu.memory_space<hbm>> -> memref<64xi32, #tpu.memory_space<hbm>>
          tpu.enqueue_dma source(%dma_start3A_288 : memref<64xi32, #tpu.memory_space<hbm>>) target(%dma_start3A_287 : memref<64xi32, #tpu.memory_space<vmem>>) target_semaphore(%run_scoped3A_280 : memref<!tpu.dma_semaphore, #tpu.memory_space<semaphore_mem>>)
          %dma_wait3A_289 = arith.constant 0 : i32
          %dma_wait3A_290 = tpu.memref_slice %arg8[%run_scoped3A_267, %dma_wait3A_289] : memref<4x64xi32, #tpu.memory_space<vmem>> -> memref<1x64xi32, #tpu.memory_space<vmem>>
          %dma_wait3A_291 = tpu.memref_squeeze %dma_wait3A_290 : memref<1x64xi32, #tpu.memory_space<vmem>> -> memref<64xi32, #tpu.memory_space<vmem>>
          %dma_wait3A_292 = tpu.memref_slice %arg4[%add3A_265] : memref<327680xi32, #tpu.memory_space<hbm>> -> memref<64xi32, #tpu.memory_space<hbm>>
          %dma_wait3A_293 = arith.constant 0 : i32
          %dma_wait3A_294 = tpu.memref_slice %arg8[%run_scoped3A_267, %dma_wait3A_293] : memref<4x64xi32, #tpu.memory_space<vmem>> -> memref<1x64xi32, #tpu.memory_space<vmem>>
          %dma_wait3A_295 = tpu.memref_squeeze %dma_wait3A_294 : memref<1x64xi32, #tpu.memory_space<vmem>> -> memref<64xi32, #tpu.memory_space<vmem>>
          %dma_wait3A_296 = tpu.memref_slice %arg4[%add3A_265] : memref<327680xi32, #tpu.memory_space<hbm>> -> memref<64xi32, #tpu.memory_space<hbm>>
          tpu.wait_dma2 semaphore(%run_scoped3A_280 : memref<!tpu.dma_semaphore, #tpu.memory_space<semaphore_mem>>) src(%dma_wait3A_296 : memref<64xi32, #tpu.memory_space<hbm>>) dst(%dma_wait3A_295 : memref<64xi32, #tpu.memory_space<vmem>>)
          tpu.yield
        }) : () -> ()
        %dma_start3A_268 = arith.constant 0 : i32
        %dma_start3A_269 = arith.constant 0 : i32
        %dma_start3A_270 = arith.constant 0 : i32
        %dma_start3A_271 = arith.constant 0 : i32
        %dma_start3A_272 = tpu.memref_slice %arg9[%dma_start3A_269, %dma_start3A_270, %dma_start3A_271] : memref<4x64x128xf32, #tpu.memory_space<vmem>> -> memref<1x64x128xf32, #tpu.memory_space<vmem>>
        %dma_start3A_273 = tpu.memref_squeeze %dma_start3A_272 : memref<1x64x128xf32, #tpu.memory_space<vmem>> -> memref<64x128xf32, #tpu.memory_space<vmem>>
        %dma_start3A_274 = arith.constant 0 : i32
        %dma_start3A_275 = tpu.memref_slice %arg7[%dma_start3A_268, %dma_start3A_274] : memref<4x64xi32, #tpu.memory_space<vmem>> -> memref<1x64xi32, #tpu.memory_space<vmem>>
        %dma_start3A_276 = tpu.memref_squeeze %dma_start3A_275 : memref<1x64xi32, #tpu.memory_space<vmem>> -> memref<64xi32, #tpu.memory_space<vmem>>
        %dma_start3A_277 = arith.constant 0 : i32
        %dma_start3A_278 = arith.constant 0 : i32
        %dma_start3A_279 = tpu.memref_slice %arg2[%dma_start3A_277, %dma_start3A_278] : memref<10000x128xf32, #tpu.memory_space<hbm>> -> memref<10000x128xf32, #tpu.memory_space<hbm>>
        tpu.enqueue_indirect_dma source(%dma_start3A_279 : memref<10000x128xf32, #tpu.memory_space<hbm>>) target(%dma_start3A_273 : memref<64x128xf32, #tpu.memory_space<vmem>>) offsets(%dma_start3A_276 : memref<64xi32, #tpu.memory_space<vmem>>) semaphore(%arg11 : memref<!tpu.dma_semaphore, #tpu.memory_space<semaphore_mem>>)
      } else {
      }
      %mul3A_223 = arith.constant 4 : i32
      %mul3A_224 = arith.muli %mul3A_223, %while3A_123 : i32
      %add3A_225 = arith.constant 3 : i32
      %add3A_226 = arith.addi %mul3A_224, %add3A_225 : i32
      %dma_wait3A_227 = arith.constant 3 : i32
      %dma_wait3A_228 = arith.constant 3 : i32
      %dma_wait3A_229 = arith.constant 0 : i32
      %dma_wait3A_230 = arith.constant 0 : i32
      %dma_wait3A_231 = tpu.memref_slice %arg9[%dma_wait3A_228, %dma_wait3A_229, %dma_wait3A_230] : memref<4x64x128xf32, #tpu.memory_space<vmem>> -> memref<1x64x128xf32, #tpu.memory_space<vmem>>
      %dma_wait3A_232 = tpu.memref_squeeze %dma_wait3A_231 : memref<1x64x128xf32, #tpu.memory_space<vmem>> -> memref<64x128xf32, #tpu.memory_space<vmem>>
      %dma_wait3A_233 = arith.constant 0 : i32
      %dma_wait3A_234 = tpu.memref_slice %arg7[%dma_wait3A_227, %dma_wait3A_233] : memref<4x64xi32, #tpu.memory_space<vmem>> -> memref<1x64xi32, #tpu.memory_space<vmem>>
      %dma_wait3A_235 = tpu.memref_squeeze %dma_wait3A_234 : memref<1x64xi32, #tpu.memory_space<vmem>> -> memref<64xi32, #tpu.memory_space<vmem>>
      %dma_wait3A_236 = arith.constant 0 : i32
      %dma_wait3A_237 = arith.constant 0 : i32
      %dma_wait3A_238 = tpu.memref_slice %arg2[%dma_wait3A_236, %dma_wait3A_237] : memref<10000x128xf32, #tpu.memory_space<hbm>> -> memref<10000x128xf32, #tpu.memory_space<hbm>>
      tpu.wait_indirect_dma semaphore(%arg14 : memref<!tpu.dma_semaphore, #tpu.memory_space<semaphore_mem>>) src(%dma_wait3A_238 : memref<10000x128xf32, #tpu.memory_space<hbm>>) dst(%dma_wait3A_232 : memref<64x128xf32, #tpu.memory_space<vmem>>)
      %dma_start3A_239 = arith.constant 3 : i32
      %dma_start3A_240 = arith.constant 3 : i32
      %dma_start3A_241 = arith.constant 0 : i32
      %dma_start3A_242 = arith.constant 0 : i32
      %dma_start3A_243 = tpu.memref_slice %arg9[%dma_start3A_239, %dma_start3A_241, %dma_start3A_242] : memref<4x64x128xf32, #tpu.memory_space<vmem>> -> memref<1x64x128xf32, #tpu.memory_space<vmem>>
      %dma_start3A_244 = tpu.memref_squeeze %dma_start3A_243 : memref<1x64x128xf32, #tpu.memory_space<vmem>> -> memref<64x128xf32, #tpu.memory_space<vmem>>
      %dma_start3A_245 = arith.constant 0 : i32
      %dma_start3A_246 = tpu.memref_slice %arg8[%dma_start3A_240, %dma_start3A_245] : memref<4x64xi32, #tpu.memory_space<vmem>> -> memref<1x64xi32, #tpu.memory_space<vmem>>
      %dma_start3A_247 = tpu.memref_squeeze %dma_start3A_246 : memref<1x64xi32, #tpu.memory_space<vmem>> -> memref<64xi32, #tpu.memory_space<vmem>>
      %dma_start3A_248 = arith.constant 0 : i32
      %dma_start3A_249 = arith.constant 0 : i32
      %dma_start3A_250 = tpu.memref_slice %arg10[%dma_start3A_248, %dma_start3A_249] : memref<10240x128xf32, #tpu.memory_space<vmem_shared>> -> memref<10240x128xf32, #tpu.memory_space<vmem_shared>>
      tpu.enqueue_indirect_dma source(%dma_start3A_244 : memref<64x128xf32, #tpu.memory_space<vmem>>) target(%dma_start3A_250 : memref<10240x128xf32, #tpu.memory_space<vmem_shared>>) offsets(%dma_start3A_247 : memref<64xi32, #tpu.memory_space<vmem>>) semaphore(%arg18 : memref<!tpu.dma_semaphore, #tpu.memory_space<semaphore_mem>>) {add = true}
      %add3A_251 = arith.constant 2 : i32
      %add3A_252 = arith.addi %add3A_226, %add3A_251 : i32
      %lt3A_253 = arith.cmpi slt, %add3A_252, %select_n3A_13 : i32
      %convert_element_type3A_254 = arith.extui %lt3A_253 : i1 to i32
      %cond3A_255 = arith.constant 0 : i32
      %cond3A_256 = arith.cmpi ne, %convert_element_type3A_254, %cond3A_255 : i32
      scf.if %cond3A_256 {
        %ge3A = arith.constant 2 : i32
        %ge3A_257 = arith.cmpi sge, %add3A_226, %ge3A : i32
        %convert_element_type3A_258 = arith.extui %ge3A_257 : i1 to i32
        %cond3A_259 = arith.constant 0 : i32
        %cond3A_260 = arith.cmpi ne, %convert_element_type3A_258, %cond3A_259 : i32
        scf.if %cond3A_260 {
          %dma_wait3A_280 = arith.constant 1 : i32
          %dma_wait3A_281 = arith.constant 1 : i32
          %dma_wait3A_282 = arith.constant 0 : i32
          %dma_wait3A_283 = arith.constant 0 : i32
          %dma_wait3A_284 = tpu.memref_slice %arg9[%dma_wait3A_280, %dma_wait3A_282, %dma_wait3A_283] : memref<4x64x128xf32, #tpu.memory_space<vmem>> -> memref<1x64x128xf32, #tpu.memory_space<vmem>>
          %dma_wait3A_285 = tpu.memref_squeeze %dma_wait3A_284 : memref<1x64x128xf32, #tpu.memory_space<vmem>> -> memref<64x128xf32, #tpu.memory_space<vmem>>
          %dma_wait3A_286 = arith.constant 0 : i32
          %dma_wait3A_287 = tpu.memref_slice %arg8[%dma_wait3A_281, %dma_wait3A_286] : memref<4x64xi32, #tpu.memory_space<vmem>> -> memref<1x64xi32, #tpu.memory_space<vmem>>
          %dma_wait3A_288 = tpu.memref_squeeze %dma_wait3A_287 : memref<1x64xi32, #tpu.memory_space<vmem>> -> memref<64xi32, #tpu.memory_space<vmem>>
          %dma_wait3A_289 = arith.constant 0 : i32
          %dma_wait3A_290 = arith.constant 0 : i32
          %dma_wait3A_291 = tpu.memref_slice %arg10[%dma_wait3A_289, %dma_wait3A_290] : memref<10240x128xf32, #tpu.memory_space<vmem_shared>> -> memref<10240x128xf32, #tpu.memory_space<vmem_shared>>
          tpu.wait_indirect_dma semaphore(%arg16 : memref<!tpu.dma_semaphore, #tpu.memory_space<semaphore_mem>>) src(%dma_wait3A_285 : memref<64x128xf32, #tpu.memory_space<vmem>>) dst(%dma_wait3A_291 : memref<10240x128xf32, #tpu.memory_space<vmem_shared>>)
        } else {
        }
        %add3A_261 = arith.constant 2 : i32
        %add3A_262 = arith.addi %add3A_226, %add3A_261 : i32
        %mul3A_263 = arith.constant 64 : i32
        %mul3A_264 = arith.muli %add3A_262, %mul3A_263 : i32
        %add3A_265 = arith.addi %select_n3A, %mul3A_264 : i32
        %run_scoped3A_266 = arith.constant 1 : i32
        "tpu.region"() ({
          %run_scoped3A_280 = tpu.sem_alloc : memref<!tpu.dma_semaphore, #tpu.memory_space<semaphore_mem>>
          %dma_start3A_281 = arith.constant 0 : i32
          %dma_start3A_282 = tpu.memref_slice %arg7[%run_scoped3A_266, %dma_start3A_281] : memref<4x64xi32, #tpu.memory_space<vmem>> -> memref<1x64xi32, #tpu.memory_space<vmem>>
          %dma_start3A_283 = tpu.memref_squeeze %dma_start3A_282 : memref<1x64xi32, #tpu.memory_space<vmem>> -> memref<64xi32, #tpu.memory_space<vmem>>
          %dma_start3A_284 = tpu.memref_slice %arg3[%add3A_265] : memref<327680xi32, #tpu.memory_space<hbm>> -> memref<64xi32, #tpu.memory_space<hbm>>
          %dma_start3A_285 = arith.constant 0 : i32
          %dma_start3A_286 = tpu.memref_slice %arg7[%run_scoped3A_266, %dma_start3A_285] : memref<4x64xi32, #tpu.memory_space<vmem>> -> memref<1x64xi32, #tpu.memory_space<vmem>>
          %dma_start3A_287 = tpu.memref_squeeze %dma_start3A_286 : memref<1x64xi32, #tpu.memory_space<vmem>> -> memref<64xi32, #tpu.memory_space<vmem>>
          %dma_start3A_288 = tpu.memref_slice %arg3[%add3A_265] : memref<327680xi32, #tpu.memory_space<hbm>> -> memref<64xi32, #tpu.memory_space<hbm>>
          tpu.enqueue_dma source(%dma_start3A_288 : memref<64xi32, #tpu.memory_space<hbm>>) target(%dma_start3A_287 : memref<64xi32, #tpu.memory_space<vmem>>) target_semaphore(%run_scoped3A_280 : memref<!tpu.dma_semaphore, #tpu.memory_space<semaphore_mem>>)
          %dma_wait3A_289 = arith.constant 0 : i32
          %dma_wait3A_290 = tpu.memref_slice %arg7[%run_scoped3A_266, %dma_wait3A_289] : memref<4x64xi32, #tpu.memory_space<vmem>> -> memref<1x64xi32, #tpu.memory_space<vmem>>
          %dma_wait3A_291 = tpu.memref_squeeze %dma_wait3A_290 : memref<1x64xi32, #tpu.memory_space<vmem>> -> memref<64xi32, #tpu.memory_space<vmem>>
          %dma_wait3A_292 = tpu.memref_slice %arg3[%add3A_265] : memref<327680xi32, #tpu.memory_space<hbm>> -> memref<64xi32, #tpu.memory_space<hbm>>
          %dma_wait3A_293 = arith.constant 0 : i32
          %dma_wait3A_294 = tpu.memref_slice %arg7[%run_scoped3A_266, %dma_wait3A_293] : memref<4x64xi32, #tpu.memory_space<vmem>> -> memref<1x64xi32, #tpu.memory_space<vmem>>
          %dma_wait3A_295 = tpu.memref_squeeze %dma_wait3A_294 : memref<1x64xi32, #tpu.memory_space<vmem>> -> memref<64xi32, #tpu.memory_space<vmem>>
          %dma_wait3A_296 = tpu.memref_slice %arg3[%add3A_265] : memref<327680xi32, #tpu.memory_space<hbm>> -> memref<64xi32, #tpu.memory_space<hbm>>
          tpu.wait_dma2 semaphore(%run_scoped3A_280 : memref<!tpu.dma_semaphore, #tpu.memory_space<semaphore_mem>>) src(%dma_wait3A_296 : memref<64xi32, #tpu.memory_space<hbm>>) dst(%dma_wait3A_295 : memref<64xi32, #tpu.memory_space<vmem>>)
          tpu.yield
        }) : () -> ()
        %run_scoped3A_267 = arith.constant 1 : i32
        "tpu.region"() ({
          %run_scoped3A_280 = tpu.sem_alloc : memref<!tpu.dma_semaphore, #tpu.memory_space<semaphore_mem>>
          %dma_start3A_281 = arith.constant 0 : i32
          %dma_start3A_282 = tpu.memref_slice %arg8[%run_scoped3A_267, %dma_start3A_281] : memref<4x64xi32, #tpu.memory_space<vmem>> -> memref<1x64xi32, #tpu.memory_space<vmem>>
          %dma_start3A_283 = tpu.memref_squeeze %dma_start3A_282 : memref<1x64xi32, #tpu.memory_space<vmem>> -> memref<64xi32, #tpu.memory_space<vmem>>
          %dma_start3A_284 = tpu.memref_slice %arg4[%add3A_265] : memref<327680xi32, #tpu.memory_space<hbm>> -> memref<64xi32, #tpu.memory_space<hbm>>
          %dma_start3A_285 = arith.constant 0 : i32
          %dma_start3A_286 = tpu.memref_slice %arg8[%run_scoped3A_267, %dma_start3A_285] : memref<4x64xi32, #tpu.memory_space<vmem>> -> memref<1x64xi32, #tpu.memory_space<vmem>>
          %dma_start3A_287 = tpu.memref_squeeze %dma_start3A_286 : memref<1x64xi32, #tpu.memory_space<vmem>> -> memref<64xi32, #tpu.memory_space<vmem>>
          %dma_start3A_288 = tpu.memref_slice %arg4[%add3A_265] : memref<327680xi32, #tpu.memory_space<hbm>> -> memref<64xi32, #tpu.memory_space<hbm>>
          tpu.enqueue_dma source(%dma_start3A_288 : memref<64xi32, #tpu.memory_space<hbm>>) target(%dma_start3A_287 : memref<64xi32, #tpu.memory_space<vmem>>) target_semaphore(%run_scoped3A_280 : memref<!tpu.dma_semaphore, #tpu.memory_space<semaphore_mem>>)
          %dma_wait3A_289 = arith.constant 0 : i32
          %dma_wait3A_290 = tpu.memref_slice %arg8[%run_scoped3A_267, %dma_wait3A_289] : memref<4x64xi32, #tpu.memory_space<vmem>> -> memref<1x64xi32, #tpu.memory_space<vmem>>
          %dma_wait3A_291 = tpu.memref_squeeze %dma_wait3A_290 : memref<1x64xi32, #tpu.memory_space<vmem>> -> memref<64xi32, #tpu.memory_space<vmem>>
          %dma_wait3A_292 = tpu.memref_slice %arg4[%add3A_265] : memref<327680xi32, #tpu.memory_space<hbm>> -> memref<64xi32, #tpu.memory_space<hbm>>
          %dma_wait3A_293 = arith.constant 0 : i32
          %dma_wait3A_294 = tpu.memref_slice %arg8[%run_scoped3A_267, %dma_wait3A_293] : memref<4x64xi32, #tpu.memory_space<vmem>> -> memref<1x64xi32, #tpu.memory_space<vmem>>
          %dma_wait3A_295 = tpu.memref_squeeze %dma_wait3A_294 : memref<1x64xi32, #tpu.memory_space<vmem>> -> memref<64xi32, #tpu.memory_space<vmem>>
          %dma_wait3A_296 = tpu.memref_slice %arg4[%add3A_265] : memref<327680xi32, #tpu.memory_space<hbm>> -> memref<64xi32, #tpu.memory_space<hbm>>
          tpu.wait_dma2 semaphore(%run_scoped3A_280 : memref<!tpu.dma_semaphore, #tpu.memory_space<semaphore_mem>>) src(%dma_wait3A_296 : memref<64xi32, #tpu.memory_space<hbm>>) dst(%dma_wait3A_295 : memref<64xi32, #tpu.memory_space<vmem>>)
          tpu.yield
        }) : () -> ()
        %dma_start3A_268 = arith.constant 1 : i32
        %dma_start3A_269 = arith.constant 1 : i32
        %dma_start3A_270 = arith.constant 0 : i32
        %dma_start3A_271 = arith.constant 0 : i32
        %dma_start3A_272 = tpu.memref_slice %arg9[%dma_start3A_269, %dma_start3A_270, %dma_start3A_271] : memref<4x64x128xf32, #tpu.memory_space<vmem>> -> memref<1x64x128xf32, #tpu.memory_space<vmem>>
        %dma_start3A_273 = tpu.memref_squeeze %dma_start3A_272 : memref<1x64x128xf32, #tpu.memory_space<vmem>> -> memref<64x128xf32, #tpu.memory_space<vmem>>
        %dma_start3A_274 = arith.constant 0 : i32
        %dma_start3A_275 = tpu.memref_slice %arg7[%dma_start3A_268, %dma_start3A_274] : memref<4x64xi32, #tpu.memory_space<vmem>> -> memref<1x64xi32, #tpu.memory_space<vmem>>
        %dma_start3A_276 = tpu.memref_squeeze %dma_start3A_275 : memref<1x64xi32, #tpu.memory_space<vmem>> -> memref<64xi32, #tpu.memory_space<vmem>>
        %dma_start3A_277 = arith.constant 0 : i32
        %dma_start3A_278 = arith.constant 0 : i32
        %dma_start3A_279 = tpu.memref_slice %arg2[%dma_start3A_277, %dma_start3A_278] : memref<10000x128xf32, #tpu.memory_space<hbm>> -> memref<10000x128xf32, #tpu.memory_space<hbm>>
        tpu.enqueue_indirect_dma source(%dma_start3A_279 : memref<10000x128xf32, #tpu.memory_space<hbm>>) target(%dma_start3A_273 : memref<64x128xf32, #tpu.memory_space<vmem>>) offsets(%dma_start3A_276 : memref<64xi32, #tpu.memory_space<vmem>>) semaphore(%arg12 : memref<!tpu.dma_semaphore, #tpu.memory_space<semaphore_mem>>)
      } else {
      }
    }
    %while3A_70 = arith.constant 1 : i32
    scf.for %while3A_123 = %while3A_68 to %while3A_64 step %while3A_70  : i32 {
      %mul3A_124 = arith.constant 4 : i32
      %mul3A_125 = arith.muli %mul3A_124, %while3A_123 : i32
      %add3A_126 = arith.constant 0 : i32
      %add3A_127 = arith.addi %mul3A_125, %add3A_126 : i32
      %dma_wait3A_128 = arith.constant 0 : i32
      %dma_wait3A_129 = arith.constant 0 : i32
      %dma_wait3A_130 = arith.constant 0 : i32
      %dma_wait3A_131 = arith.constant 0 : i32
      %dma_wait3A_132 = tpu.memref_slice %arg9[%dma_wait3A_129, %dma_wait3A_130, %dma_wait3A_131] : memref<4x64x128xf32, #tpu.memory_space<vmem>> -> memref<1x64x128xf32, #tpu.memory_space<vmem>>
      %dma_wait3A_133 = tpu.memref_squeeze %dma_wait3A_132 : memref<1x64x128xf32, #tpu.memory_space<vmem>> -> memref<64x128xf32, #tpu.memory_space<vmem>>
      %dma_wait3A_134 = arith.constant 0 : i32
      %dma_wait3A_135 = tpu.memref_slice %arg7[%dma_wait3A_128, %dma_wait3A_134] : memref<4x64xi32, #tpu.memory_space<vmem>> -> memref<1x64xi32, #tpu.memory_space<vmem>>
      %dma_wait3A_136 = tpu.memref_squeeze %dma_wait3A_135 : memref<1x64xi32, #tpu.memory_space<vmem>> -> memref<64xi32, #tpu.memory_space<vmem>>
      %dma_wait3A_137 = arith.constant 0 : i32
      %dma_wait3A_138 = arith.constant 0 : i32
      %dma_wait3A_139 = tpu.memref_slice %arg2[%dma_wait3A_137, %dma_wait3A_138] : memref<10000x128xf32, #tpu.memory_space<hbm>> -> memref<10000x128xf32, #tpu.memory_space<hbm>>
      tpu.wait_indirect_dma semaphore(%arg11 : memref<!tpu.dma_semaphore, #tpu.memory_space<semaphore_mem>>) src(%dma_wait3A_139 : memref<10000x128xf32, #tpu.memory_space<hbm>>) dst(%dma_wait3A_133 : memref<64x128xf32, #tpu.memory_space<vmem>>)
      %dma_start3A_140 = arith.constant 0 : i32
      %dma_start3A_141 = arith.constant 0 : i32
      %dma_start3A_142 = arith.constant 0 : i32
      %dma_start3A_143 = arith.constant 0 : i32
      %dma_start3A_144 = tpu.memref_slice %arg9[%dma_start3A_140, %dma_start3A_142, %dma_start3A_143] : memref<4x64x128xf32, #tpu.memory_space<vmem>> -> memref<1x64x128xf32, #tpu.memory_space<vmem>>
      %dma_start3A_145 = tpu.memref_squeeze %dma_start3A_144 : memref<1x64x128xf32, #tpu.memory_space<vmem>> -> memref<64x128xf32, #tpu.memory_space<vmem>>
      %dma_start3A_146 = arith.constant 0 : i32
      %dma_start3A_147 = tpu.memref_slice %arg8[%dma_start3A_141, %dma_start3A_146] : memref<4x64xi32, #tpu.memory_space<vmem>> -> memref<1x64xi32, #tpu.memory_space<vmem>>
      %dma_start3A_148 = tpu.memref_squeeze %dma_start3A_147 : memref<1x64xi32, #tpu.memory_space<vmem>> -> memref<64xi32, #tpu.memory_space<vmem>>
      %dma_start3A_149 = arith.constant 0 : i32
      %dma_start3A_150 = arith.constant 0 : i32
      %dma_start3A_151 = tpu.memref_slice %arg10[%dma_start3A_149, %dma_start3A_150] : memref<10240x128xf32, #tpu.memory_space<vmem_shared>> -> memref<10240x128xf32, #tpu.memory_space<vmem_shared>>
      tpu.enqueue_indirect_dma source(%dma_start3A_145 : memref<64x128xf32, #tpu.memory_space<vmem>>) target(%dma_start3A_151 : memref<10240x128xf32, #tpu.memory_space<vmem_shared>>) offsets(%dma_start3A_148 : memref<64xi32, #tpu.memory_space<vmem>>) semaphore(%arg15 : memref<!tpu.dma_semaphore, #tpu.memory_space<semaphore_mem>>) {add = true}
      %add3A_152 = arith.constant 2 : i32
      %add3A_153 = arith.addi %add3A_127, %add3A_152 : i32
      %lt3A = arith.cmpi slt, %add3A_153, %select_n3A_13 : i32
      %convert_element_type3A = arith.extui %lt3A : i1 to i32
      %cond3A = arith.constant 0 : i32
      %cond3A_154 = arith.cmpi ne, %convert_element_type3A, %cond3A : i32
      scf.if %cond3A_154 {
        %ge3A = arith.constant 2 : i32
        %ge3A_257 = arith.cmpi sge, %add3A_127, %ge3A : i32
        %convert_element_type3A_258 = arith.extui %ge3A_257 : i1 to i32
        %cond3A_259 = arith.constant 0 : i32
        %cond3A_260 = arith.cmpi ne, %convert_element_type3A_258, %cond3A_259 : i32
        scf.if %cond3A_260 {
          %dma_wait3A_280 = arith.constant 2 : i32
          %dma_wait3A_281 = arith.constant 2 : i32
          %dma_wait3A_282 = arith.constant 0 : i32
          %dma_wait3A_283 = arith.constant 0 : i32
          %dma_wait3A_284 = tpu.memref_slice %arg9[%dma_wait3A_280, %dma_wait3A_282, %dma_wait3A_283] : memref<4x64x128xf32, #tpu.memory_space<vmem>> -> memref<1x64x128xf32, #tpu.memory_space<vmem>>
          %dma_wait3A_285 = tpu.memref_squeeze %dma_wait3A_284 : memref<1x64x128xf32, #tpu.memory_space<vmem>> -> memref<64x128xf32, #tpu.memory_space<vmem>>
          %dma_wait3A_286 = arith.constant 0 : i32
          %dma_wait3A_287 = tpu.memref_slice %arg8[%dma_wait3A_281, %dma_wait3A_286] : memref<4x64xi32, #tpu.memory_space<vmem>> -> memref<1x64xi32, #tpu.memory_space<vmem>>
          %dma_wait3A_288 = tpu.memref_squeeze %dma_wait3A_287 : memref<1x64xi32, #tpu.memory_space<vmem>> -> memref<64xi32, #tpu.memory_space<vmem>>
          %dma_wait3A_289 = arith.constant 0 : i32
          %dma_wait3A_290 = arith.constant 0 : i32
          %dma_wait3A_291 = tpu.memref_slice %arg10[%dma_wait3A_289, %dma_wait3A_290] : memref<10240x128xf32, #tpu.memory_space<vmem_shared>> -> memref<10240x128xf32, #tpu.memory_space<vmem_shared>>
          tpu.wait_indirect_dma semaphore(%arg17 : memref<!tpu.dma_semaphore, #tpu.memory_space<semaphore_mem>>) src(%dma_wait3A_285 : memref<64x128xf32, #tpu.memory_space<vmem>>) dst(%dma_wait3A_291 : memref<10240x128xf32, #tpu.memory_space<vmem_shared>>)
        } else {
        }
        %add3A_261 = arith.constant 2 : i32
        %add3A_262 = arith.addi %add3A_127, %add3A_261 : i32
        %mul3A_263 = arith.constant 64 : i32
        %mul3A_264 = arith.muli %add3A_262, %mul3A_263 : i32
        %add3A_265 = arith.addi %select_n3A, %mul3A_264 : i32
        %run_scoped3A_266 = arith.constant 2 : i32
        "tpu.region"() ({
          %run_scoped3A_280 = tpu.sem_alloc : memref<!tpu.dma_semaphore, #tpu.memory_space<semaphore_mem>>
          %dma_start3A_281 = arith.constant 0 : i32
          %dma_start3A_282 = tpu.memref_slice %arg7[%run_scoped3A_266, %dma_start3A_281] : memref<4x64xi32, #tpu.memory_space<vmem>> -> memref<1x64xi32, #tpu.memory_space<vmem>>
          %dma_start3A_283 = tpu.memref_squeeze %dma_start3A_282 : memref<1x64xi32, #tpu.memory_space<vmem>> -> memref<64xi32, #tpu.memory_space<vmem>>
          %dma_start3A_284 = tpu.memref_slice %arg3[%add3A_265] : memref<327680xi32, #tpu.memory_space<hbm>> -> memref<64xi32, #tpu.memory_space<hbm>>
          %dma_start3A_285 = arith.constant 0 : i32
          %dma_start3A_286 = tpu.memref_slice %arg7[%run_scoped3A_266, %dma_start3A_285] : memref<4x64xi32, #tpu.memory_space<vmem>> -> memref<1x64xi32, #tpu.memory_space<vmem>>
          %dma_start3A_287 = tpu.memref_squeeze %dma_start3A_286 : memref<1x64xi32, #tpu.memory_space<vmem>> -> memref<64xi32, #tpu.memory_space<vmem>>
          %dma_start3A_288 = tpu.memref_slice %arg3[%add3A_265] : memref<327680xi32, #tpu.memory_space<hbm>> -> memref<64xi32, #tpu.memory_space<hbm>>
          tpu.enqueue_dma source(%dma_start3A_288 : memref<64xi32, #tpu.memory_space<hbm>>) target(%dma_start3A_287 : memref<64xi32, #tpu.memory_space<vmem>>) target_semaphore(%run_scoped3A_280 : memref<!tpu.dma_semaphore, #tpu.memory_space<semaphore_mem>>)
          %dma_wait3A_289 = arith.constant 0 : i32
          %dma_wait3A_290 = tpu.memref_slice %arg7[%run_scoped3A_266, %dma_wait3A_289] : memref<4x64xi32, #tpu.memory_space<vmem>> -> memref<1x64xi32, #tpu.memory_space<vmem>>
          %dma_wait3A_291 = tpu.memref_squeeze %dma_wait3A_290 : memref<1x64xi32, #tpu.memory_space<vmem>> -> memref<64xi32, #tpu.memory_space<vmem>>
          %dma_wait3A_292 = tpu.memref_slice %arg3[%add3A_265] : memref<327680xi32, #tpu.memory_space<hbm>> -> memref<64xi32, #tpu.memory_space<hbm>>
          %dma_wait3A_293 = arith.constant 0 : i32
          %dma_wait3A_294 = tpu.memref_slice %arg7[%run_scoped3A_266, %dma_wait3A_293] : memref<4x64xi32, #tpu.memory_space<vmem>> -> memref<1x64xi32, #tpu.memory_space<vmem>>
          %dma_wait3A_295 = tpu.memref_squeeze %dma_wait3A_294 : memref<1x64xi32, #tpu.memory_space<vmem>> -> memref<64xi32, #tpu.memory_space<vmem>>
          %dma_wait3A_296 = tpu.memref_slice %arg3[%add3A_265] : memref<327680xi32, #tpu.memory_space<hbm>> -> memref<64xi32, #tpu.memory_space<hbm>>
          tpu.wait_dma2 semaphore(%run_scoped3A_280 : memref<!tpu.dma_semaphore, #tpu.memory_space<semaphore_mem>>) src(%dma_wait3A_296 : memref<64xi32, #tpu.memory_space<hbm>>) dst(%dma_wait3A_295 : memref<64xi32, #tpu.memory_space<vmem>>)
          tpu.yield
        }) : () -> ()
        %run_scoped3A_267 = arith.constant 2 : i32
        "tpu.region"() ({
          %run_scoped3A_280 = tpu.sem_alloc : memref<!tpu.dma_semaphore, #tpu.memory_space<semaphore_mem>>
          %dma_start3A_281 = arith.constant 0 : i32
          %dma_start3A_282 = tpu.memref_slice %arg8[%run_scoped3A_267, %dma_start3A_281] : memref<4x64xi32, #tpu.memory_space<vmem>> -> memref<1x64xi32, #tpu.memory_space<vmem>>
          %dma_start3A_283 = tpu.memref_squeeze %dma_start3A_282 : memref<1x64xi32, #tpu.memory_space<vmem>> -> memref<64xi32, #tpu.memory_space<vmem>>
          %dma_start3A_284 = tpu.memref_slice %arg4[%add3A_265] : memref<327680xi32, #tpu.memory_space<hbm>> -> memref<64xi32, #tpu.memory_space<hbm>>
          %dma_start3A_285 = arith.constant 0 : i32
          %dma_start3A_286 = tpu.memref_slice %arg8[%run_scoped3A_267, %dma_start3A_285] : memref<4x64xi32, #tpu.memory_space<vmem>> -> memref<1x64xi32, #tpu.memory_space<vmem>>
          %dma_start3A_287 = tpu.memref_squeeze %dma_start3A_286 : memref<1x64xi32, #tpu.memory_space<vmem>> -> memref<64xi32, #tpu.memory_space<vmem>>
          %dma_start3A_288 = tpu.memref_slice %arg4[%add3A_265] : memref<327680xi32, #tpu.memory_space<hbm>> -> memref<64xi32, #tpu.memory_space<hbm>>
          tpu.enqueue_dma source(%dma_start3A_288 : memref<64xi32, #tpu.memory_space<hbm>>) target(%dma_start3A_287 : memref<64xi32, #tpu.memory_space<vmem>>) target_semaphore(%run_scoped3A_280 : memref<!tpu.dma_semaphore, #tpu.memory_space<semaphore_mem>>)
          %dma_wait3A_289 = arith.constant 0 : i32
          %dma_wait3A_290 = tpu.memref_slice %arg8[%run_scoped3A_267, %dma_wait3A_289] : memref<4x64xi32, #tpu.memory_space<vmem>> -> memref<1x64xi32, #tpu.memory_space<vmem>>
          %dma_wait3A_291 = tpu.memref_squeeze %dma_wait3A_290 : memref<1x64xi32, #tpu.memory_space<vmem>> -> memref<64xi32, #tpu.memory_space<vmem>>
          %dma_wait3A_292 = tpu.memref_slice %arg4[%add3A_265] : memref<327680xi32, #tpu.memory_space<hbm>> -> memref<64xi32, #tpu.memory_space<hbm>>
          %dma_wait3A_293 = arith.constant 0 : i32
          %dma_wait3A_294 = tpu.memref_slice %arg8[%run_scoped3A_267, %dma_wait3A_293] : memref<4x64xi32, #tpu.memory_space<vmem>> -> memref<1x64xi32, #tpu.memory_space<vmem>>
          %dma_wait3A_295 = tpu.memref_squeeze %dma_wait3A_294 : memref<1x64xi32, #tpu.memory_space<vmem>> -> memref<64xi32, #tpu.memory_space<vmem>>
          %dma_wait3A_296 = tpu.memref_slice %arg4[%add3A_265] : memref<327680xi32, #tpu.memory_space<hbm>> -> memref<64xi32, #tpu.memory_space<hbm>>
          tpu.wait_dma2 semaphore(%run_scoped3A_280 : memref<!tpu.dma_semaphore, #tpu.memory_space<semaphore_mem>>) src(%dma_wait3A_296 : memref<64xi32, #tpu.memory_space<hbm>>) dst(%dma_wait3A_295 : memref<64xi32, #tpu.memory_space<vmem>>)
          tpu.yield
        }) : () -> ()
        %dma_start3A_268 = arith.constant 2 : i32
        %dma_start3A_269 = arith.constant 2 : i32
        %dma_start3A_270 = arith.constant 0 : i32
        %dma_start3A_271 = arith.constant 0 : i32
        %dma_start3A_272 = tpu.memref_slice %arg9[%dma_start3A_269, %dma_start3A_270, %dma_start3A_271] : memref<4x64x128xf32, #tpu.memory_space<vmem>> -> memref<1x64x128xf32, #tpu.memory_space<vmem>>
        %dma_start3A_273 = tpu.memref_squeeze %dma_start3A_272 : memref<1x64x128xf32, #tpu.memory_space<vmem>> -> memref<64x128xf32, #tpu.memory_space<vmem>>
        %dma_start3A_274 = arith.constant 0 : i32
        %dma_start3A_275 = tpu.memref_slice %arg7[%dma_start3A_268, %dma_start3A_274] : memref<4x64xi32, #tpu.memory_space<vmem>> -> memref<1x64xi32, #tpu.memory_space<vmem>>
        %dma_start3A_276 = tpu.memref_squeeze %dma_start3A_275 : memref<1x64xi32, #tpu.memory_space<vmem>> -> memref<64xi32, #tpu.memory_space<vmem>>
        %dma_start3A_277 = arith.constant 0 : i32
        %dma_start3A_278 = arith.constant 0 : i32
        %dma_start3A_279 = tpu.memref_slice %arg2[%dma_start3A_277, %dma_start3A_278] : memref<10000x128xf32, #tpu.memory_space<hbm>> -> memref<10000x128xf32, #tpu.memory_space<hbm>>
        tpu.enqueue_indirect_dma source(%dma_start3A_279 : memref<10000x128xf32, #tpu.memory_space<hbm>>) target(%dma_start3A_273 : memref<64x128xf32, #tpu.memory_space<vmem>>) offsets(%dma_start3A_276 : memref<64xi32, #tpu.memory_space<vmem>>) semaphore(%arg13 : memref<!tpu.dma_semaphore, #tpu.memory_space<semaphore_mem>>)
      } else {
      }
      %mul3A_155 = arith.constant 4 : i32
      %mul3A_156 = arith.muli %mul3A_155, %while3A_123 : i32
      %add3A_157 = arith.constant 1 : i32
      %add3A_158 = arith.addi %mul3A_156, %add3A_157 : i32
      %dma_wait3A_159 = arith.constant 1 : i32
      %dma_wait3A_160 = arith.constant 1 : i32
      %dma_wait3A_161 = arith.constant 0 : i32
      %dma_wait3A_162 = arith.constant 0 : i32
      %dma_wait3A_163 = tpu.memref_slice %arg9[%dma_wait3A_160, %dma_wait3A_161, %dma_wait3A_162] : memref<4x64x128xf32, #tpu.memory_space<vmem>> -> memref<1x64x128xf32, #tpu.memory_space<vmem>>
      %dma_wait3A_164 = tpu.memref_squeeze %dma_wait3A_163 : memref<1x64x128xf32, #tpu.memory_space<vmem>> -> memref<64x128xf32, #tpu.memory_space<vmem>>
      %dma_wait3A_165 = arith.constant 0 : i32
      %dma_wait3A_166 = tpu.memref_slice %arg7[%dma_wait3A_159, %dma_wait3A_165] : memref<4x64xi32, #tpu.memory_space<vmem>> -> memref<1x64xi32, #tpu.memory_space<vmem>>
      %dma_wait3A_167 = tpu.memref_squeeze %dma_wait3A_166 : memref<1x64xi32, #tpu.memory_space<vmem>> -> memref<64xi32, #tpu.memory_space<vmem>>
      %dma_wait3A_168 = arith.constant 0 : i32
      %dma_wait3A_169 = arith.constant 0 : i32
      %dma_wait3A_170 = tpu.memref_slice %arg2[%dma_wait3A_168, %dma_wait3A_169] : memref<10000x128xf32, #tpu.memory_space<hbm>> -> memref<10000x128xf32, #tpu.memory_space<hbm>>
      tpu.wait_indirect_dma semaphore(%arg12 : memref<!tpu.dma_semaphore, #tpu.memory_space<semaphore_mem>>) src(%dma_wait3A_170 : memref<10000x128xf32, #tpu.memory_space<hbm>>) dst(%dma_wait3A_164 : memref<64x128xf32, #tpu.memory_space<vmem>>)
      %dma_start3A_171 = arith.constant 1 : i32
      %dma_start3A_172 = arith.constant 1 : i32
      %dma_start3A_173 = arith.constant 0 : i32
      %dma_start3A_174 = arith.constant 0 : i32
      %dma_start3A_175 = tpu.memref_slice %arg9[%dma_start3A_171, %dma_start3A_173, %dma_start3A_174] : memref<4x64x128xf32, #tpu.memory_space<vmem>> -> memref<1x64x128xf32, #tpu.memory_space<vmem>>
      %dma_start3A_176 = tpu.memref_squeeze %dma_start3A_175 : memref<1x64x128xf32, #tpu.memory_space<vmem>> -> memref<64x128xf32, #tpu.memory_space<vmem>>
      %dma_start3A_177 = arith.constant 0 : i32
      %dma_start3A_178 = tpu.memref_slice %arg8[%dma_start3A_172, %dma_start3A_177] : memref<4x64xi32, #tpu.memory_space<vmem>> -> memref<1x64xi32, #tpu.memory_space<vmem>>
      %dma_start3A_179 = tpu.memref_squeeze %dma_start3A_178 : memref<1x64xi32, #tpu.memory_space<vmem>> -> memref<64xi32, #tpu.memory_space<vmem>>
      %dma_start3A_180 = arith.constant 0 : i32
      %dma_start3A_181 = arith.constant 0 : i32
      %dma_start3A_182 = tpu.memref_slice %arg10[%dma_start3A_180, %dma_start3A_181] : memref<10240x128xf32, #tpu.memory_space<vmem_shared>> -> memref<10240x128xf32, #tpu.memory_space<vmem_shared>>
      tpu.enqueue_indirect_dma source(%dma_start3A_176 : memref<64x128xf32, #tpu.memory_space<vmem>>) target(%dma_start3A_182 : memref<10240x128xf32, #tpu.memory_space<vmem_shared>>) offsets(%dma_start3A_179 : memref<64xi32, #tpu.memory_space<vmem>>) semaphore(%arg16 : memref<!tpu.dma_semaphore, #tpu.memory_space<semaphore_mem>>) {add = true}
      %add3A_183 = arith.constant 2 : i32
      %add3A_184 = arith.addi %add3A_158, %add3A_183 : i32
      %lt3A_185 = arith.cmpi slt, %add3A_184, %select_n3A_13 : i32
      %convert_element_type3A_186 = arith.extui %lt3A_185 : i1 to i32
      %cond3A_187 = arith.constant 0 : i32
      %cond3A_188 = arith.cmpi ne, %convert_element_type3A_186, %cond3A_187 : i32
      scf.if %cond3A_188 {
        %ge3A = arith.constant 2 : i32
        %ge3A_257 = arith.cmpi sge, %add3A_158, %ge3A : i32
        %convert_element_type3A_258 = arith.extui %ge3A_257 : i1 to i32
        %cond3A_259 = arith.constant 0 : i32
        %cond3A_260 = arith.cmpi ne, %convert_element_type3A_258, %cond3A_259 : i32
        scf.if %cond3A_260 {
          %dma_wait3A_280 = arith.constant 3 : i32
          %dma_wait3A_281 = arith.constant 3 : i32
          %dma_wait3A_282 = arith.constant 0 : i32
          %dma_wait3A_283 = arith.constant 0 : i32
          %dma_wait3A_284 = tpu.memref_slice %arg9[%dma_wait3A_280, %dma_wait3A_282, %dma_wait3A_283] : memref<4x64x128xf32, #tpu.memory_space<vmem>> -> memref<1x64x128xf32, #tpu.memory_space<vmem>>
          %dma_wait3A_285 = tpu.memref_squeeze %dma_wait3A_284 : memref<1x64x128xf32, #tpu.memory_space<vmem>> -> memref<64x128xf32, #tpu.memory_space<vmem>>
          %dma_wait3A_286 = arith.constant 0 : i32
          %dma_wait3A_287 = tpu.memref_slice %arg8[%dma_wait3A_281, %dma_wait3A_286] : memref<4x64xi32, #tpu.memory_space<vmem>> -> memref<1x64xi32, #tpu.memory_space<vmem>>
          %dma_wait3A_288 = tpu.memref_squeeze %dma_wait3A_287 : memref<1x64xi32, #tpu.memory_space<vmem>> -> memref<64xi32, #tpu.memory_space<vmem>>
          %dma_wait3A_289 = arith.constant 0 : i32
          %dma_wait3A_290 = arith.constant 0 : i32
          %dma_wait3A_291 = tpu.memref_slice %arg10[%dma_wait3A_289, %dma_wait3A_290] : memref<10240x128xf32, #tpu.memory_space<vmem_shared>> -> memref<10240x128xf32, #tpu.memory_space<vmem_shared>>
          tpu.wait_indirect_dma semaphore(%arg18 : memref<!tpu.dma_semaphore, #tpu.memory_space<semaphore_mem>>) src(%dma_wait3A_285 : memref<64x128xf32, #tpu.memory_space<vmem>>) dst(%dma_wait3A_291 : memref<10240x128xf32, #tpu.memory_space<vmem_shared>>)
        } else {
        }
        %add3A_261 = arith.constant 2 : i32
        %add3A_262 = arith.addi %add3A_158, %add3A_261 : i32
        %mul3A_263 = arith.constant 64 : i32
        %mul3A_264 = arith.muli %add3A_262, %mul3A_263 : i32
        %add3A_265 = arith.addi %select_n3A, %mul3A_264 : i32
        %run_scoped3A_266 = arith.constant 3 : i32
        "tpu.region"() ({
          %run_scoped3A_280 = tpu.sem_alloc : memref<!tpu.dma_semaphore, #tpu.memory_space<semaphore_mem>>
          %dma_start3A_281 = arith.constant 0 : i32
          %dma_start3A_282 = tpu.memref_slice %arg7[%run_scoped3A_266, %dma_start3A_281] : memref<4x64xi32, #tpu.memory_space<vmem>> -> memref<1x64xi32, #tpu.memory_space<vmem>>
          %dma_start3A_283 = tpu.memref_squeeze %dma_start3A_282 : memref<1x64xi32, #tpu.memory_space<vmem>> -> memref<64xi32, #tpu.memory_space<vmem>>
          %dma_start3A_284 = tpu.memref_slice %arg3[%add3A_265] : memref<327680xi32, #tpu.memory_space<hbm>> -> memref<64xi32, #tpu.memory_space<hbm>>
          %dma_start3A_285 = arith.constant 0 : i32
          %dma_start3A_286 = tpu.memref_slice %arg7[%run_scoped3A_266, %dma_start3A_285] : memref<4x64xi32, #tpu.memory_space<vmem>> -> memref<1x64xi32, #tpu.memory_space<vmem>>
          %dma_start3A_287 = tpu.memref_squeeze %dma_start3A_286 : memref<1x64xi32, #tpu.memory_space<vmem>> -> memref<64xi32, #tpu.memory_space<vmem>>
          %dma_start3A_288 = tpu.memref_slice %arg3[%add3A_265] : memref<327680xi32, #tpu.memory_space<hbm>> -> memref<64xi32, #tpu.memory_space<hbm>>
          tpu.enqueue_dma source(%dma_start3A_288 : memref<64xi32, #tpu.memory_space<hbm>>) target(%dma_start3A_287 : memref<64xi32, #tpu.memory_space<vmem>>) target_semaphore(%run_scoped3A_280 : memref<!tpu.dma_semaphore, #tpu.memory_space<semaphore_mem>>)
          %dma_wait3A_289 = arith.constant 0 : i32
          %dma_wait3A_290 = tpu.memref_slice %arg7[%run_scoped3A_266, %dma_wait3A_289] : memref<4x64xi32, #tpu.memory_space<vmem>> -> memref<1x64xi32, #tpu.memory_space<vmem>>
          %dma_wait3A_291 = tpu.memref_squeeze %dma_wait3A_290 : memref<1x64xi32, #tpu.memory_space<vmem>> -> memref<64xi32, #tpu.memory_space<vmem>>
          %dma_wait3A_292 = tpu.memref_slice %arg3[%add3A_265] : memref<327680xi32, #tpu.memory_space<hbm>> -> memref<64xi32, #tpu.memory_space<hbm>>
          %dma_wait3A_293 = arith.constant 0 : i32
          %dma_wait3A_294 = tpu.memref_slice %arg7[%run_scoped3A_266, %dma_wait3A_293] : memref<4x64xi32, #tpu.memory_space<vmem>> -> memref<1x64xi32, #tpu.memory_space<vmem>>
          %dma_wait3A_295 = tpu.memref_squeeze %dma_wait3A_294 : memref<1x64xi32, #tpu.memory_space<vmem>> -> memref<64xi32, #tpu.memory_space<vmem>>
          %dma_wait3A_296 = tpu.memref_slice %arg3[%add3A_265] : memref<327680xi32, #tpu.memory_space<hbm>> -> memref<64xi32, #tpu.memory_space<hbm>>
          tpu.wait_dma2 semaphore(%run_scoped3A_280 : memref<!tpu.dma_semaphore, #tpu.memory_space<semaphore_mem>>) src(%dma_wait3A_296 : memref<64xi32, #tpu.memory_space<hbm>>) dst(%dma_wait3A_295 : memref<64xi32, #tpu.memory_space<vmem>>)
          tpu.yield
        }) : () -> ()
        %run_scoped3A_267 = arith.constant 3 : i32
        "tpu.region"() ({
          %run_scoped3A_280 = tpu.sem_alloc : memref<!tpu.dma_semaphore, #tpu.memory_space<semaphore_mem>>
          %dma_start3A_281 = arith.constant 0 : i32
          %dma_start3A_282 = tpu.memref_slice %arg8[%run_scoped3A_267, %dma_start3A_281] : memref<4x64xi32, #tpu.memory_space<vmem>> -> memref<1x64xi32, #tpu.memory_space<vmem>>
          %dma_start3A_283 = tpu.memref_squeeze %dma_start3A_282 : memref<1x64xi32, #tpu.memory_space<vmem>> -> memref<64xi32, #tpu.memory_space<vmem>>
          %dma_start3A_284 = tpu.memref_slice %arg4[%add3A_265] : memref<327680xi32, #tpu.memory_space<hbm>> -> memref<64xi32, #tpu.memory_space<hbm>>
          %dma_start3A_285 = arith.constant 0 : i32
          %dma_start3A_286 = tpu.memref_slice %arg8[%run_scoped3A_267, %dma_start3A_285] : memref<4x64xi32, #tpu.memory_space<vmem>> -> memref<1x64xi32, #tpu.memory_space<vmem>>
          %dma_start3A_287 = tpu.memref_squeeze %dma_start3A_286 : memref<1x64xi32, #tpu.memory_space<vmem>> -> memref<64xi32, #tpu.memory_space<vmem>>
          %dma_start3A_288 = tpu.memref_slice %arg4[%add3A_265] : memref<327680xi32, #tpu.memory_space<hbm>> -> memref<64xi32, #tpu.memory_space<hbm>>
          tpu.enqueue_dma source(%dma_start3A_288 : memref<64xi32, #tpu.memory_space<hbm>>) target(%dma_start3A_287 : memref<64xi32, #tpu.memory_space<vmem>>) target_semaphore(%run_scoped3A_280 : memref<!tpu.dma_semaphore, #tpu.memory_space<semaphore_mem>>)
          %dma_wait3A_289 = arith.constant 0 : i32
          %dma_wait3A_290 = tpu.memref_slice %arg8[%run_scoped3A_267, %dma_wait3A_289] : memref<4x64xi32, #tpu.memory_space<vmem>> -> memref<1x64xi32, #tpu.memory_space<vmem>>
          %dma_wait3A_291 = tpu.memref_squeeze %dma_wait3A_290 : memref<1x64xi32, #tpu.memory_space<vmem>> -> memref<64xi32, #tpu.memory_space<vmem>>
          %dma_wait3A_292 = tpu.memref_slice %arg4[%add3A_265] : memref<327680xi32, #tpu.memory_space<hbm>> -> memref<64xi32, #tpu.memory_space<hbm>>
          %dma_wait3A_293 = arith.constant 0 : i32
          %dma_wait3A_294 = tpu.memref_slice %arg8[%run_scoped3A_267, %dma_wait3A_293] : memref<4x64xi32, #tpu.memory_space<vmem>> -> memref<1x64xi32, #tpu.memory_space<vmem>>
          %dma_wait3A_295 = tpu.memref_squeeze %dma_wait3A_294 : memref<1x64xi32, #tpu.memory_space<vmem>> -> memref<64xi32, #tpu.memory_space<vmem>>
          %dma_wait3A_296 = tpu.memref_slice %arg4[%add3A_265] : memref<327680xi32, #tpu.memory_space<hbm>> -> memref<64xi32, #tpu.memory_space<hbm>>
          tpu.wait_dma2 semaphore(%run_scoped3A_280 : memref<!tpu.dma_semaphore, #tpu.memory_space<semaphore_mem>>) src(%dma_wait3A_296 : memref<64xi32, #tpu.memory_space<hbm>>) dst(%dma_wait3A_295 : memref<64xi32, #tpu.memory_space<vmem>>)
          tpu.yield
        }) : () -> ()
        %dma_start3A_268 = arith.constant 3 : i32
        %dma_start3A_269 = arith.constant 3 : i32
        %dma_start3A_270 = arith.constant 0 : i32
        %dma_start3A_271 = arith.constant 0 : i32
        %dma_start3A_272 = tpu.memref_slice %arg9[%dma_start3A_269, %dma_start3A_270, %dma_start3A_271] : memref<4x64x128xf32, #tpu.memory_space<vmem>> -> memref<1x64x128xf32, #tpu.memory_space<vmem>>
        %dma_start3A_273 = tpu.memref_squeeze %dma_start3A_272 : memref<1x64x128xf32, #tpu.memory_space<vmem>> -> memref<64x128xf32, #tpu.memory_space<vmem>>
        %dma_start3A_274 = arith.constant 0 : i32
        %dma_start3A_275 = tpu.memref_slice %arg7[%dma_start3A_268, %dma_start3A_274] : memref<4x64xi32, #tpu.memory_space<vmem>> -> memref<1x64xi32, #tpu.memory_space<vmem>>
        %dma_start3A_276 = tpu.memref_squeeze %dma_start3A_275 : memref<1x64xi32, #tpu.memory_space<vmem>> -> memref<64xi32, #tpu.memory_space<vmem>>
        %dma_start3A_277 = arith.constant 0 : i32
        %dma_start3A_278 = arith.constant 0 : i32
        %dma_start3A_279 = tpu.memref_slice %arg2[%dma_start3A_277, %dma_start3A_278] : memref<10000x128xf32, #tpu.memory_space<hbm>> -> memref<10000x128xf32, #tpu.memory_space<hbm>>
        tpu.enqueue_indirect_dma source(%dma_start3A_279 : memref<10000x128xf32, #tpu.memory_space<hbm>>) target(%dma_start3A_273 : memref<64x128xf32, #tpu.memory_space<vmem>>) offsets(%dma_start3A_276 : memref<64xi32, #tpu.memory_space<vmem>>) semaphore(%arg14 : memref<!tpu.dma_semaphore, #tpu.memory_space<semaphore_mem>>)
      } else {
      }
      %mul3A_189 = arith.constant 4 : i32
      %mul3A_190 = arith.muli %mul3A_189, %while3A_123 : i32
      %add3A_191 = arith.constant 2 : i32
      %add3A_192 = arith.addi %mul3A_190, %add3A_191 : i32
      %dma_wait3A_193 = arith.constant 2 : i32
      %dma_wait3A_194 = arith.constant 2 : i32
      %dma_wait3A_195 = arith.constant 0 : i32
      %dma_wait3A_196 = arith.constant 0 : i32
      %dma_wait3A_197 = tpu.memref_slice %arg9[%dma_wait3A_194, %dma_wait3A_195, %dma_wait3A_196] : memref<4x64x128xf32, #tpu.memory_space<vmem>> -> memref<1x64x128xf32, #tpu.memory_space<vmem>>
      %dma_wait3A_198 = tpu.memref_squeeze %dma_wait3A_197 : memref<1x64x128xf32, #tpu.memory_space<vmem>> -> memref<64x128xf32, #tpu.memory_space<vmem>>
      %dma_wait3A_199 = arith.constant 0 : i32
      %dma_wait3A_200 = tpu.memref_slice %arg7[%dma_wait3A_193, %dma_wait3A_199] : memref<4x64xi32, #tpu.memory_space<vmem>> -> memref<1x64xi32, #tpu.memory_space<vmem>>
      %dma_wait3A_201 = tpu.memref_squeeze %dma_wait3A_200 : memref<1x64xi32, #tpu.memory_space<vmem>> -> memref<64xi32, #tpu.memory_space<vmem>>
      %dma_wait3A_202 = arith.constant 0 : i32
      %dma_wait3A_203 = arith.constant 0 : i32
      %dma_wait3A_204 = tpu.memref_slice %arg2[%dma_wait3A_202, %dma_wait3A_203] : memref<10000x128xf32, #tpu.memory_space<hbm>> -> memref<10000x128xf32, #tpu.memory_space<hbm>>
      tpu.wait_indirect_dma semaphore(%arg13 : memref<!tpu.dma_semaphore, #tpu.memory_space<semaphore_mem>>) src(%dma_wait3A_204 : memref<10000x128xf32, #tpu.memory_space<hbm>>) dst(%dma_wait3A_198 : memref<64x128xf32, #tpu.memory_space<vmem>>)
      %dma_start3A_205 = arith.constant 2 : i32
      %dma_start3A_206 = arith.constant 2 : i32
      %dma_start3A_207 = arith.constant 0 : i32
      %dma_start3A_208 = arith.constant 0 : i32
      %dma_start3A_209 = tpu.memref_slice %arg9[%dma_start3A_205, %dma_start3A_207, %dma_start3A_208] : memref<4x64x128xf32, #tpu.memory_space<vmem>> -> memref<1x64x128xf32, #tpu.memory_space<vmem>>
      %dma_start3A_210 = tpu.memref_squeeze %dma_start3A_209 : memref<1x64x128xf32, #tpu.memory_space<vmem>> -> memref<64x128xf32, #tpu.memory_space<vmem>>
      %dma_start3A_211 = arith.constant 0 : i32
      %dma_start3A_212 = tpu.memref_slice %arg8[%dma_start3A_206, %dma_start3A_211] : memref<4x64xi32, #tpu.memory_space<vmem>> -> memref<1x64xi32, #tpu.memory_space<vmem>>
      %dma_start3A_213 = tpu.memref_squeeze %dma_start3A_212 : memref<1x64xi32, #tpu.memory_space<vmem>> -> memref<64xi32, #tpu.memory_space<vmem>>
      %dma_start3A_214 = arith.constant 0 : i32
      %dma_start3A_215 = arith.constant 0 : i32
      %dma_start3A_216 = tpu.memref_slice %arg10[%dma_start3A_214, %dma_start3A_215] : memref<10240x128xf32, #tpu.memory_space<vmem_shared>> -> memref<10240x128xf32, #tpu.memory_space<vmem_shared>>
      tpu.enqueue_indirect_dma source(%dma_start3A_210 : memref<64x128xf32, #tpu.memory_space<vmem>>) target(%dma_start3A_216 : memref<10240x128xf32, #tpu.memory_space<vmem_shared>>) offsets(%dma_start3A_213 : memref<64xi32, #tpu.memory_space<vmem>>) semaphore(%arg17 : memref<!tpu.dma_semaphore, #tpu.memory_space<semaphore_mem>>) {add = true}
      %add3A_217 = arith.constant 2 : i32
      %add3A_218 = arith.addi %add3A_192, %add3A_217 : i32
      %lt3A_219 = arith.cmpi slt, %add3A_218, %select_n3A_13 : i32
      %convert_element_type3A_220 = arith.extui %lt3A_219 : i1 to i32
      %cond3A_221 = arith.constant 0 : i32
      %cond3A_222 = arith.cmpi ne, %convert_element_type3A_220, %cond3A_221 : i32
      scf.if %cond3A_222 {
        %ge3A = arith.constant 2 : i32
        %ge3A_257 = arith.cmpi sge, %add3A_192, %ge3A : i32
        %convert_element_type3A_258 = arith.extui %ge3A_257 : i1 to i32
        %cond3A_259 = arith.constant 0 : i32
        %cond3A_260 = arith.cmpi ne, %convert_element_type3A_258, %cond3A_259 : i32
        scf.if %cond3A_260 {
          %dma_wait3A_280 = arith.constant 0 : i32
          %dma_wait3A_281 = arith.constant 0 : i32
          %dma_wait3A_282 = arith.constant 0 : i32
          %dma_wait3A_283 = arith.constant 0 : i32
          %dma_wait3A_284 = tpu.memref_slice %arg9[%dma_wait3A_280, %dma_wait3A_282, %dma_wait3A_283] : memref<4x64x128xf32, #tpu.memory_space<vmem>> -> memref<1x64x128xf32, #tpu.memory_space<vmem>>
          %dma_wait3A_285 = tpu.memref_squeeze %dma_wait3A_284 : memref<1x64x128xf32, #tpu.memory_space<vmem>> -> memref<64x128xf32, #tpu.memory_space<vmem>>
          %dma_wait3A_286 = arith.constant 0 : i32
          %dma_wait3A_287 = tpu.memref_slice %arg8[%dma_wait3A_281, %dma_wait3A_286] : memref<4x64xi32, #tpu.memory_space<vmem>> -> memref<1x64xi32, #tpu.memory_space<vmem>>
          %dma_wait3A_288 = tpu.memref_squeeze %dma_wait3A_287 : memref<1x64xi32, #tpu.memory_space<vmem>> -> memref<64xi32, #tpu.memory_space<vmem>>
          %dma_wait3A_289 = arith.constant 0 : i32
          %dma_wait3A_290 = arith.constant 0 : i32
          %dma_wait3A_291 = tpu.memref_slice %arg10[%dma_wait3A_289, %dma_wait3A_290] : memref<10240x128xf32, #tpu.memory_space<vmem_shared>> -> memref<10240x128xf32, #tpu.memory_space<vmem_shared>>
          tpu.wait_indirect_dma semaphore(%arg15 : memref<!tpu.dma_semaphore, #tpu.memory_space<semaphore_mem>>) src(%dma_wait3A_285 : memref<64x128xf32, #tpu.memory_space<vmem>>) dst(%dma_wait3A_291 : memref<10240x128xf32, #tpu.memory_space<vmem_shared>>)
        } else {
        }
        %add3A_261 = arith.constant 2 : i32
        %add3A_262 = arith.addi %add3A_192, %add3A_261 : i32
        %mul3A_263 = arith.constant 64 : i32
        %mul3A_264 = arith.muli %add3A_262, %mul3A_263 : i32
        %add3A_265 = arith.addi %select_n3A, %mul3A_264 : i32
        %run_scoped3A_266 = arith.constant 0 : i32
        "tpu.region"() ({
          %run_scoped3A_280 = tpu.sem_alloc : memref<!tpu.dma_semaphore, #tpu.memory_space<semaphore_mem>>
          %dma_start3A_281 = arith.constant 0 : i32
          %dma_start3A_282 = tpu.memref_slice %arg7[%run_scoped3A_266, %dma_start3A_281] : memref<4x64xi32, #tpu.memory_space<vmem>> -> memref<1x64xi32, #tpu.memory_space<vmem>>
          %dma_start3A_283 = tpu.memref_squeeze %dma_start3A_282 : memref<1x64xi32, #tpu.memory_space<vmem>> -> memref<64xi32, #tpu.memory_space<vmem>>
          %dma_start3A_284 = tpu.memref_slice %arg3[%add3A_265] : memref<327680xi32, #tpu.memory_space<hbm>> -> memref<64xi32, #tpu.memory_space<hbm>>
          %dma_start3A_285 = arith.constant 0 : i32
          %dma_start3A_286 = tpu.memref_slice %arg7[%run_scoped3A_266, %dma_start3A_285] : memref<4x64xi32, #tpu.memory_space<vmem>> -> memref<1x64xi32, #tpu.memory_space<vmem>>
          %dma_start3A_287 = tpu.memref_squeeze %dma_start3A_286 : memref<1x64xi32, #tpu.memory_space<vmem>> -> memref<64xi32, #tpu.memory_space<vmem>>
          %dma_start3A_288 = tpu.memref_slice %arg3[%add3A_265] : memref<327680xi32, #tpu.memory_space<hbm>> -> memref<64xi32, #tpu.memory_space<hbm>>
          tpu.enqueue_dma source(%dma_start3A_288 : memref<64xi32, #tpu.memory_space<hbm>>) target(%dma_start3A_287 : memref<64xi32, #tpu.memory_space<vmem>>) target_semaphore(%run_scoped3A_280 : memref<!tpu.dma_semaphore, #tpu.memory_space<semaphore_mem>>)
          %dma_wait3A_289 = arith.constant 0 : i32
          %dma_wait3A_290 = tpu.memref_slice %arg7[%run_scoped3A_266, %dma_wait3A_289] : memref<4x64xi32, #tpu.memory_space<vmem>> -> memref<1x64xi32, #tpu.memory_space<vmem>>
          %dma_wait3A_291 = tpu.memref_squeeze %dma_wait3A_290 : memref<1x64xi32, #tpu.memory_space<vmem>> -> memref<64xi32, #tpu.memory_space<vmem>>
          %dma_wait3A_292 = tpu.memref_slice %arg3[%add3A_265] : memref<327680xi32, #tpu.memory_space<hbm>> -> memref<64xi32, #tpu.memory_space<hbm>>
          %dma_wait3A_293 = arith.constant 0 : i32
          %dma_wait3A_294 = tpu.memref_slice %arg7[%run_scoped3A_266, %dma_wait3A_293] : memref<4x64xi32, #tpu.memory_space<vmem>> -> memref<1x64xi32, #tpu.memory_space<vmem>>
          %dma_wait3A_295 = tpu.memref_squeeze %dma_wait3A_294 : memref<1x64xi32, #tpu.memory_space<vmem>> -> memref<64xi32, #tpu.memory_space<vmem>>
          %dma_wait3A_296 = tpu.memref_slice %arg3[%add3A_265] : memref<327680xi32, #tpu.memory_space<hbm>> -> memref<64xi32, #tpu.memory_space<hbm>>
          tpu.wait_dma2 semaphore(%run_scoped3A_280 : memref<!tpu.dma_semaphore, #tpu.memory_space<semaphore_mem>>) src(%dma_wait3A_296 : memref<64xi32, #tpu.memory_space<hbm>>) dst(%dma_wait3A_295 : memref<64xi32, #tpu.memory_space<vmem>>)
          tpu.yield
        }) : () -> ()
        %run_scoped3A_267 = arith.constant 0 : i32
        "tpu.region"() ({
          %run_scoped3A_280 = tpu.sem_alloc : memref<!tpu.dma_semaphore, #tpu.memory_space<semaphore_mem>>
          %dma_start3A_281 = arith.constant 0 : i32
          %dma_start3A_282 = tpu.memref_slice %arg8[%run_scoped3A_267, %dma_start3A_281] : memref<4x64xi32, #tpu.memory_space<vmem>> -> memref<1x64xi32, #tpu.memory_space<vmem>>
          %dma_start3A_283 = tpu.memref_squeeze %dma_start3A_282 : memref<1x64xi32, #tpu.memory_space<vmem>> -> memref<64xi32, #tpu.memory_space<vmem>>
          %dma_start3A_284 = tpu.memref_slice %arg4[%add3A_265] : memref<327680xi32, #tpu.memory_space<hbm>> -> memref<64xi32, #tpu.memory_space<hbm>>
          %dma_start3A_285 = arith.constant 0 : i32
          %dma_start3A_286 = tpu.memref_slice %arg8[%run_scoped3A_267, %dma_start3A_285] : memref<4x64xi32, #tpu.memory_space<vmem>> -> memref<1x64xi32, #tpu.memory_space<vmem>>
          %dma_start3A_287 = tpu.memref_squeeze %dma_start3A_286 : memref<1x64xi32, #tpu.memory_space<vmem>> -> memref<64xi32, #tpu.memory_space<vmem>>
          %dma_start3A_288 = tpu.memref_slice %arg4[%add3A_265] : memref<327680xi32, #tpu.memory_space<hbm>> -> memref<64xi32, #tpu.memory_space<hbm>>
          tpu.enqueue_dma source(%dma_start3A_288 : memref<64xi32, #tpu.memory_space<hbm>>) target(%dma_start3A_287 : memref<64xi32, #tpu.memory_space<vmem>>) target_semaphore(%run_scoped3A_280 : memref<!tpu.dma_semaphore, #tpu.memory_space<semaphore_mem>>)
          %dma_wait3A_289 = arith.constant 0 : i32
          %dma_wait3A_290 = tpu.memref_slice %arg8[%run_scoped3A_267, %dma_wait3A_289] : memref<4x64xi32, #tpu.memory_space<vmem>> -> memref<1x64xi32, #tpu.memory_space<vmem>>
          %dma_wait3A_291 = tpu.memref_squeeze %dma_wait3A_290 : memref<1x64xi32, #tpu.memory_space<vmem>> -> memref<64xi32, #tpu.memory_space<vmem>>
          %dma_wait3A_292 = tpu.memref_slice %arg4[%add3A_265] : memref<327680xi32, #tpu.memory_space<hbm>> -> memref<64xi32, #tpu.memory_space<hbm>>
          %dma_wait3A_293 = arith.constant 0 : i32
          %dma_wait3A_294 = tpu.memref_slice %arg8[%run_scoped3A_267, %dma_wait3A_293] : memref<4x64xi32, #tpu.memory_space<vmem>> -> memref<1x64xi32, #tpu.memory_space<vmem>>
          %dma_wait3A_295 = tpu.memref_squeeze %dma_wait3A_294 : memref<1x64xi32, #tpu.memory_space<vmem>> -> memref<64xi32, #tpu.memory_space<vmem>>
          %dma_wait3A_296 = tpu.memref_slice %arg4[%add3A_265] : memref<327680xi32, #tpu.memory_space<hbm>> -> memref<64xi32, #tpu.memory_space<hbm>>
          tpu.wait_dma2 semaphore(%run_scoped3A_280 : memref<!tpu.dma_semaphore, #tpu.memory_space<semaphore_mem>>) src(%dma_wait3A_296 : memref<64xi32, #tpu.memory_space<hbm>>) dst(%dma_wait3A_295 : memref<64xi32, #tpu.memory_space<vmem>>)
          tpu.yield
        }) : () -> ()
        %dma_start3A_268 = arith.constant 0 : i32
        %dma_start3A_269 = arith.constant 0 : i32
        %dma_start3A_270 = arith.constant 0 : i32
        %dma_start3A_271 = arith.constant 0 : i32
        %dma_start3A_272 = tpu.memref_slice %arg9[%dma_start3A_269, %dma_start3A_270, %dma_start3A_271] : memref<4x64x128xf32, #tpu.memory_space<vmem>> -> memref<1x64x128xf32, #tpu.memory_space<vmem>>
        %dma_start3A_273 = tpu.memref_squeeze %dma_start3A_272 : memref<1x64x128xf32, #tpu.memory_space<vmem>> -> memref<64x128xf32, #tpu.memory_space<vmem>>
        %dma_start3A_274 = arith.constant 0 : i32
        %dma_start3A_275 = tpu.memref_slice %arg7[%dma_start3A_268, %dma_start3A_274] : memref<4x64xi32, #tpu.memory_space<vmem>> -> memref<1x64xi32, #tpu.memory_space<vmem>>
        %dma_start3A_276 = tpu.memref_squeeze %dma_start3A_275 : memref<1x64xi32, #tpu.memory_space<vmem>> -> memref<64xi32, #tpu.memory_space<vmem>>
        %dma_start3A_277 = arith.constant 0 : i32
        %dma_start3A_278 = arith.constant 0 : i32
        %dma_start3A_279 = tpu.memref_slice %arg2[%dma_start3A_277, %dma_start3A_278] : memref<10000x128xf32, #tpu.memory_space<hbm>> -> memref<10000x128xf32, #tpu.memory_space<hbm>>
        tpu.enqueue_indirect_dma source(%dma_start3A_279 : memref<10000x128xf32, #tpu.memory_space<hbm>>) target(%dma_start3A_273 : memref<64x128xf32, #tpu.memory_space<vmem>>) offsets(%dma_start3A_276 : memref<64xi32, #tpu.memory_space<vmem>>) semaphore(%arg11 : memref<!tpu.dma_semaphore, #tpu.memory_space<semaphore_mem>>)
      } else {
      }
      %mul3A_223 = arith.constant 4 : i32
      %mul3A_224 = arith.muli %mul3A_223, %while3A_123 : i32
      %add3A_225 = arith.constant 3 : i32
      %add3A_226 = arith.addi %mul3A_224, %add3A_225 : i32
      %dma_wait3A_227 = arith.constant 3 : i32
      %dma_wait3A_228 = arith.constant 3 : i32
      %dma_wait3A_229 = arith.constant 0 : i32
      %dma_wait3A_230 = arith.constant 0 : i32
      %dma_wait3A_231 = tpu.memref_slice %arg9[%dma_wait3A_228, %dma_wait3A_229, %dma_wait3A_230] : memref<4x64x128xf32, #tpu.memory_space<vmem>> -> memref<1x64x128xf32, #tpu.memory_space<vmem>>
      %dma_wait3A_232 = tpu.memref_squeeze %dma_wait3A_231 : memref<1x64x128xf32, #tpu.memory_space<vmem>> -> memref<64x128xf32, #tpu.memory_space<vmem>>
      %dma_wait3A_233 = arith.constant 0 : i32
      %dma_wait3A_234 = tpu.memref_slice %arg7[%dma_wait3A_227, %dma_wait3A_233] : memref<4x64xi32, #tpu.memory_space<vmem>> -> memref<1x64xi32, #tpu.memory_space<vmem>>
      %dma_wait3A_235 = tpu.memref_squeeze %dma_wait3A_234 : memref<1x64xi32, #tpu.memory_space<vmem>> -> memref<64xi32, #tpu.memory_space<vmem>>
      %dma_wait3A_236 = arith.constant 0 : i32
      %dma_wait3A_237 = arith.constant 0 : i32
      %dma_wait3A_238 = tpu.memref_slice %arg2[%dma_wait3A_236, %dma_wait3A_237] : memref<10000x128xf32, #tpu.memory_space<hbm>> -> memref<10000x128xf32, #tpu.memory_space<hbm>>
      tpu.wait_indirect_dma semaphore(%arg14 : memref<!tpu.dma_semaphore, #tpu.memory_space<semaphore_mem>>) src(%dma_wait3A_238 : memref<10000x128xf32, #tpu.memory_space<hbm>>) dst(%dma_wait3A_232 : memref<64x128xf32, #tpu.memory_space<vmem>>)
      %dma_start3A_239 = arith.constant 3 : i32
      %dma_start3A_240 = arith.constant 3 : i32
      %dma_start3A_241 = arith.constant 0 : i32
      %dma_start3A_242 = arith.constant 0 : i32
      %dma_start3A_243 = tpu.memref_slice %arg9[%dma_start3A_239, %dma_start3A_241, %dma_start3A_242] : memref<4x64x128xf32, #tpu.memory_space<vmem>> -> memref<1x64x128xf32, #tpu.memory_space<vmem>>
      %dma_start3A_244 = tpu.memref_squeeze %dma_start3A_243 : memref<1x64x128xf32, #tpu.memory_space<vmem>> -> memref<64x128xf32, #tpu.memory_space<vmem>>
      %dma_start3A_245 = arith.constant 0 : i32
      %dma_start3A_246 = tpu.memref_slice %arg8[%dma_start3A_240, %dma_start3A_245] : memref<4x64xi32, #tpu.memory_space<vmem>> -> memref<1x64xi32, #tpu.memory_space<vmem>>
      %dma_start3A_247 = tpu.memref_squeeze %dma_start3A_246 : memref<1x64xi32, #tpu.memory_space<vmem>> -> memref<64xi32, #tpu.memory_space<vmem>>
      %dma_start3A_248 = arith.constant 0 : i32
      %dma_start3A_249 = arith.constant 0 : i32
      %dma_start3A_250 = tpu.memref_slice %arg10[%dma_start3A_248, %dma_start3A_249] : memref<10240x128xf32, #tpu.memory_space<vmem_shared>> -> memref<10240x128xf32, #tpu.memory_space<vmem_shared>>
      tpu.enqueue_indirect_dma source(%dma_start3A_244 : memref<64x128xf32, #tpu.memory_space<vmem>>) target(%dma_start3A_250 : memref<10240x128xf32, #tpu.memory_space<vmem_shared>>) offsets(%dma_start3A_247 : memref<64xi32, #tpu.memory_space<vmem>>) semaphore(%arg18 : memref<!tpu.dma_semaphore, #tpu.memory_space<semaphore_mem>>) {add = true}
      %add3A_251 = arith.constant 2 : i32
      %add3A_252 = arith.addi %add3A_226, %add3A_251 : i32
      %lt3A_253 = arith.cmpi slt, %add3A_252, %select_n3A_13 : i32
      %convert_element_type3A_254 = arith.extui %lt3A_253 : i1 to i32
      %cond3A_255 = arith.constant 0 : i32
      %cond3A_256 = arith.cmpi ne, %convert_element_type3A_254, %cond3A_255 : i32
      scf.if %cond3A_256 {
        %ge3A = arith.constant 2 : i32
        %ge3A_257 = arith.cmpi sge, %add3A_226, %ge3A : i32
        %convert_element_type3A_258 = arith.extui %ge3A_257 : i1 to i32
        %cond3A_259 = arith.constant 0 : i32
        %cond3A_260 = arith.cmpi ne, %convert_element_type3A_258, %cond3A_259 : i32
        scf.if %cond3A_260 {
          %dma_wait3A_280 = arith.constant 1 : i32
          %dma_wait3A_281 = arith.constant 1 : i32
          %dma_wait3A_282 = arith.constant 0 : i32
          %dma_wait3A_283 = arith.constant 0 : i32
          %dma_wait3A_284 = tpu.memref_slice %arg9[%dma_wait3A_280, %dma_wait3A_282, %dma_wait3A_283] : memref<4x64x128xf32, #tpu.memory_space<vmem>> -> memref<1x64x128xf32, #tpu.memory_space<vmem>>
          %dma_wait3A_285 = tpu.memref_squeeze %dma_wait3A_284 : memref<1x64x128xf32, #tpu.memory_space<vmem>> -> memref<64x128xf32, #tpu.memory_space<vmem>>
          %dma_wait3A_286 = arith.constant 0 : i32
          %dma_wait3A_287 = tpu.memref_slice %arg8[%dma_wait3A_281, %dma_wait3A_286] : memref<4x64xi32, #tpu.memory_space<vmem>> -> memref<1x64xi32, #tpu.memory_space<vmem>>
          %dma_wait3A_288 = tpu.memref_squeeze %dma_wait3A_287 : memref<1x64xi32, #tpu.memory_space<vmem>> -> memref<64xi32, #tpu.memory_space<vmem>>
          %dma_wait3A_289 = arith.constant 0 : i32
          %dma_wait3A_290 = arith.constant 0 : i32
          %dma_wait3A_291 = tpu.memref_slice %arg10[%dma_wait3A_289, %dma_wait3A_290] : memref<10240x128xf32, #tpu.memory_space<vmem_shared>> -> memref<10240x128xf32, #tpu.memory_space<vmem_shared>>
          tpu.wait_indirect_dma semaphore(%arg16 : memref<!tpu.dma_semaphore, #tpu.memory_space<semaphore_mem>>) src(%dma_wait3A_285 : memref<64x128xf32, #tpu.memory_space<vmem>>) dst(%dma_wait3A_291 : memref<10240x128xf32, #tpu.memory_space<vmem_shared>>)
        } else {
        }
        %add3A_261 = arith.constant 2 : i32
        %add3A_262 = arith.addi %add3A_226, %add3A_261 : i32
        %mul3A_263 = arith.constant 64 : i32
        %mul3A_264 = arith.muli %add3A_262, %mul3A_263 : i32
        %add3A_265 = arith.addi %select_n3A, %mul3A_264 : i32
        %run_scoped3A_266 = arith.constant 1 : i32
        "tpu.region"() ({
          %run_scoped3A_280 = tpu.sem_alloc : memref<!tpu.dma_semaphore, #tpu.memory_space<semaphore_mem>>
          %dma_start3A_281 = arith.constant 0 : i32
          %dma_start3A_282 = tpu.memref_slice %arg7[%run_scoped3A_266, %dma_start3A_281] : memref<4x64xi32, #tpu.memory_space<vmem>> -> memref<1x64xi32, #tpu.memory_space<vmem>>
          %dma_start3A_283 = tpu.memref_squeeze %dma_start3A_282 : memref<1x64xi32, #tpu.memory_space<vmem>> -> memref<64xi32, #tpu.memory_space<vmem>>
          %dma_start3A_284 = tpu.memref_slice %arg3[%add3A_265] : memref<327680xi32, #tpu.memory_space<hbm>> -> memref<64xi32, #tpu.memory_space<hbm>>
          %dma_start3A_285 = arith.constant 0 : i32
          %dma_start3A_286 = tpu.memref_slice %arg7[%run_scoped3A_266, %dma_start3A_285] : memref<4x64xi32, #tpu.memory_space<vmem>> -> memref<1x64xi32, #tpu.memory_space<vmem>>
          %dma_start3A_287 = tpu.memref_squeeze %dma_start3A_286 : memref<1x64xi32, #tpu.memory_space<vmem>> -> memref<64xi32, #tpu.memory_space<vmem>>
          %dma_start3A_288 = tpu.memref_slice %arg3[%add3A_265] : memref<327680xi32, #tpu.memory_space<hbm>> -> memref<64xi32, #tpu.memory_space<hbm>>
          tpu.enqueue_dma source(%dma_start3A_288 : memref<64xi32, #tpu.memory_space<hbm>>) target(%dma_start3A_287 : memref<64xi32, #tpu.memory_space<vmem>>) target_semaphore(%run_scoped3A_280 : memref<!tpu.dma_semaphore, #tpu.memory_space<semaphore_mem>>)
          %dma_wait3A_289 = arith.constant 0 : i32
          %dma_wait3A_290 = tpu.memref_slice %arg7[%run_scoped3A_266, %dma_wait3A_289] : memref<4x64xi32, #tpu.memory_space<vmem>> -> memref<1x64xi32, #tpu.memory_space<vmem>>
          %dma_wait3A_291 = tpu.memref_squeeze %dma_wait3A_290 : memref<1x64xi32, #tpu.memory_space<vmem>> -> memref<64xi32, #tpu.memory_space<vmem>>
          %dma_wait3A_292 = tpu.memref_slice %arg3[%add3A_265] : memref<327680xi32, #tpu.memory_space<hbm>> -> memref<64xi32, #tpu.memory_space<hbm>>
          %dma_wait3A_293 = arith.constant 0 : i32
          %dma_wait3A_294 = tpu.memref_slice %arg7[%run_scoped3A_266, %dma_wait3A_293] : memref<4x64xi32, #tpu.memory_space<vmem>> -> memref<1x64xi32, #tpu.memory_space<vmem>>
          %dma_wait3A_295 = tpu.memref_squeeze %dma_wait3A_294 : memref<1x64xi32, #tpu.memory_space<vmem>> -> memref<64xi32, #tpu.memory_space<vmem>>
          %dma_wait3A_296 = tpu.memref_slice %arg3[%add3A_265] : memref<327680xi32, #tpu.memory_space<hbm>> -> memref<64xi32, #tpu.memory_space<hbm>>
          tpu.wait_dma2 semaphore(%run_scoped3A_280 : memref<!tpu.dma_semaphore, #tpu.memory_space<semaphore_mem>>) src(%dma_wait3A_296 : memref<64xi32, #tpu.memory_space<hbm>>) dst(%dma_wait3A_295 : memref<64xi32, #tpu.memory_space<vmem>>)
          tpu.yield
        }) : () -> ()
        %run_scoped3A_267 = arith.constant 1 : i32
        "tpu.region"() ({
          %run_scoped3A_280 = tpu.sem_alloc : memref<!tpu.dma_semaphore, #tpu.memory_space<semaphore_mem>>
          %dma_start3A_281 = arith.constant 0 : i32
          %dma_start3A_282 = tpu.memref_slice %arg8[%run_scoped3A_267, %dma_start3A_281] : memref<4x64xi32, #tpu.memory_space<vmem>> -> memref<1x64xi32, #tpu.memory_space<vmem>>
          %dma_start3A_283 = tpu.memref_squeeze %dma_start3A_282 : memref<1x64xi32, #tpu.memory_space<vmem>> -> memref<64xi32, #tpu.memory_space<vmem>>
          %dma_start3A_284 = tpu.memref_slice %arg4[%add3A_265] : memref<327680xi32, #tpu.memory_space<hbm>> -> memref<64xi32, #tpu.memory_space<hbm>>
          %dma_start3A_285 = arith.constant 0 : i32
          %dma_start3A_286 = tpu.memref_slice %arg8[%run_scoped3A_267, %dma_start3A_285] : memref<4x64xi32, #tpu.memory_space<vmem>> -> memref<1x64xi32, #tpu.memory_space<vmem>>
          %dma_start3A_287 = tpu.memref_squeeze %dma_start3A_286 : memref<1x64xi32, #tpu.memory_space<vmem>> -> memref<64xi32, #tpu.memory_space<vmem>>
          %dma_start3A_288 = tpu.memref_slice %arg4[%add3A_265] : memref<327680xi32, #tpu.memory_space<hbm>> -> memref<64xi32, #tpu.memory_space<hbm>>
          tpu.enqueue_dma source(%dma_start3A_288 : memref<64xi32, #tpu.memory_space<hbm>>) target(%dma_start3A_287 : memref<64xi32, #tpu.memory_space<vmem>>) target_semaphore(%run_scoped3A_280 : memref<!tpu.dma_semaphore, #tpu.memory_space<semaphore_mem>>)
          %dma_wait3A_289 = arith.constant 0 : i32
          %dma_wait3A_290 = tpu.memref_slice %arg8[%run_scoped3A_267, %dma_wait3A_289] : memref<4x64xi32, #tpu.memory_space<vmem>> -> memref<1x64xi32, #tpu.memory_space<vmem>>
          %dma_wait3A_291 = tpu.memref_squeeze %dma_wait3A_290 : memref<1x64xi32, #tpu.memory_space<vmem>> -> memref<64xi32, #tpu.memory_space<vmem>>
          %dma_wait3A_292 = tpu.memref_slice %arg4[%add3A_265] : memref<327680xi32, #tpu.memory_space<hbm>> -> memref<64xi32, #tpu.memory_space<hbm>>
          %dma_wait3A_293 = arith.constant 0 : i32
          %dma_wait3A_294 = tpu.memref_slice %arg8[%run_scoped3A_267, %dma_wait3A_293] : memref<4x64xi32, #tpu.memory_space<vmem>> -> memref<1x64xi32, #tpu.memory_space<vmem>>
          %dma_wait3A_295 = tpu.memref_squeeze %dma_wait3A_294 : memref<1x64xi32, #tpu.memory_space<vmem>> -> memref<64xi32, #tpu.memory_space<vmem>>
          %dma_wait3A_296 = tpu.memref_slice %arg4[%add3A_265] : memref<327680xi32, #tpu.memory_space<hbm>> -> memref<64xi32, #tpu.memory_space<hbm>>
          tpu.wait_dma2 semaphore(%run_scoped3A_280 : memref<!tpu.dma_semaphore, #tpu.memory_space<semaphore_mem>>) src(%dma_wait3A_296 : memref<64xi32, #tpu.memory_space<hbm>>) dst(%dma_wait3A_295 : memref<64xi32, #tpu.memory_space<vmem>>)
          tpu.yield
        }) : () -> ()
        %dma_start3A_268 = arith.constant 1 : i32
        %dma_start3A_269 = arith.constant 1 : i32
        %dma_start3A_270 = arith.constant 0 : i32
        %dma_start3A_271 = arith.constant 0 : i32
        %dma_start3A_272 = tpu.memref_slice %arg9[%dma_start3A_269, %dma_start3A_270, %dma_start3A_271] : memref<4x64x128xf32, #tpu.memory_space<vmem>> -> memref<1x64x128xf32, #tpu.memory_space<vmem>>
        %dma_start3A_273 = tpu.memref_squeeze %dma_start3A_272 : memref<1x64x128xf32, #tpu.memory_space<vmem>> -> memref<64x128xf32, #tpu.memory_space<vmem>>
        %dma_start3A_274 = arith.constant 0 : i32
        %dma_start3A_275 = tpu.memref_slice %arg7[%dma_start3A_268, %dma_start3A_274] : memref<4x64xi32, #tpu.memory_space<vmem>> -> memref<1x64xi32, #tpu.memory_space<vmem>>
        %dma_start3A_276 = tpu.memref_squeeze %dma_start3A_275 : memref<1x64xi32, #tpu.memory_space<vmem>> -> memref<64xi32, #tpu.memory_space<vmem>>
        %dma_start3A_277 = arith.constant 0 : i32
        %dma_start3A_278 = arith.constant 0 : i32
        %dma_start3A_279 = tpu.memref_slice %arg2[%dma_start3A_277, %dma_start3A_278] : memref<10000x128xf32, #tpu.memory_space<hbm>> -> memref<10000x128xf32, #tpu.memory_space<hbm>>
        tpu.enqueue_indirect_dma source(%dma_start3A_279 : memref<10000x128xf32, #tpu.memory_space<hbm>>) target(%dma_start3A_273 : memref<64x128xf32, #tpu.memory_space<vmem>>) offsets(%dma_start3A_276 : memref<64xi32, #tpu.memory_space<vmem>>) semaphore(%arg12 : memref<!tpu.dma_semaphore, #tpu.memory_space<semaphore_mem>>)
      } else {
      }
    }
    %dma_wait3A = arith.constant 0 : i32
    %dma_wait3A_71 = arith.constant 0 : i32
    %dma_wait3A_72 = arith.constant 0 : i32
    %dma_wait3A_73 = arith.constant 0 : i32
    %dma_wait3A_74 = tpu.memref_slice %arg9[%dma_wait3A, %dma_wait3A_72, %dma_wait3A_73] : memref<4x64x128xf32, #tpu.memory_space<vmem>> -> memref<1x64x128xf32, #tpu.memory_space<vmem>>
    %dma_wait3A_75 = tpu.memref_squeeze %dma_wait3A_74 : memref<1x64x128xf32, #tpu.memory_space<vmem>> -> memref<64x128xf32, #tpu.memory_space<vmem>>
    %dma_wait3A_76 = arith.constant 0 : i32
    %dma_wait3A_77 = tpu.memref_slice %arg8[%dma_wait3A_71, %dma_wait3A_76] : memref<4x64xi32, #tpu.memory_space<vmem>> -> memref<1x64xi32, #tpu.memory_space<vmem>>
    %dma_wait3A_78 = tpu.memref_squeeze %dma_wait3A_77 : memref<1x64xi32, #tpu.memory_space<vmem>> -> memref<64xi32, #tpu.memory_space<vmem>>
    %dma_wait3A_79 = arith.constant 0 : i32
    %dma_wait3A_80 = arith.constant 0 : i32
    %dma_wait3A_81 = tpu.memref_slice %arg10[%dma_wait3A_79, %dma_wait3A_80] : memref<10240x128xf32, #tpu.memory_space<vmem_shared>> -> memref<10240x128xf32, #tpu.memory_space<vmem_shared>>
    tpu.wait_indirect_dma semaphore(%arg15 : memref<!tpu.dma_semaphore, #tpu.memory_space<semaphore_mem>>) src(%dma_wait3A_75 : memref<64x128xf32, #tpu.memory_space<vmem>>) dst(%dma_wait3A_81 : memref<10240x128xf32, #tpu.memory_space<vmem_shared>>)
    %dma_wait3A_82 = arith.constant 1 : i32
    %dma_wait3A_83 = arith.constant 1 : i32
    %dma_wait3A_84 = arith.constant 0 : i32
    %dma_wait3A_85 = arith.constant 0 : i32
    %dma_wait3A_86 = tpu.memref_slice %arg9[%dma_wait3A_82, %dma_wait3A_84, %dma_wait3A_85] : memref<4x64x128xf32, #tpu.memory_space<vmem>> -> memref<1x64x128xf32, #tpu.memory_space<vmem>>
    %dma_wait3A_87 = tpu.memref_squeeze %dma_wait3A_86 : memref<1x64x128xf32, #tpu.memory_space<vmem>> -> memref<64x128xf32, #tpu.memory_space<vmem>>
    %dma_wait3A_88 = arith.constant 0 : i32
    %dma_wait3A_89 = tpu.memref_slice %arg8[%dma_wait3A_83, %dma_wait3A_88] : memref<4x64xi32, #tpu.memory_space<vmem>> -> memref<1x64xi32, #tpu.memory_space<vmem>>
    %dma_wait3A_90 = tpu.memref_squeeze %dma_wait3A_89 : memref<1x64xi32, #tpu.memory_space<vmem>> -> memref<64xi32, #tpu.memory_space<vmem>>
    %dma_wait3A_91 = arith.constant 0 : i32
    %dma_wait3A_92 = arith.constant 0 : i32
    %dma_wait3A_93 = tpu.memref_slice %arg10[%dma_wait3A_91, %dma_wait3A_92] : memref<10240x128xf32, #tpu.memory_space<vmem_shared>> -> memref<10240x128xf32, #tpu.memory_space<vmem_shared>>
    tpu.wait_indirect_dma semaphore(%arg16 : memref<!tpu.dma_semaphore, #tpu.memory_space<semaphore_mem>>) src(%dma_wait3A_87 : memref<64x128xf32, #tpu.memory_space<vmem>>) dst(%dma_wait3A_93 : memref<10240x128xf32, #tpu.memory_space<vmem_shared>>)
    %dma_wait3A_94 = arith.constant 2 : i32
    %dma_wait3A_95 = arith.constant 2 : i32
    %dma_wait3A_96 = arith.constant 0 : i32
    %dma_wait3A_97 = arith.constant 0 : i32
    %dma_wait3A_98 = tpu.memref_slice %arg9[%dma_wait3A_94, %dma_wait3A_96, %dma_wait3A_97] : memref<4x64x128xf32, #tpu.memory_space<vmem>> -> memref<1x64x128xf32, #tpu.memory_space<vmem>>
    %dma_wait3A_99 = tpu.memref_squeeze %dma_wait3A_98 : memref<1x64x128xf32, #tpu.memory_space<vmem>> -> memref<64x128xf32, #tpu.memory_space<vmem>>
    %dma_wait3A_100 = arith.constant 0 : i32
    %dma_wait3A_101 = tpu.memref_slice %arg8[%dma_wait3A_95, %dma_wait3A_100] : memref<4x64xi32, #tpu.memory_space<vmem>> -> memref<1x64xi32, #tpu.memory_space<vmem>>
    %dma_wait3A_102 = tpu.memref_squeeze %dma_wait3A_101 : memref<1x64xi32, #tpu.memory_space<vmem>> -> memref<64xi32, #tpu.memory_space<vmem>>
    %dma_wait3A_103 = arith.constant 0 : i32
    %dma_wait3A_104 = arith.constant 0 : i32
    %dma_wait3A_105 = tpu.memref_slice %arg10[%dma_wait3A_103, %dma_wait3A_104] : memref<10240x128xf32, #tpu.memory_space<vmem_shared>> -> memref<10240x128xf32, #tpu.memory_space<vmem_shared>>
    tpu.wait_indirect_dma semaphore(%arg17 : memref<!tpu.dma_semaphore, #tpu.memory_space<semaphore_mem>>) src(%dma_wait3A_99 : memref<64x128xf32, #tpu.memory_space<vmem>>) dst(%dma_wait3A_105 : memref<10240x128xf32, #tpu.memory_space<vmem_shared>>)
    %dma_wait3A_106 = arith.constant 3 : i32
    %dma_wait3A_107 = arith.constant 3 : i32
    %dma_wait3A_108 = arith.constant 0 : i32
    %dma_wait3A_109 = arith.constant 0 : i32
    %dma_wait3A_110 = tpu.memref_slice %arg9[%dma_wait3A_106, %dma_wait3A_108, %dma_wait3A_109] : memref<4x64x128xf32, #tpu.memory_space<vmem>> -> memref<1x64x128xf32, #tpu.memory_space<vmem>>
    %dma_wait3A_111 = tpu.memref_squeeze %dma_wait3A_110 : memref<1x64x128xf32, #tpu.memory_space<vmem>> -> memref<64x128xf32, #tpu.memory_space<vmem>>
    %dma_wait3A_112 = arith.constant 0 : i32
    %dma_wait3A_113 = tpu.memref_slice %arg8[%dma_wait3A_107, %dma_wait3A_112] : memref<4x64xi32, #tpu.memory_space<vmem>> -> memref<1x64xi32, #tpu.memory_space<vmem>>
    %dma_wait3A_114 = tpu.memref_squeeze %dma_wait3A_113 : memref<1x64xi32, #tpu.memory_space<vmem>> -> memref<64xi32, #tpu.memory_space<vmem>>
    %dma_wait3A_115 = arith.constant 0 : i32
    %dma_wait3A_116 = arith.constant 0 : i32
    %dma_wait3A_117 = tpu.memref_slice %arg10[%dma_wait3A_115, %dma_wait3A_116] : memref<10240x128xf32, #tpu.memory_space<vmem_shared>> -> memref<10240x128xf32, #tpu.memory_space<vmem_shared>>
    tpu.wait_indirect_dma semaphore(%arg18 : memref<!tpu.dma_semaphore, #tpu.memory_space<semaphore_mem>>) src(%dma_wait3A_111 : memref<64x128xf32, #tpu.memory_space<vmem>>) dst(%dma_wait3A_117 : memref<10240x128xf32, #tpu.memory_space<vmem_shared>>)
    %barrier3A_118 = arith.constant 0 : index
    tpu.barrier barrier_id(%barrier3A_118)
    %mul3A_119 = arith.constant 640 : i32
    %mul3A_120 = arith.muli %arg1, %mul3A_119 : i32
    %mul3A_121 = arith.constant 640 : i32
    %mul3A_122 = arith.muli %arg1, %mul3A_121 : i32
    "tpu.region"() ({
      %run_scoped3A_123 = tpu.sem_alloc : memref<!tpu.dma_semaphore, #tpu.memory_space<semaphore_mem>>
      %dma_start3A_124 = arith.constant 0 : i32
      %dma_start3A_125 = tpu.memref_slice %arg6[%arg0, %mul3A_122, %dma_start3A_124] : memref<2x10240x128xf32, #tpu.memory_space<hbm>> -> memref<1x640x128xf32, #tpu.memory_space<hbm>>
      %dma_start3A_126 = tpu.memref_squeeze %dma_start3A_125 : memref<1x640x128xf32, #tpu.memory_space<hbm>> -> memref<640x128xf32, #tpu.memory_space<hbm>>
      %dma_start3A_127 = arith.constant 0 : i32
      %dma_start3A_128 = tpu.memref_slice %arg10[%mul3A_120, %dma_start3A_127] : memref<10240x128xf32, #tpu.memory_space<vmem_shared>> -> memref<640x128xf32, #tpu.memory_space<vmem_shared>>
      tpu.enqueue_dma source(%dma_start3A_128 : memref<640x128xf32, #tpu.memory_space<vmem_shared>>) target(%dma_start3A_126 : memref<640x128xf32, #tpu.memory_space<hbm>>) target_semaphore(%run_scoped3A_123 : memref<!tpu.dma_semaphore, #tpu.memory_space<semaphore_mem>>)
      %dma_wait3A_129 = arith.constant 0 : i32
      %dma_wait3A_130 = tpu.memref_slice %arg6[%arg0, %mul3A_122, %dma_wait3A_129] : memref<2x10240x128xf32, #tpu.memory_space<hbm>> -> memref<1x640x128xf32, #tpu.memory_space<hbm>>
      %dma_wait3A_131 = tpu.memref_squeeze %dma_wait3A_130 : memref<1x640x128xf32, #tpu.memory_space<hbm>> -> memref<640x128xf32, #tpu.memory_space<hbm>>
      %dma_wait3A_132 = arith.constant 0 : i32
      %dma_wait3A_133 = tpu.memref_slice %arg10[%mul3A_120, %dma_wait3A_132] : memref<10240x128xf32, #tpu.memory_space<vmem_shared>> -> memref<640x128xf32, #tpu.memory_space<vmem_shared>>
      tpu.wait_dma2 semaphore(%run_scoped3A_123 : memref<!tpu.dma_semaphore, #tpu.memory_space<semaphore_mem>>) src(%dma_wait3A_133 : memref<640x128xf32, #tpu.memory_space<vmem_shared>>) dst(%dma_wait3A_131 : memref<640x128xf32, #tpu.memory_space<hbm>>)
      tpu.yield
    }) : () -> ()
    return
  }
}

module attributes {stable_mosaic.version = 14 : i64} {
  func.func @_tc1_body(%arg0: i32, %arg1: memref<1000x128xf32, #tpu.memory_space<vmem>>, %arg2: memref<1x1000x1xf32, #tpu.memory_space<vmem>>, %arg3: memref<1x1000x1xf32, #tpu.memory_space<vmem>>, %arg4: memref<1x1000x1xf32, #tpu.memory_space<vmem>>, %arg5: memref<1x1000x1xf32, #tpu.memory_space<vmem>>, %arg6: memref<1000x128xf32, #tpu.memory_space<vmem>>, %arg7: memref<1000x1xf32, #tpu.memory_space<vmem>>, %arg8: memref<1000x1xf32, #tpu.memory_space<vmem>>) attributes {dimension_semantics = [#tpu.dimension_semantics<arbitrary>], iteration_bounds = array<i64: 10>, scalar_prefetch = 0 : i64, scratch_operands = 0 : i64, tpu.core_type = #tpu.core_type<tc>, window_params = [{transform_indices = @transform_0, window_bounds = array<i64: 1000, 128>}, {transform_indices = @transform_1, window_bounds = array<i64: 1, 1000, 1>}, {transform_indices = @transform_2, window_bounds = array<i64: 1, 1000, 1>}, {transform_indices = @transform_3, window_bounds = array<i64: 1, 1000, 1>}, {transform_indices = @transform_4, window_bounds = array<i64: 1, 1000, 1>}, {transform_indices = @transform_5, window_bounds = array<i64: 1000, 128>}, {transform_indices = @transform_6, window_bounds = array<i64: 1000, 1>}, {transform_indices = @transform_7, window_bounds = array<i64: 1000, 1>}]} {
    %get3A = arith.constant 0 : index
    %get3A_0 = arith.constant 0 : index
    %get3A_1 = arith.constant 0 : index
    %get3A_2 = vector.load %arg2[%get3A, %get3A_0, %get3A_1] : memref<1x1000x1xf32, #tpu.memory_space<vmem>>, vector<1x1000x1xf32>
    %get3A_3 = vector.shape_cast %get3A_2 : vector<1x1000x1xf32> to vector<1000x1xf32>
    %get3A_4 = arith.constant 0 : index
    %get3A_5 = arith.constant 0 : index
    %get3A_6 = arith.constant 0 : index
    %get3A_7 = vector.load %arg3[%get3A_4, %get3A_5, %get3A_6] : memref<1x1000x1xf32, #tpu.memory_space<vmem>>, vector<1x1000x1xf32>
    %get3A_8 = vector.shape_cast %get3A_7 : vector<1x1000x1xf32> to vector<1000x1xf32>
    %add3A = arith.addf %get3A_3, %get3A_8 : vector<1000x1xf32>
    %get3A_9 = arith.constant 0 : index
    %get3A_10 = arith.constant 0 : index
    %get3A_11 = arith.constant 0 : index
    %get3A_12 = vector.load %arg4[%get3A_9, %get3A_10, %get3A_11] : memref<1x1000x1xf32, #tpu.memory_space<vmem>>, vector<1x1000x1xf32>
    %get3A_13 = vector.shape_cast %get3A_12 : vector<1x1000x1xf32> to vector<1000x1xf32>
    %get3A_14 = arith.constant 0 : index
    %get3A_15 = arith.constant 0 : index
    %get3A_16 = arith.constant 0 : index
    %get3A_17 = vector.load %arg5[%get3A_14, %get3A_15, %get3A_16] : memref<1x1000x1xf32, #tpu.memory_space<vmem>>, vector<1x1000x1xf32>
    %get3A_18 = vector.shape_cast %get3A_17 : vector<1x1000x1xf32> to vector<1000x1xf32>
    %add3A_19 = arith.addf %get3A_13, %get3A_18 : vector<1000x1xf32>
    %max3A = arith.constant 1.000000e+00 : f32
    %max3A_20 = vector.broadcast %max3A : f32 to vector<1000x1xf32>
    %max3A_21 = arith.maximumf %add3A, %max3A_20 : vector<1000x1xf32>
    %rsqrt3A = math.rsqrt %max3A_21 : vector<1000x1xf32>
    %max3A_22 = arith.constant 1.000000e+00 : f32
    %max3A_23 = vector.broadcast %max3A_22 : f32 to vector<1000x1xf32>
    %max3A_24 = arith.maximumf %add3A_19, %max3A_23 : vector<1000x1xf32>
    %rsqrt3A_25 = math.rsqrt %max3A_24 : vector<1000x1xf32>
    %swap3A = arith.constant 0 : index
    %swap3A_26 = arith.constant 0 : index
    %swap3A_27 = vector.load %arg7[%swap3A, %swap3A_26] : memref<1000x1xf32, #tpu.memory_space<vmem>>, vector<1000x1xf32>
    tpu.vector_store %arg7[%swap3A, %swap3A_26], %rsqrt3A {strides = array<i32>} : memref<1000x1xf32, #tpu.memory_space<vmem>>, vector<1000x1xf32>,
    %swap3A_28 = arith.constant 0 : index
    %swap3A_29 = arith.constant 0 : index
    %swap3A_30 = vector.load %arg8[%swap3A_28, %swap3A_29] : memref<1000x1xf32, #tpu.memory_space<vmem>>, vector<1000x1xf32>
    tpu.vector_store %arg8[%swap3A_28, %swap3A_29], %rsqrt3A_25 {strides = array<i32>} : memref<1000x1xf32, #tpu.memory_space<vmem>>, vector<1000x1xf32>,
    %get3A_31 = arith.constant 0 : index
    %get3A_32 = arith.constant 0 : index
    %get3A_33 = vector.load %arg1[%get3A_31, %get3A_32] : memref<1000x128xf32, #tpu.memory_space<vmem>>, vector<1000x128xf32>
    %mul3A = vector.broadcast %rsqrt3A : vector<1000x1xf32> to vector<1000x128xf32>
    %mul3A_34 = arith.mulf %get3A_33, %mul3A : vector<1000x128xf32>
    %swap3A_35 = arith.constant 0 : index
    %swap3A_36 = arith.constant 0 : index
    %swap3A_37 = vector.load %arg6[%swap3A_35, %swap3A_36] : memref<1000x128xf32, #tpu.memory_space<vmem>>, vector<1000x128xf32>
    tpu.vector_store %arg6[%swap3A_35, %swap3A_36], %mul3A_34 {strides = array<i32>} : memref<1000x128xf32, #tpu.memory_space<vmem>>, vector<1000x128xf32>,
    return
  }
  func.func @transform_0(%arg0: i32) -> (i32, i32) {
    %c0_i32 = arith.constant 0 : i32
    %c0_i32_0 = arith.constant 0 : i32
    return %arg0, %c0_i32 : i32, i32
  }
  func.func @transform_1(%arg0: i32) -> (i32, i32, i32) {
    %c0_i32 = arith.constant 0 : i32
    %c0_i32_0 = arith.constant 0 : i32
    %c0_i32_1 = arith.constant 0 : i32
    return %c0_i32, %arg0, %c0_i32_0 : i32, i32, i32
  }
  func.func @transform_2(%arg0: i32) -> (i32, i32, i32) {
    %c1_i32 = arith.constant 1 : i32
    %c0_i32 = arith.constant 0 : i32
    %c0_i32_0 = arith.constant 0 : i32
    return %c1_i32, %arg0, %c0_i32 : i32, i32, i32
  }
  func.func @transform_3(%arg0: i32) -> (i32, i32, i32) {
    %c0_i32 = arith.constant 0 : i32
    %c0_i32_0 = arith.constant 0 : i32
    %c0_i32_1 = arith.constant 0 : i32
    return %c0_i32, %arg0, %c0_i32_0 : i32, i32, i32
  }
  func.func @transform_4(%arg0: i32) -> (i32, i32, i32) {
    %c1_i32 = arith.constant 1 : i32
    %c0_i32 = arith.constant 0 : i32
    %c0_i32_0 = arith.constant 0 : i32
    return %c1_i32, %arg0, %c0_i32 : i32, i32, i32
  }
  func.func @transform_5(%arg0: i32) -> (i32, i32) {
    %c0_i32 = arith.constant 0 : i32
    %c0_i32_0 = arith.constant 0 : i32
    return %arg0, %c0_i32 : i32, i32
  }
  func.func @transform_6(%arg0: i32) -> (i32, i32) {
    %c0_i32 = arith.constant 0 : i32
    %c0_i32_0 = arith.constant 0 : i32
    return %arg0, %c0_i32 : i32, i32
  }
  func.func @transform_7(%arg0: i32) -> (i32, i32) {
    %c0_i32 = arith.constant 0 : i32
    %c0_i32_0 = arith.constant 0 : i32
    return %arg0, %c0_i32 : i32, i32
  }
}

module attributes {stable_mosaic.version = 14 : i64} {
  func.func @_tc3_body(%arg0: i32, %arg1: memref<1x1000x128xf32, #tpu.memory_space<vmem>>, %arg2: memref<1x1000x128xf32, #tpu.memory_space<vmem>>, %arg3: memref<1000x1xf32, #tpu.memory_space<vmem>>, %arg4: memref<128x128xf32, #tpu.memory_space<vmem>>, %arg5: memref<1x128xf32, #tpu.memory_space<vmem>>, %arg6: memref<1x128xf32, #tpu.memory_space<vmem>>, %arg7: memref<1x128xf32, #tpu.memory_space<vmem>>, %arg8: memref<1xf32, #tpu.memory_space<smem>>) attributes {dimension_semantics = [#tpu.dimension_semantics<arbitrary>], iteration_bounds = array<i64: 10>, scalar_prefetch = 0 : i64, scratch_operands = 2 : i64, tpu.core_type = #tpu.core_type<tc>, window_params = [{transform_indices = @transform_0, window_bounds = array<i64: 1, 1000, 128>}, {transform_indices = @transform_1, window_bounds = array<i64: 1, 1000, 128>}, {transform_indices = @transform_2, window_bounds = array<i64: 1000, 1>}, {pipeline_mode = #tpu.pipeline_mode<synchronous>, transform_indices = @transform_3, window_bounds = array<i64: 128, 128>}, {pipeline_mode = #tpu.pipeline_mode<synchronous>, transform_indices = @transform_4, window_bounds = array<i64: 1, 128>}, {pipeline_mode = #tpu.pipeline_mode<synchronous>, transform_indices = @transform_5, window_bounds = array<i64: 1, 128>}]} {
    %get3A = arith.constant 0 : index
    %get3A_0 = arith.constant 0 : index
    %get3A_1 = arith.constant 0 : index
    %get3A_2 = vector.load %arg1[%get3A, %get3A_0, %get3A_1] : memref<1x1000x128xf32, #tpu.memory_space<vmem>>, vector<1x1000x128xf32>
    %get3A_3 = vector.shape_cast %get3A_2 : vector<1x1000x128xf32> to vector<1000x128xf32>
    %get3A_4 = arith.constant 0 : index
    %get3A_5 = arith.constant 0 : index
    %get3A_6 = arith.constant 0 : index
    %get3A_7 = vector.load %arg2[%get3A_4, %get3A_5, %get3A_6] : memref<1x1000x128xf32, #tpu.memory_space<vmem>>, vector<1x1000x128xf32>
    %get3A_8 = vector.shape_cast %get3A_7 : vector<1x1000x128xf32> to vector<1000x128xf32>
    %add3A = arith.addf %get3A_3, %get3A_8 : vector<1000x128xf32>
    %get3A_9 = arith.constant 0 : index
    %get3A_10 = arith.constant 0 : index
    %get3A_11 = vector.load %arg3[%get3A_9, %get3A_10] : memref<1000x1xf32, #tpu.memory_space<vmem>>, vector<1000x1xf32>
    %mul3A = vector.broadcast %get3A_11 : vector<1000x1xf32> to vector<1000x128xf32>
    %mul3A_12 = arith.mulf %add3A, %mul3A : vector<1000x128xf32>
    %get3A_13 = arith.constant 0 : index
    %get3A_14 = arith.constant 0 : index
    %get3A_15 = vector.load %arg4[%get3A_13, %get3A_14] : memref<128x128xf32, #tpu.memory_space<vmem>>, vector<128x128xf32>
    %dot_general3A = arith.constant dense<0.000000e+00> : vector<1000x128xf32>
    %dot_general3A_16 = tpu.matmul %mul3A_12, %get3A_15, %dot_general3A {dimension_numbers = #tpu.dot_dimension_numbers<[1], [0], [0], [1], [0, 0, 1, 1], [], []>, transpose_lhs_hint = false} : vector<1000x128xf32>, vector<128x128xf32>, vector<1000x128xf32> -> vector<1000x128xf32>
    %get3A_17 = arith.constant 0 : index
    %get3A_18 = arith.constant 0 : index
    %get3A_19 = vector.load %arg5[%get3A_17, %get3A_18] : memref<1x128xf32, #tpu.memory_space<vmem>>, vector<1x128xf32>
    %add3A_20 = vector.broadcast %get3A_19 : vector<1x128xf32> to vector<1000x128xf32>
    %add3A_21 = arith.addf %dot_general3A_16, %add3A_20 : vector<1000x128xf32>
    %reduce_sum3A = arith.constant dense<0.000000e+00> : vector<128xf32>
    %reduce_sum3A_22 = vector.multi_reduction <add>, %add3A_21, %reduce_sum3A [0] : vector<1000x128xf32> to vector<128xf32>
    %broadcast_in_dim3A = vector.shape_cast %reduce_sum3A_22 : vector<128xf32> to vector<1x128xf32>
    %mul3A_23 = arith.mulf %add3A_21, %add3A_21 : vector<1000x128xf32>
    %reduce_sum3A_24 = arith.constant dense<0.000000e+00> : vector<1000xf32>
    %reduce_sum3A_25 = vector.multi_reduction <add>, %mul3A_23, %reduce_sum3A_24 [1] : vector<1000x128xf32> to vector<1000xf32>
    %sqrt3A = math.sqrt %reduce_sum3A_25 : vector<1000xf32>
    %reduce_sum3A_26 = vector.shape_cast %sqrt3A : vector<1000xf32> to vector<1x1000xf32>
    %reduce_sum3A_27 = arith.constant dense<0.000000e+00> : vector<1xf32>
    %reduce_sum3A_28 = vector.multi_reduction <add>, %reduce_sum3A_26, %reduce_sum3A_27 [1] : vector<1x1000xf32> to vector<1xf32>
    %reduce_sum3A_29 = vector.shape_cast %reduce_sum3A_28 : vector<1xf32> to vector<1x1xf32>
    %reduce_sum3A_30 = vector.extract %reduce_sum3A_29[0, 0] : f32 from vector<1x1xf32>
    %eq3A = arith.constant 0 : i32
    %eq3A_31 = arith.cmpi eq, %arg0, %eq3A : i32
    %convert_element_type3A = arith.extui %eq3A_31 : i1 to i32
    %cond3A = arith.constant 0 : i32
    %cond3A_32 = arith.cmpi ne, %convert_element_type3A, %cond3A : i32
    scf.if %cond3A_32 {
      %broadcast_in_dim3A_49 = arith.constant 0.000000e+00 : f32
      %broadcast_in_dim3A_50 = vector.broadcast %broadcast_in_dim3A_49 : f32 to vector<1x128xf32>
      %swap3A_51 = arith.constant 0 : index
      %swap3A_52 = arith.constant 0 : index
      %swap3A_53 = vector.load %arg7[%swap3A_51, %swap3A_52] : memref<1x128xf32, #tpu.memory_space<vmem>>, vector<1x128xf32>
      tpu.vector_store %arg7[%swap3A_51, %swap3A_52], %broadcast_in_dim3A_50 {strides = array<i32>} : memref<1x128xf32, #tpu.memory_space<vmem>>, vector<1x128xf32>,
      %swap3A_54 = arith.constant 0.000000e+00 : f32
      %swap3A_55 = arith.constant 0 : index
      %swap3A_56 = memref.load %arg8[%swap3A_55] : memref<1xf32, #tpu.memory_space<smem>>
      memref.store %swap3A_54, %arg8[%swap3A_55] : memref<1xf32, #tpu.memory_space<smem>>
    } else {
    }
    %get3A_33 = arith.constant 0 : index
    %get3A_34 = arith.constant 0 : index
    %get3A_35 = vector.load %arg7[%get3A_33, %get3A_34] : memref<1x128xf32, #tpu.memory_space<vmem>>, vector<1x128xf32>
    %add3A_36 = arith.addf %get3A_35, %broadcast_in_dim3A : vector<1x128xf32>
    %swap3A = arith.constant 0 : index
    %swap3A_37 = arith.constant 0 : index
    %swap3A_38 = vector.load %arg7[%swap3A, %swap3A_37] : memref<1x128xf32, #tpu.memory_space<vmem>>, vector<1x128xf32>
    tpu.vector_store %arg7[%swap3A, %swap3A_37], %add3A_36 {strides = array<i32>} : memref<1x128xf32, #tpu.memory_space<vmem>>, vector<1x128xf32>,
    %get3A_39 = arith.constant 0 : index
    %get3A_40 = memref.load %arg8[%get3A_39] : memref<1xf32, #tpu.memory_space<smem>>
    %add3A_41 = arith.addf %get3A_40, %reduce_sum3A_30 : f32
    %swap3A_42 = arith.constant 0 : index
    %swap3A_43 = memref.load %arg8[%swap3A_42] : memref<1xf32, #tpu.memory_space<smem>>
    memref.store %add3A_41, %arg8[%swap3A_42] : memref<1xf32, #tpu.memory_space<smem>>
    %eq3A_44 = arith.constant 9 : i32
    %eq3A_45 = arith.cmpi eq, %arg0, %eq3A_44 : i32
    %convert_element_type3A_46 = arith.extui %eq3A_45 : i1 to i32
    %cond3A_47 = arith.constant 0 : i32
    %cond3A_48 = arith.cmpi ne, %convert_element_type3A_46, %cond3A_47 : i32
    scf.if %cond3A_48 {
      %sqrt3A_49 = arith.constant 1.280000e+02 : f32
      %sqrt3A_50 = math.sqrt %sqrt3A_49 : f32
      %mul3A_51 = arith.constant 1.000000e+04 : f32
      %mul3A_52 = arith.mulf %sqrt3A_50, %mul3A_51 : f32
      %get3A_53 = arith.constant 0 : index
      %get3A_54 = memref.load %arg8[%get3A_53] : memref<1xf32, #tpu.memory_space<smem>>
      %div3A = arith.divf %mul3A_52, %get3A_54 : f32
      %get3A_55 = arith.constant 0 : index
      %get3A_56 = arith.constant 0 : index
      %get3A_57 = vector.load %arg7[%get3A_55, %get3A_56] : memref<1x128xf32, #tpu.memory_space<vmem>>, vector<1x128xf32>
      %mul3A_58 = vector.broadcast %div3A : f32 to vector<1x128xf32>
      %mul3A_59 = arith.mulf %get3A_57, %mul3A_58 : vector<1x128xf32>
      %swap3A_60 = arith.constant 0 : index
      %swap3A_61 = arith.constant 0 : index
      %swap3A_62 = vector.load %arg6[%swap3A_60, %swap3A_61] : memref<1x128xf32, #tpu.memory_space<vmem>>, vector<1x128xf32>
      tpu.vector_store %arg6[%swap3A_60, %swap3A_61], %mul3A_59 {strides = array<i32>} : memref<1x128xf32, #tpu.memory_space<vmem>>, vector<1x128xf32>,
    } else {
    }
    return
  }
  func.func @transform_0(%arg0: i32) -> (i32, i32, i32) {
    %c0_i32 = arith.constant 0 : i32
    %c0_i32_0 = arith.constant 0 : i32
    %c0_i32_1 = arith.constant 0 : i32
    return %c0_i32, %arg0, %c0_i32_0 : i32, i32, i32
  }
  func.func @transform_1(%arg0: i32) -> (i32, i32, i32) {
    %c1_i32 = arith.constant 1 : i32
    %c0_i32 = arith.constant 0 : i32
    %c0_i32_0 = arith.constant 0 : i32
    return %c1_i32, %arg0, %c0_i32 : i32, i32, i32
  }
  func.func @transform_2(%arg0: i32) -> (i32, i32) {
    %c0_i32 = arith.constant 0 : i32
    %c0_i32_0 = arith.constant 0 : i32
    return %arg0, %c0_i32 : i32, i32
  }
  func.func @transform_3(%arg0: i32) -> (i32, i32) {
    %c0_i32 = arith.constant 0 : i32
    %c0_i32_0 = arith.constant 0 : i32
    %c0_i32_1 = arith.constant 0 : i32
    return %c0_i32, %c0_i32_0 : i32, i32
  }
  func.func @transform_4(%arg0: i32) -> (i32, i32) {
    %c0_i32 = arith.constant 0 : i32
    %c0_i32_0 = arith.constant 0 : i32
    %c0_i32_1 = arith.constant 0 : i32
    return %c0_i32, %c0_i32_0 : i32, i32
  }
  func.func @transform_5(%arg0: i32) -> (i32, i32) {
    %c0_i32 = arith.constant 0 : i32
    %c0_i32_0 = arith.constant 0 : i32
    %c0_i32_1 = arith.constant 0 : i32
    return %c0_i32, %c0_i32_0 : i32, i32
  }
}

module attributes {stable_mosaic.version = 14 : i64} {
  func.func @_tc2_body(%arg0: i32, %arg1: memref<1x1000x128xf32, #tpu.memory_space<vmem>>, %arg2: memref<1x1000x128xf32, #tpu.memory_space<vmem>>, %arg3: memref<1000x1xf32, #tpu.memory_space<vmem>>, %arg4: memref<1000x1xf32, #tpu.memory_space<vmem>>, %arg5: memref<128x128xf32, #tpu.memory_space<vmem>>, %arg6: memref<1x128xf32, #tpu.memory_space<vmem>>, %arg7: memref<1000x128xf32, #tpu.memory_space<vmem>>) attributes {dimension_semantics = [#tpu.dimension_semantics<arbitrary>], iteration_bounds = array<i64: 10>, scalar_prefetch = 0 : i64, scratch_operands = 0 : i64, tpu.core_type = #tpu.core_type<tc>, window_params = [{transform_indices = @transform_0, window_bounds = array<i64: 1, 1000, 128>}, {transform_indices = @transform_1, window_bounds = array<i64: 1, 1000, 128>}, {transform_indices = @transform_2, window_bounds = array<i64: 1000, 1>}, {transform_indices = @transform_3, window_bounds = array<i64: 1000, 1>}, {pipeline_mode = #tpu.pipeline_mode<synchronous>, transform_indices = @transform_4, window_bounds = array<i64: 128, 128>}, {pipeline_mode = #tpu.pipeline_mode<synchronous>, transform_indices = @transform_5, window_bounds = array<i64: 1, 128>}, {transform_indices = @transform_6, window_bounds = array<i64: 1000, 128>}]} {
    %get3A = arith.constant 0 : index
    %get3A_0 = arith.constant 0 : index
    %get3A_1 = arith.constant 0 : index
    %get3A_2 = vector.load %arg1[%get3A, %get3A_0, %get3A_1] : memref<1x1000x128xf32, #tpu.memory_space<vmem>>, vector<1x1000x128xf32>
    %get3A_3 = vector.shape_cast %get3A_2 : vector<1x1000x128xf32> to vector<1000x128xf32>
    %get3A_4 = arith.constant 0 : index
    %get3A_5 = arith.constant 0 : index
    %get3A_6 = arith.constant 0 : index
    %get3A_7 = vector.load %arg2[%get3A_4, %get3A_5, %get3A_6] : memref<1x1000x128xf32, #tpu.memory_space<vmem>>, vector<1x1000x128xf32>
    %get3A_8 = vector.shape_cast %get3A_7 : vector<1x1000x128xf32> to vector<1000x128xf32>
    %add3A = arith.addf %get3A_3, %get3A_8 : vector<1000x128xf32>
    %get3A_9 = arith.constant 0 : index
    %get3A_10 = arith.constant 0 : index
    %get3A_11 = vector.load %arg3[%get3A_9, %get3A_10] : memref<1000x1xf32, #tpu.memory_space<vmem>>, vector<1000x1xf32>
    %mul3A = vector.broadcast %get3A_11 : vector<1000x1xf32> to vector<1000x128xf32>
    %mul3A_12 = arith.mulf %add3A, %mul3A : vector<1000x128xf32>
    %get3A_13 = arith.constant 0 : index
    %get3A_14 = arith.constant 0 : index
    %get3A_15 = vector.load %arg5[%get3A_13, %get3A_14] : memref<128x128xf32, #tpu.memory_space<vmem>>, vector<128x128xf32>
    %dot_general3A = arith.constant dense<0.000000e+00> : vector<1000x128xf32>
    %dot_general3A_16 = tpu.matmul %mul3A_12, %get3A_15, %dot_general3A {dimension_numbers = #tpu.dot_dimension_numbers<[1], [0], [0], [1], [0, 0, 1, 1], [], []>, transpose_lhs_hint = false} : vector<1000x128xf32>, vector<128x128xf32>, vector<1000x128xf32> -> vector<1000x128xf32>
    %get3A_17 = arith.constant 0 : index
    %get3A_18 = arith.constant 0 : index
    %get3A_19 = vector.load %arg6[%get3A_17, %get3A_18] : memref<1x128xf32, #tpu.memory_space<vmem>>, vector<1x128xf32>
    %add3A_20 = vector.broadcast %get3A_19 : vector<1x128xf32> to vector<1000x128xf32>
    %add3A_21 = arith.addf %dot_general3A_16, %add3A_20 : vector<1000x128xf32>
    %max3A = arith.constant 0.000000e+00 : f32
    %max3A_22 = vector.broadcast %max3A : f32 to vector<1000x128xf32>
    %max3A_23 = arith.maximumf %add3A_21, %max3A_22 : vector<1000x128xf32>
    %get3A_24 = arith.constant 0 : index
    %get3A_25 = arith.constant 0 : index
    %get3A_26 = vector.load %arg4[%get3A_24, %get3A_25] : memref<1000x1xf32, #tpu.memory_space<vmem>>, vector<1000x1xf32>
    %mul3A_27 = vector.broadcast %get3A_26 : vector<1000x1xf32> to vector<1000x128xf32>
    %mul3A_28 = arith.mulf %max3A_23, %mul3A_27 : vector<1000x128xf32>
    %swap3A = arith.constant 0 : index
    %swap3A_29 = arith.constant 0 : index
    %swap3A_30 = vector.load %arg7[%swap3A, %swap3A_29] : memref<1000x128xf32, #tpu.memory_space<vmem>>, vector<1000x128xf32>
    tpu.vector_store %arg7[%swap3A, %swap3A_29], %mul3A_28 {strides = array<i32>} : memref<1000x128xf32, #tpu.memory_space<vmem>>, vector<1000x128xf32>,
    return
  }
  func.func @transform_0(%arg0: i32) -> (i32, i32, i32) {
    %c0_i32 = arith.constant 0 : i32
    %c0_i32_0 = arith.constant 0 : i32
    %c0_i32_1 = arith.constant 0 : i32
    return %c0_i32, %arg0, %c0_i32_0 : i32, i32, i32
  }
  func.func @transform_1(%arg0: i32) -> (i32, i32, i32) {
    %c1_i32 = arith.constant 1 : i32
    %c0_i32 = arith.constant 0 : i32
    %c0_i32_0 = arith.constant 0 : i32
    return %c1_i32, %arg0, %c0_i32 : i32, i32, i32
  }
  func.func @transform_2(%arg0: i32) -> (i32, i32) {
    %c0_i32 = arith.constant 0 : i32
    %c0_i32_0 = arith.constant 0 : i32
    return %arg0, %c0_i32 : i32, i32
  }
  func.func @transform_3(%arg0: i32) -> (i32, i32) {
    %c0_i32 = arith.constant 0 : i32
    %c0_i32_0 = arith.constant 0 : i32
    return %arg0, %c0_i32 : i32, i32
  }
  func.func @transform_4(%arg0: i32) -> (i32, i32) {
    %c0_i32 = arith.constant 0 : i32
    %c0_i32_0 = arith.constant 0 : i32
    %c0_i32_1 = arith.constant 0 : i32
    return %c0_i32, %c0_i32_0 : i32, i32
  }
  func.func @transform_5(%arg0: i32) -> (i32, i32) {
    %c0_i32 = arith.constant 0 : i32
    %c0_i32_0 = arith.constant 0 : i32
    %c0_i32_1 = arith.constant 0 : i32
    return %c0_i32, %c0_i32_0 : i32, i32
  }
  func.func @transform_6(%arg0: i32) -> (i32, i32) {
    %c0_i32 = arith.constant 0 : i32
    %c0_i32_0 = arith.constant 0 : i32
    return %arg0, %c0_i32 : i32, i32
  }
}

</mosaic_0001>

<sc_bundles>
// kernel: kernel.11.cloned.1.call-start
scs
__scs_entry_jumppad:
0x0: {  	(pc) =	sbr.rel $0x88, $3  }
0x1: {  	(tag) =	ssettag $0x0;
	lr =	simm.s32 $0x1  }
0x2: {  	[smem:$0x3F9B] =	sst lr;
	_ =	strace $0xD0000000  }
0x3: {  	_ = 	snop  }
0x4: {  	_ = 	snop  }
0x5: {  	_ = 	snop  }
0x6: {  	_ = 	snop  }
0x7: {  	_ = 	snop  }
__scs_overlays_trampoline_lowered:
0x8: {  	[smem:$0x3FAA] =	sst s0  }
0x9: {  	[smem:$0x3FAB] =	sst s1  }
0xa: {  	[smem:$0x3FAC] =	sst s2  }
0xb: {  	[smem:$0x3FAD] =	sst s3  }
0xc: {  	[smem:$0x3FAE] =	sst s4  }
0xd: {  	[smem:$0x3FAF] =	sst s5  }
0xe: {  	[smem:$0x3FB0] =	sst s6  }
0xf: {  	[smem:$0x3FB1] =	sst s7  }
0x10: {  	[smem:$0x3FB2] =	sst s8  }
0x11: {  	[smem:$0x3FB3] =	sst s9;
	s0 =	simm.s32 @!p0 $0x0  }
0x12: {  	s1 =	sld [smem:$0x3F99];
	s0 =	simm.s32 @p0 $0x1  }
0x13: {  	[smem:$0x3FB4] =	sst s0;
	s0 =	simm.s32 @!p1 $0x0  }
0x14: {  	s2 =	sld [smem:$0x3F98];
	s0 =	simm.s32 @p1 $0x1  }
0x15: {  	[smem:$0x3FB5] =	sst s0;
	s0 =	simm.s32 @!p2 $0x0  }
0x16: {  	s3 =	sld [smem:$0x3FDB];
	s0 =	simm.s32 @p2 $0x1  }
0x17: {  	s4 =	simm.s32 $0x1BF5;
	[smem:$0x3FB7] =	sst s0  }
0x18: {  	s0 =	sld [smem:$0x3F9A];
	_ =	swait.ge [sflag:s4], $0x0  }
0x19: {  	s7 =	sld [smem:$0x3F9B]  }
0x1a: {  	s8 =	sadd.s32 $0xFFFFE003, lr  }
0x1b: {  	s9 =	sadd.s32 $0xFFFFFEF7, lr;
	s5 =	simm.s32 $0xFFFFFFFF;
	p2 =	slt.u32 s8, $0xFFFFF086  }
0x1c: {  	p1 =	slt.u32 s9, $0xF7A;
	s5 =	simm.s32 @!p2 $0x0  }
0x1d: {  	s5 =	simm.s32 @p1 $0x1;
	p0 =	seq.s32 s7, s2  }
0x1e: {  	s7 =	smul.u32 @!p0 $0xF7A, s2;
	p2 =	seq.s32 @!p0 s5, $0x0  }
0x1f: {  	s9 =	smul.u32 $0xF7A, s1;
	s8 =	simm.s32 @!p0 $0x1BF5;
	p2 =	por !p2, p0  }
0x20: {  	[sflag:s8] =	ssyncset.s32 @!p0 $0xFFFFF086;
	s6 =	sadd.s32 @!p0 s3, s7;
	s7 =	simm.s32 @!p0 $0x108  }
0x21: {  	s3 =	sadd.s32 s3, s9;
	s6 =	sadd.s32 @!p0 $0x88, s6;
	s7 =	simm.s32 @p2 $0x1082  }
0x22: {  	[simem:s7], [sflag:s8] =	dma.local @!p0 [hbm:s6], $0xF7A  }
0x23: {  	s9 =	sor.u32 $0xD0000000, s2;
	s6 =	simm.s32 $0x108;
	_ =	swait.ge @!p0 [sflag:s8], $0x0  }
0x24: {  	s3 =	sadd.s32 $0x88, s3;
	s6 =	simm.s32 @!p1 $0x1082;
	[sflag:s4] =	ssyncset.s32 $0xFFFFF086  }
0x25: {  	[simem:s6], [sflag:s4] =	dma.local [hbm:s3], $0xF7A  }
0x26: {  	[smem:$0x3F9B] =	sst s1;
	(tag) =	ssettag s2;
	_ =	strace s9  }
0x27: {  	s1 =	sld [smem:$0x3FAB]  }
0x28: {  	s2 =	sld [smem:$0x3FAC]  }
0x29: {  	s4 =	sld [smem:$0x3FAE]  }
0x2a: {  	p0 =	seq.s32 s5, $0x0;
	s5 =	sld [smem:$0x3FAF]  }
0x2b: {  	s6 =	sld [smem:$0x3FB0]  }
0x2c: {  	s7 =	sld [smem:$0x3FB1]  }
0x2d: {  	s3 =	simm.s32 $0x108;
	s8 =	sld [smem:$0x3FB2]  }
0x2e: {  	s3 =	simm.s32 @!p0 $0x1082;
	s9 =	sld [smem:$0x3FB3]  }
0x2f: {  	lr =	sadd.s32 s0, s3;
	s0 =	sld [smem:$0x3FAA]  }
0x30: {  	s3 =	sld [smem:$0x3FAD]  }
0x31: {  	[smem:$0x3FB6] =	sst s10  }
0x32: {  	s10 =	sld [smem:$0x3FB4];
	_ =	sdelay $0x3  }
0x33: {  	p0 =	seq.s32 s10, $0x1;
	s10 =	sld [smem:$0x3FB6];
	_ =	sdelay $0x3  }
0x34: {  	[smem:$0x3FB6] =	sst s10  }
0x35: {  	s10 =	sld [smem:$0x3FB5];
	_ =	sdelay $0x3  }
0x36: {  	p1 =	seq.s32 s10, $0x1;
	s10 =	sld [smem:$0x3FB6];
	_ =	sdelay $0x3  }
0x37: {  	[smem:$0x3FB6] =	sst s10  }
0x38: {  	s10 =	sld [smem:$0x3FB7]  }
0x39: {  	_ = 	snop;
	(pc) =	sbr.ind lr, $3  }
0x3a: {  	_ = 	snop  }
0x3b: {  	_ = 	snop  }
0x3c: {  	p2 =	seq.s32 s10, $0x1;
	s10 =	sld [smem:$0x3FB6]  }
0x3d: {  	_ =	shalt  }
0x3e: {  	_ =	shalt  }
0x3f: {  	_ =	shalt  }
0x40: {  	_ =	shalt  }
0x41: {  	_ =	shalt  }
0x42: {  	_ =	shalt  }
0x43: {  	_ =	shalt  }
0x44: {  	_ =	shalt  }
0x45: {  	_ =	shalt  }
0x46: {  	_ =	shalt  }
0x47: {  	_ =	shalt  }
0x48: {  	_ =	shalt  }
0x49: {  	_ =	shalt  }
0x4a: {  	_ =	shalt  }
0x4b: {  	_ =	shalt  }
0x4c: {  	_ =	shalt  }
0x4d: {  	_ =	shalt  }
0x4e: {  	_ =	shalt  }
0x4f: {  	_ =	shalt  }
0x50: {  	_ =	shalt  }
0x51: {  	_ =	shalt  }
0x52: {  	_ =	shalt  }
0x53: {  	_ =	shalt  }
0x54: {  	_ =	shalt  }
0x55: {  	_ =	shalt  }
0x56: {  	_ =	shalt  }
0x57: {  	_ =	shalt  }
0x58: {  	_ =	shalt  }
0x59: {  	_ =	shalt  }
0x5a: {  	_ =	shalt  }
0x5b: {  	_ =	shalt  }
0x5c: {  	_ =	shalt  }
0x5d: {  	_ =	shalt  }
0x5e: {  	_ =	shalt  }
0x5f: {  	_ =	shalt  }
0x60: {  	_ =	shalt  }
0x61: {  	_ =	shalt  }
0x62: {  	_ =	shalt  }
0x63: {  	_ =	shalt  }
0x64: {  	_ =	shalt  }
0x65: {  	_ =	shalt  }
0x66: {  	_ =	shalt  }
0x67: {  	_ =	shalt  }
0x68: {  	_ =	shalt  }
0x69: {  	_ =	shalt  }
0x6a: {  	_ =	shalt  }
0x6b: {  	_ =	shalt  }
0x6c: {  	_ =	shalt  }
0x6d: {  	_ =	shalt  }
0x6e: {  	_ =	shalt  }
0x6f: {  	_ =	shalt  }
0x70: {  	_ =	shalt  }
0x71: {  	_ =	shalt  }
0x72: {  	_ =	shalt  }
0x73: {  	_ =	shalt  }
0x74: {  	_ =	shalt  }
0x75: {  	_ =	shalt  }
0x76: {  	_ =	shalt  }
0x77: {  	_ =	shalt  }
0x78: {  	_ =	shalt  }
0x79: {  	_ =	shalt  }
0x7a: {  	_ =	shalt  }
0x7b: {  	_ =	shalt  }
0x7c: {  	_ =	shalt  }
0x7d: {  	_ =	shalt  }
0x7e: {  	_ =	shalt  }
0x7f: {  	_ =	shalt  }
0x80: {  	_ =	shalt  }
0x81: {  	_ =	shalt  }
0x82: {  	_ =	shalt  }
0x83: {  	_ =	shalt  }
0x84: {  	_ =	shalt  }
0x85: {  	_ =	shalt  }
0x86: {  	_ =	shalt  }
0x87: {  	_ =	shalt  }
.Lfunc_end0:
.L_simem_size_0:
called_computation.1_lowered:
.L_overlay_start_0:
0x88: {  	s2 =	sld [smem:$0x3FD9]  }
0x89: {  	s3 =	sld [smem:$0x3FFE];
	_ =	sdelay $0x1  }
0x8a: {  	s1 =	srdreg.scid  }
0x8b: {  	s0 =	sand.u32 $0x1, s1  }
0x8c: {  	s16 =	sshll.u32 s0, $0xA;
	s2 =	sadd.s32 s3, s2  }
0x8d: {  	s2 =	sadd.s32 s2, s16  }
0x8e: {  	[smem:$0x3FC2] =	sst s2  }
0x8f: {  	_ = 	snop  }
0x90: {  	(tm) =	ssettm $0x1  }
0x91: {  	s17 =	sld [smem:$0x3FFB];
	_ =	sdelay $0x3  }
0x92: {  	_ =	strace s17  }
0x93: {  	s2 =	sld [smem:$0x3FFC];
	_ =	sdelay $0x3  }
0x94: {  	_ =	strace s2  }
0x95: {  	s2 =	sld [smem:$0x3FFD];
	_ =	sdelay $0x3  }
0x96: {  	_ =	strace s2  }
0x97: {  	_ =	strace $0x8FFFFFFF  }
0x98: {  	s18 =	sld [smem:$0x3FDB];
	_ =	sdelay $0x1  }
0x99: {  	s19 =	simm.s32 $_scs_section_size  }
0x9a: {  	s4 =	simm.s32 $_size__tile_overlayer_lowered;
	s5 =	simm.s32 $_tile_overlayer_lowered  }
0x9b: {  	s22 =	simm.s32 $0x1BFF;
	s21 =	sshll.u32 s5, $0x1;
	s2 =	sadd.s32 s19, s18  }
0x9c: {  	s6 =	simm.s32 $0x0;
	s20 =	sshll.u32 s4, $0x1;
	s4 =	sadd.s32 s21, s2  }
0x9d: {  	[timem:s6], [sflag:s22] =	dma.local [hbm:s4], s20  }
0x9e: {  	_ =	swait.ge [sflag:s22], s20  }
0x9f: {  	s3 =	ssub.s32 $0x0, s20;
	[sflag:s22] =	ssyncset.done $0x0  }
0xa0: {  	[sflag:s22] =	ssyncadd.s32 s3;
	_ =	sdelay $0x1  }
0xa1: {  	s23 =	simm.s32 $0x1B8B  }
0xa2: {  	_ =	swait.ge [sflag:s23], $0x1  }
0xa3: {  	[sflag:s23] =	ssyncset.done $0x0  }
0xa4: {  	s25 =	simm.s32 $0x1B8E;
	s24 =	sld [smem:$0x3FFE];
	[sflag:s23] =	ssyncadd.s32 $0xFFFFFFFF  }
0xa5: {  	s26 =	simm.s32 $execute0_lowered;
	[smem:$0x3FD2] =	sst s25  }
0xa6: {  	s4 =	sshll.u32 s26, $0x1;
	_ =	strace $0x80000049;
	[dreg:$0x1] =	wrdreg $0xFFFFFFFF  }
0xa7: {  	s28 =	simm.s32 $_size_execute0_lowered;
	s2 =	sadd.s32 s2, s4;
	[dreg:$0x0] =	wrdreg $0x0  }
0xa8: {  	s4 =	sshll.u32 s28, $0x1;
	[dreg:$0x2] =	wrdreg s2  }
0xa9: {  	[dreg:$0x3] =	wrdreg s4  }
0xaa: {  	[dreg:$0x4] =	wrdreg $0xC0  }
0xab: {  	_ =	task [dreg:s6], $0x5FFFF  }
0xac: {  	[dreg:$0x1] =	wrdreg $0xFFFFFFFF  }
0xad: {  	[dreg:$0x0] =	wrdreg $0x60  }
0xae: {  	[dreg:$0x2] =	wrdreg s24  }
0xaf: {  	[dreg:$0x3] =	wrdreg $0x84000  }
0xb0: {  	[dreg:$0x4] =	wrdreg $0x9  }
0xb1: {  	_ =	task.clear_ibuf [dreg:s6], $0x5FFFF;
	_ =	strace $0x90000049  }
0xb2: {  	s29 =	simm.s32 $0x9;
	_ =	strace $0x8000004B  }
0xb3: {  	_ =	swait.ge [sflag:s29], $0x1  }
0xb4: {  	[sflag:s29] =	ssyncadd.s32 $0xFFFFFFFF  }
0xb5: {  	_ =	strace $0x9000004B  }
0xb6: {  	_ =	sfence  }
0xb7: {  	s30 =	sld [smem:$0x0];
	_ =	sdelay $0x2  }
0xb8: {  	s31 =	sshll.u32 s1, $0xD;
	s1 =	sshrl.u32 s1, $0x2  }
0xb9: {  	s3 =	sand.u32 $0x4000, s31;
	s1 =	sadd.s32 s1, s30  }
0xba: {  	s0 =	sor.u32 s3, s0;
	s1 =	sshll.u32 s1, $0x11  }
0xbb: {  	s0 =	sor.u32 s1, s0  }
0xbc: {  	s0 =	sadd.s32 $0x8F2B, s0  }
0xbd: {  	[sflag:s0] =	ssyncadd.remote.s32 $0x1  }
0xbe: {  	_ =	sfence.sel $0xFFFF  }
0xbf: {  	[dreg:$0x0] =	wrdreg $0xFFFFFFFF;
	(pc) =	sbr.abs _section_cstart, $3  }
0xc0: {  	[dreg:$0x1] =	wrdreg $0xFFFFFFFF  }
0xc1: {  	_ =	task.clear_ibuf [dreg:s6], $0x2FFFF;
	_ =	strace $0x9FFFFFFF  }
0xc2: {  	(tm) =	ssettm $0x7FFFFFFF  }
0xc3: {  	_ =	shalt  }
tec
execute0_lowered:
.L_overlay_start_1:
0x0: {  	(tag) =	ssettag $0x1  }
0x1: {  	s0 =	rddreg [dreg:$0x0]  }
0x2: {  	s2 =	rddreg [dreg:$0x1]  }
0x3: {  	s12 =	stileid.u32;
	s1 =	srdreg.scid  }
0x4: {  	s3 =	simm.s32 $0x0;
	s24 =	simm.s32 $0x300;
	s25 =	simm.s32 $0x4400  }
0x5: {  	s26 =	simm.s32 $0x380;
	s31 =	simm.s32 $0x6400;
	s28 =	simm.s32 $0x2  }
0x6: {  	s29 =	simm.s32 $0x3;
	s30 =	simm.s32 $0x4;
	s7 =	smul.u32 $0x14000, s12  }
0x7: {  	s1 =	sand.u32 $0x1, s1;
	[smem:$0x7FF] =	sst s3;
	s4 =	sadd.s32 $0x20400, s0  }
0x8: {  	s5 =	sadd.s32 $0xC400, s0;
	s6 =	sadd.s32 $0x16400, s0;
	s10 =	smul.u32 $0x50000, s12  }
0x9: {  	s16 =	sshll.u32 s12, $0xC;
	_ =	strace $0x8000004A;
	[dreg:$0x3] =	wrdreg s24  }
0xa: {  	s18 =	sshll.u32 s12, $0x6;
	s8 =	smul.u32 $0x140000, s1;
	[dreg:$0x4] =	wrdreg s25  }
0xb: {  	s13 =	ssub.s32 $0x2, s1;
	p0 =	seq.s32 s1, $0x0;
	[dreg:$0x5] =	wrdreg s26  }
0xc: {  	s1 =	sshll.u32 s12, $0xE;
	s24 =	simm.s32 $0x280;
	[dreg:$0x6] =	wrdreg s31  }
0xd: {  	s25 =	simm.s32 $0x2400;
	s26 =	simm.s32 $0x1;
	s9 =	sshrl.u32 s7, $0x3  }
0xe: {  	s14 =	sshrl.u32 s13, $0x1;
	s15 =	sshrl.u32 s10, $0x2;
	s10 =	sor.u32 $0x40000, s16  }
0xf: {  	s7 =	sadd.s32 s7, s8;
	s9 =	sadd.s32 s9, s0;
	s11 =	sadd.s32 s15, s2  }
0x10: {  	s10 =	smov.u32 @p0 s1;
	s8 =	simm.s32 $0x100;
	s7 =	sshrl.u32 s7, $0x3  }
0x11: {  	s17 =	sadd.s32 $0x47600, s9;
	s19 =	sshrl.u32 s10, $0x3;
	s9 =	sor.u32 $0x1C09, s18  }
0x12: {  	s8 =	simm.s32 @!p0 $0x40;
	s18 =	sshrl.u32 s11, $0x3;
	s0 =	sadd.s32 s7, s0  }
0x13: {  	s7 =	ssub.s32 s13, s14;
	[dreg:$0x7] =	wrdreg s17;
	s13 =	sadd.s32 s5, s19  }
0x14: {  	s20 =	sor.u32 $0x8, s19;
	s12 =	sadd.s32 s6, s19;
	[dreg:$0x8] =	wrdreg s13  }
0x15: {  	s22 =	sshrl.u32 s8, $0x2;
	s17 =	sor.u32 $0xC0, s10;
	[dreg:$0x9] =	wrdreg s12  }
0x16: {  	s19 =	simm.s32 $0x9;
	s21 =	sadd.s32 s5, s20;
	[dreg:$0xc] =	wrdreg s22  }
0x17: {  	s10 =	simm.s32 $0x0;
	s1 =	sadd.s32 s6, s20;
	[dreg:$0xa] =	wrdreg s21  }
0x18: {  	s0 =	sadd.s32 $0x6F600, s0;
	s23 =	smax.u32 s7, $0x1;
	[dreg:$0xb] =	wrdreg s1  }
0x19: {  	s20 =	simm.s32 $0x200;
	s22 =	simm.s32 $0x400;
	[dreg:$0xd] =	wrdreg s0  }
0x1a: {  	s7 =	simm.s32 $0x8;
	[dreg:$0xe] =	wrdreg s23;
	s21 =	simm.s32 $0x40  }
.LBB2_1:
0x1b: {  	s0 =	rddreg [dreg:$0x7]  }
0x1c: {  	[spmem:s18], [sflag:s9] =	dma.local [hbm:s0], $0x2800  }
0x1d: {  	_ =	swait.ge [sflag:s19], $0x2800  }
0x1e: {  	[sflag:s19] =	ssyncset.done $0x0  }
0x1f: {  	[sflag:s19] =	ssyncadd.s32 $0xFFFFD800  }
0x20: {  	[bflag:$0x0] =	sbarrier.arrive $0xFFFF  }
0x21: {  	s14 =	rddreg [dreg:$0x8]  }
0x22: {  	[tilespmem:s3], [sflag:$0x9] =	stream.linear.gather [hbm4b:s14+s3], $0x40, $0x38;
	[tilespmem:$0x1C400] =	vst v63  }
0x23: {  	_ =	swait.ge [sflag:s19], $0x40  }
0x24: {  	[sflag:s19] =	ssyncset.done $0x0  }
0x25: {  	s15 =	rddreg [dreg:$0x9];
	[sflag:s19] =	ssyncadd.s32 $0xFFFFFFC0  }
0x26: {  	[tilespmem:s20], [sflag:$0x9] =	stream.linear.gather [hbm4b:s15+s3], $0x40, $0x38;
	[tilespmem:$0x1C400] =	vst v63  }
0x27: {  	_ =	swait.ge [sflag:s19], $0x40  }
0x28: {  	[sflag:s19] =	ssyncset.done $0x0  }
0x29: {  	[sflag:s19] =	ssyncadd.s32 $0xFFFFFFC0  }
0x2a: {  	[tilespmem:s22], [sflag:$0x1] =	stream.indirect.gather [hbm4b:s4+s21], $0x80, s3, s21, $0xb8;
	[tilespmem:$0x1C400] =	vst v63  }
0x2b: {  	s1 =	simm.s32 $0x80;
	s16 =	rddreg [dreg:$0xa]  }
0x2c: {  	[tilespmem:s1], [sflag:$0x9] =	stream.linear.gather [hbm4b:s16+s3], $0x40, $0x38;
	[tilespmem:$0x1C400] =	vst v63  }
0x2d: {  	_ =	swait.ge [sflag:s19], $0x40  }
0x2e: {  	[sflag:s19] =	ssyncset.done $0x0  }
0x2f: {  	s23 =	rddreg [dreg:$0xb];
	[sflag:s19] =	ssyncadd.s32 $0xFFFFFFC0  }
0x30: {  	[tilespmem:s24], [sflag:$0x9] =	stream.linear.gather [hbm4b:s23+s3], $0x40, $0x38;
	[tilespmem:$0x1C400] =	vst v63  }
0x31: {  	_ =	swait.ge [sflag:s19], $0x40  }
0x32: {  	[sflag:s19] =	ssyncset.done $0x0  }
0x33: {  	p0 =	sle.u32 s8, $0x2;
	[sflag:s19] =	ssyncadd.s32 $0xFFFFFFC0  }
0x34: {  	[tilespmem:s25], [sflag:$0x2] =	stream.indirect.gather [hbm4b:s4+s21], $0x80, s1, s21, $0xb8;
	[tilespmem:$0x1C400] =	vst v63  }
0x35: {  	p1 =	por @!p0 $0x1, $0x1;
	_ =	swait.ge [sflag:s26], $0x2000  }
0x36: {  	p1 =	por p1, p0;
	[sflag:s26] =	ssyncset.done $0x0  }
0x37: {  	s11 =	sadd.s32 @!p0 $0xFFFFFFC0, s17;
	s12 =	simm.s32 @!p1 $0x7;
	[sflag:s26] =	ssyncadd.s32 $0xFFFFE000  }
0x38: {  	[spmem:s2] =	stream.indirect.scatter.add.f32 [tilespmem:s22], [sflag:$0x5], $0x80, s20, s21, $0xb8;
	[tilespmem:$0x1C400] =	vst v63  }
0x39: {  	s11 =	sshrl.u32 @!p0 s11, $0x3;
	_ =	swait.ge @!p1 [sflag:s12], $0x2000  }
0x3a: {  	s13 =	sadd.s32 @!p0 s5, s11;
	s14 =	simm.s32 @!p0 $0x9;
	[sflag:s12] =	ssyncset.done @!p1 $0x0  }
0x3b: {  	s15 =	simm.s32 @!p0 $0x100;
	[sflag:s12] =	ssyncadd.s32 @!p1 $0xFFFFE000;
	s12 =	simm.s32 @!p0 $0x0  }
0x3c: {  	[tilespmem:s15], [sflag:$0x9] =	stream.linear.gather @!p0 [hbm4b:s13+s12], $0x40, $0x38;
	[tilespmem:$0x1C400] =	vst v63  }
0x3d: {  	_ =	swait.ge @!p0 [sflag:s14], $0x40  }
0x3e: {  	[sflag:s14] =	ssyncset.done @!p0 $0x0  }
0x3f: {  	s11 =	sadd.s32 @!p0 s6, s11;
	s13 =	simm.s32 @!p0 $0x300;
	[sflag:s14] =	ssyncadd.s32 @!p0 $0xFFFFFFC0  }
0x40: {  	[tilespmem:s13], [sflag:$0x9] =	stream.linear.gather @!p0 [hbm4b:s11+s12], $0x40, $0x38;
	[tilespmem:$0x1C400] =	vst v63  }
0x41: {  	_ =	swait.ge @!p0 [sflag:s14], $0x40  }
0x42: {  	p1 =	sle.u32 s8, $0x3;
	[sflag:s14] =	ssyncset.done @!p0 $0x0  }
0x43: {  	s11 =	simm.s32 @!p0 $0x4400;
	s12 =	simm.s32 @!p0 $0x40;
	[sflag:s14] =	ssyncadd.s32 @!p0 $0xFFFFFFC0  }
0x44: {  	[tilespmem:s11], [sflag:$0x3] =	stream.indirect.gather @!p0 [hbm4b:s4+s12], $0x80, s15, s12, $0xb8;
	[tilespmem:$0x1C400] =	vst v63  }
0x45: {  	p0 =	por @!p1 $0x1, $0x1;
	_ =	swait.ge [sflag:s28], $0x2000  }
0x46: {  	p0 =	por p0, p1;
	[sflag:s28] =	ssyncset.done $0x0  }
0x47: {  	s11 =	simm.s32 @!p0 $0x8;
	[sflag:s28] =	ssyncadd.s32 $0xFFFFE000  }
0x48: {  	[spmem:s2] =	stream.indirect.scatter.add.f32 [tilespmem:s25], [sflag:$0x6], $0x80, s24, s21, $0xb8;
	[tilespmem:$0x1C400] =	vst v63  }
0x49: {  	s14 =	simm.s32 @!p1 $0x0;
	_ =	swait.ge @!p0 [sflag:s11], $0x2000  }
0x4a: {  	s12 =	sshrl.u32 @!p1 s17, $0x3;
	s15 =	simm.s32 @!p1 $0x180;
	[sflag:s11] =	ssyncset.done @!p0 $0x0  }
0x4b: {  	s13 =	sadd.s32 @!p1 s5, s12;
	[sflag:s11] =	ssyncadd.s32 @!p0 $0xFFFFE000;
	s11 =	simm.s32 @!p1 $0x9  }
0x4c: {  	[tilespmem:s15], [sflag:$0x9] =	stream.linear.gather @!p1 [hbm4b:s13+s14], $0x40, $0x38;
	[tilespmem:$0x1C400] =	vst v63  }
0x4d: {  	_ =	swait.ge @!p1 [sflag:s11], $0x40  }
0x4e: {  	[sflag:s11] =	ssyncset.done @!p1 $0x0  }
0x4f: {  	s12 =	sadd.s32 @!p1 s6, s12;
	s13 =	simm.s32 @!p1 $0x380;
	[sflag:s11] =	ssyncadd.s32 @!p1 $0xFFFFFFC0  }
0x50: {  	[tilespmem:s13], [sflag:$0x9] =	stream.linear.gather @!p1 [hbm4b:s12+s14], $0x40, $0x38;
	[tilespmem:$0x1C400] =	vst v63  }
0x51: {  	_ =	swait.ge @!p1 [sflag:s11], $0x40  }
0x52: {  	[sflag:s11] =	ssyncset.done @!p1 $0x0  }
0x53: {  	s12 =	simm.s32 @!p1 $0x40;
	s13 =	simm.s32 @!p1 $0x6400;
	[sflag:s11] =	ssyncadd.s32 @!p1 $0xFFFFFFC0  }
0x54: {  	[tilespmem:s13], [sflag:$0x4] =	stream.indirect.gather @!p1 [hbm4b:s4+s12], $0x80, s15, s12, $0xb8;
	[tilespmem:$0x1C400] =	vst v63  }
0x55: {  	_ =	swait.ge [sflag:s29], $0x2000  }
0x56: {  	p0 =	sle.u32 s8, $0x4;
	s0 =	rddreg [dreg:$0x4];
	[sflag:s29] =	ssyncset.done $0x0  }
0x57: {  	s14 =	simm.s32 @!p0 $0x5;
	s1 =	rddreg [dreg:$0x3];
	[sflag:s29] =	ssyncadd.s32 $0xFFFFE000  }
0x58: {  	[spmem:s2] =	stream.indirect.scatter.add.f32 [tilespmem:s0], [sflag:$0x7], $0x80, s1, s21, $0xb8;
	[tilespmem:$0x1C400] =	vst v63  }
0x59: {  	s13 =	sadd.s32 @!p0 $0x40, s17;
	_ =	swait.ge @!p0 [sflag:s14], $0x2000  }
0x5a: {  	s11 =	sshrl.u32 @!p0 s13, $0x3;
	s13 =	simm.s32 @!p0 $0x0;
	[sflag:s14] =	ssyncset.done @!p0 $0x0  }
0x5b: {  	s12 =	sadd.s32 @!p0 s5, s11;
	[sflag:s14] =	ssyncadd.s32 @!p0 $0xFFFFE000;
	s14 =	simm.s32 @!p0 $0x9  }
0x5c: {  	[tilespmem:s13], [sflag:$0x9] =	stream.linear.gather @!p0 [hbm4b:s12+s13], $0x40, $0x38;
	[tilespmem:$0x1C400] =	vst v63  }
0x5d: {  	_ =	swait.ge @!p0 [sflag:s14], $0x40  }
0x5e: {  	[sflag:s14] =	ssyncset.done @!p0 $0x0  }
0x5f: {  	s11 =	sadd.s32 @!p0 s6, s11;
	s12 =	simm.s32 @!p0 $0x200;
	[sflag:s14] =	ssyncadd.s32 @!p0 $0xFFFFFFC0  }
0x60: {  	[tilespmem:s12], [sflag:$0x9] =	stream.linear.gather @!p0 [hbm4b:s11+s13], $0x40, $0x38;
	[tilespmem:$0x1C400] =	vst v63  }
0x61: {  	_ =	swait.ge @!p0 [sflag:s14], $0x40  }
0x62: {  	[sflag:s14] =	ssyncset.done @!p0 $0x0  }
0x63: {  	s11 =	simm.s32 @!p0 $0x40;
	s12 =	simm.s32 @!p0 $0x400;
	[sflag:s14] =	ssyncadd.s32 @!p0 $0xFFFFFFC0  }
0x64: {  	[tilespmem:s12], [sflag:$0x1] =	stream.indirect.gather @!p0 [hbm4b:s4+s11], $0x80, s13, s11, $0xb8;
	[tilespmem:$0x1C400] =	vst v63  }
0x65: {  	p1 =	sle.u32 s8, $0x5;
	_ =	swait.ge [sflag:s30], $0x2000  }
0x66: {  	s12 =	sadd.s32 @!p1 $0x80, s17;
	s14 =	rddreg [dreg:$0x5]  }
0x67: {  	s12 =	sshrl.u32 @!p1 s12, $0x3;
	[sflag:s30] =	ssyncset.done $0x0;
	s23 =	rddreg [dreg:$0xc]  }
0x68: {  	s16 =	rddreg [dreg:$0x6];
	s11 =	sadd.s32 $0xFFFFFFFF, s23;
	[sflag:s30] =	ssyncadd.s32 $0xFFFFE000  }
0x69: {  	[spmem:s2] =	stream.indirect.scatter.add.f32 [tilespmem:s16], [sflag:$0x8], $0x80, s14, s21, $0xb8;
	[tilespmem:$0x1C400] =	vst v63  }
0x6a: {  	s15 =	simm.s32 @!p1 $0x6;
	s13 =	sadd.s32 @!p1 s5, s12;
	p0 =	sne.s32 s11, $0x0  }
.Ltmp0:
0x6b: {  	s31 =	sadd.s32 @!p1 s6, s12;
	_ =	swait.ge @!p1 [sflag:s15], $0x2000;
	(pc) =	sbr.rel @!p0 .LBB2_3-.Ltmp0, $4  }
0x6c: {  	s12 =	simm.s32 $0x6;
	s23 =	simm.s32 @!p1 $0x0;
	[sflag:s15] =	ssyncset.done @!p1 $0x0  }
0x6d: {  	s14 =	simm.s32 @!p1 $0x80;
	[sflag:s15] =	ssyncadd.s32 @!p1 $0xFFFFE000;
	s15 =	simm.s32 @!p1 $0x9  }
0x6e: {  	[tilespmem:s14], [sflag:$0x9] =	stream.linear.gather @!p1 [hbm4b:s13+s23], $0x40, $0x38;
	[tilespmem:$0x1C400] =	vst v63  }
0x6f: {  	s16 =	simm.s32 @!p1 $0x280;
	s13 =	sadd.s32 $0x100, s17;
	_ =	swait.ge @!p1 [sflag:s15], $0x40  }
.LBB2_2:
0x70: {  	[sflag:s15] =	ssyncset.done @!p1 $0x0  }
0x71: {  	[sflag:s15] =	ssyncadd.s32 @!p1 $0xFFFFFFC0  }
0x72: {  	[tilespmem:s16], [sflag:$0x9] =	stream.linear.gather @!p1 [hbm4b:s31+s23], $0x40, $0x38;
	[tilespmem:$0x1C400] =	vst v63  }
0x73: {  	_ =	swait.ge @!p1 [sflag:s15], $0x40  }
0x74: {  	s0 =	simm.s32 @!p1 $0x2400;
	[sflag:s15] =	ssyncset.done @!p1 $0x0  }
0x75: {  	p2 =	sge.u32 s12, s8;
	s1 =	simm.s32 @!p1 $0x40;
	[sflag:s15] =	ssyncadd.s32 @!p1 $0xFFFFFFC0  }
0x76: {  	[tilespmem:s0], [sflag:$0x2] =	stream.indirect.gather @!p1 [hbm4b:s4+s1], $0x80, s14, s1, $0xb8;
	[tilespmem:$0x1C400] =	vst v63  }
0x77: {  	p0 =	seq.s32 @!p2 s12, $0x2;
	_ =	swait.ge [sflag:s26], $0x2000  }
0x78: {  	p3 =	por p0, p2;
	[sflag:s26] =	ssyncset.done $0x0  }
0x79: {  	s16 =	sadd.s32 @!p2 $0xFFFFFFC0, s13;
	s1 =	simm.s32 @!p3 $0x7;
	[sflag:s26] =	ssyncadd.s32 $0xFFFFE000  }
0x7a: {  	[spmem:s2] =	stream.indirect.scatter.add.f32 [tilespmem:s22], [sflag:$0x5], $0x80, s20, s21, $0xb8;
	[tilespmem:$0x1C400] =	vst v63  }
0x7b: {  	s16 =	sshrl.u32 @!p2 s16, $0x3;
	_ =	swait.ge @!p3 [sflag:s1], $0x2000  }
0x7c: {  	s23 =	sadd.s32 @!p2 s5, s16;
	s15 =	simm.s32 @!p2 $0x100;
	[sflag:s1] =	ssyncset.done @!p3 $0x0  }
0x7d: {  	s14 =	simm.s32 @!p2 $0x9;
	[sflag:s1] =	ssyncadd.s32 @!p3 $0xFFFFE000;
	s1 =	simm.s32 @!p2 $0x0  }
0x7e: {  	[tilespmem:s15], [sflag:$0x9] =	stream.linear.gather @!p2 [hbm4b:s23+s1], $0x40, $0x38;
	[tilespmem:$0x1C400] =	vst v63  }
0x7f: {  	_ =	swait.ge @!p2 [sflag:s14], $0x40  }
0x80: {  	[sflag:s14] =	ssyncset.done @!p2 $0x0  }
0x81: {  	s0 =	sadd.s32 @!p2 s6, s16;
	s23 =	simm.s32 @!p2 $0x300;
	[sflag:s14] =	ssyncadd.s32 @!p2 $0xFFFFFFC0  }
0x82: {  	[tilespmem:s23], [sflag:$0x9] =	stream.linear.gather @!p2 [hbm4b:s0+s1], $0x40, $0x38;
	[tilespmem:$0x1C400] =	vst v63  }
0x83: {  	_ =	swait.ge @!p2 [sflag:s14], $0x40  }
0x84: {  	s31 =	sadd.s32 $0x1, s12;
	s16 =	simm.s32 @!p2 $0x4400;
	[sflag:s14] =	ssyncset.done @!p2 $0x0  }
0x85: {  	p1 =	sge.u32 s31, s8;
	s0 =	simm.s32 @!p2 $0x40;
	[sflag:s14] =	ssyncadd.s32 @!p2 $0xFFFFFFC0  }
0x86: {  	[tilespmem:s16], [sflag:$0x3] =	stream.indirect.gather @!p2 [hbm4b:s4+s0], $0x80, s15, s0, $0xb8;
	[tilespmem:$0x1C400] =	vst v63  }
0x87: {  	p3 =	seq.s32 @!p1 s12, $0x2;
	_ =	swait.ge [sflag:s28], $0x2000  }
0x88: {  	p3 =	por p3, p1;
	[sflag:s28] =	ssyncset.done $0x0  }
0x89: {  	s0 =	simm.s32 @!p3 $0x8;
	[sflag:s28] =	ssyncadd.s32 $0xFFFFE000  }
0x8a: {  	[spmem:s2] =	stream.indirect.scatter.add.f32 [tilespmem:s25], [sflag:$0x6], $0x80, s24, s21, $0xb8;
	[tilespmem:$0x1C400] =	vst v63  }
0x8b: {  	s1 =	sshrl.u32 @!p1 s13, $0x3;
	_ =	swait.ge @!p3 [sflag:s0], $0x2000  }
0x8c: {  	s14 =	sadd.s32 @!p1 s5, s1;
	s15 =	simm.s32 @!p1 $0x0;
	[sflag:s0] =	ssyncset.done @!p3 $0x0  }
0x8d: {  	s16 =	simm.s32 @!p1 $0x180;
	[sflag:s0] =	ssyncadd.s32 @!p3 $0xFFFFE000;
	s0 =	simm.s32 @!p1 $0x9  }
0x8e: {  	[tilespmem:s16], [sflag:$0x9] =	stream.linear.gather @!p1 [hbm4b:s14+s15], $0x40, $0x38;
	[tilespmem:$0x1C400] =	vst v63  }
0x8f: {  	_ =	swait.ge @!p1 [sflag:s0], $0x40  }
0x90: {  	[sflag:s0] =	ssyncset.done @!p1 $0x0  }
0x91: {  	s1 =	sadd.s32 @!p1 s6, s1;
	s14 =	simm.s32 @!p1 $0x380;
	[sflag:s0] =	ssyncadd.s32 @!p1 $0xFFFFFFC0  }
0x92: {  	[tilespmem:s14], [sflag:$0x9] =	stream.linear.gather @!p1 [hbm4b:s1+s15], $0x40, $0x38;
	[tilespmem:$0x1C400] =	vst v63  }
0x93: {  	_ =	swait.ge @!p1 [sflag:s0], $0x40  }
0x94: {  	s1 =	simm.s32 @!p1 $0x40;
	[sflag:s0] =	ssyncset.done @!p1 $0x0  }
0x95: {  	s14 =	simm.s32 @!p1 $0x6400;
	s15 =	sadd.s32 $0x2, s12;
	[sflag:s0] =	ssyncadd.s32 @!p1 $0xFFFFFFC0  }
0x96: {  	[tilespmem:s14], [sflag:$0x4] =	stream.indirect.gather @!p1 [hbm4b:s4+s1], $0x80, s16, s1, $0xb8;
	[tilespmem:$0x1C400] =	vst v63  }
0x97: {  	p1 =	sge.u32 s15, s8;
	_ =	swait.ge [sflag:s29], $0x2000  }
0x98: {  	s1 =	sadd.s32 @!p1 $0x40, s13;
	s14 =	rddreg [dreg:$0x4];
	[sflag:s29] =	ssyncset.done $0x0  }
0x99: {  	s15 =	simm.s32 @!p1 $0x5;
	s16 =	rddreg [dreg:$0x3];
	[sflag:s29] =	ssyncadd.s32 $0xFFFFE000  }
0x9a: {  	[spmem:s2] =	stream.indirect.scatter.add.f32 [tilespmem:s14], [sflag:$0x7], $0x80, s16, s21, $0xb8;
	[tilespmem:$0x1C400] =	vst v63  }
0x9b: {  	s1 =	sshrl.u32 @!p1 s1, $0x3;
	_ =	swait.ge @!p1 [sflag:s15], $0x2000  }
0x9c: {  	s0 =	sadd.s32 @!p1 s5, s1;
	[sflag:s15] =	ssyncset.done @!p1 $0x0  }
0x9d: {  	s14 =	simm.s32 @!p1 $0x0;
	[sflag:s15] =	ssyncadd.s32 @!p1 $0xFFFFE000;
	s15 =	simm.s32 @!p1 $0x9  }
0x9e: {  	[tilespmem:s14], [sflag:$0x9] =	stream.linear.gather @!p1 [hbm4b:s0+s14], $0x40, $0x38;
	[tilespmem:$0x1C400] =	vst v63  }
0x9f: {  	_ =	swait.ge @!p1 [sflag:s15], $0x40  }
0xa0: {  	[sflag:s15] =	ssyncset.done @!p1 $0x0  }
0xa1: {  	s1 =	sadd.s32 @!p1 s6, s1;
	s0 =	simm.s32 @!p1 $0x200;
	[sflag:s15] =	ssyncadd.s32 @!p1 $0xFFFFFFC0  }
0xa2: {  	[tilespmem:s0], [sflag:$0x9] =	stream.linear.gather @!p1 [hbm4b:s1+s14], $0x40, $0x38;
	[tilespmem:$0x1C400] =	vst v63  }
0xa3: {  	_ =	swait.ge @!p1 [sflag:s15], $0x40  }
0xa4: {  	s11 =	sadd.s32 $0xFFFFFFFF, s11;
	s23 =	sadd.s32 $0x3, s12;
	[sflag:s15] =	ssyncset.done @!p1 $0x0  }
0xa5: {  	s0 =	simm.s32 @!p1 $0x40;
	s1 =	simm.s32 @!p1 $0x400;
	[sflag:s15] =	ssyncadd.s32 @!p1 $0xFFFFFFC0  }
0xa6: {  	[tilespmem:s1], [sflag:$0x1] =	stream.indirect.gather @!p1 [hbm4b:s4+s0], $0x80, s14, s0, $0xb8;
	[tilespmem:$0x1C400] =	vst v63  }
0xa7: {  	p0 =	sne.s32 s11, $0x0;
	p1 =	sge.u32 s23, s8  }
0xa8: {  	s12 =	sadd.s32 $0x4, s12;
	_ =	swait.ge [sflag:s30], $0x2000;
	s15 =	simm.s32 @!p1 $0x6  }
0xa9: {  	s14 =	sadd.s32 @!p1 $0x80, s13;
	[sflag:s30] =	ssyncset.done $0x0;
	s0 =	rddreg [dreg:$0x5]  }
0xaa: {  	s16 =	simm.s32 @!p1 $0x280;
	s1 =	rddreg [dreg:$0x6];
	[sflag:s30] =	ssyncadd.s32 $0xFFFFE000  }
0xab: {  	[spmem:s2] =	stream.indirect.scatter.add.f32 [tilespmem:s1], [sflag:$0x8], $0x80, s0, s21, $0xb8;
	[tilespmem:$0x1C400] =	vst v63  }
.Ltmp1:
0xac: {  	s23 =	simm.s32 @!p1 $0x0;
	_ =	swait.ge @!p1 [sflag:s15], $0x2000;
	(pc) =	sbr.rel @p0 .LBB2_2-.Ltmp1, $4  }
0xad: {  	s0 =	sshrl.u32 @!p1 s14, $0x3;
	s14 =	simm.s32 @!p1 $0x80;
	[sflag:s15] =	ssyncset.done @!p1 $0x0  }
0xae: {  	s1 =	sadd.s32 @!p1 s5, s0;
	[sflag:s15] =	ssyncadd.s32 @!p1 $0xFFFFE000;
	s15 =	simm.s32 @!p1 $0x9  }
0xaf: {  	[tilespmem:s14], [sflag:$0x9] =	stream.linear.gather @!p1 [hbm4b:s1+s23], $0x40, $0x38;
	[tilespmem:$0x1C400] =	vst v63  }
0xb0: {  	s13 =	sadd.s32 $0x100, s13;
	s31 =	sadd.s32 @!p1 s6, s0;
	_ =	swait.ge @!p1 [sflag:s15], $0x40  }
.LBB2_3:
0xb1: {  	[sflag:s15] =	ssyncset.done @!p1 $0x0  }
0xb2: {  	[sflag:s15] =	ssyncadd.s32 @!p1 $0xFFFFFFC0  }
0xb3: {  	[tilespmem:s16], [sflag:$0x9] =	stream.linear.gather @!p1 [hbm4b:s31+s23], $0x40, $0x38;
	[tilespmem:$0x1C400] =	vst v63  }
0xb4: {  	_ =	swait.ge @!p1 [sflag:s15], $0x40  }
0xb5: {  	[sflag:s15] =	ssyncset.done @!p1 $0x0  }
0xb6: {  	s0 =	simm.s32 @!p1 $0x2400;
	s1 =	simm.s32 @!p1 $0x40;
	[sflag:s15] =	ssyncadd.s32 @!p1 $0xFFFFFFC0  }
0xb7: {  	[tilespmem:s0], [sflag:$0x2] =	stream.indirect.gather @!p1 [hbm4b:s4+s1], $0x80, s14, s1, $0xb8;
	[tilespmem:$0x1C400] =	vst v63  }
0xb8: {  	s14 =	simm.s32 $0x5  }
0xb9: {  	_ =	swait.ge [sflag:s14], $0x2000  }
0xba: {  	[sflag:s14] =	ssyncset.done $0x0  }
0xbb: {  	s15 =	simm.s32 $0x6;
	[sflag:s14] =	ssyncadd.s32 $0xFFFFE000  }
0xbc: {  	_ =	swait.ge [sflag:s15], $0x2000  }
0xbd: {  	[sflag:s15] =	ssyncset.done $0x0  }
0xbe: {  	s16 =	simm.s32 $0x7;
	[sflag:s15] =	ssyncadd.s32 $0xFFFFE000  }
0xbf: {  	_ =	swait.ge [sflag:s16], $0x2000  }
0xc0: {  	[sflag:s16] =	ssyncset.done $0x0  }
0xc1: {  	[sflag:s16] =	ssyncadd.s32 $0xFFFFE000  }
0xc2: {  	_ =	swait.ge [sflag:s7], $0x2000  }
0xc3: {  	[sflag:s7] =	ssyncset.done $0x0  }
0xc4: {  	[sflag:s7] =	ssyncadd.s32 $0xFFFFE000  }
0xc5: {  	[bflag:$0x0] =	sbarrier.arrive $0xFFFF  }
0xc6: {  	s23 =	rddreg [dreg:$0xd]  }
0xc7: {  	[hbm:s23], [sflag:s9] =	dma.local [spmem:s18], $0x2800  }
0xc8: {  	_ =	swait.ge [sflag:s19], $0x2800  }
0xc9: {  	s10 =	sadd.s32 $0x1, s10;
	s31 =	rddreg [dreg:$0xe]  }
0xca: {  	p0 =	sne.s32 s10, s31  }
.Ltmp2:
0xcb: {  	_ = 	snop;
	(pc) =	sbr.rel @p0 .LBB2_1-.Ltmp2, $3  }
0xcc: {  	_ =	sdelay $0x1  }
0xcd: {  	[sflag:s19] =	ssyncset.done $0x0  }
0xce: {  	[sflag:s19] =	ssyncadd.s32 $0xFFFFD800  }
0xcf: {  	_ =	sfence.sel $0x180000  }
0xd0: {  	[bflag:$0x0] =	sbarrier.arrive $0xFFFF  }
0xd1: {  	_ =	strace $0x9000004A  }
0xd2: {  	s0 =	stileid.u32;
	[bflag:$0x2] =	sbarrier.arrive $0xFFFF  }
0xd3: {  	p0 =	sne.s32 s0, $0x0;
	s0 =	rddreg [dreg:$0x2]  }
0xd4: {  	s0 =	sadd.s32 @!p0 $0x100000, s0  }
0xd5: {  	[sflag:s0] =	ssyncadd.tile.s32 @!p0 $0x1;
	_ =	shalt  }
.Lfunc_end2:
_tile_overlayer_lowered:
.L_overlay_start_2:
0xd6: {  	(tag) =	ssettag $0x2  }
0xd7: {  	s0 =	rddreg [dreg:$0x0];
	s2 =	stileid.u32  }
0xd8: {  	s1 =	rddreg [dreg:$0x1];
	p0 =	sne.s32 s2, $0x0  }
0xd9: {  	s3 =	rddreg [dreg:$0x2];
	[bflag:$0x3] =	sbarrier.arrive $0xFFFF;
	s2 =	simm.s32 @!p0 $0x1C09  }
0xda: {  	[timem:s3], [sflag:s2] =	dma.local @!p0 [hbm:s0], s1  }
0xdb: {  	s0 =	simm.s32 @!p0 $0x9  }
0xdc: {  	_ =	swait.ge @!p0 [sflag:s0], s1  }
0xdd: {  	s1 =	ssub.s32 @!p0 $0x0, s1;
	[sflag:s0] =	ssyncset.done @!p0 $0x0  }
0xde: {  	[sflag:s0] =	ssyncadd.s32 @!p0 s1  }
0xdf: {  	[bflag:$0x3] =	sbarrier.arrive $0xFFFF  }
0xe0: {  	_ =	shalt  }

// kernel: kernel.14.cloned.1.call-start
scs
__scs_entry_jumppad:
0x0: {  	(pc) =	sbr.rel $0x88, $3  }
0x1: {  	(tag) =	ssettag $0x0;
	lr =	simm.s32 $0x1  }
0x2: {  	[smem:$0x3F9B] =	sst lr;
	_ =	strace $0xD0000000  }
0x3: {  	_ = 	snop  }
0x4: {  	_ = 	snop  }
0x5: {  	_ = 	snop  }
0x6: {  	_ = 	snop  }
0x7: {  	_ = 	snop  }
__scs_overlays_trampoline_lowered:
0x8: {  	[smem:$0x3FAA] =	sst s0  }
0x9: {  	[smem:$0x3FAB] =	sst s1  }
0xa: {  	[smem:$0x3FAC] =	sst s2  }
0xb: {  	[smem:$0x3FAD] =	sst s3  }
0xc: {  	[smem:$0x3FAE] =	sst s4  }
0xd: {  	[smem:$0x3FAF] =	sst s5  }
0xe: {  	[smem:$0x3FB0] =	sst s6  }
0xf: {  	[smem:$0x3FB1] =	sst s7  }
0x10: {  	[smem:$0x3FB2] =	sst s8  }
0x11: {  	[smem:$0x3FB3] =	sst s9;
	s0 =	simm.s32 @!p0 $0x0  }
0x12: {  	s1 =	sld [smem:$0x3F99];
	s0 =	simm.s32 @p0 $0x1  }
0x13: {  	[smem:$0x3FB4] =	sst s0;
	s0 =	simm.s32 @!p1 $0x0  }
0x14: {  	s2 =	sld [smem:$0x3F98];
	s0 =	simm.s32 @p1 $0x1  }
0x15: {  	[smem:$0x3FB5] =	sst s0;
	s0 =	simm.s32 @!p2 $0x0  }
0x16: {  	s3 =	sld [smem:$0x3FDB];
	s0 =	simm.s32 @p2 $0x1  }
0x17: {  	s4 =	simm.s32 $0x1BF5;
	[smem:$0x3FB7] =	sst s0  }
0x18: {  	s0 =	sld [smem:$0x3F9A];
	_ =	swait.ge [sflag:s4], $0x0  }
0x19: {  	s7 =	sld [smem:$0x3F9B]  }
0x1a: {  	s8 =	sadd.s32 $0xFFFFE003, lr  }
0x1b: {  	s9 =	sadd.s32 $0xFFFFFEF7, lr;
	s5 =	simm.s32 $0xFFFFFFFF;
	p2 =	slt.u32 s8, $0xFFFFF086  }
0x1c: {  	p1 =	slt.u32 s9, $0xF7A;
	s5 =	simm.s32 @!p2 $0x0  }
0x1d: {  	s5 =	simm.s32 @p1 $0x1;
	p0 =	seq.s32 s7, s2  }
0x1e: {  	s7 =	smul.u32 @!p0 $0xF7A, s2;
	p2 =	seq.s32 @!p0 s5, $0x0  }
0x1f: {  	s9 =	smul.u32 $0xF7A, s1;
	s8 =	simm.s32 @!p0 $0x1BF5;
	p2 =	por !p2, p0  }
0x20: {  	[sflag:s8] =	ssyncset.s32 @!p0 $0xFFFFF086;
	s6 =	sadd.s32 @!p0 s3, s7;
	s7 =	simm.s32 @!p0 $0x108  }
0x21: {  	s3 =	sadd.s32 s3, s9;
	s6 =	sadd.s32 @!p0 $0x88, s6;
	s7 =	simm.s32 @p2 $0x1082  }
0x22: {  	[simem:s7], [sflag:s8] =	dma.local @!p0 [hbm:s6], $0xF7A  }
0x23: {  	s9 =	sor.u32 $0xD0000000, s2;
	s6 =	simm.s32 $0x108;
	_ =	swait.ge @!p0 [sflag:s8], $0x0  }
0x24: {  	s3 =	sadd.s32 $0x88, s3;
	s6 =	simm.s32 @!p1 $0x1082;
	[sflag:s4] =	ssyncset.s32 $0xFFFFF086  }
0x25: {  	[simem:s6], [sflag:s4] =	dma.local [hbm:s3], $0xF7A  }
0x26: {  	[smem:$0x3F9B] =	sst s1;
	(tag) =	ssettag s2;
	_ =	strace s9  }
0x27: {  	s1 =	sld [smem:$0x3FAB]  }
0x28: {  	s2 =	sld [smem:$0x3FAC]  }
0x29: {  	s4 =	sld [smem:$0x3FAE]  }
0x2a: {  	p0 =	seq.s32 s5, $0x0;
	s5 =	sld [smem:$0x3FAF]  }
0x2b: {  	s6 =	sld [smem:$0x3FB0]  }
0x2c: {  	s7 =	sld [smem:$0x3FB1]  }
0x2d: {  	s3 =	simm.s32 $0x108;
	s8 =	sld [smem:$0x3FB2]  }
0x2e: {  	s3 =	simm.s32 @!p0 $0x1082;
	s9 =	sld [smem:$0x3FB3]  }
0x2f: {  	lr =	sadd.s32 s0, s3;
	s0 =	sld [smem:$0x3FAA]  }
0x30: {  	s3 =	sld [smem:$0x3FAD]  }
0x31: {  	[smem:$0x3FB6] =	sst s10  }
0x32: {  	s10 =	sld [smem:$0x3FB4];
	_ =	sdelay $0x3  }
0x33: {  	p0 =	seq.s32 s10, $0x1;
	s10 =	sld [smem:$0x3FB6];
	_ =	sdelay $0x3  }
0x34: {  	[smem:$0x3FB6] =	sst s10  }
0x35: {  	s10 =	sld [smem:$0x3FB5];
	_ =	sdelay $0x3  }
0x36: {  	p1 =	seq.s32 s10, $0x1;
	s10 =	sld [smem:$0x3FB6];
	_ =	sdelay $0x3  }
0x37: {  	[smem:$0x3FB6] =	sst s10  }
0x38: {  	s10 =	sld [smem:$0x3FB7]  }
0x39: {  	_ = 	snop;
	(pc) =	sbr.ind lr, $3  }
0x3a: {  	_ = 	snop  }
0x3b: {  	_ = 	snop  }
0x3c: {  	p2 =	seq.s32 s10, $0x1;
	s10 =	sld [smem:$0x3FB6]  }
0x3d: {  	_ =	shalt  }
0x3e: {  	_ =	shalt  }
0x3f: {  	_ =	shalt  }
0x40: {  	_ =	shalt  }
0x41: {  	_ =	shalt  }
0x42: {  	_ =	shalt  }
0x43: {  	_ =	shalt  }
0x44: {  	_ =	shalt  }
0x45: {  	_ =	shalt  }
0x46: {  	_ =	shalt  }
0x47: {  	_ =	shalt  }
0x48: {  	_ =	shalt  }
0x49: {  	_ =	shalt  }
0x4a: {  	_ =	shalt  }
0x4b: {  	_ =	shalt  }
0x4c: {  	_ =	shalt  }
0x4d: {  	_ =	shalt  }
0x4e: {  	_ =	shalt  }
0x4f: {  	_ =	shalt  }
0x50: {  	_ =	shalt  }
0x51: {  	_ =	shalt  }
0x52: {  	_ =	shalt  }
0x53: {  	_ =	shalt  }
0x54: {  	_ =	shalt  }
0x55: {  	_ =	shalt  }
0x56: {  	_ =	shalt  }
0x57: {  	_ =	shalt  }
0x58: {  	_ =	shalt  }
0x59: {  	_ =	shalt  }
0x5a: {  	_ =	shalt  }
0x5b: {  	_ =	shalt  }
0x5c: {  	_ =	shalt  }
0x5d: {  	_ =	shalt  }
0x5e: {  	_ =	shalt  }
0x5f: {  	_ =	shalt  }
0x60: {  	_ =	shalt  }
0x61: {  	_ =	shalt  }
0x62: {  	_ =	shalt  }
0x63: {  	_ =	shalt  }
0x64: {  	_ =	shalt  }
0x65: {  	_ =	shalt  }
0x66: {  	_ =	shalt  }
0x67: {  	_ =	shalt  }
0x68: {  	_ =	shalt  }
0x69: {  	_ =	shalt  }
0x6a: {  	_ =	shalt  }
0x6b: {  	_ =	shalt  }
0x6c: {  	_ =	shalt  }
0x6d: {  	_ =	shalt  }
0x6e: {  	_ =	shalt  }
0x6f: {  	_ =	shalt  }
0x70: {  	_ =	shalt  }
0x71: {  	_ =	shalt  }
0x72: {  	_ =	shalt  }
0x73: {  	_ =	shalt  }
0x74: {  	_ =	shalt  }
0x75: {  	_ =	shalt  }
0x76: {  	_ =	shalt  }
0x77: {  	_ =	shalt  }
0x78: {  	_ =	shalt  }
0x79: {  	_ =	shalt  }
0x7a: {  	_ =	shalt  }
0x7b: {  	_ =	shalt  }
0x7c: {  	_ =	shalt  }
0x7d: {  	_ =	shalt  }
0x7e: {  	_ =	shalt  }
0x7f: {  	_ =	shalt  }
0x80: {  	_ =	shalt  }
0x81: {  	_ =	shalt  }
0x82: {  	_ =	shalt  }
0x83: {  	_ =	shalt  }
0x84: {  	_ =	shalt  }
0x85: {  	_ =	shalt  }
0x86: {  	_ =	shalt  }
0x87: {  	_ =	shalt  }
.Lfunc_end0:
.L_simem_size_0:
called_computation.2_lowered:
.L_overlay_start_0:
0x88: {  	s2 =	sld [smem:$0x3FD9]  }
0x89: {  	s3 =	sld [smem:$0x3FFE];
	_ =	sdelay $0x1  }
0x8a: {  	s1 =	srdreg.scid  }
0x8b: {  	s0 =	sand.u32 $0x1, s1  }
0x8c: {  	s16 =	sshll.u32 s0, $0xA;
	s2 =	sadd.s32 s3, s2  }
0x8d: {  	s2 =	sadd.s32 s2, s16  }
0x8e: {  	[smem:$0x3FC2] =	sst s2  }
0x8f: {  	_ = 	snop  }
0x90: {  	(tm) =	ssettm $0x1  }
0x91: {  	s17 =	sld [smem:$0x3FFB];
	_ =	sdelay $0x3  }
0x92: {  	_ =	strace s17  }
0x93: {  	s2 =	sld [smem:$0x3FFC];
	_ =	sdelay $0x3  }
0x94: {  	_ =	strace s2  }
0x95: {  	s2 =	sld [smem:$0x3FFD];
	_ =	sdelay $0x3  }
0x96: {  	_ =	strace s2  }
0x97: {  	_ =	strace $0x8FFFFFFF  }
0x98: {  	s18 =	sld [smem:$0x3FDB];
	_ =	sdelay $0x1  }
0x99: {  	s19 =	simm.s32 $_scs_section_size  }
0x9a: {  	s4 =	simm.s32 $_size__tile_overlayer_lowered;
	s5 =	simm.s32 $_tile_overlayer_lowered  }
0x9b: {  	s22 =	simm.s32 $0x1BFF;
	s21 =	sshll.u32 s5, $0x1;
	s2 =	sadd.s32 s19, s18  }
0x9c: {  	s6 =	simm.s32 $0x0;
	s20 =	sshll.u32 s4, $0x1;
	s4 =	sadd.s32 s21, s2  }
0x9d: {  	[timem:s6], [sflag:s22] =	dma.local [hbm:s4], s20  }
0x9e: {  	_ =	swait.ge [sflag:s22], s20  }
0x9f: {  	s3 =	ssub.s32 $0x0, s20;
	[sflag:s22] =	ssyncset.done $0x0  }
0xa0: {  	[sflag:s22] =	ssyncadd.s32 s3;
	_ =	sdelay $0x1  }
0xa1: {  	s23 =	simm.s32 $0x1B8B  }
0xa2: {  	_ =	swait.ge [sflag:s23], $0x1  }
0xa3: {  	[sflag:s23] =	ssyncset.done $0x0  }
0xa4: {  	s25 =	simm.s32 $0x1B8E;
	s24 =	sld [smem:$0x3FFE];
	[sflag:s23] =	ssyncadd.s32 $0xFFFFFFFF  }
0xa5: {  	s26 =	simm.s32 $execute0_lowered;
	[smem:$0x3FD2] =	sst s25  }
0xa6: {  	s4 =	sshll.u32 s26, $0x1;
	_ =	strace $0x8000004C;
	[dreg:$0x1] =	wrdreg $0xFFFFFFFF  }
0xa7: {  	s28 =	simm.s32 $_size_execute0_lowered;
	s2 =	sadd.s32 s2, s4;
	[dreg:$0x0] =	wrdreg $0x0  }
0xa8: {  	s4 =	sshll.u32 s28, $0x1;
	[dreg:$0x2] =	wrdreg s2  }
0xa9: {  	[dreg:$0x3] =	wrdreg s4  }
0xaa: {  	[dreg:$0x4] =	wrdreg $0xC0  }
0xab: {  	_ =	task [dreg:s6], $0x5FFFF  }
0xac: {  	[dreg:$0x1] =	wrdreg $0xFFFFFFFF  }
0xad: {  	[dreg:$0x0] =	wrdreg $0x60  }
0xae: {  	[dreg:$0x2] =	wrdreg s24  }
0xaf: {  	[dreg:$0x3] =	wrdreg $0x84000  }
0xb0: {  	[dreg:$0x4] =	wrdreg $0x9  }
0xb1: {  	_ =	task.clear_ibuf [dreg:s6], $0x5FFFF;
	_ =	strace $0x9000004C  }
0xb2: {  	s29 =	simm.s32 $0x9;
	_ =	strace $0x8000004E  }
0xb3: {  	_ =	swait.ge [sflag:s29], $0x1  }
0xb4: {  	[sflag:s29] =	ssyncadd.s32 $0xFFFFFFFF  }
0xb5: {  	_ =	strace $0x9000004E  }
0xb6: {  	_ =	sfence  }
0xb7: {  	s30 =	sld [smem:$0x0];
	_ =	sdelay $0x2  }
0xb8: {  	s31 =	sshll.u32 s1, $0xD;
	s1 =	sshrl.u32 s1, $0x2  }
0xb9: {  	s3 =	sand.u32 $0x4000, s31;
	s1 =	sadd.s32 s1, s30  }
0xba: {  	s0 =	sor.u32 s3, s0;
	s1 =	sshll.u32 s1, $0x11  }
0xbb: {  	s0 =	sor.u32 s1, s0  }
0xbc: {  	s0 =	sadd.s32 $0x8F2B, s0  }
0xbd: {  	[sflag:s0] =	ssyncadd.remote.s32 $0x1  }
0xbe: {  	_ =	sfence.sel $0xFFFF  }
0xbf: {  	[dreg:$0x0] =	wrdreg $0xFFFFFFFF;
	(pc) =	sbr.abs _section_cstart, $3  }
0xc0: {  	[dreg:$0x1] =	wrdreg $0xFFFFFFFF  }
0xc1: {  	_ =	task.clear_ibuf [dreg:s6], $0x2FFFF;
	_ =	strace $0x9FFFFFFF  }
0xc2: {  	(tm) =	ssettm $0x7FFFFFFF  }
0xc3: {  	_ =	shalt  }
tec
execute0_lowered:
.L_overlay_start_1:
0x0: {  	(tag) =	ssettag $0x1  }
0x1: {  	s0 =	rddreg [dreg:$0x0]  }
0x2: {  	s2 =	rddreg [dreg:$0x1]  }
0x3: {  	s12 =	stileid.u32;
	s1 =	srdreg.scid  }
0x4: {  	s3 =	simm.s32 $0x0;
	s24 =	simm.s32 $0x300;
	s25 =	simm.s32 $0x4400  }
0x5: {  	s26 =	simm.s32 $0x380;
	s31 =	simm.s32 $0x6400;
	s28 =	simm.s32 $0x2  }
0x6: {  	s29 =	simm.s32 $0x3;
	s30 =	simm.s32 $0x4;
	s7 =	smul.u32 $0x14000, s12  }
0x7: {  	s1 =	sand.u32 $0x1, s1;
	[smem:$0x7FF] =	sst s3;
	s4 =	sadd.s32 $0x20400, s0  }
0x8: {  	s5 =	sadd.s32 $0xC400, s0;
	s6 =	sadd.s32 $0x16400, s0;
	s10 =	smul.u32 $0x50000, s12  }
0x9: {  	s16 =	sshll.u32 s12, $0xC;
	_ =	strace $0x8000004D;
	[dreg:$0x3] =	wrdreg s24  }
0xa: {  	s18 =	sshll.u32 s12, $0x6;
	s8 =	smul.u32 $0x140000, s1;
	[dreg:$0x4] =	wrdreg s25  }
0xb: {  	s13 =	ssub.s32 $0x2, s1;
	p0 =	seq.s32 s1, $0x0;
	[dreg:$0x5] =	wrdreg s26  }
0xc: {  	s1 =	sshll.u32 s12, $0xE;
	s24 =	simm.s32 $0x280;
	[dreg:$0x6] =	wrdreg s31  }
0xd: {  	s25 =	simm.s32 $0x2400;
	s26 =	simm.s32 $0x1;
	s9 =	sshrl.u32 s7, $0x3  }
0xe: {  	s14 =	sshrl.u32 s13, $0x1;
	s15 =	sshrl.u32 s10, $0x2;
	s10 =	sor.u32 $0x40000, s16  }
0xf: {  	s7 =	sadd.s32 s7, s8;
	s9 =	sadd.s32 s9, s0;
	s11 =	sadd.s32 s15, s2  }
0x10: {  	s10 =	smov.u32 @p0 s1;
	s8 =	simm.s32 $0x100;
	s7 =	sshrl.u32 s7, $0x3  }
0x11: {  	s17 =	sadd.s32 $0x47600, s9;
	s19 =	sshrl.u32 s10, $0x3;
	s9 =	sor.u32 $0x1C09, s18  }
0x12: {  	s8 =	simm.s32 @!p0 $0x40;
	s18 =	sshrl.u32 s11, $0x3;
	s0 =	sadd.s32 s7, s0  }
0x13: {  	s7 =	ssub.s32 s13, s14;
	[dreg:$0x7] =	wrdreg s17;
	s13 =	sadd.s32 s5, s19  }
0x14: {  	s20 =	sor.u32 $0x8, s19;
	s12 =	sadd.s32 s6, s19;
	[dreg:$0x8] =	wrdreg s13  }
0x15: {  	s22 =	sshrl.u32 s8, $0x2;
	s17 =	sor.u32 $0xC0, s10;
	[dreg:$0x9] =	wrdreg s12  }
0x16: {  	s19 =	simm.s32 $0x9;
	s21 =	sadd.s32 s5, s20;
	[dreg:$0xc] =	wrdreg s22  }
0x17: {  	s10 =	simm.s32 $0x0;
	s1 =	sadd.s32 s6, s20;
	[dreg:$0xa] =	wrdreg s21  }
0x18: {  	s0 =	sadd.s32 $0x6F600, s0;
	s23 =	smax.u32 s7, $0x1;
	[dreg:$0xb] =	wrdreg s1  }
0x19: {  	s20 =	simm.s32 $0x200;
	s22 =	simm.s32 $0x400;
	[dreg:$0xd] =	wrdreg s0  }
0x1a: {  	s7 =	simm.s32 $0x8;
	[dreg:$0xe] =	wrdreg s23;
	s21 =	simm.s32 $0x40  }
.LBB2_1:
0x1b: {  	s0 =	rddreg [dreg:$0x7]  }
0x1c: {  	[spmem:s18], [sflag:s9] =	dma.local [hbm:s0], $0x2800  }
0x1d: {  	_ =	swait.ge [sflag:s19], $0x2800  }
0x1e: {  	[sflag:s19] =	ssyncset.done $0x0  }
0x1f: {  	[sflag:s19] =	ssyncadd.s32 $0xFFFFD800  }
0x20: {  	[bflag:$0x0] =	sbarrier.arrive $0xFFFF  }
0x21: {  	s14 =	rddreg [dreg:$0x8]  }
0x22: {  	[tilespmem:s3], [sflag:$0x9] =	stream.linear.gather [hbm4b:s14+s3], $0x40, $0x38;
	[tilespmem:$0x1C400] =	vst v63  }
0x23: {  	_ =	swait.ge [sflag:s19], $0x40  }
0x24: {  	[sflag:s19] =	ssyncset.done $0x0  }
0x25: {  	s15 =	rddreg [dreg:$0x9];
	[sflag:s19] =	ssyncadd.s32 $0xFFFFFFC0  }
0x26: {  	[tilespmem:s20], [sflag:$0x9] =	stream.linear.gather [hbm4b:s15+s3], $0x40, $0x38;
	[tilespmem:$0x1C400] =	vst v63  }
0x27: {  	_ =	swait.ge [sflag:s19], $0x40  }
0x28: {  	[sflag:s19] =	ssyncset.done $0x0  }
0x29: {  	[sflag:s19] =	ssyncadd.s32 $0xFFFFFFC0  }
0x2a: {  	[tilespmem:s22], [sflag:$0x1] =	stream.indirect.gather [hbm4b:s4+s21], $0x80, s3, s21, $0xb8;
	[tilespmem:$0x1C400] =	vst v63  }
0x2b: {  	s1 =	simm.s32 $0x80;
	s16 =	rddreg [dreg:$0xa]  }
0x2c: {  	[tilespmem:s1], [sflag:$0x9] =	stream.linear.gather [hbm4b:s16+s3], $0x40, $0x38;
	[tilespmem:$0x1C400] =	vst v63  }
0x2d: {  	_ =	swait.ge [sflag:s19], $0x40  }
0x2e: {  	[sflag:s19] =	ssyncset.done $0x0  }
0x2f: {  	s23 =	rddreg [dreg:$0xb];
	[sflag:s19] =	ssyncadd.s32 $0xFFFFFFC0  }
0x30: {  	[tilespmem:s24], [sflag:$0x9] =	stream.linear.gather [hbm4b:s23+s3], $0x40, $0x38;
	[tilespmem:$0x1C400] =	vst v63  }
0x31: {  	_ =	swait.ge [sflag:s19], $0x40  }
0x32: {  	[sflag:s19] =	ssyncset.done $0x0  }
0x33: {  	p0 =	sle.u32 s8, $0x2;
	[sflag:s19] =	ssyncadd.s32 $0xFFFFFFC0  }
0x34: {  	[tilespmem:s25], [sflag:$0x2] =	stream.indirect.gather [hbm4b:s4+s21], $0x80, s1, s21, $0xb8;
	[tilespmem:$0x1C400] =	vst v63  }
0x35: {  	p1 =	por @!p0 $0x1, $0x1;
	_ =	swait.ge [sflag:s26], $0x2000  }
0x36: {  	p1 =	por p1, p0;
	[sflag:s26] =	ssyncset.done $0x0  }
0x37: {  	s11 =	sadd.s32 @!p0 $0xFFFFFFC0, s17;
	s12 =	simm.s32 @!p1 $0x7;
	[sflag:s26] =	ssyncadd.s32 $0xFFFFE000  }
0x38: {  	[spmem:s2] =	stream.indirect.scatter.add.f32 [tilespmem:s22], [sflag:$0x5], $0x80, s20, s21, $0xb8;
	[tilespmem:$0x1C400] =	vst v63  }
0x39: {  	s11 =	sshrl.u32 @!p0 s11, $0x3;
	_ =	swait.ge @!p1 [sflag:s12], $0x2000  }
0x3a: {  	s13 =	sadd.s32 @!p0 s5, s11;
	s14 =	simm.s32 @!p0 $0x9;
	[sflag:s12] =	ssyncset.done @!p1 $0x0  }
0x3b: {  	s15 =	simm.s32 @!p0 $0x100;
	[sflag:s12] =	ssyncadd.s32 @!p1 $0xFFFFE000;
	s12 =	simm.s32 @!p0 $0x0  }
0x3c: {  	[tilespmem:s15], [sflag:$0x9] =	stream.linear.gather @!p0 [hbm4b:s13+s12], $0x40, $0x38;
	[tilespmem:$0x1C400] =	vst v63  }
0x3d: {  	_ =	swait.ge @!p0 [sflag:s14], $0x40  }
0x3e: {  	[sflag:s14] =	ssyncset.done @!p0 $0x0  }
0x3f: {  	s11 =	sadd.s32 @!p0 s6, s11;
	s13 =	simm.s32 @!p0 $0x300;
	[sflag:s14] =	ssyncadd.s32 @!p0 $0xFFFFFFC0  }
0x40: {  	[tilespmem:s13], [sflag:$0x9] =	stream.linear.gather @!p0 [hbm4b:s11+s12], $0x40, $0x38;
	[tilespmem:$0x1C400] =	vst v63  }
0x41: {  	_ =	swait.ge @!p0 [sflag:s14], $0x40  }
0x42: {  	p1 =	sle.u32 s8, $0x3;
	[sflag:s14] =	ssyncset.done @!p0 $0x0  }
0x43: {  	s11 =	simm.s32 @!p0 $0x4400;
	s12 =	simm.s32 @!p0 $0x40;
	[sflag:s14] =	ssyncadd.s32 @!p0 $0xFFFFFFC0  }
0x44: {  	[tilespmem:s11], [sflag:$0x3] =	stream.indirect.gather @!p0 [hbm4b:s4+s12], $0x80, s15, s12, $0xb8;
	[tilespmem:$0x1C400] =	vst v63  }
0x45: {  	p0 =	por @!p1 $0x1, $0x1;
	_ =	swait.ge [sflag:s28], $0x2000  }
0x46: {  	p0 =	por p0, p1;
	[sflag:s28] =	ssyncset.done $0x0  }
0x47: {  	s11 =	simm.s32 @!p0 $0x8;
	[sflag:s28] =	ssyncadd.s32 $0xFFFFE000  }
0x48: {  	[spmem:s2] =	stream.indirect.scatter.add.f32 [tilespmem:s25], [sflag:$0x6], $0x80, s24, s21, $0xb8;
	[tilespmem:$0x1C400] =	vst v63  }
0x49: {  	s14 =	simm.s32 @!p1 $0x0;
	_ =	swait.ge @!p0 [sflag:s11], $0x2000  }
0x4a: {  	s12 =	sshrl.u32 @!p1 s17, $0x3;
	s15 =	simm.s32 @!p1 $0x180;
	[sflag:s11] =	ssyncset.done @!p0 $0x0  }
0x4b: {  	s13 =	sadd.s32 @!p1 s5, s12;
	[sflag:s11] =	ssyncadd.s32 @!p0 $0xFFFFE000;
	s11 =	simm.s32 @!p1 $0x9  }
0x4c: {  	[tilespmem:s15], [sflag:$0x9] =	stream.linear.gather @!p1 [hbm4b:s13+s14], $0x40, $0x38;
	[tilespmem:$0x1C400] =	vst v63  }
0x4d: {  	_ =	swait.ge @!p1 [sflag:s11], $0x40  }
0x4e: {  	[sflag:s11] =	ssyncset.done @!p1 $0x0  }
0x4f: {  	s12 =	sadd.s32 @!p1 s6, s12;
	s13 =	simm.s32 @!p1 $0x380;
	[sflag:s11] =	ssyncadd.s32 @!p1 $0xFFFFFFC0  }
0x50: {  	[tilespmem:s13], [sflag:$0x9] =	stream.linear.gather @!p1 [hbm4b:s12+s14], $0x40, $0x38;
	[tilespmem:$0x1C400] =	vst v63  }
0x51: {  	_ =	swait.ge @!p1 [sflag:s11], $0x40  }
0x52: {  	[sflag:s11] =	ssyncset.done @!p1 $0x0  }
0x53: {  	s12 =	simm.s32 @!p1 $0x40;
	s13 =	simm.s32 @!p1 $0x6400;
	[sflag:s11] =	ssyncadd.s32 @!p1 $0xFFFFFFC0  }
0x54: {  	[tilespmem:s13], [sflag:$0x4] =	stream.indirect.gather @!p1 [hbm4b:s4+s12], $0x80, s15, s12, $0xb8;
	[tilespmem:$0x1C400] =	vst v63  }
0x55: {  	_ =	swait.ge [sflag:s29], $0x2000  }
0x56: {  	p0 =	sle.u32 s8, $0x4;
	s0 =	rddreg [dreg:$0x4];
	[sflag:s29] =	ssyncset.done $0x0  }
0x57: {  	s14 =	simm.s32 @!p0 $0x5;
	s1 =	rddreg [dreg:$0x3];
	[sflag:s29] =	ssyncadd.s32 $0xFFFFE000  }
0x58: {  	[spmem:s2] =	stream.indirect.scatter.add.f32 [tilespmem:s0], [sflag:$0x7], $0x80, s1, s21, $0xb8;
	[tilespmem:$0x1C400] =	vst v63  }
0x59: {  	s13 =	sadd.s32 @!p0 $0x40, s17;
	_ =	swait.ge @!p0 [sflag:s14], $0x2000  }
0x5a: {  	s11 =	sshrl.u32 @!p0 s13, $0x3;
	s13 =	simm.s32 @!p0 $0x0;
	[sflag:s14] =	ssyncset.done @!p0 $0x0  }
0x5b: {  	s12 =	sadd.s32 @!p0 s5, s11;
	[sflag:s14] =	ssyncadd.s32 @!p0 $0xFFFFE000;
	s14 =	simm.s32 @!p0 $0x9  }
0x5c: {  	[tilespmem:s13], [sflag:$0x9] =	stream.linear.gather @!p0 [hbm4b:s12+s13], $0x40, $0x38;
	[tilespmem:$0x1C400] =	vst v63  }
0x5d: {  	_ =	swait.ge @!p0 [sflag:s14], $0x40  }
0x5e: {  	[sflag:s14] =	ssyncset.done @!p0 $0x0  }
0x5f: {  	s11 =	sadd.s32 @!p0 s6, s11;
	s12 =	simm.s32 @!p0 $0x200;
	[sflag:s14] =	ssyncadd.s32 @!p0 $0xFFFFFFC0  }
0x60: {  	[tilespmem:s12], [sflag:$0x9] =	stream.linear.gather @!p0 [hbm4b:s11+s13], $0x40, $0x38;
	[tilespmem:$0x1C400] =	vst v63  }
0x61: {  	_ =	swait.ge @!p0 [sflag:s14], $0x40  }
0x62: {  	[sflag:s14] =	ssyncset.done @!p0 $0x0  }
0x63: {  	s11 =	simm.s32 @!p0 $0x40;
	s12 =	simm.s32 @!p0 $0x400;
	[sflag:s14] =	ssyncadd.s32 @!p0 $0xFFFFFFC0  }
0x64: {  	[tilespmem:s12], [sflag:$0x1] =	stream.indirect.gather @!p0 [hbm4b:s4+s11], $0x80, s13, s11, $0xb8;
	[tilespmem:$0x1C400] =	vst v63  }
0x65: {  	p1 =	sle.u32 s8, $0x5;
	_ =	swait.ge [sflag:s30], $0x2000  }
0x66: {  	s12 =	sadd.s32 @!p1 $0x80, s17;
	s14 =	rddreg [dreg:$0x5]  }
0x67: {  	s12 =	sshrl.u32 @!p1 s12, $0x3;
	[sflag:s30] =	ssyncset.done $0x0;
	s23 =	rddreg [dreg:$0xc]  }
0x68: {  	s16 =	rddreg [dreg:$0x6];
	s11 =	sadd.s32 $0xFFFFFFFF, s23;
	[sflag:s30] =	ssyncadd.s32 $0xFFFFE000  }
0x69: {  	[spmem:s2] =	stream.indirect.scatter.add.f32 [tilespmem:s16], [sflag:$0x8], $0x80, s14, s21, $0xb8;
	[tilespmem:$0x1C400] =	vst v63  }
0x6a: {  	s15 =	simm.s32 @!p1 $0x6;
	s13 =	sadd.s32 @!p1 s5, s12;
	p0 =	sne.s32 s11, $0x0  }
.Ltmp0:
0x6b: {  	s31 =	sadd.s32 @!p1 s6, s12;
	_ =	swait.ge @!p1 [sflag:s15], $0x2000;
	(pc) =	sbr.rel @!p0 .LBB2_3-.Ltmp0, $4  }
0x6c: {  	s12 =	simm.s32 $0x6;
	s23 =	simm.s32 @!p1 $0x0;
	[sflag:s15] =	ssyncset.done @!p1 $0x0  }
0x6d: {  	s14 =	simm.s32 @!p1 $0x80;
	[sflag:s15] =	ssyncadd.s32 @!p1 $0xFFFFE000;
	s15 =	simm.s32 @!p1 $0x9  }
0x6e: {  	[tilespmem:s14], [sflag:$0x9] =	stream.linear.gather @!p1 [hbm4b:s13+s23], $0x40, $0x38;
	[tilespmem:$0x1C400] =	vst v63  }
0x6f: {  	s16 =	simm.s32 @!p1 $0x280;
	s13 =	sadd.s32 $0x100, s17;
	_ =	swait.ge @!p1 [sflag:s15], $0x40  }
.LBB2_2:
0x70: {  	[sflag:s15] =	ssyncset.done @!p1 $0x0  }
0x71: {  	[sflag:s15] =	ssyncadd.s32 @!p1 $0xFFFFFFC0  }
0x72: {  	[tilespmem:s16], [sflag:$0x9] =	stream.linear.gather @!p1 [hbm4b:s31+s23], $0x40, $0x38;
	[tilespmem:$0x1C400] =	vst v63  }
0x73: {  	_ =	swait.ge @!p1 [sflag:s15], $0x40  }
0x74: {  	s0 =	simm.s32 @!p1 $0x2400;
	[sflag:s15] =	ssyncset.done @!p1 $0x0  }
0x75: {  	p2 =	sge.u32 s12, s8;
	s1 =	simm.s32 @!p1 $0x40;
	[sflag:s15] =	ssyncadd.s32 @!p1 $0xFFFFFFC0  }
0x76: {  	[tilespmem:s0], [sflag:$0x2] =	stream.indirect.gather @!p1 [hbm4b:s4+s1], $0x80, s14, s1, $0xb8;
	[tilespmem:$0x1C400] =	vst v63  }
0x77: {  	p0 =	seq.s32 @!p2 s12, $0x2;
	_ =	swait.ge [sflag:s26], $0x2000  }
0x78: {  	p3 =	por p0, p2;
	[sflag:s26] =	ssyncset.done $0x0  }
0x79: {  	s16 =	sadd.s32 @!p2 $0xFFFFFFC0, s13;
	s1 =	simm.s32 @!p3 $0x7;
	[sflag:s26] =	ssyncadd.s32 $0xFFFFE000  }
0x7a: {  	[spmem:s2] =	stream.indirect.scatter.add.f32 [tilespmem:s22], [sflag:$0x5], $0x80, s20, s21, $0xb8;
	[tilespmem:$0x1C400] =	vst v63  }
0x7b: {  	s16 =	sshrl.u32 @!p2 s16, $0x3;
	_ =	swait.ge @!p3 [sflag:s1], $0x2000  }
0x7c: {  	s23 =	sadd.s32 @!p2 s5, s16;
	s15 =	simm.s32 @!p2 $0x100;
	[sflag:s1] =	ssyncset.done @!p3 $0x0  }
0x7d: {  	s14 =	simm.s32 @!p2 $0x9;
	[sflag:s1] =	ssyncadd.s32 @!p3 $0xFFFFE000;
	s1 =	simm.s32 @!p2 $0x0  }
0x7e: {  	[tilespmem:s15], [sflag:$0x9] =	stream.linear.gather @!p2 [hbm4b:s23+s1], $0x40, $0x38;
	[tilespmem:$0x1C400] =	vst v63  }
0x7f: {  	_ =	swait.ge @!p2 [sflag:s14], $0x40  }
0x80: {  	[sflag:s14] =	ssyncset.done @!p2 $0x0  }
0x81: {  	s0 =	sadd.s32 @!p2 s6, s16;
	s23 =	simm.s32 @!p2 $0x300;
	[sflag:s14] =	ssyncadd.s32 @!p2 $0xFFFFFFC0  }
0x82: {  	[tilespmem:s23], [sflag:$0x9] =	stream.linear.gather @!p2 [hbm4b:s0+s1], $0x40, $0x38;
	[tilespmem:$0x1C400] =	vst v63  }
0x83: {  	_ =	swait.ge @!p2 [sflag:s14], $0x40  }
0x84: {  	s31 =	sadd.s32 $0x1, s12;
	s16 =	simm.s32 @!p2 $0x4400;
	[sflag:s14] =	ssyncset.done @!p2 $0x0  }
0x85: {  	p1 =	sge.u32 s31, s8;
	s0 =	simm.s32 @!p2 $0x40;
	[sflag:s14] =	ssyncadd.s32 @!p2 $0xFFFFFFC0  }
0x86: {  	[tilespmem:s16], [sflag:$0x3] =	stream.indirect.gather @!p2 [hbm4b:s4+s0], $0x80, s15, s0, $0xb8;
	[tilespmem:$0x1C400] =	vst v63  }
0x87: {  	p3 =	seq.s32 @!p1 s12, $0x2;
	_ =	swait.ge [sflag:s28], $0x2000  }
0x88: {  	p3 =	por p3, p1;
	[sflag:s28] =	ssyncset.done $0x0  }
0x89: {  	s0 =	simm.s32 @!p3 $0x8;
	[sflag:s28] =	ssyncadd.s32 $0xFFFFE000  }
0x8a: {  	[spmem:s2] =	stream.indirect.scatter.add.f32 [tilespmem:s25], [sflag:$0x6], $0x80, s24, s21, $0xb8;
	[tilespmem:$0x1C400] =	vst v63  }
0x8b: {  	s1 =	sshrl.u32 @!p1 s13, $0x3;
	_ =	swait.ge @!p3 [sflag:s0], $0x2000  }
0x8c: {  	s14 =	sadd.s32 @!p1 s5, s1;
	s15 =	simm.s32 @!p1 $0x0;
	[sflag:s0] =	ssyncset.done @!p3 $0x0  }
0x8d: {  	s16 =	simm.s32 @!p1 $0x180;
	[sflag:s0] =	ssyncadd.s32 @!p3 $0xFFFFE000;
	s0 =	simm.s32 @!p1 $0x9  }
0x8e: {  	[tilespmem:s16], [sflag:$0x9] =	stream.linear.gather @!p1 [hbm4b:s14+s15], $0x40, $0x38;
	[tilespmem:$0x1C400] =	vst v63  }
0x8f: {  	_ =	swait.ge @!p1 [sflag:s0], $0x40  }
0x90: {  	[sflag:s0] =	ssyncset.done @!p1 $0x0  }
0x91: {  	s1 =	sadd.s32 @!p1 s6, s1;
	s14 =	simm.s32 @!p1 $0x380;
	[sflag:s0] =	ssyncadd.s32 @!p1 $0xFFFFFFC0  }
0x92: {  	[tilespmem:s14], [sflag:$0x9] =	stream.linear.gather @!p1 [hbm4b:s1+s15], $0x40, $0x38;
	[tilespmem:$0x1C400] =	vst v63  }
0x93: {  	_ =	swait.ge @!p1 [sflag:s0], $0x40  }
0x94: {  	s1 =	simm.s32 @!p1 $0x40;
	[sflag:s0] =	ssyncset.done @!p1 $0x0  }
0x95: {  	s14 =	simm.s32 @!p1 $0x6400;
	s15 =	sadd.s32 $0x2, s12;
	[sflag:s0] =	ssyncadd.s32 @!p1 $0xFFFFFFC0  }
0x96: {  	[tilespmem:s14], [sflag:$0x4] =	stream.indirect.gather @!p1 [hbm4b:s4+s1], $0x80, s16, s1, $0xb8;
	[tilespmem:$0x1C400] =	vst v63  }
0x97: {  	p1 =	sge.u32 s15, s8;
	_ =	swait.ge [sflag:s29], $0x2000  }
0x98: {  	s1 =	sadd.s32 @!p1 $0x40, s13;
	s14 =	rddreg [dreg:$0x4];
	[sflag:s29] =	ssyncset.done $0x0  }
0x99: {  	s15 =	simm.s32 @!p1 $0x5;
	s16 =	rddreg [dreg:$0x3];
	[sflag:s29] =	ssyncadd.s32 $0xFFFFE000  }
0x9a: {  	[spmem:s2] =	stream.indirect.scatter.add.f32 [tilespmem:s14], [sflag:$0x7], $0x80, s16, s21, $0xb8;
	[tilespmem:$0x1C400] =	vst v63  }
0x9b: {  	s1 =	sshrl.u32 @!p1 s1, $0x3;
	_ =	swait.ge @!p1 [sflag:s15], $0x2000  }
0x9c: {  	s0 =	sadd.s32 @!p1 s5, s1;
	[sflag:s15] =	ssyncset.done @!p1 $0x0  }
0x9d: {  	s14 =	simm.s32 @!p1 $0x0;
	[sflag:s15] =	ssyncadd.s32 @!p1 $0xFFFFE000;
	s15 =	simm.s32 @!p1 $0x9  }
0x9e: {  	[tilespmem:s14], [sflag:$0x9] =	stream.linear.gather @!p1 [hbm4b:s0+s14], $0x40, $0x38;
	[tilespmem:$0x1C400] =	vst v63  }
0x9f: {  	_ =	swait.ge @!p1 [sflag:s15], $0x40  }
0xa0: {  	[sflag:s15] =	ssyncset.done @!p1 $0x0  }
0xa1: {  	s1 =	sadd.s32 @!p1 s6, s1;
	s0 =	simm.s32 @!p1 $0x200;
	[sflag:s15] =	ssyncadd.s32 @!p1 $0xFFFFFFC0  }
0xa2: {  	[tilespmem:s0], [sflag:$0x9] =	stream.linear.gather @!p1 [hbm4b:s1+s14], $0x40, $0x38;
	[tilespmem:$0x1C400] =	vst v63  }
0xa3: {  	_ =	swait.ge @!p1 [sflag:s15], $0x40  }
0xa4: {  	s11 =	sadd.s32 $0xFFFFFFFF, s11;
	s23 =	sadd.s32 $0x3, s12;
	[sflag:s15] =	ssyncset.done @!p1 $0x0  }
0xa5: {  	s0 =	simm.s32 @!p1 $0x40;
	s1 =	simm.s32 @!p1 $0x400;
	[sflag:s15] =	ssyncadd.s32 @!p1 $0xFFFFFFC0  }
0xa6: {  	[tilespmem:s1], [sflag:$0x1] =	stream.indirect.gather @!p1 [hbm4b:s4+s0], $0x80, s14, s0, $0xb8;
	[tilespmem:$0x1C400] =	vst v63  }
0xa7: {  	p0 =	sne.s32 s11, $0x0;
	p1 =	sge.u32 s23, s8  }
0xa8: {  	s12 =	sadd.s32 $0x4, s12;
	_ =	swait.ge [sflag:s30], $0x2000;
	s15 =	simm.s32 @!p1 $0x6  }
0xa9: {  	s14 =	sadd.s32 @!p1 $0x80, s13;
	[sflag:s30] =	ssyncset.done $0x0;
	s0 =	rddreg [dreg:$0x5]  }
0xaa: {  	s16 =	simm.s32 @!p1 $0x280;
	s1 =	rddreg [dreg:$0x6];
	[sflag:s30] =	ssyncadd.s32 $0xFFFFE000  }
0xab: {  	[spmem:s2] =	stream.indirect.scatter.add.f32 [tilespmem:s1], [sflag:$0x8], $0x80, s0, s21, $0xb8;
	[tilespmem:$0x1C400] =	vst v63  }
.Ltmp1:
0xac: {  	s23 =	simm.s32 @!p1 $0x0;
	_ =	swait.ge @!p1 [sflag:s15], $0x2000;
	(pc) =	sbr.rel @p0 .LBB2_2-.Ltmp1, $4  }
0xad: {  	s0 =	sshrl.u32 @!p1 s14, $0x3;
	s14 =	simm.s32 @!p1 $0x80;
	[sflag:s15] =	ssyncset.done @!p1 $0x0  }
0xae: {  	s1 =	sadd.s32 @!p1 s5, s0;
	[sflag:s15] =	ssyncadd.s32 @!p1 $0xFFFFE000;
	s15 =	simm.s32 @!p1 $0x9  }
0xaf: {  	[tilespmem:s14], [sflag:$0x9] =	stream.linear.gather @!p1 [hbm4b:s1+s23], $0x40, $0x38;
	[tilespmem:$0x1C400] =	vst v63  }
0xb0: {  	s13 =	sadd.s32 $0x100, s13;
	s31 =	sadd.s32 @!p1 s6, s0;
	_ =	swait.ge @!p1 [sflag:s15], $0x40  }
.LBB2_3:
0xb1: {  	[sflag:s15] =	ssyncset.done @!p1 $0x0  }
0xb2: {  	[sflag:s15] =	ssyncadd.s32 @!p1 $0xFFFFFFC0  }
0xb3: {  	[tilespmem:s16], [sflag:$0x9] =	stream.linear.gather @!p1 [hbm4b:s31+s23], $0x40, $0x38;
	[tilespmem:$0x1C400] =	vst v63  }
0xb4: {  	_ =	swait.ge @!p1 [sflag:s15], $0x40  }
0xb5: {  	[sflag:s15] =	ssyncset.done @!p1 $0x0  }
0xb6: {  	s0 =	simm.s32 @!p1 $0x2400;
	s1 =	simm.s32 @!p1 $0x40;
	[sflag:s15] =	ssyncadd.s32 @!p1 $0xFFFFFFC0  }
0xb7: {  	[tilespmem:s0], [sflag:$0x2] =	stream.indirect.gather @!p1 [hbm4b:s4+s1], $0x80, s14, s1, $0xb8;
	[tilespmem:$0x1C400] =	vst v63  }
0xb8: {  	s14 =	simm.s32 $0x5  }
0xb9: {  	_ =	swait.ge [sflag:s14], $0x2000  }
0xba: {  	[sflag:s14] =	ssyncset.done $0x0  }
0xbb: {  	s15 =	simm.s32 $0x6;
	[sflag:s14] =	ssyncadd.s32 $0xFFFFE000  }
0xbc: {  	_ =	swait.ge [sflag:s15], $0x2000  }
0xbd: {  	[sflag:s15] =	ssyncset.done $0x0  }
0xbe: {  	s16 =	simm.s32 $0x7;
	[sflag:s15] =	ssyncadd.s32 $0xFFFFE000  }
0xbf: {  	_ =	swait.ge [sflag:s16], $0x2000  }
0xc0: {  	[sflag:s16] =	ssyncset.done $0x0  }
0xc1: {  	[sflag:s16] =	ssyncadd.s32 $0xFFFFE000  }
0xc2: {  	_ =	swait.ge [sflag:s7], $0x2000  }
0xc3: {  	[sflag:s7] =	ssyncset.done $0x0  }
0xc4: {  	[sflag:s7] =	ssyncadd.s32 $0xFFFFE000  }
0xc5: {  	[bflag:$0x0] =	sbarrier.arrive $0xFFFF  }
0xc6: {  	s23 =	rddreg [dreg:$0xd]  }
0xc7: {  	[hbm:s23], [sflag:s9] =	dma.local [spmem:s18], $0x2800  }
0xc8: {  	_ =	swait.ge [sflag:s19], $0x2800  }
0xc9: {  	s10 =	sadd.s32 $0x1, s10;
	s31 =	rddreg [dreg:$0xe]  }
0xca: {  	p0 =	sne.s32 s10, s31  }
.Ltmp2:
0xcb: {  	_ = 	snop;
	(pc) =	sbr.rel @p0 .LBB2_1-.Ltmp2, $3  }
0xcc: {  	_ =	sdelay $0x1  }
0xcd: {  	[sflag:s19] =	ssyncset.done $0x0  }
0xce: {  	[sflag:s19] =	ssyncadd.s32 $0xFFFFD800  }
0xcf: {  	_ =	sfence.sel $0x180000  }
0xd0: {  	[bflag:$0x0] =	sbarrier.arrive $0xFFFF  }
0xd1: {  	_ =	strace $0x9000004D  }
0xd2: {  	s0 =	stileid.u32;
	[bflag:$0x2] =	sbarrier.arrive $0xFFFF  }
0xd3: {  	p0 =	sne.s32 s0, $0x0;
	s0 =	rddreg [dreg:$0x2]  }
0xd4: {  	s0 =	sadd.s32 @!p0 $0x100000, s0  }
0xd5: {  	[sflag:s0] =	ssyncadd.tile.s32 @!p0 $0x1;
	_ =	shalt  }
.Lfunc_end2:
_tile_overlayer_lowered:
.L_overlay_start_2:
0xd6: {  	(tag) =	ssettag $0x2  }
0xd7: {  	s0 =	rddreg [dreg:$0x0];
	s2 =	stileid.u32  }
0xd8: {  	s1 =	rddreg [dreg:$0x1];
	p0 =	sne.s32 s2, $0x0  }
0xd9: {  	s3 =	rddreg [dreg:$0x2];
	[bflag:$0x3] =	sbarrier.arrive $0xFFFF;
	s2 =	simm.s32 @!p0 $0x1C09  }
0xda: {  	[timem:s3], [sflag:s2] =	dma.local @!p0 [hbm:s0], s1  }
0xdb: {  	s0 =	simm.s32 @!p0 $0x9  }
0xdc: {  	_ =	swait.ge @!p0 [sflag:s0], s1  }
0xdd: {  	s1 =	ssub.s32 @!p0 $0x0, s1;
	[sflag:s0] =	ssyncset.done @!p0 $0x0  }
0xde: {  	[sflag:s0] =	ssyncadd.s32 @!p0 s1  }
0xdf: {  	[bflag:$0x3] =	sbarrier.arrive $0xFFFF  }
0xe0: {  	_ =	shalt  }

// kernel: kernel.8.cloned.1.call-start
scs
__scs_entry_jumppad:
0x0: {  	(pc) =	sbr.rel $0x88, $3  }
0x1: {  	(tag) =	ssettag $0x0;
	lr =	simm.s32 $0x1  }
0x2: {  	[smem:$0x3F9B] =	sst lr;
	_ =	strace $0xD0000000  }
0x3: {  	_ = 	snop  }
0x4: {  	_ = 	snop  }
0x5: {  	_ = 	snop  }
0x6: {  	_ = 	snop  }
0x7: {  	_ = 	snop  }
__scs_overlays_trampoline_lowered:
0x8: {  	[smem:$0x3FAA] =	sst s0  }
0x9: {  	[smem:$0x3FAB] =	sst s1  }
0xa: {  	[smem:$0x3FAC] =	sst s2  }
0xb: {  	[smem:$0x3FAD] =	sst s3  }
0xc: {  	[smem:$0x3FAE] =	sst s4  }
0xd: {  	[smem:$0x3FAF] =	sst s5  }
0xe: {  	[smem:$0x3FB0] =	sst s6  }
0xf: {  	[smem:$0x3FB1] =	sst s7  }
0x10: {  	[smem:$0x3FB2] =	sst s8  }
0x11: {  	[smem:$0x3FB3] =	sst s9;
	s0 =	simm.s32 @!p0 $0x0  }
0x12: {  	s1 =	sld [smem:$0x3F99];
	s0 =	simm.s32 @p0 $0x1  }
0x13: {  	[smem:$0x3FB4] =	sst s0;
	s0 =	simm.s32 @!p1 $0x0  }
0x14: {  	s2 =	sld [smem:$0x3F98];
	s0 =	simm.s32 @p1 $0x1  }
0x15: {  	[smem:$0x3FB5] =	sst s0;
	s0 =	simm.s32 @!p2 $0x0  }
0x16: {  	s3 =	sld [smem:$0x3FDB];
	s0 =	simm.s32 @p2 $0x1  }
0x17: {  	s4 =	simm.s32 $0x1BF5;
	[smem:$0x3FB7] =	sst s0  }
0x18: {  	s0 =	sld [smem:$0x3F9A];
	_ =	swait.ge [sflag:s4], $0x0  }
0x19: {  	s7 =	sld [smem:$0x3F9B]  }
0x1a: {  	s8 =	sadd.s32 $0xFFFFE003, lr  }
0x1b: {  	s9 =	sadd.s32 $0xFFFFFEF7, lr;
	s5 =	simm.s32 $0xFFFFFFFF;
	p2 =	slt.u32 s8, $0xFFFFF086  }
0x1c: {  	p1 =	slt.u32 s9, $0xF7A;
	s5 =	simm.s32 @!p2 $0x0  }
0x1d: {  	s5 =	simm.s32 @p1 $0x1;
	p0 =	seq.s32 s7, s2  }
0x1e: {  	s7 =	smul.u32 @!p0 $0xF7A, s2;
	p2 =	seq.s32 @!p0 s5, $0x0  }
0x1f: {  	s9 =	smul.u32 $0xF7A, s1;
	s8 =	simm.s32 @!p0 $0x1BF5;
	p2 =	por !p2, p0  }
0x20: {  	[sflag:s8] =	ssyncset.s32 @!p0 $0xFFFFF086;
	s6 =	sadd.s32 @!p0 s3, s7;
	s7 =	simm.s32 @!p0 $0x108  }
0x21: {  	s3 =	sadd.s32 s3, s9;
	s6 =	sadd.s32 @!p0 $0x88, s6;
	s7 =	simm.s32 @p2 $0x1082  }
0x22: {  	[simem:s7], [sflag:s8] =	dma.local @!p0 [hbm:s6], $0xF7A  }
0x23: {  	s9 =	sor.u32 $0xD0000000, s2;
	s6 =	simm.s32 $0x108;
	_ =	swait.ge @!p0 [sflag:s8], $0x0  }
0x24: {  	s3 =	sadd.s32 $0x88, s3;
	s6 =	simm.s32 @!p1 $0x1082;
	[sflag:s4] =	ssyncset.s32 $0xFFFFF086  }
0x25: {  	[simem:s6], [sflag:s4] =	dma.local [hbm:s3], $0xF7A  }
0x26: {  	[smem:$0x3F9B] =	sst s1;
	(tag) =	ssettag s2;
	_ =	strace s9  }
0x27: {  	s1 =	sld [smem:$0x3FAB]  }
0x28: {  	s2 =	sld [smem:$0x3FAC]  }
0x29: {  	s4 =	sld [smem:$0x3FAE]  }
0x2a: {  	p0 =	seq.s32 s5, $0x0;
	s5 =	sld [smem:$0x3FAF]  }
0x2b: {  	s6 =	sld [smem:$0x3FB0]  }
0x2c: {  	s7 =	sld [smem:$0x3FB1]  }
0x2d: {  	s3 =	simm.s32 $0x108;
	s8 =	sld [smem:$0x3FB2]  }
0x2e: {  	s3 =	simm.s32 @!p0 $0x1082;
	s9 =	sld [smem:$0x3FB3]  }
0x2f: {  	lr =	sadd.s32 s0, s3;
	s0 =	sld [smem:$0x3FAA]  }
0x30: {  	s3 =	sld [smem:$0x3FAD]  }
0x31: {  	[smem:$0x3FB6] =	sst s10  }
0x32: {  	s10 =	sld [smem:$0x3FB4];
	_ =	sdelay $0x3  }
0x33: {  	p0 =	seq.s32 s10, $0x1;
	s10 =	sld [smem:$0x3FB6];
	_ =	sdelay $0x3  }
0x34: {  	[smem:$0x3FB6] =	sst s10  }
0x35: {  	s10 =	sld [smem:$0x3FB5];
	_ =	sdelay $0x3  }
0x36: {  	p1 =	seq.s32 s10, $0x1;
	s10 =	sld [smem:$0x3FB6];
	_ =	sdelay $0x3  }
0x37: {  	[smem:$0x3FB6] =	sst s10  }
0x38: {  	s10 =	sld [smem:$0x3FB7]  }
0x39: {  	_ = 	snop;
	(pc) =	sbr.ind lr, $3  }
0x3a: {  	_ = 	snop  }
0x3b: {  	_ = 	snop  }
0x3c: {  	p2 =	seq.s32 s10, $0x1;
	s10 =	sld [smem:$0x3FB6]  }
0x3d: {  	_ =	shalt  }
0x3e: {  	_ =	shalt  }
0x3f: {  	_ =	shalt  }
0x40: {  	_ =	shalt  }
0x41: {  	_ =	shalt  }
0x42: {  	_ =	shalt  }
0x43: {  	_ =	shalt  }
0x44: {  	_ =	shalt  }
0x45: {  	_ =	shalt  }
0x46: {  	_ =	shalt  }
0x47: {  	_ =	shalt  }
0x48: {  	_ =	shalt  }
0x49: {  	_ =	shalt  }
0x4a: {  	_ =	shalt  }
0x4b: {  	_ =	shalt  }
0x4c: {  	_ =	shalt  }
0x4d: {  	_ =	shalt  }
0x4e: {  	_ =	shalt  }
0x4f: {  	_ =	shalt  }
0x50: {  	_ =	shalt  }
0x51: {  	_ =	shalt  }
0x52: {  	_ =	shalt  }
0x53: {  	_ =	shalt  }
0x54: {  	_ =	shalt  }
0x55: {  	_ =	shalt  }
0x56: {  	_ =	shalt  }
0x57: {  	_ =	shalt  }
0x58: {  	_ =	shalt  }
0x59: {  	_ =	shalt  }
0x5a: {  	_ =	shalt  }
0x5b: {  	_ =	shalt  }
0x5c: {  	_ =	shalt  }
0x5d: {  	_ =	shalt  }
0x5e: {  	_ =	shalt  }
0x5f: {  	_ =	shalt  }
0x60: {  	_ =	shalt  }
0x61: {  	_ =	shalt  }
0x62: {  	_ =	shalt  }
0x63: {  	_ =	shalt  }
0x64: {  	_ =	shalt  }
0x65: {  	_ =	shalt  }
0x66: {  	_ =	shalt  }
0x67: {  	_ =	shalt  }
0x68: {  	_ =	shalt  }
0x69: {  	_ =	shalt  }
0x6a: {  	_ =	shalt  }
0x6b: {  	_ =	shalt  }
0x6c: {  	_ =	shalt  }
0x6d: {  	_ =	shalt  }
0x6e: {  	_ =	shalt  }
0x6f: {  	_ =	shalt  }
0x70: {  	_ =	shalt  }
0x71: {  	_ =	shalt  }
0x72: {  	_ =	shalt  }
0x73: {  	_ =	shalt  }
0x74: {  	_ =	shalt  }
0x75: {  	_ =	shalt  }
0x76: {  	_ =	shalt  }
0x77: {  	_ =	shalt  }
0x78: {  	_ =	shalt  }
0x79: {  	_ =	shalt  }
0x7a: {  	_ =	shalt  }
0x7b: {  	_ =	shalt  }
0x7c: {  	_ =	shalt  }
0x7d: {  	_ =	shalt  }
0x7e: {  	_ =	shalt  }
0x7f: {  	_ =	shalt  }
0x80: {  	_ =	shalt  }
0x81: {  	_ =	shalt  }
0x82: {  	_ =	shalt  }
0x83: {  	_ =	shalt  }
0x84: {  	_ =	shalt  }
0x85: {  	_ =	shalt  }
0x86: {  	_ =	shalt  }
0x87: {  	_ =	shalt  }
.Lfunc_end0:
.L_simem_size_0:
called_computation_lowered:
.L_overlay_start_0:
0x88: {  	s2 =	sld [smem:$0x3FD9]  }
0x89: {  	s3 =	sld [smem:$0x3FFE];
	_ =	sdelay $0x1  }
0x8a: {  	s1 =	srdreg.scid  }
0x8b: {  	s0 =	sand.u32 $0x1, s1  }
0x8c: {  	s16 =	sshll.u32 s0, $0xA;
	s2 =	sadd.s32 s3, s2  }
0x8d: {  	s2 =	sadd.s32 s2, s16  }
0x8e: {  	[smem:$0x3FC2] =	sst s2  }
0x8f: {  	_ = 	snop  }
0x90: {  	(tm) =	ssettm $0x1  }
0x91: {  	s17 =	sld [smem:$0x3FFB];
	_ =	sdelay $0x3  }
0x92: {  	_ =	strace s17  }
0x93: {  	s2 =	sld [smem:$0x3FFC];
	_ =	sdelay $0x3  }
0x94: {  	_ =	strace s2  }
0x95: {  	s2 =	sld [smem:$0x3FFD];
	_ =	sdelay $0x3  }
0x96: {  	_ =	strace s2  }
0x97: {  	_ =	strace $0x8FFFFFFF  }
0x98: {  	s18 =	sld [smem:$0x3FDB];
	_ =	sdelay $0x1  }
0x99: {  	s19 =	simm.s32 $_scs_section_size  }
0x9a: {  	s4 =	simm.s32 $_size__tile_overlayer_lowered;
	s5 =	simm.s32 $_tile_overlayer_lowered  }
0x9b: {  	s22 =	simm.s32 $0x1BFF;
	s21 =	sshll.u32 s5, $0x1;
	s2 =	sadd.s32 s19, s18  }
0x9c: {  	s6 =	simm.s32 $0x0;
	s20 =	sshll.u32 s4, $0x1;
	s4 =	sadd.s32 s21, s2  }
0x9d: {  	[timem:s6], [sflag:s22] =	dma.local [hbm:s4], s20  }
0x9e: {  	_ =	swait.ge [sflag:s22], s20  }
0x9f: {  	s3 =	ssub.s32 $0x0, s20;
	[sflag:s22] =	ssyncset.done $0x0  }
0xa0: {  	[sflag:s22] =	ssyncadd.s32 s3;
	_ =	sdelay $0x1  }
0xa1: {  	s23 =	simm.s32 $0x1B8B  }
0xa2: {  	_ =	swait.ge [sflag:s23], $0x1  }
0xa3: {  	[sflag:s23] =	ssyncset.done $0x0  }
0xa4: {  	s25 =	simm.s32 $0x1B8E;
	s24 =	sld [smem:$0x3FFE];
	[sflag:s23] =	ssyncadd.s32 $0xFFFFFFFF  }
0xa5: {  	s26 =	simm.s32 $execute0_lowered;
	[smem:$0x3FD2] =	sst s25  }
0xa6: {  	s4 =	sshll.u32 s26, $0x1;
	_ =	strace $0x80000046;
	[dreg:$0x1] =	wrdreg $0xFFFFFFFF  }
0xa7: {  	s28 =	simm.s32 $_size_execute0_lowered;
	s2 =	sadd.s32 s2, s4;
	[dreg:$0x0] =	wrdreg $0x0  }
0xa8: {  	s4 =	sshll.u32 s28, $0x1;
	[dreg:$0x2] =	wrdreg s2  }
0xa9: {  	[dreg:$0x3] =	wrdreg s4  }
0xaa: {  	[dreg:$0x4] =	wrdreg $0xC0  }
0xab: {  	_ =	task [dreg:s6], $0x5FFFF  }
0xac: {  	[dreg:$0x1] =	wrdreg $0xFFFFFFFF  }
0xad: {  	[dreg:$0x0] =	wrdreg $0x60  }
0xae: {  	[dreg:$0x2] =	wrdreg s24  }
0xaf: {  	[dreg:$0x3] =	wrdreg $0x5000  }
0xb0: {  	[dreg:$0x4] =	wrdreg $0x7800  }
0xb1: {  	[dreg:$0x5] =	wrdreg $0x9  }
0xb2: {  	_ =	task.clear_ibuf [dreg:s6], $0x6FFFF;
	_ =	strace $0x90000046  }
0xb3: {  	s29 =	simm.s32 $0x9;
	_ =	strace $0x80000048  }
0xb4: {  	_ =	swait.ge [sflag:s29], $0x1  }
0xb5: {  	[sflag:s29] =	ssyncadd.s32 $0xFFFFFFFF  }
0xb6: {  	_ =	strace $0x90000048  }
0xb7: {  	_ =	sfence  }
0xb8: {  	s30 =	sld [smem:$0x0];
	_ =	sdelay $0x2  }
0xb9: {  	s31 =	sshll.u32 s1, $0xD;
	s1 =	sshrl.u32 s1, $0x2  }
0xba: {  	s3 =	sand.u32 $0x4000, s31;
	s1 =	sadd.s32 s1, s30  }
0xbb: {  	s0 =	sor.u32 s3, s0;
	s1 =	sshll.u32 s1, $0x11  }
0xbc: {  	s0 =	sor.u32 s1, s0  }
0xbd: {  	s0 =	sadd.s32 $0x8F2B, s0  }
0xbe: {  	[sflag:s0] =	ssyncadd.remote.s32 $0x1  }
0xbf: {  	_ =	sfence.sel $0xFFFF  }
0xc0: {  	[dreg:$0x0] =	wrdreg $0xFFFFFFFF;
	(pc) =	sbr.abs _section_cstart, $3  }
0xc1: {  	[dreg:$0x1] =	wrdreg $0xFFFFFFFF  }
0xc2: {  	_ =	task.clear_ibuf [dreg:s6], $0x2FFFF;
	_ =	strace $0x9FFFFFFF  }
0xc3: {  	(tm) =	ssettm $0x7FFFFFFF  }
tec
execute0_lowered:
.L_overlay_start_1:
0x0: {  	(tag) =	ssettag $0x1  }
0x1: {  	s0 =	rddreg [dreg:$0x0]  }
0x2: {  	s2 =	rddreg [dreg:$0x1]  }
0x3: {  	s3 =	rddreg [dreg:$0x2];
	s1 =	srdreg.scid  }
0x4: {  	s13 =	stileid.u32;
	s4 =	simm.s32 $0x0;
	s28 =	simm.s32 $0x7  }
0x5: {  	s29 =	simm.s32 $0x4;
	s30 =	simm.s32 $0x8;
	s31 =	simm.s32 $0xA  }
0x6: {  	s1 =	sand.u32 $0x1, s1;
	s5 =	smul.u32 $0x280, s13;
	[smem:$0x7FF] =	sst s4  }
0x7: {  	s7 =	sadd.s32 $0x2400, s0;
	s8 =	sadd.s32 $0x16400, s0;
	s15 =	smul.u32 $0x5000, s13  }
0x8: {  	s12 =	sshll.u32 s13, $0x1;
	s6 =	smul.u32 $0x2800, s1;
	s10 =	ssub.s32 $0x2, s1  }
0x9: {  	_ =	strace $0x80000047;
	s1 =	sor.u32 s1, s12;
	s11 =	sshrl.u32 s10, $0x1  }
0xa: {  	s16 =	sadd.s32 s5, s2;
	s26 =	sadd.s32 $0x80, s5;
	s1 =	smul.u32 $0x2800, s1  }
0xb: {  	s14 =	sadd.s32 $0x100, s5;
	s9 =	sadd.s32 s5, s6;
	s12 =	sadd.s32 s26, s2  }
0xc: {  	s17 =	sadd.s32 s14, s2;
	s18 =	sadd.s32 s14, s3;
	[dreg:$0x4] =	wrdreg s16  }
0xd: {  	s6 =	sadd.s32 s6, s15;
	s14 =	sadd.s32 $0x180, s5;
	[dreg:$0x5] =	wrdreg s12  }
0xe: {  	s15 =	sadd.s32 s5, s3;
	s5 =	sadd.s32 $0x200, s5;
	[dreg:$0x7] =	wrdreg s17  }
0xf: {  	s9 =	sshrl.u32 s9, $0x3;
	s1 =	sshrl.u32 s1, $0x3;
	[dreg:$0x8] =	wrdreg s18  }
0x10: {  	s21 =	sor.u32 $0x280, s6;
	s23 =	sor.u32 $0x200, s6;
	[dreg:$0xf] =	wrdreg s15  }
0x11: {  	s15 =	simm.s32 $0x0;
	s0 =	sadd.s32 s9, s0;
	s9 =	ssub.s32 s10, s11  }
0x12: {  	s10 =	sadd.s32 s26, s3;
	s19 =	sadd.s32 s7, s1;
	s20 =	sadd.s32 s8, s1  }
0x13: {  	s1 =	sor.u32 $0x10, s1;
	s25 =	sshrl.u32 s23, $0x3;
	[dreg:$0x6] =	wrdreg s10  }
0x14: {  	s11 =	sor.u32 $0x180, s6;
	s6 =	sor.u32 $0x100, s6;
	[dreg:$0x9] =	wrdreg s19  }
0x15: {  	s23 =	sadd.s32 s5, s2;
	[dreg:$0xa] =	wrdreg s20;
	s22 =	sadd.s32 s7, s1  }
0x16: {  	s10 =	sshrl.u32 s21, $0x3;
	s1 =	sadd.s32 s8, s1;
	s26 =	sadd.s32 s25, s8  }
0x17: {  	s17 =	sadd.s32 s25, s7;
	s12 =	sshrl.u32 s11, $0x3;
	s13 =	sshrl.u32 s6, $0x3  }
0x18: {  	[dreg:$0x12] =	wrdreg s23;
	s25 =	sadd.s32 $0x20400, s0;
	s0 =	sadd.s32 $0x20E00, s0  }
0x19: {  	s6 =	simm.s32 $0x80;
	s11 =	simm.s32 $0x100;
	[dreg:$0xb] =	wrdreg s22  }
0x1a: {  	s23 =	simm.s32 $0x6;
	[dreg:$0xc] =	wrdreg s1;
	s24 =	sadd.s32 s10, s8  }
0x1b: {  	s10 =	sadd.s32 s10, s7;
	[dreg:$0x17] =	wrdreg s26;
	s18 =	sadd.s32 s12, s8  }
0x1c: {  	s19 =	sadd.s32 s12, s7;
	s20 =	sadd.s32 s13, s8;
	s21 =	sadd.s32 s13, s7  }
0x1d: {  	s22 =	sadd.s32 s14, s2;
	s1 =	sadd.s32 s14, s3;
	[dreg:$0x14] =	wrdreg s25  }
0x1e: {  	[dreg:$0x15] =	wrdreg s0;
	s26 =	smax.u32 s9, $0x1;
	s14 =	simm.s32 $0x11  }
0x1f: {  	s7 =	simm.s32 $0x280;
	s8 =	simm.s32 $0x1;
	[dreg:$0xd] =	wrdreg s24  }
0x20: {  	s9 =	simm.s32 $0x5;
	s12 =	simm.s32 $0x300;
	[dreg:$0xe] =	wrdreg s10  }
.Ltmp0:
0x21: {  	s13 =	simm.s32 $0x2;
	[dreg:$0x10] =	wrdreg s22;
	(pc) =	sbr.rel .LBB2_1-.Ltmp0, $4  }
0x22: {  	s25 =	simm.s32 $0x380;
	s0 =	simm.s32 $0xE;
	[dreg:$0x11] =	wrdreg s1  }
0x23: {  	s24 =	sadd.s32 s5, s3;
	[dreg:$0x16] =	wrdreg s26;
	s1 =	simm.s32 $0x200  }
0x24: {  	s10 =	simm.s32 $0x400;
	s26 =	simm.s32 $0x3;
	s5 =	simm.s32 $0x9  }
0x25: {  	v0 =	vimm.f32 $1.000000000e+00;
	v1 =	vimm.f32 $0.0e+00;
	s22 =	simm.s32 $0xD;
	[dreg:$0x13] =	wrdreg s24;
	s24 =	simm.s32 $0x180  }
.LBB2_4:
0x26: {  	_ =	swait.ge [sflag:s29], $0x80  }
0x27: {  	[sflag:s29] =	ssyncset.done $0x0  }
0x28: {  	[sflag:s29] =	ssyncadd.s32 $0xFFFFFF80  }
0x29: {  	_ =	swait.ge [sflag:s30], $0x80  }
0x2a: {  	[sflag:s30] =	ssyncset.done $0x0  }
0x2b: {  	[sflag:s30] =	ssyncadd.s32 $0xFFFFFF80  }
0x2c: {  	[spmem:s2] =	stream.indirect.scatter.add.f32 [tilespmem:s10], [sflag:$0xC], $0x1, s24, s6, $0xb8;
	[tilespmem:$0xA00] =	vst v63  }
0x2d: {  	_ = 	snop  }
0x2e: {  	[spmem:s3] =	stream.indirect.scatter.add.f32 [tilespmem:s10], [sflag:$0x10], $0x1, s25, s6, $0xb8;
	[tilespmem:$0xA00] =	vst v63  }
0x2f: {  	_ =	swait.ge [sflag:s5], $0x80  }
0x30: {  	[sflag:s5] =	ssyncset.done $0x0  }
0x31: {  	[sflag:s5] =	ssyncadd.s32 $0xFFFFFF80  }
0x32: {  	_ =	swait.ge [sflag:s22], $0x80  }
0x33: {  	[sflag:s22] =	ssyncset.done $0x0  }
0x34: {  	[sflag:s22] =	ssyncadd.s32 $0xFFFFFF80  }
0x35: {  	_ =	swait.ge [sflag:s31], $0x80  }
0x36: {  	[sflag:s31] =	ssyncset.done $0x0  }
0x37: {  	[sflag:s31] =	ssyncadd.s32 $0xFFFFFF80  }
0x38: {  	_ =	swait.ge [sflag:s0], $0x80  }
0x39: {  	[sflag:s0] =	ssyncset.done $0x0  }
0x3a: {  	s14 =	simm.s32 $0xB;
	[sflag:s0] =	ssyncadd.s32 $0xFFFFFF80  }
0x3b: {  	_ =	swait.ge [sflag:s14], $0x80  }
0x3c: {  	[sflag:s14] =	ssyncset.done $0x0  }
0x3d: {  	s15 =	simm.s32 $0xF;
	[sflag:s14] =	ssyncadd.s32 $0xFFFFFF80  }
0x3e: {  	_ =	swait.ge [sflag:s15], $0x80  }
0x3f: {  	[sflag:s15] =	ssyncset.done $0x0  }
0x40: {  	s16 =	simm.s32 $0xC;
	[sflag:s15] =	ssyncadd.s32 $0xFFFFFF80  }
0x41: {  	_ =	swait.ge [sflag:s16], $0x80  }
0x42: {  	[sflag:s16] =	ssyncset.done $0x0  }
0x43: {  	s15 =	simm.s32 $0x10;
	[sflag:s16] =	ssyncadd.s32 $0xFFFFFF80  }
0x44: {  	_ =	swait.ge [sflag:s15], $0x80  }
0x45: {  	s16 =	stileid.u32;
	[sflag:s15] =	ssyncset.done $0x0  }
0x46: {  	s14 =	sshll.u32 s16, $0x6;
	[sflag:s15] =	ssyncadd.s32 $0xFFFFFF80  }
0x47: {  	s16 =	sor.u32 $0x1C11, s14;
	[bflag:$0x0] =	sbarrier.arrive $0xFFFF  }
0x48: {  	[dreg:$0x19] =	wrdreg s16  }
0x49: {  	s15 =	rddreg [dreg:$0x4]  }
0x4a: {  	s14 =	rddreg [dreg:$0x14];
	s15 =	sshrl.u32 s15, $0x3  }
0x4b: {  	[hbm:s14], [sflag:s16] =	dma.local [spmem:s15], $0x50  }
0x4c: {  	s16 =	simm.s32 $0x11  }
0x4d: {  	_ =	swait.ge [sflag:s16], $0x50  }
0x4e: {  	s15 =	rddreg [dreg:$0xf]  }
0x4f: {  	[sflag:s16] =	ssyncset.done $0x0;
	s14 =	rddreg [dreg:$0x15]  }
0x50: {  	[sflag:s16] =	ssyncadd.s32 $0xFFFFFFB0;
	s15 =	sshrl.u32 s15, $0x3;
	s16 =	rddreg [dreg:$0x19]  }
0x51: {  	[hbm:s14], [sflag:s16] =	dma.local [spmem:s15], $0x50  }
0x52: {  	s14 =	simm.s32 $0x11  }
0x53: {  	_ =	swait.ge [sflag:s14], $0x50  }
0x54: {  	s16 =	rddreg [dreg:$0x18]  }
0x55: {  	[sflag:s14] =	ssyncset.done $0x0;
	s14 =	rddreg [dreg:$0x16];
	s15 =	sadd.s32 $0x1, s16  }
0x56: {  	p0 =	sne.s32 s15, s14  }
.Ltmp1:
0x57: {  	_ = 	snop;
	(pc) =	sbr.rel @!p0 .LBB2_5-.Ltmp1, $3  }
0x58: {  	_ =	sdelay $0x1  }
0x59: {  	s14 =	simm.s32 $0x11  }
0x5a: {  	s16 =	rddreg [dreg:$0x4];
	[sflag:s14] =	ssyncadd.s32 $0xFFFFFFB0  }
.LBB2_1:
0x5b: {  	[tilespmem:$0x400] =	vst v0  }
0x5c: {  	[tilespmem:$0x480] =	vst v1  }
0x5d: {  	[tilespmem:$0x410] =	vst v0  }
0x5e: {  	[tilespmem:$0x490] =	vst v1  }
0x5f: {  	[tilespmem:$0x420] =	vst v0  }
0x60: {  	[tilespmem:$0x4A0] =	vst v1  }
0x61: {  	[tilespmem:$0x430] =	vst v0  }
0x62: {  	[tilespmem:$0x4B0] =	vst v1  }
0x63: {  	[tilespmem:$0x440] =	vst v0  }
0x64: {  	[tilespmem:$0x4C0] =	vst v1  }
0x65: {  	[tilespmem:$0x450] =	vst v0  }
0x66: {  	[tilespmem:$0x4D0] =	vst v1  }
0x67: {  	[tilespmem:$0x460] =	vst v0  }
0x68: {  	[tilespmem:$0x4E0] =	vst v1  }
0x69: {  	[tilespmem:$0x470] =	vst v0  }
0x6a: {  	[dreg:$0x18] =	wrdreg s15;
	[tilespmem:$0x4F0] =	vst v1;
	s15 =	simm.s32 $0x480  }
0x6b: {  	[spmem:s16] =	stream.linear.scatter [tilespmem:s15], [sflag:$0x11], $0x80, $0x38;
	[tilespmem:$0xA00] =	vst v63  }
0x6c: {  	_ =	swait.ge [sflag:s14], $0x80  }
0x6d: {  	[sflag:s14] =	ssyncset.done $0x0  }
0x6e: {  	s16 =	rddreg [dreg:$0xf];
	[sflag:s14] =	ssyncadd.s32 $0xFFFFFF80  }
0x6f: {  	[spmem:s16] =	stream.linear.scatter [tilespmem:s15], [sflag:$0x11], $0x80, $0x38;
	[tilespmem:$0xA00] =	vst v63  }
0x70: {  	_ =	swait.ge [sflag:s14], $0x80  }
0x71: {  	[sflag:s14] =	ssyncset.done $0x0  }
0x72: {  	s16 =	simm.s32 $0x11;
	[sflag:s14] =	ssyncadd.s32 $0xFFFFFF80;
	s14 =	rddreg [dreg:$0x5]  }
0x73: {  	[spmem:s14] =	stream.linear.scatter [tilespmem:s15], [sflag:$0x11], $0x80, $0x38;
	[tilespmem:$0xA00] =	vst v63  }
0x74: {  	_ =	swait.ge [sflag:s16], $0x80  }
0x75: {  	[sflag:s16] =	ssyncset.done $0x0  }
0x76: {  	s14 =	rddreg [dreg:$0x6];
	[sflag:s16] =	ssyncadd.s32 $0xFFFFFF80  }
0x77: {  	[spmem:s14] =	stream.linear.scatter [tilespmem:s15], [sflag:$0x11], $0x80, $0x38;
	[tilespmem:$0xA00] =	vst v63  }
0x78: {  	_ =	swait.ge [sflag:s16], $0x80  }
0x79: {  	[sflag:s16] =	ssyncset.done $0x0  }
0x7a: {  	s14 =	rddreg [dreg:$0x7];
	[sflag:s16] =	ssyncadd.s32 $0xFFFFFF80  }
0x7b: {  	[spmem:s14] =	stream.linear.scatter [tilespmem:s15], [sflag:$0x11], $0x80, $0x38;
	[tilespmem:$0xA00] =	vst v63  }
0x7c: {  	_ =	swait.ge [sflag:s16], $0x80  }
0x7d: {  	[sflag:s16] =	ssyncset.done $0x0  }
0x7e: {  	s14 =	rddreg [dreg:$0x8];
	[sflag:s16] =	ssyncadd.s32 $0xFFFFFF80  }
0x7f: {  	[spmem:s14] =	stream.linear.scatter [tilespmem:s15], [sflag:$0x11], $0x80, $0x38;
	[tilespmem:$0xA00] =	vst v63  }
0x80: {  	_ =	swait.ge [sflag:s16], $0x80  }
0x81: {  	[sflag:s16] =	ssyncset.done $0x0  }
0x82: {  	s14 =	rddreg [dreg:$0x10];
	[sflag:s16] =	ssyncadd.s32 $0xFFFFFF80  }
0x83: {  	[spmem:s14] =	stream.linear.scatter [tilespmem:s15], [sflag:$0x11], $0x80, $0x38;
	[tilespmem:$0xA00] =	vst v63  }
0x84: {  	_ =	swait.ge [sflag:s16], $0x80  }
0x85: {  	[sflag:s16] =	ssyncset.done $0x0  }
0x86: {  	s14 =	rddreg [dreg:$0x11];
	[sflag:s16] =	ssyncadd.s32 $0xFFFFFF80  }
0x87: {  	[spmem:s14] =	stream.linear.scatter [tilespmem:s15], [sflag:$0x11], $0x80, $0x38;
	[tilespmem:$0xA00] =	vst v63  }
0x88: {  	_ =	swait.ge [sflag:s16], $0x80  }
0x89: {  	[sflag:s16] =	ssyncset.done $0x0  }
0x8a: {  	s14 =	rddreg [dreg:$0x12];
	[sflag:s16] =	ssyncadd.s32 $0xFFFFFF80  }
0x8b: {  	[spmem:s14] =	stream.linear.scatter [tilespmem:s15], [sflag:$0x11], $0x80, $0x38;
	[tilespmem:$0xA00] =	vst v63  }
0x8c: {  	_ =	swait.ge [sflag:s16], $0x80  }
0x8d: {  	[sflag:s16] =	ssyncset.done $0x0  }
0x8e: {  	s14 =	rddreg [dreg:$0x13];
	[sflag:s16] =	ssyncadd.s32 $0xFFFFFF80  }
0x8f: {  	[spmem:s14] =	stream.linear.scatter [tilespmem:s15], [sflag:$0x11], $0x80, $0x38;
	[tilespmem:$0xA00] =	vst v63  }
0x90: {  	_ =	swait.ge [sflag:s16], $0x80  }
0x91: {  	[sflag:s16] =	ssyncset.done $0x0  }
0x92: {  	[sflag:s16] =	ssyncadd.s32 $0xFFFFFF80  }
0x93: {  	[bflag:$0x0] =	sbarrier.arrive $0xFFFF  }
0x94: {  	s15 =	rddreg [dreg:$0x9]  }
0x95: {  	[tilespmem:s4], [sflag:$0x1] =	stream.linear.gather [hbm4b:s15+s4], $0x80, $0x38;
	[tilespmem:$0xA00] =	vst v63  }
0x96: {  	s16 =	rddreg [dreg:$0xa]  }
0x97: {  	[tilespmem:s1], [sflag:$0x5] =	stream.linear.gather [hbm4b:s16+s4], $0x80, $0x38;
	[tilespmem:$0xA00] =	vst v63  }
0x98: {  	s15 =	rddreg [dreg:$0xb]  }
0x99: {  	[tilespmem:s6], [sflag:$0x2] =	stream.linear.gather [hbm4b:s15+s4], $0x80, $0x38;
	[tilespmem:$0xA00] =	vst v63  }
0x9a: {  	s16 =	rddreg [dreg:$0xc]  }
0x9b: {  	[tilespmem:s7], [sflag:$0x6] =	stream.linear.gather [hbm4b:s16+s4], $0x80, $0x38;
	[tilespmem:$0xA00] =	vst v63  }
0x9c: {  	s14 =	simm.s32 $0x0;
	s16 =	rddreg [dreg:$0x17]  }
.LBB2_2:
0x9d: {  	_ =	swait.ge [sflag:s8], $0x80  }
0x9e: {  	[sflag:s8] =	ssyncset.done $0x0  }
0x9f: {  	[sflag:s8] =	ssyncadd.s32 $0xFFFFFF80  }
0xa0: {  	_ =	swait.ge [sflag:s9], $0x80  }
0xa1: {  	[sflag:s9] =	ssyncset.done $0x0  }
0xa2: {  	p0 =	seq.s32 s14, $0x0;
	[sflag:s9] =	ssyncadd.s32 $0xFFFFFF80  }
0xa3: {  	[spmem:s2] =	stream.indirect.scatter.add.f32 [tilespmem:s10], [sflag:$0x9], $0x1, s4, s6, $0xb8;
	[tilespmem:$0xA00] =	vst v63  }
0xa4: {  	s15 =	simm.s32 @!p0 $0xB  }
0xa5: {  	[spmem:s3] =	stream.indirect.scatter.add.f32 [tilespmem:s10], [sflag:$0xD], $0x1, s1, s6, $0xb8;
	[tilespmem:$0xA00] =	vst v63  }
0xa6: {  	_ =	swait.ge @!p0 [sflag:s15], $0x80  }
0xa7: {  	[sflag:s15] =	ssyncset.done @!p0 $0x0  }
0xa8: {  	[sflag:s15] =	ssyncadd.s32 @!p0 $0xFFFFFF80;
	s15 =	simm.s32 @!p0 $0xF  }
0xa9: {  	_ =	swait.ge @!p0 [sflag:s15], $0x80  }
0xaa: {  	[sflag:s15] =	ssyncset.done @!p0 $0x0  }
0xab: {  	[sflag:s15] =	ssyncadd.s32 @!p0 $0xFFFFFF80;
	s15 =	sadd.s32 s14, s21  }
0xac: {  	[tilespmem:s11], [sflag:$0x3] =	stream.linear.gather [hbm4b:s15+s4], $0x80, $0x38;
	[tilespmem:$0xA00] =	vst v63  }
0xad: {  	s15 =	sadd.s32 s14, s20  }
0xae: {  	[tilespmem:s12], [sflag:$0x7] =	stream.linear.gather [hbm4b:s15+s4], $0x80, $0x38;
	[tilespmem:$0xA00] =	vst v63  }
0xaf: {  	_ =	swait.ge [sflag:s13], $0x80  }
0xb0: {  	[sflag:s13] =	ssyncset.done $0x0  }
0xb1: {  	[sflag:s13] =	ssyncadd.s32 $0xFFFFFF80  }
0xb2: {  	_ =	swait.ge [sflag:s23], $0x80  }
0xb3: {  	[sflag:s23] =	ssyncset.done $0x0  }
0xb4: {  	[sflag:s23] =	ssyncadd.s32 $0xFFFFFF80  }
0xb5: {  	[spmem:s2] =	stream.indirect.scatter.add.f32 [tilespmem:s10], [sflag:$0xA], $0x1, s6, s6, $0xb8;
	[tilespmem:$0xA00] =	vst v63  }
0xb6: {  	s15 =	simm.s32 @!p0 $0xC  }
0xb7: {  	[spmem:s3] =	stream.indirect.scatter.add.f32 [tilespmem:s10], [sflag:$0xE], $0x1, s7, s6, $0xb8;
	[tilespmem:$0xA00] =	vst v63  }
0xb8: {  	_ =	swait.ge @!p0 [sflag:s15], $0x80  }
0xb9: {  	[sflag:s15] =	ssyncset.done @!p0 $0x0  }
0xba: {  	[sflag:s15] =	ssyncadd.s32 @!p0 $0xFFFFFF80;
	s15 =	simm.s32 @!p0 $0x10  }
0xbb: {  	_ =	swait.ge @!p0 [sflag:s15], $0x80  }
0xbc: {  	[sflag:s15] =	ssyncset.done @!p0 $0x0  }
0xbd: {  	[sflag:s15] =	ssyncadd.s32 @!p0 $0xFFFFFF80;
	s15 =	sadd.s32 s14, s19  }
0xbe: {  	[tilespmem:s24], [sflag:$0x4] =	stream.linear.gather [hbm4b:s15+s4], $0x80, $0x38;
	[tilespmem:$0xA00] =	vst v63  }
0xbf: {  	s15 =	sadd.s32 s14, s18  }
0xc0: {  	[tilespmem:s25], [sflag:$0x8] =	stream.linear.gather [hbm4b:s15+s4], $0x80, $0x38;
	[tilespmem:$0xA00] =	vst v63  }
0xc1: {  	_ =	swait.ge [sflag:s26], $0x80  }
0xc2: {  	[sflag:s26] =	ssyncset.done $0x0  }
0xc3: {  	[sflag:s26] =	ssyncadd.s32 $0xFFFFFF80  }
0xc4: {  	p0 =	seq.s32 s14, $0x4C0;
	_ =	swait.ge [sflag:s28], $0x80  }
.Ltmp2:
0xc5: {  	[sflag:s28] =	ssyncset.done $0x0;
	(pc) =	sbr.rel @p0 .LBB2_4-.Ltmp2, $4  }
0xc6: {  	[sflag:s28] =	ssyncadd.s32 $0xFFFFFF80  }
0xc7: {  	[spmem:s2] =	stream.indirect.scatter.add.f32 [tilespmem:s10], [sflag:$0xB], $0x1, s11, s6, $0xb8;
	[tilespmem:$0xA00] =	vst v63  }
0xc8: {  	_ = 	snop  }
0xc9: {  	[spmem:s3] =	stream.indirect.scatter.add.f32 [tilespmem:s10], [sflag:$0xF], $0x1, s12, s6, $0xb8;
	[tilespmem:$0xA00] =	vst v63  }
0xca: {  	_ =	swait.ge [sflag:s5], $0x80  }
0xcb: {  	[sflag:s5] =	ssyncset.done $0x0  }
0xcc: {  	[sflag:s5] =	ssyncadd.s32 $0xFFFFFF80  }
0xcd: {  	_ =	swait.ge [sflag:s22], $0x80  }
0xce: {  	[sflag:s22] =	ssyncset.done $0x0  }
0xcf: {  	s15 =	sadd.s32 s14, s17;
	[sflag:s22] =	ssyncadd.s32 $0xFFFFFF80  }
0xd0: {  	[tilespmem:s4], [sflag:$0x1] =	stream.linear.gather [hbm4b:s15+s4], $0x80, $0x38;
	[tilespmem:$0xA00] =	vst v63  }
0xd1: {  	s15 =	sadd.s32 s14, s16  }
0xd2: {  	[tilespmem:s1], [sflag:$0x5] =	stream.linear.gather [hbm4b:s15+s4], $0x80, $0x38;
	[tilespmem:$0xA00] =	vst v63  }
0xd3: {  	_ =	swait.ge [sflag:s29], $0x80  }
0xd4: {  	[sflag:s29] =	ssyncset.done $0x0  }
0xd5: {  	[sflag:s29] =	ssyncadd.s32 $0xFFFFFF80  }
0xd6: {  	_ =	swait.ge [sflag:s30], $0x80  }
0xd7: {  	[sflag:s30] =	ssyncset.done $0x0  }
0xd8: {  	[sflag:s30] =	ssyncadd.s32 $0xFFFFFF80  }
0xd9: {  	[spmem:s2] =	stream.indirect.scatter.add.f32 [tilespmem:s10], [sflag:$0xC], $0x1, s24, s6, $0xb8;
	[tilespmem:$0xA00] =	vst v63  }
0xda: {  	_ = 	snop  }
0xdb: {  	[spmem:s3] =	stream.indirect.scatter.add.f32 [tilespmem:s10], [sflag:$0x10], $0x1, s25, s6, $0xb8;
	[tilespmem:$0xA00] =	vst v63  }
0xdc: {  	_ =	swait.ge [sflag:s31], $0x80  }
0xdd: {  	[sflag:s31] =	ssyncset.done $0x0  }
0xde: {  	[sflag:s31] =	ssyncadd.s32 $0xFFFFFF80  }
0xdf: {  	_ =	swait.ge [sflag:s0], $0x80  }
0xe0: {  	[sflag:s0] =	ssyncset.done $0x0;
	s15 =	rddreg [dreg:$0xe]  }
.Ltmp3:
0xe1: {  	[sflag:s0] =	ssyncadd.s32 $0xFFFFFF80;
	s15 =	sadd.s32 s14, s15;
	(pc) =	sbr.rel .LBB2_2-.Ltmp3, $4  }
0xe2: {  	[tilespmem:s6], [sflag:$0x2] =	stream.linear.gather [hbm4b:s15+s4], $0x80, $0x38;
	[tilespmem:$0xA00] =	vst v63  }
0xe3: {  	s15 =	rddreg [dreg:$0xd]  }
0xe4: {  	s15 =	sadd.s32 s14, s15;
	s14 =	sadd.s32 $0x40, s14  }
0xe5: {  	[tilespmem:s7], [sflag:$0x6] =	stream.linear.gather [hbm4b:s15+s4], $0x80, $0x38;
	[tilespmem:$0xA00] =	vst v63  }
.LBB2_5:
0xe6: {  	_ =	sfence.sel $0x180000  }
0xe7: {  	[bflag:$0x0] =	sbarrier.arrive $0xFFFF  }
0xe8: {  	_ =	strace $0x90000047  }
0xe9: {  	s0 =	stileid.u32;
	[bflag:$0x2] =	sbarrier.arrive $0xFFFF  }
0xea: {  	p0 =	sne.s32 s0, $0x0;
	s0 =	rddreg [dreg:$0x3]  }
0xeb: {  	s0 =	sadd.s32 @!p0 $0x100000, s0  }
0xec: {  	[sflag:s0] =	ssyncadd.tile.s32 @!p0 $0x1;
	_ =	shalt  }
.Lfunc_end2:
_tile_overlayer_lowered:
.L_overlay_start_2:
0xed: {  	(tag) =	ssettag $0x2  }
0xee: {  	s0 =	rddreg [dreg:$0x0];
	s2 =	stileid.u32  }
0xef: {  	s1 =	rddreg [dreg:$0x1];
	p0 =	sne.s32 s2, $0x0  }
0xf0: {  	s3 =	rddreg [dreg:$0x2];
	[bflag:$0x3] =	sbarrier.arrive $0xFFFF;
	s2 =	simm.s32 @!p0 $0x1C11  }
0xf1: {  	[timem:s3], [sflag:s2] =	dma.local @!p0 [hbm:s0], s1  }
0xf2: {  	s0 =	simm.s32 @!p0 $0x11  }
0xf3: {  	_ =	swait.ge @!p0 [sflag:s0], s1  }
0xf4: {  	s1 =	ssub.s32 @!p0 $0x0, s1;
	[sflag:s0] =	ssyncset.done @!p0 $0x0  }
0xf5: {  	[sflag:s0] =	ssyncadd.s32 @!p0 s1  }
0xf6: {  	[bflag:$0x3] =	sbarrier.arrive $0xFFFF  }
0xf7: {  	_ =	shalt  }

</sc_bundles>
